<compile_context>
chip_gen: v7x
topology: tpu7x:2x2x1
jax: 0.10.2.dev20260603
libtpu: 0.0.44.dev20260713+nightly
codegen_flags: <defaults>
</compile_context>

<pallas_src>
import functools
import math

import jax
import jax.numpy as jnp
import numpy as np
from jax import lax
from jax.experimental import pallas as pl
from jax.experimental.pallas import tpu as pltpu
from jax.experimental.pallas import tpu_sc as plsc

N = 10000
E = 160000
NUM_ELEM = 10
EDGE_FEAT = 16
NODE_FEAT = 16
EDGE_ATTR = 4
OUT = 8
MLP_IN = EDGE_FEAT + 2 * NUM_ELEM

_NC = 2
_NS = 16
_NW = _NC * _NS
CHUNK = 125
GCH = 5
GROWS = GCH * CHUNK
NHALF = 2
EH = E // NHALF
NGH = EH // (_NW * GROWS)
CPTH = NGH * GCH
EPTH = CPTH * CHUNK
CROWS_H = EH // CHUNK
SROW = 32
RROW = 16

BE = 3200


def _sc_gather(stab, rtab, sidx2, ridx2, half):
    mesh = plsc.VectorSubcoreMesh(core_axis_name="c", subcore_axis_name="s")

    @functools.partial(
        pl.kernel,
        out_type=jax.ShapeDtypeStruct((EH, 128), jnp.float32),
        mesh=mesh,
        scratch_types=[
            pltpu.VMEM((CPTH, CHUNK), jnp.int32),
            pltpu.VMEM((CPTH, CHUNK), jnp.int32),
            pltpu.VMEM((2, GROWS, SROW), jnp.float32),
            pltpu.VMEM((2, GROWS, RROW), jnp.float32),
            pltpu.SemaphoreType.DMA,
            pltpu.SemaphoreType.DMA,
            pltpu.SemaphoreType.DMA,
            pltpu.SemaphoreType.DMA,
        ],
        compiler_params=pltpu.CompilerParams(use_tc_tiling_on_sc=False),
        name=f"gather_half{half}",
    )
    def k(stab_h, rtab_h, sidx_h, ridx_h, gc_h,
          sidx_v, ridx_v, sbuf, rbuf, gsem0, gsem1, wsem0, wsem1):
        wid = lax.axis_index("s") * _NC + lax.axis_index("c")
        crow0 = half * CROWS_H + wid * CPTH
        erow0 = wid * EPTH
        pltpu.sync_copy(sidx_h.at[pl.ds(crow0, CPTH)], sidx_v)
        pltpu.sync_copy(ridx_h.at[pl.ds(crow0, CPTH)], ridx_v)

        gsems = (gsem0, gsem1)
        wsems = (wsem0, wsem1)

        def start_gathers(g, p):
            for c in range(GCH):
                j = g * GCH + c
                pltpu.async_copy(stab_h.at[sidx_v.at[j]],
                                 sbuf.at[p].at[pl.ds(c * CHUNK, CHUNK)], gsems[p])
                pltpu.async_copy(rtab_h.at[ridx_v.at[j]],
                                 rbuf.at[p].at[pl.ds(c * CHUNK, CHUNK)], gsems[p])

        def drain_gathers(p):
            pltpu.make_async_copy(stab_h.at[pl.ds(0, GROWS)], sbuf.at[p], gsems[p]).wait()
            pltpu.make_async_copy(rtab_h.at[pl.ds(0, GROWS)], rbuf.at[p], gsems[p]).wait()

        def start_wb(g, p):
            base = erow0 + g * GROWS
            pltpu.async_copy(sbuf.at[p],
                             gc_h.at[pl.ds(base, GROWS), pl.ds(0, SROW)], wsems[p])
            pltpu.async_copy(rbuf.at[p],
                             gc_h.at[pl.ds(base, GROWS), pl.ds(SROW, RROW)], wsems[p])

        def drain_wb(p):
            pltpu.make_async_copy(sbuf.at[p],
                                  gc_h.at[pl.ds(0, GROWS), pl.ds(0, SROW)], wsems[p]).wait()
            pltpu.make_async_copy(rbuf.at[p],
                                  gc_h.at[pl.ds(0, GROWS), pl.ds(SROW, RROW)], wsems[p]).wait()

        start_gathers(0, 0)

        def body(i, carry):
            g0 = 2 * i
            g1 = g0 + 1
            drain_gathers(0)
            start_wb(g0, 0)

            @pl.when(i > 0)
            def _():
                drain_wb(1)

            start_gathers(g1, 1)
            drain_gathers(1)
            start_wb(g1, 1)
            drain_wb(0)

            @pl.when(i < (NGH // 2 - 1))
            def _():
                start_gathers(g0 + 2, 0)

            return carry

        lax.fori_loop(0, NGH // 2, body, 0)
        drain_wb(1)

    return k(stab, rtab, sidx2, ridx2)


def _sc_scatter(mji0, mji1, ridx2, zer):
    mesh = plsc.VectorSubcoreMesh(core_axis_name="c", subcore_axis_name="s")

    @functools.partial(
        pl.kernel,
        out_type=jax.ShapeDtypeStruct((_NC, N, OUT), jnp.float32),
        mesh=mesh,
        scratch_types=[
            pltpu.VMEM((2 * CPTH, CHUNK), jnp.int32),
            pltpu.VMEM((2, GROWS, OUT), jnp.float32),
            pltpu.VMEM_SHARED((N, OUT), jnp.float32),
            pltpu.SemaphoreType.DMA,
            pltpu.SemaphoreType.DMA,
        ],
        compiler_params=pltpu.CompilerParams(use_tc_tiling_on_sc=False),
    )
    def k(mji0_h, mji1_h, ridx_h, zer_h, pout_h, ridx_v, mbuf, acc, lsem0, lsem1):
        c = lax.axis_index("c")
        s = lax.axis_index("s")
        wid = c * _NS + s
        erow0 = wid * EPTH
        pltpu.sync_copy(ridx_h.at[pl.ds(wid * CPTH, CPTH)],
                        ridx_v.at[pl.ds(0, CPTH)])
        pltpu.sync_copy(ridx_h.at[pl.ds(CROWS_H + wid * CPTH, CPTH)],
                        ridx_v.at[pl.ds(CPTH, CPTH)])

        @pl.when(s == 0)
        def _():
            pltpu.sync_copy(zer_h, acc)

        plsc.subcore_barrier()

        lsems = (lsem0, lsem1)

        def process_half(mji_h, jbase):
            def start_load(g, p):
                pltpu.async_copy(
                    mji_h.at[pl.ds(erow0 + g * GROWS, GROWS), pl.ds(0, OUT)],
                    mbuf.at[p], lsems[p])

            def drain_load(p):
                pltpu.make_async_copy(mji_h.at[pl.ds(0, GROWS), pl.ds(0, OUT)],
                                      mbuf.at[p], lsems[p]).wait()

            def scatter_group(g, p):
                for cc in range(GCH):
                    j = jbase + g * GCH + cc
                    pltpu.sync_copy(mbuf.at[p].at[pl.ds(cc * CHUNK, CHUNK)],
                                    acc.at[ridx_v.at[j]], add=True)

            start_load(0, 0)

            def body(i, carry):
                g0 = 2 * i
                g1 = g0 + 1
                start_load(g1, 1)
                drain_load(0)
                scatter_group(g0, 0)

                @pl.when(i < (NGH // 2 - 1))
                def _():
                    start_load(g0 + 2, 0)

                drain_load(1)
                scatter_group(g1, 1)
                return carry

            lax.fori_loop(0, NGH // 2, body, 0)

        process_half(mji0_h, 0)
        process_half(mji1_h, CPTH)
        plsc.subcore_barrier()

        @pl.when(s == 0)
        def _():
            pltpu.sync_copy(acc, pout_h.at[c])

    return k(mji0, mji1, ridx2, zer)


def _tc_compute(efT, eaT, gc, w1e, w1c, w2p, r1s, r2w, s2, half):
    def body(ef_r, ea_r, gc_r, w1e_r, w1c_r, w2_r, r1_r, r2w_r, s2_r, out_r):
        dot = functools.partial(jnp.dot, preferred_element_type=jnp.float32)
        dg = functools.partial(lax.dot_general, preferred_element_type=jnp.float32)
        gc_v = gc_r[:, 0:SROW + RROW]
        hpre = (dg(ef_r[...], w1e_r[...], (((0,), (0,)), ((), ())))
                + dot(gc_v, w1c_r[...]))
        h2 = jnp.maximum(hpre, 0.0)
        eab = dg(ea_r[...], r2w_r[...], (((0,), (0,)), ((), ())))
        q = jnp.concatenate([h2 * eab[:, 0:128], h2 * eab[:, 128:256]], axis=1)
        v = dot(q, w2_r[...])
        x1e = dot(gc_v[:, 0:16], r1_r[...])
        out_r[...] = dot(v * x1e, s2_r[...])

    off = half * (EH // BE)
    be = lambda d: pl.BlockSpec((BE, d), lambda i: (i, 0))
    beT = lambda d: pl.BlockSpec((d, BE), lambda i: (0, i + off))
    full = lambda a: pl.BlockSpec(a.shape, lambda i: (0,) * a.ndim)
    return pl.pallas_call(
        body,
        grid=(EH // BE,),
        in_specs=[beT(EDGE_FEAT), beT(EDGE_ATTR), be(128),
                  full(w1e), full(w1c), full(w2p),
                  full(r1s), full(r2w), full(s2)],
        out_specs=be(128),
        out_shape=jax.ShapeDtypeStruct((EH, 128), jnp.float32),
        name=f"tc_compute_half{half}",
    )(efT, eaT, gc, w1e, w1c, w2p, r1s, r2w, s2)


def _combine(p):
    def body(p_r, o_r):
        o_r[...] = p_r[0] + p_r[1]

    return pl.pallas_call(
        body,
        out_shape=jax.ShapeDtypeStruct((N, OUT), jnp.float32),
    )(p)


def kernel(node_attrs, node_feats, edge_attrs, edge_feats, edge_index, W1, W2, w_lin):
    f32 = jnp.float32
    inv = 1.0 / math.sqrt(float(MLP_IN))
    w1n = W1 * inv
    w1e = w1n[0:EDGE_FEAT]
    w1c = jnp.concatenate(
        [jnp.zeros((NODE_FEAT, MLP_IN), f32),
         w1n[EDGE_FEAT:EDGE_FEAT + NUM_ELEM],
         jnp.zeros((SROW - NODE_FEAT - NUM_ELEM, MLP_IN), f32),
         w1n[EDGE_FEAT + NUM_ELEM:],
         jnp.zeros((RROW - NUM_ELEM, MLP_IN), f32)], axis=0)
    dup_np = np.zeros((MLP_IN, 128), np.float32)
    dup_np[np.arange(MLP_IN), np.arange(MLP_IN)] = 1.0
    dup_np[np.arange(MLP_IN), 40 + np.arange(MLP_IN)] = 1.0
    dupc = jnp.asarray(dup_np)
    w1e = w1e @ dupc
    w1c = w1c @ dupc
    w2n = W2 * (math.sqrt(2.0) * inv)
    w2j = w2n.reshape(MLP_IN, NODE_FEAT, EDGE_ATTR, OUT).transpose(2, 0, 1, 3) \
             .reshape(EDGE_ATTR, MLP_IN, NODE_FEAT * OUT)
    w2r = (jnp.zeros((256, NODE_FEAT * OUT), f32)
           .at[0:MLP_IN].set(w2j[0]).at[40:40 + MLP_IN].set(w2j[1])
           .at[128:128 + MLP_IN].set(w2j[2]).at[168:168 + MLP_IN].set(w2j[3]))
    s2 = jnp.tile(w_lin, (NODE_FEAT, 1)) * (
        1.0 / (math.sqrt(float(NODE_FEAT * EDGE_ATTR)) * math.sqrt(float(OUT))))
    s2 = jnp.pad(s2, ((0, 0), (0, 128 - OUT)))
    r1s = jnp.asarray(np.repeat(np.eye(NODE_FEAT, dtype=np.float32), OUT, axis=1))
    reab_np = np.zeros((EDGE_ATTR, 256), np.float32)
    reab_np[0, 0:MLP_IN] = 1.0
    reab_np[1, 40:40 + MLP_IN] = 1.0
    reab_np[2, 128:128 + MLP_IN] = 1.0
    reab_np[3, 168:168 + MLP_IN] = 1.0
    reab = jnp.asarray(reab_np)

    stab = jnp.concatenate([node_feats, node_attrs,
                            jnp.zeros((N, SROW - NODE_FEAT - NUM_ELEM), f32)], axis=1)
    rtab = jnp.concatenate([node_attrs, jnp.zeros((N, RROW - NUM_ELEM), f32)], axis=1)

    sidx = edge_index[0].reshape(E // CHUNK, CHUNK)
    ridx = edge_index[1].reshape(E // CHUNK, CHUNK)
    efT = edge_feats.T
    eaT = edge_attrs.T

    gc0 = _sc_gather(stab, rtab, sidx, ridx, 0)
    mji0 = _tc_compute(efT, eaT, gc0, w1e, w1c, w2r, r1s, reab, s2, 0)
    gc1 = _sc_gather(stab, rtab, sidx, ridx, 1)
    mji1 = _tc_compute(efT, eaT, gc1, w1e, w1c, w2r, r1s, reab, s2, 1)

    zer = jnp.zeros((N, OUT), f32)
    p = _sc_scatter(mji0, mji1, ridx, zer)
    return _combine(p)

# --- scband reference (transcript-rebuilt; emitter-appended) ---
"""Pipeline reference for scband-single-interaction-block-1288490189572 (READ-ONLY COPY).

The authoritative reference and input builder live on the scoring server;
editing this copy changes nothing except your own understanding.
"""

import jax, jax.numpy as jnp
import numpy as np

N = 10000
E = 160000
NUM_ELEM = 10       # num_node_attrs
EDGE_FEAT = 16      # num_edge_feats
NODE_FEAT = 16      # node_feats_irreps = 16x0e
EDGE_ATTR = 4       # edge_attrs_irreps = 4x0e
OUT = 8             # out_irreps = 8x0e
MLP_IN = EDGE_FEAT + 2 * NUM_ELEM          # 36
WNUMEL = NODE_FEAT * EDGE_ATTR * OUT       # 512 (conv_tp.weight_numel for scalar irreps)


def setup_inputs(seed: int = 0) -> dict:
    key = jax.random.key(seed)
    ks = jax.random.split(key, 8)
    return {
        "node_attrs": jax.random.uniform(ks[0], (N, NUM_ELEM), dtype=jnp.float32),
        "node_feats": jax.random.normal(ks[1], (N, NODE_FEAT), dtype=jnp.float32),
        "edge_attrs": jax.random.normal(ks[2], (E, EDGE_ATTR), dtype=jnp.float32),
        "edge_feats": jax.random.normal(ks[3], (E, EDGE_FEAT), dtype=jnp.float32),
        "edge_index": jax.random.randint(ks[4], (2, E), 0, N, dtype=jnp.int32),
        # learned parameters (e3nn initializes weights ~ N(0,1); normalization applied in forward)
        "W1": jax.random.normal(ks[5], (MLP_IN, MLP_IN), dtype=jnp.float32),      # FullyConnectedNet layer 1
        "W2": jax.random.normal(ks[6], (MLP_IN, WNUMEL), dtype=jnp.float32),      # FullyConnectedNet layer 2
        "w_lin": jax.random.normal(ks[7], (OUT, OUT), dtype=jnp.float32),         # o3.Linear (8x0e -> 8x0e)
    }


def reference(node_attrs, node_feats, edge_attrs, edge_feats, edge_index, W1, W2, w_lin):
    sender = edge_index[0]
    receiver = edge_index[1]

    # --- NonlinearTensorProductWeightsBlock ---
    # gather node attrs at both ends of each edge, concat with edge feats
    x = jnp.concatenate([edge_feats, node_attrs[sender], node_attrs[receiver]], axis=-1)  # [E, 36]
    # e3nn FullyConnectedNet: h = act(x @ W / sqrt(fan_in)); act = normalize2mom(relu) => sqrt(2)*relu
    h = x @ (W1 / jnp.sqrt(float(MLP_IN)))
    h = jnp.sqrt(2.0) * jax.nn.relu(h)
    tp_weights = h @ (W2 / jnp.sqrt(float(MLP_IN)))  # [E, 512], last layer: no activation

    # --- FullyConnectedTensorProduct (all scalar irreps: 16x0e x 4x0e -> 8x0e) ---
    # single path 0e x 0e -> 0e; path normalization 1/sqrt(mul_in1 * mul_in2)
    w = tp_weights.reshape(E, NODE_FEAT, EDGE_ATTR, OUT)
    x1 = node_feats[sender]                                   # gather [E, 16]
    mji = jnp.einsum('ei,ej,eijk->ek', x1, edge_attrs, w)
    mji = mji / jnp.sqrt(float(NODE_FEAT * EDGE_ATTR))        # [E, 8]

    # --- o3.Linear (8x0e -> 8x0e): x @ W / sqrt(fan_in) ---
    mji = mji @ (w_lin / jnp.sqrt(float(OUT)))

    # --- scatter_sum over receiver ---
    out = jax.ops.segment_sum(mji, receiver, num_segments=N)  # [N, 8]
    return out

if __name__ == "__main__":
    import jax
    _d = setup_inputs()
    print(jax.jit(kernel)(*tuple(_d.values())))

</pallas_src>

<mosaic_0001>
#map = affine_map<(d0, d1) -> (0, 0)>
#map1 = affine_map<(d0, d1) -> (0, 0, 0)>
module attributes {stable_mosaic.version = 14 : i64} {
  func.func @k(%arg0: i32, %arg1: i32, %arg2: memref<80000x128xf32, #tpu.memory_space<hbm>>, %arg3: memref<80000x128xf32, #tpu.memory_space<hbm>>, %arg4: memref<1280x125xi32, #tpu.memory_space<hbm>>, %arg5: memref<10000x8xf32, #tpu.memory_space<hbm>>, %arg6: memref<2x10000x8xf32, #tpu.memory_space<hbm>>, %arg7: memref<40x125xi32, #tpu.memory_space<vmem>>, %arg8: memref<2x625x8xf32, #tpu.memory_space<vmem>>, %arg9: memref<10000x8xf32, #tpu.memory_space<vmem_shared>>, %arg10: memref<!tpu.dma_semaphore, #tpu.memory_space<semaphore_mem>>, %arg11: memref<!tpu.dma_semaphore, #tpu.memory_space<semaphore_mem>>) attributes {dimension_semantics = [#tpu.dimension_semantics<core_parallel>, #tpu.dimension_semantics<subcore_parallel>], iteration_bounds = array<i64: 2, 16>, scalar_prefetch = 0 : i64, scratch_operands = 5 : i64, tpu.core_type = #tpu.core_type<sc_vector_subcore>, window_params = [{transform_indices = #map}, {transform_indices = #map}, {transform_indices = #map}, {transform_indices = #map}, {transform_indices = #map1}]} {
    %mul3A = arith.constant 16 : i32
    %mul3A_0 = arith.muli %arg0, %mul3A : i32
    %add3A = arith.addi %mul3A_0, %arg1 : i32
    %mul3A_1 = arith.constant 2500 : i32
    %mul3A_2 = arith.muli %add3A, %mul3A_1 : i32
    %mul3A_3 = arith.constant 20 : i32
    %mul3A_4 = arith.muli %add3A, %mul3A_3 : i32
    "tpu.region"() ({
      %run_scoped3A = tpu.sem_alloc : memref<!tpu.dma_semaphore, #tpu.memory_space<semaphore_mem>>
      %dma_start3A_57 = arith.constant 0 : i32
      %dma_start3A_58 = arith.constant 0 : i32
      %dma_start3A_59 = tpu.memref_slice %arg7[%dma_start3A_57, %dma_start3A_58] : memref<40x125xi32, #tpu.memory_space<vmem>> -> memref<20x125xi32, #tpu.memory_space<vmem>>
      %dma_start3A_60 = arith.constant 0 : i32
      %dma_start3A_61 = tpu.memref_slice %arg4[%mul3A_4, %dma_start3A_60] : memref<1280x125xi32, #tpu.memory_space<hbm>> -> memref<20x125xi32, #tpu.memory_space<hbm>>
      %dma_start3A_62 = arith.constant 0 : i32
      %dma_start3A_63 = arith.constant 0 : i32
      %dma_start3A_64 = tpu.memref_slice %arg7[%dma_start3A_62, %dma_start3A_63] : memref<40x125xi32, #tpu.memory_space<vmem>> -> memref<20x125xi32, #tpu.memory_space<vmem>>
      %dma_start3A_65 = arith.constant 0 : i32
      %dma_start3A_66 = tpu.memref_slice %arg4[%mul3A_4, %dma_start3A_65] : memref<1280x125xi32, #tpu.memory_space<hbm>> -> memref<20x125xi32, #tpu.memory_space<hbm>>
      tpu.enqueue_dma source(%dma_start3A_66 : memref<20x125xi32, #tpu.memory_space<hbm>>) target(%dma_start3A_64 : memref<20x125xi32, #tpu.memory_space<vmem>>) target_semaphore(%run_scoped3A : memref<!tpu.dma_semaphore, #tpu.memory_space<semaphore_mem>>)
      %dma_wait3A = arith.constant 0 : i32
      %dma_wait3A_67 = arith.constant 0 : i32
      %dma_wait3A_68 = tpu.memref_slice %arg7[%dma_wait3A, %dma_wait3A_67] : memref<40x125xi32, #tpu.memory_space<vmem>> -> memref<20x125xi32, #tpu.memory_space<vmem>>
      %dma_wait3A_69 = arith.constant 0 : i32
      %dma_wait3A_70 = tpu.memref_slice %arg4[%mul3A_4, %dma_wait3A_69] : memref<1280x125xi32, #tpu.memory_space<hbm>> -> memref<20x125xi32, #tpu.memory_space<hbm>>
      %dma_wait3A_71 = arith.constant 0 : i32
      %dma_wait3A_72 = arith.constant 0 : i32
      %dma_wait3A_73 = tpu.memref_slice %arg7[%dma_wait3A_71, %dma_wait3A_72] : memref<40x125xi32, #tpu.memory_space<vmem>> -> memref<20x125xi32, #tpu.memory_space<vmem>>
      %dma_wait3A_74 = arith.constant 0 : i32
      %dma_wait3A_75 = tpu.memref_slice %arg4[%mul3A_4, %dma_wait3A_74] : memref<1280x125xi32, #tpu.memory_space<hbm>> -> memref<20x125xi32, #tpu.memory_space<hbm>>
      tpu.wait_dma2 semaphore(%run_scoped3A : memref<!tpu.dma_semaphore, #tpu.memory_space<semaphore_mem>>) src(%dma_wait3A_75 : memref<20x125xi32, #tpu.memory_space<hbm>>) dst(%dma_wait3A_73 : memref<20x125xi32, #tpu.memory_space<vmem>>)
      tpu.yield
    }) : () -> ()
    %mul3A_5 = arith.constant 20 : i32
    %mul3A_6 = arith.muli %add3A, %mul3A_5 : i32
    %add3A_7 = arith.constant 640 : i32
    %add3A_8 = arith.addi %add3A_7, %mul3A_6 : i32
    "tpu.region"() ({
      %run_scoped3A = tpu.sem_alloc : memref<!tpu.dma_semaphore, #tpu.memory_space<semaphore_mem>>
      %dma_start3A_57 = arith.constant 20 : i32
      %dma_start3A_58 = arith.constant 0 : i32
      %dma_start3A_59 = tpu.memref_slice %arg7[%dma_start3A_57, %dma_start3A_58] : memref<40x125xi32, #tpu.memory_space<vmem>> -> memref<20x125xi32, #tpu.memory_space<vmem>>
      %dma_start3A_60 = arith.constant 0 : i32
      %dma_start3A_61 = tpu.memref_slice %arg4[%add3A_8, %dma_start3A_60] : memref<1280x125xi32, #tpu.memory_space<hbm>> -> memref<20x125xi32, #tpu.memory_space<hbm>>
      %dma_start3A_62 = arith.constant 20 : i32
      %dma_start3A_63 = arith.constant 0 : i32
      %dma_start3A_64 = tpu.memref_slice %arg7[%dma_start3A_62, %dma_start3A_63] : memref<40x125xi32, #tpu.memory_space<vmem>> -> memref<20x125xi32, #tpu.memory_space<vmem>>
      %dma_start3A_65 = arith.constant 0 : i32
      %dma_start3A_66 = tpu.memref_slice %arg4[%add3A_8, %dma_start3A_65] : memref<1280x125xi32, #tpu.memory_space<hbm>> -> memref<20x125xi32, #tpu.memory_space<hbm>>
      tpu.enqueue_dma source(%dma_start3A_66 : memref<20x125xi32, #tpu.memory_space<hbm>>) target(%dma_start3A_64 : memref<20x125xi32, #tpu.memory_space<vmem>>) target_semaphore(%run_scoped3A : memref<!tpu.dma_semaphore, #tpu.memory_space<semaphore_mem>>)
      %dma_wait3A = arith.constant 20 : i32
      %dma_wait3A_67 = arith.constant 0 : i32
      %dma_wait3A_68 = tpu.memref_slice %arg7[%dma_wait3A, %dma_wait3A_67] : memref<40x125xi32, #tpu.memory_space<vmem>> -> memref<20x125xi32, #tpu.memory_space<vmem>>
      %dma_wait3A_69 = arith.constant 0 : i32
      %dma_wait3A_70 = tpu.memref_slice %arg4[%add3A_8, %dma_wait3A_69] : memref<1280x125xi32, #tpu.memory_space<hbm>> -> memref<20x125xi32, #tpu.memory_space<hbm>>
      %dma_wait3A_71 = arith.constant 20 : i32
      %dma_wait3A_72 = arith.constant 0 : i32
      %dma_wait3A_73 = tpu.memref_slice %arg7[%dma_wait3A_71, %dma_wait3A_72] : memref<40x125xi32, #tpu.memory_space<vmem>> -> memref<20x125xi32, #tpu.memory_space<vmem>>
      %dma_wait3A_74 = arith.constant 0 : i32
      %dma_wait3A_75 = tpu.memref_slice %arg4[%add3A_8, %dma_wait3A_74] : memref<1280x125xi32, #tpu.memory_space<hbm>> -> memref<20x125xi32, #tpu.memory_space<hbm>>
      tpu.wait_dma2 semaphore(%run_scoped3A : memref<!tpu.dma_semaphore, #tpu.memory_space<semaphore_mem>>) src(%dma_wait3A_75 : memref<20x125xi32, #tpu.memory_space<hbm>>) dst(%dma_wait3A_73 : memref<20x125xi32, #tpu.memory_space<vmem>>)
      tpu.yield
    }) : () -> ()
    %eq3A = arith.constant 0 : i32
    %eq3A_9 = arith.cmpi eq, %arg1, %eq3A : i32
    %convert_element_type3A = arith.extui %eq3A_9 : i1 to i32
    %cond3A = arith.constant 0 : i32
    %cond3A_10 = arith.cmpi ne, %convert_element_type3A, %cond3A : i32
    scf.if %cond3A_10 {
      "tpu.region"() ({
        %run_scoped3A = tpu.sem_alloc : memref<!tpu.dma_semaphore, #tpu.memory_space<semaphore_mem>>
        tpu.enqueue_dma source(%arg5 : memref<10000x8xf32, #tpu.memory_space<hbm>>) target(%arg9 : memref<10000x8xf32, #tpu.memory_space<vmem_shared>>) target_semaphore(%run_scoped3A : memref<!tpu.dma_semaphore, #tpu.memory_space<semaphore_mem>>)
        tpu.wait_dma2 semaphore(%run_scoped3A : memref<!tpu.dma_semaphore, #tpu.memory_space<semaphore_mem>>) src(%arg5 : memref<10000x8xf32, #tpu.memory_space<hbm>>) dst(%arg9 : memref<10000x8xf32, #tpu.memory_space<vmem_shared>>)
        tpu.yield
      }) : () -> ()
    } else {
    }
    %barrier3A = arith.constant 0 : index
    tpu.barrier barrier_id(%barrier3A)
    %add3A_11 = arith.constant 0 : i32
    %add3A_12 = arith.addi %mul3A_2, %add3A_11 : i32
    %dma_start3A = arith.constant 0 : i32
    %dma_start3A_13 = arith.constant 0 : i32
    %dma_start3A_14 = arith.constant 0 : i32
    %dma_start3A_15 = tpu.memref_slice %arg8[%dma_start3A, %dma_start3A_13, %dma_start3A_14] : memref<2x625x8xf32, #tpu.memory_space<vmem>> -> memref<1x625x8xf32, #tpu.memory_space<vmem>>
    %dma_start3A_16 = tpu.memref_squeeze %dma_start3A_15 : memref<1x625x8xf32, #tpu.memory_space<vmem>> -> memref<625x8xf32, #tpu.memory_space<vmem>>
    %dma_start3A_17 = arith.constant 0 : i32
    %dma_start3A_18 = tpu.memref_slice %arg2[%add3A_12, %dma_start3A_17] : memref<80000x128xf32, #tpu.memory_space<hbm>> -> memref<625x8xf32, #tpu.memory_space<hbm>>
    %dma_start3A_19 = arith.constant 0 : i32
    %dma_start3A_20 = arith.constant 0 : i32
    %dma_start3A_21 = tpu.memref_slice %arg8[%dma_start3A, %dma_start3A_19, %dma_start3A_20] : memref<2x625x8xf32, #tpu.memory_space<vmem>> -> memref<1x625x8xf32, #tpu.memory_space<vmem>>
    %dma_start3A_22 = tpu.memref_squeeze %dma_start3A_21 : memref<1x625x8xf32, #tpu.memory_space<vmem>> -> memref<625x8xf32, #tpu.memory_space<vmem>>
    %dma_start3A_23 = arith.constant 0 : i32
    %dma_start3A_24 = tpu.memref_slice %arg2[%add3A_12, %dma_start3A_23] : memref<80000x128xf32, #tpu.memory_space<hbm>> -> memref<625x8xf32, #tpu.memory_space<hbm>>
    tpu.enqueue_dma source(%dma_start3A_24 : memref<625x8xf32, #tpu.memory_space<hbm>>) target(%dma_start3A_22 : memref<625x8xf32, #tpu.memory_space<vmem>>) target_semaphore(%arg10 : memref<!tpu.dma_semaphore, #tpu.memory_space<semaphore_mem>>)
    %scan3A = arith.constant 0 : i32
    %scan3A_25 = arith.constant 0 : i32
    %scan3A_26 = arith.constant 2 : i32
    %scan3A_27 = arith.addi %scan3A_25, %scan3A_26 : i32
    %scan3A_28 = arith.constant 1 : i32
    scf.for %scan3A_57 = %scan3A_25 to %scan3A_27 step %scan3A_28  : i32 {
      %mul3A_58 = arith.constant 2 : i32
      %mul3A_59 = arith.muli %mul3A_58, %scan3A_57 : i32
      %add3A_60 = arith.constant 1 : i32
      %add3A_61 = arith.addi %mul3A_59, %add3A_60 : i32
      %mul3A_62 = arith.constant 625 : i32
      %mul3A_63 = arith.muli %add3A_61, %mul3A_62 : i32
      %add3A_64 = arith.addi %mul3A_2, %mul3A_63 : i32
      %dma_start3A_65 = arith.constant 1 : i32
      %dma_start3A_66 = arith.constant 0 : i32
      %dma_start3A_67 = arith.constant 0 : i32
      %dma_start3A_68 = tpu.memref_slice %arg8[%dma_start3A_65, %dma_start3A_66, %dma_start3A_67] : memref<2x625x8xf32, #tpu.memory_space<vmem>> -> memref<1x625x8xf32, #tpu.memory_space<vmem>>
      %dma_start3A_69 = tpu.memref_squeeze %dma_start3A_68 : memref<1x625x8xf32, #tpu.memory_space<vmem>> -> memref<625x8xf32, #tpu.memory_space<vmem>>
      %dma_start3A_70 = arith.constant 0 : i32
      %dma_start3A_71 = tpu.memref_slice %arg2[%add3A_64, %dma_start3A_70] : memref<80000x128xf32, #tpu.memory_space<hbm>> -> memref<625x8xf32, #tpu.memory_space<hbm>>
      %dma_start3A_72 = arith.constant 0 : i32
      %dma_start3A_73 = arith.constant 0 : i32
      %dma_start3A_74 = tpu.memref_slice %arg8[%dma_start3A_65, %dma_start3A_72, %dma_start3A_73] : memref<2x625x8xf32, #tpu.memory_space<vmem>> -> memref<1x625x8xf32, #tpu.memory_space<vmem>>
      %dma_start3A_75 = tpu.memref_squeeze %dma_start3A_74 : memref<1x625x8xf32, #tpu.memory_space<vmem>> -> memref<625x8xf32, #tpu.memory_space<vmem>>
      %dma_start3A_76 = arith.constant 0 : i32
      %dma_start3A_77 = tpu.memref_slice %arg2[%add3A_64, %dma_start3A_76] : memref<80000x128xf32, #tpu.memory_space<hbm>> -> memref<625x8xf32, #tpu.memory_space<hbm>>
      tpu.enqueue_dma source(%dma_start3A_77 : memref<625x8xf32, #tpu.memory_space<hbm>>) target(%dma_start3A_75 : memref<625x8xf32, #tpu.memory_space<vmem>>) target_semaphore(%arg11 : memref<!tpu.dma_semaphore, #tpu.memory_space<semaphore_mem>>)
      %dma_wait3A = arith.constant 0 : i32
      %dma_wait3A_78 = arith.constant 0 : i32
      %dma_wait3A_79 = arith.constant 0 : i32
      %dma_wait3A_80 = tpu.memref_slice %arg8[%dma_wait3A, %dma_wait3A_78, %dma_wait3A_79] : memref<2x625x8xf32, #tpu.memory_space<vmem>> -> memref<1x625x8xf32, #tpu.memory_space<vmem>>
      %dma_wait3A_81 = tpu.memref_squeeze %dma_wait3A_80 : memref<1x625x8xf32, #tpu.memory_space<vmem>> -> memref<625x8xf32, #tpu.memory_space<vmem>>
      %dma_wait3A_82 = arith.constant 0 : i32
      %dma_wait3A_83 = arith.constant 0 : i32
      %dma_wait3A_84 = tpu.memref_slice %arg2[%dma_wait3A_82, %dma_wait3A_83] : memref<80000x128xf32, #tpu.memory_space<hbm>> -> memref<625x8xf32, #tpu.memory_space<hbm>>
      %dma_wait3A_85 = arith.constant 0 : i32
      %dma_wait3A_86 = arith.constant 0 : i32
      %dma_wait3A_87 = tpu.memref_slice %arg8[%dma_wait3A, %dma_wait3A_85, %dma_wait3A_86] : memref<2x625x8xf32, #tpu.memory_space<vmem>> -> memref<1x625x8xf32, #tpu.memory_space<vmem>>
      %dma_wait3A_88 = tpu.memref_squeeze %dma_wait3A_87 : memref<1x625x8xf32, #tpu.memory_space<vmem>> -> memref<625x8xf32, #tpu.memory_space<vmem>>
      %dma_wait3A_89 = arith.constant 0 : i32
      %dma_wait3A_90 = arith.constant 0 : i32
      %dma_wait3A_91 = tpu.memref_slice %arg2[%dma_wait3A_89, %dma_wait3A_90] : memref<80000x128xf32, #tpu.memory_space<hbm>> -> memref<625x8xf32, #tpu.memory_space<hbm>>
      tpu.wait_dma2 semaphore(%arg10 : memref<!tpu.dma_semaphore, #tpu.memory_space<semaphore_mem>>) src(%dma_wait3A_91 : memref<625x8xf32, #tpu.memory_space<hbm>>) dst(%dma_wait3A_88 : memref<625x8xf32, #tpu.memory_space<vmem>>)
      %mul3A_92 = arith.constant 5 : i32
      %mul3A_93 = arith.muli %mul3A_59, %mul3A_92 : i32
      %add3A_94 = arith.constant 0 : i32
      %add3A_95 = arith.addi %add3A_94, %mul3A_93 : i32
      %add3A_96 = arith.constant 0 : i32
      %add3A_97 = arith.addi %add3A_95, %add3A_96 : i32
      %run_scoped3A = arith.constant 0 : i32
      "tpu.region"() ({
        %run_scoped3A_180 = tpu.sem_alloc : memref<!tpu.dma_semaphore, #tpu.memory_space<semaphore_mem>>
        %dma_start3A_181 = arith.constant 0 : i32
        %dma_start3A_182 = arith.constant 0 : i32
        %dma_start3A_183 = tpu.memref_slice %arg8[%run_scoped3A, %dma_start3A_181, %dma_start3A_182] : memref<2x625x8xf32, #tpu.memory_space<vmem>> -> memref<1x625x8xf32, #tpu.memory_space<vmem>>
        %dma_start3A_184 = tpu.memref_squeeze %dma_start3A_183 : memref<1x625x8xf32, #tpu.memory_space<vmem>> -> memref<625x8xf32, #tpu.memory_space<vmem>>
        %dma_start3A_185 = arith.constant 0 : i32
        %dma_start3A_186 = arith.constant 0 : i32
        %dma_start3A_187 = tpu.memref_slice %dma_start3A_184[%dma_start3A_185, %dma_start3A_186] : memref<625x8xf32, #tpu.memory_space<vmem>> -> memref<125x8xf32, #tpu.memory_space<vmem>>
        %dma_start3A_188 = arith.constant 0 : i32
        %dma_start3A_189 = tpu.memref_slice %arg7[%add3A_97, %dma_start3A_188] : memref<40x125xi32, #tpu.memory_space<vmem>> -> memref<1x125xi32, #tpu.memory_space<vmem>>
        %dma_start3A_190 = tpu.memref_squeeze %dma_start3A_189 : memref<1x125xi32, #tpu.memory_space<vmem>> -> memref<125xi32, #tpu.memory_space<vmem>>
        %dma_start3A_191 = arith.constant 0 : i32
        %dma_start3A_192 = arith.constant 0 : i32
        %dma_start3A_193 = tpu.memref_slice %arg9[%dma_start3A_191, %dma_start3A_192] : memref<10000x8xf32, #tpu.memory_space<vmem_shared>> -> memref<10000x8xf32, #tpu.memory_space<vmem_shared>>
        tpu.enqueue_indirect_dma source(%dma_start3A_187 : memref<125x8xf32, #tpu.memory_space<vmem>>) target(%dma_start3A_193 : memref<10000x8xf32, #tpu.memory_space<vmem_shared>>) offsets(%dma_start3A_190 : memref<125xi32, #tpu.memory_space<vmem>>) semaphore(%run_scoped3A_180 : memref<!tpu.dma_semaphore, #tpu.memory_space<semaphore_mem>>) {add = true}
        %dma_wait3A_194 = arith.constant 0 : i32
        %dma_wait3A_195 = arith.constant 0 : i32
        %dma_wait3A_196 = tpu.memref_slice %arg8[%run_scoped3A, %dma_wait3A_194, %dma_wait3A_195] : memref<2x625x8xf32, #tpu.memory_space<vmem>> -> memref<1x625x8xf32, #tpu.memory_space<vmem>>
        %dma_wait3A_197 = tpu.memref_squeeze %dma_wait3A_196 : memref<1x625x8xf32, #tpu.memory_space<vmem>> -> memref<625x8xf32, #tpu.memory_space<vmem>>
        %dma_wait3A_198 = arith.constant 0 : i32
        %dma_wait3A_199 = arith.constant 0 : i32
        %dma_wait3A_200 = tpu.memref_slice %dma_wait3A_197[%dma_wait3A_198, %dma_wait3A_199] : memref<625x8xf32, #tpu.memory_space<vmem>> -> memref<125x8xf32, #tpu.memory_space<vmem>>
        %dma_wait3A_201 = arith.constant 0 : i32
        %dma_wait3A_202 = tpu.memref_slice %arg7[%add3A_97, %dma_wait3A_201] : memref<40x125xi32, #tpu.memory_space<vmem>> -> memref<1x125xi32, #tpu.memory_space<vmem>>
        %dma_wait3A_203 = tpu.memref_squeeze %dma_wait3A_202 : memref<1x125xi32, #tpu.memory_space<vmem>> -> memref<125xi32, #tpu.memory_space<vmem>>
        %dma_wait3A_204 = arith.constant 0 : i32
        %dma_wait3A_205 = arith.constant 0 : i32
        %dma_wait3A_206 = tpu.memref_slice %arg9[%dma_wait3A_204, %dma_wait3A_205] : memref<10000x8xf32, #tpu.memory_space<vmem_shared>> -> memref<10000x8xf32, #tpu.memory_space<vmem_shared>>
        tpu.wait_indirect_dma semaphore(%run_scoped3A_180 : memref<!tpu.dma_semaphore, #tpu.memory_space<semaphore_mem>>) src(%dma_wait3A_200 : memref<125x8xf32, #tpu.memory_space<vmem>>) dst(%dma_wait3A_206 : memref<10000x8xf32, #tpu.memory_space<vmem_shared>>)
        tpu.yield
      }) : () -> ()
      %mul3A_98 = arith.constant 5 : i32
      %mul3A_99 = arith.muli %mul3A_59, %mul3A_98 : i32
      %add3A_100 = arith.constant 0 : i32
      %add3A_101 = arith.addi %add3A_100, %mul3A_99 : i32
      %add3A_102 = arith.constant 1 : i32
      %add3A_103 = arith.addi %add3A_101, %add3A_102 : i32
      %run_scoped3A_104 = arith.constant 0 : i32
      "tpu.region"() ({
        %run_scoped3A_180 = tpu.sem_alloc : memref<!tpu.dma_semaphore, #tpu.memory_space<semaphore_mem>>
        %dma_start3A_181 = arith.constant 0 : i32
        %dma_start3A_182 = arith.constant 0 : i32
        %dma_start3A_183 = tpu.memref_slice %arg8[%run_scoped3A_104, %dma_start3A_181, %dma_start3A_182] : memref<2x625x8xf32, #tpu.memory_space<vmem>> -> memref<1x625x8xf32, #tpu.memory_space<vmem>>
        %dma_start3A_184 = tpu.memref_squeeze %dma_start3A_183 : memref<1x625x8xf32, #tpu.memory_space<vmem>> -> memref<625x8xf32, #tpu.memory_space<vmem>>
        %dma_start3A_185 = arith.constant 125 : i32
        %dma_start3A_186 = arith.constant 0 : i32
        %dma_start3A_187 = tpu.memref_slice %dma_start3A_184[%dma_start3A_185, %dma_start3A_186] : memref<625x8xf32, #tpu.memory_space<vmem>> -> memref<125x8xf32, #tpu.memory_space<vmem>>
        %dma_start3A_188 = arith.constant 0 : i32
        %dma_start3A_189 = tpu.memref_slice %arg7[%add3A_103, %dma_start3A_188] : memref<40x125xi32, #tpu.memory_space<vmem>> -> memref<1x125xi32, #tpu.memory_space<vmem>>
        %dma_start3A_190 = tpu.memref_squeeze %dma_start3A_189 : memref<1x125xi32, #tpu.memory_space<vmem>> -> memref<125xi32, #tpu.memory_space<vmem>>
        %dma_start3A_191 = arith.constant 0 : i32
        %dma_start3A_192 = arith.constant 0 : i32
        %dma_start3A_193 = tpu.memref_slice %arg9[%dma_start3A_191, %dma_start3A_192] : memref<10000x8xf32, #tpu.memory_space<vmem_shared>> -> memref<10000x8xf32, #tpu.memory_space<vmem_shared>>
        tpu.enqueue_indirect_dma source(%dma_start3A_187 : memref<125x8xf32, #tpu.memory_space<vmem>>) target(%dma_start3A_193 : memref<10000x8xf32, #tpu.memory_space<vmem_shared>>) offsets(%dma_start3A_190 : memref<125xi32, #tpu.memory_space<vmem>>) semaphore(%run_scoped3A_180 : memref<!tpu.dma_semaphore, #tpu.memory_space<semaphore_mem>>) {add = true}
        %dma_wait3A_194 = arith.constant 0 : i32
        %dma_wait3A_195 = arith.constant 0 : i32
        %dma_wait3A_196 = tpu.memref_slice %arg8[%run_scoped3A_104, %dma_wait3A_194, %dma_wait3A_195] : memref<2x625x8xf32, #tpu.memory_space<vmem>> -> memref<1x625x8xf32, #tpu.memory_space<vmem>>
        %dma_wait3A_197 = tpu.memref_squeeze %dma_wait3A_196 : memref<1x625x8xf32, #tpu.memory_space<vmem>> -> memref<625x8xf32, #tpu.memory_space<vmem>>
        %dma_wait3A_198 = arith.constant 125 : i32
        %dma_wait3A_199 = arith.constant 0 : i32
        %dma_wait3A_200 = tpu.memref_slice %dma_wait3A_197[%dma_wait3A_198, %dma_wait3A_199] : memref<625x8xf32, #tpu.memory_space<vmem>> -> memref<125x8xf32, #tpu.memory_space<vmem>>
        %dma_wait3A_201 = arith.constant 0 : i32
        %dma_wait3A_202 = tpu.memref_slice %arg7[%add3A_103, %dma_wait3A_201] : memref<40x125xi32, #tpu.memory_space<vmem>> -> memref<1x125xi32, #tpu.memory_space<vmem>>
        %dma_wait3A_203 = tpu.memref_squeeze %dma_wait3A_202 : memref<1x125xi32, #tpu.memory_space<vmem>> -> memref<125xi32, #tpu.memory_space<vmem>>
        %dma_wait3A_204 = arith.constant 0 : i32
        %dma_wait3A_205 = arith.constant 0 : i32
        %dma_wait3A_206 = tpu.memref_slice %arg9[%dma_wait3A_204, %dma_wait3A_205] : memref<10000x8xf32, #tpu.memory_space<vmem_shared>> -> memref<10000x8xf32, #tpu.memory_space<vmem_shared>>
        tpu.wait_indirect_dma semaphore(%run_scoped3A_180 : memref<!tpu.dma_semaphore, #tpu.memory_space<semaphore_mem>>) src(%dma_wait3A_200 : memref<125x8xf32, #tpu.memory_space<vmem>>) dst(%dma_wait3A_206 : memref<10000x8xf32, #tpu.memory_space<vmem_shared>>)
        tpu.yield
      }) : () -> ()
      %mul3A_105 = arith.constant 5 : i32
      %mul3A_106 = arith.muli %mul3A_59, %mul3A_105 : i32
      %add3A_107 = arith.constant 0 : i32
      %add3A_108 = arith.addi %add3A_107, %mul3A_106 : i32
      %add3A_109 = arith.constant 2 : i32
      %add3A_110 = arith.addi %add3A_108, %add3A_109 : i32
      %run_scoped3A_111 = arith.constant 0 : i32
      "tpu.region"() ({
        %run_scoped3A_180 = tpu.sem_alloc : memref<!tpu.dma_semaphore, #tpu.memory_space<semaphore_mem>>
        %dma_start3A_181 = arith.constant 0 : i32
        %dma_start3A_182 = arith.constant 0 : i32
        %dma_start3A_183 = tpu.memref_slice %arg8[%run_scoped3A_111, %dma_start3A_181, %dma_start3A_182] : memref<2x625x8xf32, #tpu.memory_space<vmem>> -> memref<1x625x8xf32, #tpu.memory_space<vmem>>
        %dma_start3A_184 = tpu.memref_squeeze %dma_start3A_183 : memref<1x625x8xf32, #tpu.memory_space<vmem>> -> memref<625x8xf32, #tpu.memory_space<vmem>>
        %dma_start3A_185 = arith.constant 250 : i32
        %dma_start3A_186 = arith.constant 0 : i32
        %dma_start3A_187 = tpu.memref_slice %dma_start3A_184[%dma_start3A_185, %dma_start3A_186] : memref<625x8xf32, #tpu.memory_space<vmem>> -> memref<125x8xf32, #tpu.memory_space<vmem>>
        %dma_start3A_188 = arith.constant 0 : i32
        %dma_start3A_189 = tpu.memref_slice %arg7[%add3A_110, %dma_start3A_188] : memref<40x125xi32, #tpu.memory_space<vmem>> -> memref<1x125xi32, #tpu.memory_space<vmem>>
        %dma_start3A_190 = tpu.memref_squeeze %dma_start3A_189 : memref<1x125xi32, #tpu.memory_space<vmem>> -> memref<125xi32, #tpu.memory_space<vmem>>
        %dma_start3A_191 = arith.constant 0 : i32
        %dma_start3A_192 = arith.constant 0 : i32
        %dma_start3A_193 = tpu.memref_slice %arg9[%dma_start3A_191, %dma_start3A_192] : memref<10000x8xf32, #tpu.memory_space<vmem_shared>> -> memref<10000x8xf32, #tpu.memory_space<vmem_shared>>
        tpu.enqueue_indirect_dma source(%dma_start3A_187 : memref<125x8xf32, #tpu.memory_space<vmem>>) target(%dma_start3A_193 : memref<10000x8xf32, #tpu.memory_space<vmem_shared>>) offsets(%dma_start3A_190 : memref<125xi32, #tpu.memory_space<vmem>>) semaphore(%run_scoped3A_180 : memref<!tpu.dma_semaphore, #tpu.memory_space<semaphore_mem>>) {add = true}
        %dma_wait3A_194 = arith.constant 0 : i32
        %dma_wait3A_195 = arith.constant 0 : i32
        %dma_wait3A_196 = tpu.memref_slice %arg8[%run_scoped3A_111, %dma_wait3A_194, %dma_wait3A_195] : memref<2x625x8xf32, #tpu.memory_space<vmem>> -> memref<1x625x8xf32, #tpu.memory_space<vmem>>
        %dma_wait3A_197 = tpu.memref_squeeze %dma_wait3A_196 : memref<1x625x8xf32, #tpu.memory_space<vmem>> -> memref<625x8xf32, #tpu.memory_space<vmem>>
        %dma_wait3A_198 = arith.constant 250 : i32
        %dma_wait3A_199 = arith.constant 0 : i32
        %dma_wait3A_200 = tpu.memref_slice %dma_wait3A_197[%dma_wait3A_198, %dma_wait3A_199] : memref<625x8xf32, #tpu.memory_space<vmem>> -> memref<125x8xf32, #tpu.memory_space<vmem>>
        %dma_wait3A_201 = arith.constant 0 : i32
        %dma_wait3A_202 = tpu.memref_slice %arg7[%add3A_110, %dma_wait3A_201] : memref<40x125xi32, #tpu.memory_space<vmem>> -> memref<1x125xi32, #tpu.memory_space<vmem>>
        %dma_wait3A_203 = tpu.memref_squeeze %dma_wait3A_202 : memref<1x125xi32, #tpu.memory_space<vmem>> -> memref<125xi32, #tpu.memory_space<vmem>>
        %dma_wait3A_204 = arith.constant 0 : i32
        %dma_wait3A_205 = arith.constant 0 : i32
        %dma_wait3A_206 = tpu.memref_slice %arg9[%dma_wait3A_204, %dma_wait3A_205] : memref<10000x8xf32, #tpu.memory_space<vmem_shared>> -> memref<10000x8xf32, #tpu.memory_space<vmem_shared>>
        tpu.wait_indirect_dma semaphore(%run_scoped3A_180 : memref<!tpu.dma_semaphore, #tpu.memory_space<semaphore_mem>>) src(%dma_wait3A_200 : memref<125x8xf32, #tpu.memory_space<vmem>>) dst(%dma_wait3A_206 : memref<10000x8xf32, #tpu.memory_space<vmem_shared>>)
        tpu.yield
      }) : () -> ()
      %mul3A_112 = arith.constant 5 : i32
      %mul3A_113 = arith.muli %mul3A_59, %mul3A_112 : i32
      %add3A_114 = arith.constant 0 : i32
      %add3A_115 = arith.addi %add3A_114, %mul3A_113 : i32
      %add3A_116 = arith.constant 3 : i32
      %add3A_117 = arith.addi %add3A_115, %add3A_116 : i32
      %run_scoped3A_118 = arith.constant 0 : i32
      "tpu.region"() ({
        %run_scoped3A_180 = tpu.sem_alloc : memref<!tpu.dma_semaphore, #tpu.memory_space<semaphore_mem>>
        %dma_start3A_181 = arith.constant 0 : i32
        %dma_start3A_182 = arith.constant 0 : i32
        %dma_start3A_183 = tpu.memref_slice %arg8[%run_scoped3A_118, %dma_start3A_181, %dma_start3A_182] : memref<2x625x8xf32, #tpu.memory_space<vmem>> -> memref<1x625x8xf32, #tpu.memory_space<vmem>>
        %dma_start3A_184 = tpu.memref_squeeze %dma_start3A_183 : memref<1x625x8xf32, #tpu.memory_space<vmem>> -> memref<625x8xf32, #tpu.memory_space<vmem>>
        %dma_start3A_185 = arith.constant 375 : i32
        %dma_start3A_186 = arith.constant 0 : i32
        %dma_start3A_187 = tpu.memref_slice %dma_start3A_184[%dma_start3A_185, %dma_start3A_186] : memref<625x8xf32, #tpu.memory_space<vmem>> -> memref<125x8xf32, #tpu.memory_space<vmem>>
        %dma_start3A_188 = arith.constant 0 : i32
        %dma_start3A_189 = tpu.memref_slice %arg7[%add3A_117, %dma_start3A_188] : memref<40x125xi32, #tpu.memory_space<vmem>> -> memref<1x125xi32, #tpu.memory_space<vmem>>
        %dma_start3A_190 = tpu.memref_squeeze %dma_start3A_189 : memref<1x125xi32, #tpu.memory_space<vmem>> -> memref<125xi32, #tpu.memory_space<vmem>>
        %dma_start3A_191 = arith.constant 0 : i32
        %dma_start3A_192 = arith.constant 0 : i32
        %dma_start3A_193 = tpu.memref_slice %arg9[%dma_start3A_191, %dma_start3A_192] : memref<10000x8xf32, #tpu.memory_space<vmem_shared>> -> memref<10000x8xf32, #tpu.memory_space<vmem_shared>>
        tpu.enqueue_indirect_dma source(%dma_start3A_187 : memref<125x8xf32, #tpu.memory_space<vmem>>) target(%dma_start3A_193 : memref<10000x8xf32, #tpu.memory_space<vmem_shared>>) offsets(%dma_start3A_190 : memref<125xi32, #tpu.memory_space<vmem>>) semaphore(%run_scoped3A_180 : memref<!tpu.dma_semaphore, #tpu.memory_space<semaphore_mem>>) {add = true}
        %dma_wait3A_194 = arith.constant 0 : i32
        %dma_wait3A_195 = arith.constant 0 : i32
        %dma_wait3A_196 = tpu.memref_slice %arg8[%run_scoped3A_118, %dma_wait3A_194, %dma_wait3A_195] : memref<2x625x8xf32, #tpu.memory_space<vmem>> -> memref<1x625x8xf32, #tpu.memory_space<vmem>>
        %dma_wait3A_197 = tpu.memref_squeeze %dma_wait3A_196 : memref<1x625x8xf32, #tpu.memory_space<vmem>> -> memref<625x8xf32, #tpu.memory_space<vmem>>
        %dma_wait3A_198 = arith.constant 375 : i32
        %dma_wait3A_199 = arith.constant 0 : i32
        %dma_wait3A_200 = tpu.memref_slice %dma_wait3A_197[%dma_wait3A_198, %dma_wait3A_199] : memref<625x8xf32, #tpu.memory_space<vmem>> -> memref<125x8xf32, #tpu.memory_space<vmem>>
        %dma_wait3A_201 = arith.constant 0 : i32
        %dma_wait3A_202 = tpu.memref_slice %arg7[%add3A_117, %dma_wait3A_201] : memref<40x125xi32, #tpu.memory_space<vmem>> -> memref<1x125xi32, #tpu.memory_space<vmem>>
        %dma_wait3A_203 = tpu.memref_squeeze %dma_wait3A_202 : memref<1x125xi32, #tpu.memory_space<vmem>> -> memref<125xi32, #tpu.memory_space<vmem>>
        %dma_wait3A_204 = arith.constant 0 : i32
        %dma_wait3A_205 = arith.constant 0 : i32
        %dma_wait3A_206 = tpu.memref_slice %arg9[%dma_wait3A_204, %dma_wait3A_205] : memref<10000x8xf32, #tpu.memory_space<vmem_shared>> -> memref<10000x8xf32, #tpu.memory_space<vmem_shared>>
        tpu.wait_indirect_dma semaphore(%run_scoped3A_180 : memref<!tpu.dma_semaphore, #tpu.memory_space<semaphore_mem>>) src(%dma_wait3A_200 : memref<125x8xf32, #tpu.memory_space<vmem>>) dst(%dma_wait3A_206 : memref<10000x8xf32, #tpu.memory_space<vmem_shared>>)
        tpu.yield
      }) : () -> ()
      %mul3A_119 = arith.constant 5 : i32
      %mul3A_120 = arith.muli %mul3A_59, %mul3A_119 : i32
      %add3A_121 = arith.constant 0 : i32
      %add3A_122 = arith.addi %add3A_121, %mul3A_120 : i32
      %add3A_123 = arith.constant 4 : i32
      %add3A_124 = arith.addi %add3A_122, %add3A_123 : i32
      %run_scoped3A_125 = arith.constant 0 : i32
      "tpu.region"() ({
        %run_scoped3A_180 = tpu.sem_alloc : memref<!tpu.dma_semaphore, #tpu.memory_space<semaphore_mem>>
        %dma_start3A_181 = arith.constant 0 : i32
        %dma_start3A_182 = arith.constant 0 : i32
        %dma_start3A_183 = tpu.memref_slice %arg8[%run_scoped3A_125, %dma_start3A_181, %dma_start3A_182] : memref<2x625x8xf32, #tpu.memory_space<vmem>> -> memref<1x625x8xf32, #tpu.memory_space<vmem>>
        %dma_start3A_184 = tpu.memref_squeeze %dma_start3A_183 : memref<1x625x8xf32, #tpu.memory_space<vmem>> -> memref<625x8xf32, #tpu.memory_space<vmem>>
        %dma_start3A_185 = arith.constant 500 : i32
        %dma_start3A_186 = arith.constant 0 : i32
        %dma_start3A_187 = tpu.memref_slice %dma_start3A_184[%dma_start3A_185, %dma_start3A_186] : memref<625x8xf32, #tpu.memory_space<vmem>> -> memref<125x8xf32, #tpu.memory_space<vmem>>
        %dma_start3A_188 = arith.constant 0 : i32
        %dma_start3A_189 = tpu.memref_slice %arg7[%add3A_124, %dma_start3A_188] : memref<40x125xi32, #tpu.memory_space<vmem>> -> memref<1x125xi32, #tpu.memory_space<vmem>>
        %dma_start3A_190 = tpu.memref_squeeze %dma_start3A_189 : memref<1x125xi32, #tpu.memory_space<vmem>> -> memref<125xi32, #tpu.memory_space<vmem>>
        %dma_start3A_191 = arith.constant 0 : i32
        %dma_start3A_192 = arith.constant 0 : i32
        %dma_start3A_193 = tpu.memref_slice %arg9[%dma_start3A_191, %dma_start3A_192] : memref<10000x8xf32, #tpu.memory_space<vmem_shared>> -> memref<10000x8xf32, #tpu.memory_space<vmem_shared>>
        tpu.enqueue_indirect_dma source(%dma_start3A_187 : memref<125x8xf32, #tpu.memory_space<vmem>>) target(%dma_start3A_193 : memref<10000x8xf32, #tpu.memory_space<vmem_shared>>) offsets(%dma_start3A_190 : memref<125xi32, #tpu.memory_space<vmem>>) semaphore(%run_scoped3A_180 : memref<!tpu.dma_semaphore, #tpu.memory_space<semaphore_mem>>) {add = true}
        %dma_wait3A_194 = arith.constant 0 : i32
        %dma_wait3A_195 = arith.constant 0 : i32
        %dma_wait3A_196 = tpu.memref_slice %arg8[%run_scoped3A_125, %dma_wait3A_194, %dma_wait3A_195] : memref<2x625x8xf32, #tpu.memory_space<vmem>> -> memref<1x625x8xf32, #tpu.memory_space<vmem>>
        %dma_wait3A_197 = tpu.memref_squeeze %dma_wait3A_196 : memref<1x625x8xf32, #tpu.memory_space<vmem>> -> memref<625x8xf32, #tpu.memory_space<vmem>>
        %dma_wait3A_198 = arith.constant 500 : i32
        %dma_wait3A_199 = arith.constant 0 : i32
        %dma_wait3A_200 = tpu.memref_slice %dma_wait3A_197[%dma_wait3A_198, %dma_wait3A_199] : memref<625x8xf32, #tpu.memory_space<vmem>> -> memref<125x8xf32, #tpu.memory_space<vmem>>
        %dma_wait3A_201 = arith.constant 0 : i32
        %dma_wait3A_202 = tpu.memref_slice %arg7[%add3A_124, %dma_wait3A_201] : memref<40x125xi32, #tpu.memory_space<vmem>> -> memref<1x125xi32, #tpu.memory_space<vmem>>
        %dma_wait3A_203 = tpu.memref_squeeze %dma_wait3A_202 : memref<1x125xi32, #tpu.memory_space<vmem>> -> memref<125xi32, #tpu.memory_space<vmem>>
        %dma_wait3A_204 = arith.constant 0 : i32
        %dma_wait3A_205 = arith.constant 0 : i32
        %dma_wait3A_206 = tpu.memref_slice %arg9[%dma_wait3A_204, %dma_wait3A_205] : memref<10000x8xf32, #tpu.memory_space<vmem_shared>> -> memref<10000x8xf32, #tpu.memory_space<vmem_shared>>
        tpu.wait_indirect_dma semaphore(%run_scoped3A_180 : memref<!tpu.dma_semaphore, #tpu.memory_space<semaphore_mem>>) src(%dma_wait3A_200 : memref<125x8xf32, #tpu.memory_space<vmem>>) dst(%dma_wait3A_206 : memref<10000x8xf32, #tpu.memory_space<vmem_shared>>)
        tpu.yield
      }) : () -> ()
      %lt3A = arith.constant 1 : i32
      %lt3A_126 = arith.cmpi slt, %scan3A_57, %lt3A : i32
      %convert_element_type3A_127 = arith.extui %lt3A_126 : i1 to i32
      %cond3A_128 = arith.constant 0 : i32
      %cond3A_129 = arith.cmpi ne, %convert_element_type3A_127, %cond3A_128 : i32
      scf.if %cond3A_129 {
        %add3A_180 = arith.constant 2 : i32
        %add3A_181 = arith.addi %mul3A_59, %add3A_180 : i32
        %mul3A_182 = arith.constant 625 : i32
        %mul3A_183 = arith.muli %add3A_181, %mul3A_182 : i32
        %add3A_184 = arith.addi %mul3A_2, %mul3A_183 : i32
        %dma_start3A_185 = arith.constant 0 : i32
        %dma_start3A_186 = arith.constant 0 : i32
        %dma_start3A_187 = arith.constant 0 : i32
        %dma_start3A_188 = tpu.memref_slice %arg8[%dma_start3A_185, %dma_start3A_186, %dma_start3A_187] : memref<2x625x8xf32, #tpu.memory_space<vmem>> -> memref<1x625x8xf32, #tpu.memory_space<vmem>>
        %dma_start3A_189 = tpu.memref_squeeze %dma_start3A_188 : memref<1x625x8xf32, #tpu.memory_space<vmem>> -> memref<625x8xf32, #tpu.memory_space<vmem>>
        %dma_start3A_190 = arith.constant 0 : i32
        %dma_start3A_191 = tpu.memref_slice %arg2[%add3A_184, %dma_start3A_190] : memref<80000x128xf32, #tpu.memory_space<hbm>> -> memref<625x8xf32, #tpu.memory_space<hbm>>
        %dma_start3A_192 = arith.constant 0 : i32
        %dma_start3A_193 = arith.constant 0 : i32
        %dma_start3A_194 = tpu.memref_slice %arg8[%dma_start3A_185, %dma_start3A_192, %dma_start3A_193] : memref<2x625x8xf32, #tpu.memory_space<vmem>> -> memref<1x625x8xf32, #tpu.memory_space<vmem>>
        %dma_start3A_195 = tpu.memref_squeeze %dma_start3A_194 : memref<1x625x8xf32, #tpu.memory_space<vmem>> -> memref<625x8xf32, #tpu.memory_space<vmem>>
        %dma_start3A_196 = arith.constant 0 : i32
        %dma_start3A_197 = tpu.memref_slice %arg2[%add3A_184, %dma_start3A_196] : memref<80000x128xf32, #tpu.memory_space<hbm>> -> memref<625x8xf32, #tpu.memory_space<hbm>>
        tpu.enqueue_dma source(%dma_start3A_197 : memref<625x8xf32, #tpu.memory_space<hbm>>) target(%dma_start3A_195 : memref<625x8xf32, #tpu.memory_space<vmem>>) target_semaphore(%arg10 : memref<!tpu.dma_semaphore, #tpu.memory_space<semaphore_mem>>)
      } else {
      }
      %dma_wait3A_130 = arith.constant 1 : i32
      %dma_wait3A_131 = arith.constant 0 : i32
      %dma_wait3A_132 = arith.constant 0 : i32
      %dma_wait3A_133 = tpu.memref_slice %arg8[%dma_wait3A_130, %dma_wait3A_131, %dma_wait3A_132] : memref<2x625x8xf32, #tpu.memory_space<vmem>> -> memref<1x625x8xf32, #tpu.memory_space<vmem>>
      %dma_wait3A_134 = tpu.memref_squeeze %dma_wait3A_133 : memref<1x625x8xf32, #tpu.memory_space<vmem>> -> memref<625x8xf32, #tpu.memory_space<vmem>>
      %dma_wait3A_135 = arith.constant 0 : i32
      %dma_wait3A_136 = arith.constant 0 : i32
      %dma_wait3A_137 = tpu.memref_slice %arg2[%dma_wait3A_135, %dma_wait3A_136] : memref<80000x128xf32, #tpu.memory_space<hbm>> -> memref<625x8xf32, #tpu.memory_space<hbm>>
      %dma_wait3A_138 = arith.constant 0 : i32
      %dma_wait3A_139 = arith.constant 0 : i32
      %dma_wait3A_140 = tpu.memref_slice %arg8[%dma_wait3A_130, %dma_wait3A_138, %dma_wait3A_139] : memref<2x625x8xf32, #tpu.memory_space<vmem>> -> memref<1x625x8xf32, #tpu.memory_space<vmem>>
      %dma_wait3A_141 = tpu.memref_squeeze %dma_wait3A_140 : memref<1x625x8xf32, #tpu.memory_space<vmem>> -> memref<625x8xf32, #tpu.memory_space<vmem>>
      %dma_wait3A_142 = arith.constant 0 : i32
      %dma_wait3A_143 = arith.constant 0 : i32
      %dma_wait3A_144 = tpu.memref_slice %arg2[%dma_wait3A_142, %dma_wait3A_143] : memref<80000x128xf32, #tpu.memory_space<hbm>> -> memref<625x8xf32, #tpu.memory_space<hbm>>
      tpu.wait_dma2 semaphore(%arg11 : memref<!tpu.dma_semaphore, #tpu.memory_space<semaphore_mem>>) src(%dma_wait3A_144 : memref<625x8xf32, #tpu.memory_space<hbm>>) dst(%dma_wait3A_141 : memref<625x8xf32, #tpu.memory_space<vmem>>)
      %mul3A_145 = arith.constant 5 : i32
      %mul3A_146 = arith.muli %add3A_61, %mul3A_145 : i32
      %add3A_147 = arith.constant 0 : i32
      %add3A_148 = arith.addi %add3A_147, %mul3A_146 : i32
      %add3A_149 = arith.constant 0 : i32
      %add3A_150 = arith.addi %add3A_148, %add3A_149 : i32
      %run_scoped3A_151 = arith.constant 1 : i32
      "tpu.region"() ({
        %run_scoped3A_180 = tpu.sem_alloc : memref<!tpu.dma_semaphore, #tpu.memory_space<semaphore_mem>>
        %dma_start3A_181 = arith.constant 0 : i32
        %dma_start3A_182 = arith.constant 0 : i32
        %dma_start3A_183 = tpu.memref_slice %arg8[%run_scoped3A_151, %dma_start3A_181, %dma_start3A_182] : memref<2x625x8xf32, #tpu.memory_space<vmem>> -> memref<1x625x8xf32, #tpu.memory_space<vmem>>
        %dma_start3A_184 = tpu.memref_squeeze %dma_start3A_183 : memref<1x625x8xf32, #tpu.memory_space<vmem>> -> memref<625x8xf32, #tpu.memory_space<vmem>>
        %dma_start3A_185 = arith.constant 0 : i32
        %dma_start3A_186 = arith.constant 0 : i32
        %dma_start3A_187 = tpu.memref_slice %dma_start3A_184[%dma_start3A_185, %dma_start3A_186] : memref<625x8xf32, #tpu.memory_space<vmem>> -> memref<125x8xf32, #tpu.memory_space<vmem>>
        %dma_start3A_188 = arith.constant 0 : i32
        %dma_start3A_189 = tpu.memref_slice %arg7[%add3A_150, %dma_start3A_188] : memref<40x125xi32, #tpu.memory_space<vmem>> -> memref<1x125xi32, #tpu.memory_space<vmem>>
        %dma_start3A_190 = tpu.memref_squeeze %dma_start3A_189 : memref<1x125xi32, #tpu.memory_space<vmem>> -> memref<125xi32, #tpu.memory_space<vmem>>
        %dma_start3A_191 = arith.constant 0 : i32
        %dma_start3A_192 = arith.constant 0 : i32
        %dma_start3A_193 = tpu.memref_slice %arg9[%dma_start3A_191, %dma_start3A_192] : memref<10000x8xf32, #tpu.memory_space<vmem_shared>> -> memref<10000x8xf32, #tpu.memory_space<vmem_shared>>
        tpu.enqueue_indirect_dma source(%dma_start3A_187 : memref<125x8xf32, #tpu.memory_space<vmem>>) target(%dma_start3A_193 : memref<10000x8xf32, #tpu.memory_space<vmem_shared>>) offsets(%dma_start3A_190 : memref<125xi32, #tpu.memory_space<vmem>>) semaphore(%run_scoped3A_180 : memref<!tpu.dma_semaphore, #tpu.memory_space<semaphore_mem>>) {add = true}
        %dma_wait3A_194 = arith.constant 0 : i32
        %dma_wait3A_195 = arith.constant 0 : i32
        %dma_wait3A_196 = tpu.memref_slice %arg8[%run_scoped3A_151, %dma_wait3A_194, %dma_wait3A_195] : memref<2x625x8xf32, #tpu.memory_space<vmem>> -> memref<1x625x8xf32, #tpu.memory_space<vmem>>
        %dma_wait3A_197 = tpu.memref_squeeze %dma_wait3A_196 : memref<1x625x8xf32, #tpu.memory_space<vmem>> -> memref<625x8xf32, #tpu.memory_space<vmem>>
        %dma_wait3A_198 = arith.constant 0 : i32
        %dma_wait3A_199 = arith.constant 0 : i32
        %dma_wait3A_200 = tpu.memref_slice %dma_wait3A_197[%dma_wait3A_198, %dma_wait3A_199] : memref<625x8xf32, #tpu.memory_space<vmem>> -> memref<125x8xf32, #tpu.memory_space<vmem>>
        %dma_wait3A_201 = arith.constant 0 : i32
        %dma_wait3A_202 = tpu.memref_slice %arg7[%add3A_150, %dma_wait3A_201] : memref<40x125xi32, #tpu.memory_space<vmem>> -> memref<1x125xi32, #tpu.memory_space<vmem>>
        %dma_wait3A_203 = tpu.memref_squeeze %dma_wait3A_202 : memref<1x125xi32, #tpu.memory_space<vmem>> -> memref<125xi32, #tpu.memory_space<vmem>>
        %dma_wait3A_204 = arith.constant 0 : i32
        %dma_wait3A_205 = arith.constant 0 : i32
        %dma_wait3A_206 = tpu.memref_slice %arg9[%dma_wait3A_204, %dma_wait3A_205] : memref<10000x8xf32, #tpu.memory_space<vmem_shared>> -> memref<10000x8xf32, #tpu.memory_space<vmem_shared>>
        tpu.wait_indirect_dma semaphore(%run_scoped3A_180 : memref<!tpu.dma_semaphore, #tpu.memory_space<semaphore_mem>>) src(%dma_wait3A_200 : memref<125x8xf32, #tpu.memory_space<vmem>>) dst(%dma_wait3A_206 : memref<10000x8xf32, #tpu.memory_space<vmem_shared>>)
        tpu.yield
      }) : () -> ()
      %mul3A_152 = arith.constant 5 : i32
      %mul3A_153 = arith.muli %add3A_61, %mul3A_152 : i32
      %add3A_154 = arith.constant 0 : i32
      %add3A_155 = arith.addi %add3A_154, %mul3A_153 : i32
      %add3A_156 = arith.constant 1 : i32
      %add3A_157 = arith.addi %add3A_155, %add3A_156 : i32
      %run_scoped3A_158 = arith.constant 1 : i32
      "tpu.region"() ({
        %run_scoped3A_180 = tpu.sem_alloc : memref<!tpu.dma_semaphore, #tpu.memory_space<semaphore_mem>>
        %dma_start3A_181 = arith.constant 0 : i32
        %dma_start3A_182 = arith.constant 0 : i32
        %dma_start3A_183 = tpu.memref_slice %arg8[%run_scoped3A_158, %dma_start3A_181, %dma_start3A_182] : memref<2x625x8xf32, #tpu.memory_space<vmem>> -> memref<1x625x8xf32, #tpu.memory_space<vmem>>
        %dma_start3A_184 = tpu.memref_squeeze %dma_start3A_183 : memref<1x625x8xf32, #tpu.memory_space<vmem>> -> memref<625x8xf32, #tpu.memory_space<vmem>>
        %dma_start3A_185 = arith.constant 125 : i32
        %dma_start3A_186 = arith.constant 0 : i32
        %dma_start3A_187 = tpu.memref_slice %dma_start3A_184[%dma_start3A_185, %dma_start3A_186] : memref<625x8xf32, #tpu.memory_space<vmem>> -> memref<125x8xf32, #tpu.memory_space<vmem>>
        %dma_start3A_188 = arith.constant 0 : i32
        %dma_start3A_189 = tpu.memref_slice %arg7[%add3A_157, %dma_start3A_188] : memref<40x125xi32, #tpu.memory_space<vmem>> -> memref<1x125xi32, #tpu.memory_space<vmem>>
        %dma_start3A_190 = tpu.memref_squeeze %dma_start3A_189 : memref<1x125xi32, #tpu.memory_space<vmem>> -> memref<125xi32, #tpu.memory_space<vmem>>
        %dma_start3A_191 = arith.constant 0 : i32
        %dma_start3A_192 = arith.constant 0 : i32
        %dma_start3A_193 = tpu.memref_slice %arg9[%dma_start3A_191, %dma_start3A_192] : memref<10000x8xf32, #tpu.memory_space<vmem_shared>> -> memref<10000x8xf32, #tpu.memory_space<vmem_shared>>
        tpu.enqueue_indirect_dma source(%dma_start3A_187 : memref<125x8xf32, #tpu.memory_space<vmem>>) target(%dma_start3A_193 : memref<10000x8xf32, #tpu.memory_space<vmem_shared>>) offsets(%dma_start3A_190 : memref<125xi32, #tpu.memory_space<vmem>>) semaphore(%run_scoped3A_180 : memref<!tpu.dma_semaphore, #tpu.memory_space<semaphore_mem>>) {add = true}
        %dma_wait3A_194 = arith.constant 0 : i32
        %dma_wait3A_195 = arith.constant 0 : i32
        %dma_wait3A_196 = tpu.memref_slice %arg8[%run_scoped3A_158, %dma_wait3A_194, %dma_wait3A_195] : memref<2x625x8xf32, #tpu.memory_space<vmem>> -> memref<1x625x8xf32, #tpu.memory_space<vmem>>
        %dma_wait3A_197 = tpu.memref_squeeze %dma_wait3A_196 : memref<1x625x8xf32, #tpu.memory_space<vmem>> -> memref<625x8xf32, #tpu.memory_space<vmem>>
        %dma_wait3A_198 = arith.constant 125 : i32
        %dma_wait3A_199 = arith.constant 0 : i32
        %dma_wait3A_200 = tpu.memref_slice %dma_wait3A_197[%dma_wait3A_198, %dma_wait3A_199] : memref<625x8xf32, #tpu.memory_space<vmem>> -> memref<125x8xf32, #tpu.memory_space<vmem>>
        %dma_wait3A_201 = arith.constant 0 : i32
        %dma_wait3A_202 = tpu.memref_slice %arg7[%add3A_157, %dma_wait3A_201] : memref<40x125xi32, #tpu.memory_space<vmem>> -> memref<1x125xi32, #tpu.memory_space<vmem>>
        %dma_wait3A_203 = tpu.memref_squeeze %dma_wait3A_202 : memref<1x125xi32, #tpu.memory_space<vmem>> -> memref<125xi32, #tpu.memory_space<vmem>>
        %dma_wait3A_204 = arith.constant 0 : i32
        %dma_wait3A_205 = arith.constant 0 : i32
        %dma_wait3A_206 = tpu.memref_slice %arg9[%dma_wait3A_204, %dma_wait3A_205] : memref<10000x8xf32, #tpu.memory_space<vmem_shared>> -> memref<10000x8xf32, #tpu.memory_space<vmem_shared>>
        tpu.wait_indirect_dma semaphore(%run_scoped3A_180 : memref<!tpu.dma_semaphore, #tpu.memory_space<semaphore_mem>>) src(%dma_wait3A_200 : memref<125x8xf32, #tpu.memory_space<vmem>>) dst(%dma_wait3A_206 : memref<10000x8xf32, #tpu.memory_space<vmem_shared>>)
        tpu.yield
      }) : () -> ()
      %mul3A_159 = arith.constant 5 : i32
      %mul3A_160 = arith.muli %add3A_61, %mul3A_159 : i32
      %add3A_161 = arith.constant 0 : i32
      %add3A_162 = arith.addi %add3A_161, %mul3A_160 : i32
      %add3A_163 = arith.constant 2 : i32
      %add3A_164 = arith.addi %add3A_162, %add3A_163 : i32
      %run_scoped3A_165 = arith.constant 1 : i32
      "tpu.region"() ({
        %run_scoped3A_180 = tpu.sem_alloc : memref<!tpu.dma_semaphore, #tpu.memory_space<semaphore_mem>>
        %dma_start3A_181 = arith.constant 0 : i32
        %dma_start3A_182 = arith.constant 0 : i32
        %dma_start3A_183 = tpu.memref_slice %arg8[%run_scoped3A_165, %dma_start3A_181, %dma_start3A_182] : memref<2x625x8xf32, #tpu.memory_space<vmem>> -> memref<1x625x8xf32, #tpu.memory_space<vmem>>
        %dma_start3A_184 = tpu.memref_squeeze %dma_start3A_183 : memref<1x625x8xf32, #tpu.memory_space<vmem>> -> memref<625x8xf32, #tpu.memory_space<vmem>>
        %dma_start3A_185 = arith.constant 250 : i32
        %dma_start3A_186 = arith.constant 0 : i32
        %dma_start3A_187 = tpu.memref_slice %dma_start3A_184[%dma_start3A_185, %dma_start3A_186] : memref<625x8xf32, #tpu.memory_space<vmem>> -> memref<125x8xf32, #tpu.memory_space<vmem>>
        %dma_start3A_188 = arith.constant 0 : i32
        %dma_start3A_189 = tpu.memref_slice %arg7[%add3A_164, %dma_start3A_188] : memref<40x125xi32, #tpu.memory_space<vmem>> -> memref<1x125xi32, #tpu.memory_space<vmem>>
        %dma_start3A_190 = tpu.memref_squeeze %dma_start3A_189 : memref<1x125xi32, #tpu.memory_space<vmem>> -> memref<125xi32, #tpu.memory_space<vmem>>
        %dma_start3A_191 = arith.constant 0 : i32
        %dma_start3A_192 = arith.constant 0 : i32
        %dma_start3A_193 = tpu.memref_slice %arg9[%dma_start3A_191, %dma_start3A_192] : memref<10000x8xf32, #tpu.memory_space<vmem_shared>> -> memref<10000x8xf32, #tpu.memory_space<vmem_shared>>
        tpu.enqueue_indirect_dma source(%dma_start3A_187 : memref<125x8xf32, #tpu.memory_space<vmem>>) target(%dma_start3A_193 : memref<10000x8xf32, #tpu.memory_space<vmem_shared>>) offsets(%dma_start3A_190 : memref<125xi32, #tpu.memory_space<vmem>>) semaphore(%run_scoped3A_180 : memref<!tpu.dma_semaphore, #tpu.memory_space<semaphore_mem>>) {add = true}
        %dma_wait3A_194 = arith.constant 0 : i32
        %dma_wait3A_195 = arith.constant 0 : i32
        %dma_wait3A_196 = tpu.memref_slice %arg8[%run_scoped3A_165, %dma_wait3A_194, %dma_wait3A_195] : memref<2x625x8xf32, #tpu.memory_space<vmem>> -> memref<1x625x8xf32, #tpu.memory_space<vmem>>
        %dma_wait3A_197 = tpu.memref_squeeze %dma_wait3A_196 : memref<1x625x8xf32, #tpu.memory_space<vmem>> -> memref<625x8xf32, #tpu.memory_space<vmem>>
        %dma_wait3A_198 = arith.constant 250 : i32
        %dma_wait3A_199 = arith.constant 0 : i32
        %dma_wait3A_200 = tpu.memref_slice %dma_wait3A_197[%dma_wait3A_198, %dma_wait3A_199] : memref<625x8xf32, #tpu.memory_space<vmem>> -> memref<125x8xf32, #tpu.memory_space<vmem>>
        %dma_wait3A_201 = arith.constant 0 : i32
        %dma_wait3A_202 = tpu.memref_slice %arg7[%add3A_164, %dma_wait3A_201] : memref<40x125xi32, #tpu.memory_space<vmem>> -> memref<1x125xi32, #tpu.memory_space<vmem>>
        %dma_wait3A_203 = tpu.memref_squeeze %dma_wait3A_202 : memref<1x125xi32, #tpu.memory_space<vmem>> -> memref<125xi32, #tpu.memory_space<vmem>>
        %dma_wait3A_204 = arith.constant 0 : i32
        %dma_wait3A_205 = arith.constant 0 : i32
        %dma_wait3A_206 = tpu.memref_slice %arg9[%dma_wait3A_204, %dma_wait3A_205] : memref<10000x8xf32, #tpu.memory_space<vmem_shared>> -> memref<10000x8xf32, #tpu.memory_space<vmem_shared>>
        tpu.wait_indirect_dma semaphore(%run_scoped3A_180 : memref<!tpu.dma_semaphore, #tpu.memory_space<semaphore_mem>>) src(%dma_wait3A_200 : memref<125x8xf32, #tpu.memory_space<vmem>>) dst(%dma_wait3A_206 : memref<10000x8xf32, #tpu.memory_space<vmem_shared>>)
        tpu.yield
      }) : () -> ()
      %mul3A_166 = arith.constant 5 : i32
      %mul3A_167 = arith.muli %add3A_61, %mul3A_166 : i32
      %add3A_168 = arith.constant 0 : i32
      %add3A_169 = arith.addi %add3A_168, %mul3A_167 : i32
      %add3A_170 = arith.constant 3 : i32
      %add3A_171 = arith.addi %add3A_169, %add3A_170 : i32
      %run_scoped3A_172 = arith.constant 1 : i32
      "tpu.region"() ({
        %run_scoped3A_180 = tpu.sem_alloc : memref<!tpu.dma_semaphore, #tpu.memory_space<semaphore_mem>>
        %dma_start3A_181 = arith.constant 0 : i32
        %dma_start3A_182 = arith.constant 0 : i32
        %dma_start3A_183 = tpu.memref_slice %arg8[%run_scoped3A_172, %dma_start3A_181, %dma_start3A_182] : memref<2x625x8xf32, #tpu.memory_space<vmem>> -> memref<1x625x8xf32, #tpu.memory_space<vmem>>
        %dma_start3A_184 = tpu.memref_squeeze %dma_start3A_183 : memref<1x625x8xf32, #tpu.memory_space<vmem>> -> memref<625x8xf32, #tpu.memory_space<vmem>>
        %dma_start3A_185 = arith.constant 375 : i32
        %dma_start3A_186 = arith.constant 0 : i32
        %dma_start3A_187 = tpu.memref_slice %dma_start3A_184[%dma_start3A_185, %dma_start3A_186] : memref<625x8xf32, #tpu.memory_space<vmem>> -> memref<125x8xf32, #tpu.memory_space<vmem>>
        %dma_start3A_188 = arith.constant 0 : i32
        %dma_start3A_189 = tpu.memref_slice %arg7[%add3A_171, %dma_start3A_188] : memref<40x125xi32, #tpu.memory_space<vmem>> -> memref<1x125xi32, #tpu.memory_space<vmem>>
        %dma_start3A_190 = tpu.memref_squeeze %dma_start3A_189 : memref<1x125xi32, #tpu.memory_space<vmem>> -> memref<125xi32, #tpu.memory_space<vmem>>
        %dma_start3A_191 = arith.constant 0 : i32
        %dma_start3A_192 = arith.constant 0 : i32
        %dma_start3A_193 = tpu.memref_slice %arg9[%dma_start3A_191, %dma_start3A_192] : memref<10000x8xf32, #tpu.memory_space<vmem_shared>> -> memref<10000x8xf32, #tpu.memory_space<vmem_shared>>
        tpu.enqueue_indirect_dma source(%dma_start3A_187 : memref<125x8xf32, #tpu.memory_space<vmem>>) target(%dma_start3A_193 : memref<10000x8xf32, #tpu.memory_space<vmem_shared>>) offsets(%dma_start3A_190 : memref<125xi32, #tpu.memory_space<vmem>>) semaphore(%run_scoped3A_180 : memref<!tpu.dma_semaphore, #tpu.memory_space<semaphore_mem>>) {add = true}
        %dma_wait3A_194 = arith.constant 0 : i32
        %dma_wait3A_195 = arith.constant 0 : i32
        %dma_wait3A_196 = tpu.memref_slice %arg8[%run_scoped3A_172, %dma_wait3A_194, %dma_wait3A_195] : memref<2x625x8xf32, #tpu.memory_space<vmem>> -> memref<1x625x8xf32, #tpu.memory_space<vmem>>
        %dma_wait3A_197 = tpu.memref_squeeze %dma_wait3A_196 : memref<1x625x8xf32, #tpu.memory_space<vmem>> -> memref<625x8xf32, #tpu.memory_space<vmem>>
        %dma_wait3A_198 = arith.constant 375 : i32
        %dma_wait3A_199 = arith.constant 0 : i32
        %dma_wait3A_200 = tpu.memref_slice %dma_wait3A_197[%dma_wait3A_198, %dma_wait3A_199] : memref<625x8xf32, #tpu.memory_space<vmem>> -> memref<125x8xf32, #tpu.memory_space<vmem>>
        %dma_wait3A_201 = arith.constant 0 : i32
        %dma_wait3A_202 = tpu.memref_slice %arg7[%add3A_171, %dma_wait3A_201] : memref<40x125xi32, #tpu.memory_space<vmem>> -> memref<1x125xi32, #tpu.memory_space<vmem>>
        %dma_wait3A_203 = tpu.memref_squeeze %dma_wait3A_202 : memref<1x125xi32, #tpu.memory_space<vmem>> -> memref<125xi32, #tpu.memory_space<vmem>>
        %dma_wait3A_204 = arith.constant 0 : i32
        %dma_wait3A_205 = arith.constant 0 : i32
        %dma_wait3A_206 = tpu.memref_slice %arg9[%dma_wait3A_204, %dma_wait3A_205] : memref<10000x8xf32, #tpu.memory_space<vmem_shared>> -> memref<10000x8xf32, #tpu.memory_space<vmem_shared>>
        tpu.wait_indirect_dma semaphore(%run_scoped3A_180 : memref<!tpu.dma_semaphore, #tpu.memory_space<semaphore_mem>>) src(%dma_wait3A_200 : memref<125x8xf32, #tpu.memory_space<vmem>>) dst(%dma_wait3A_206 : memref<10000x8xf32, #tpu.memory_space<vmem_shared>>)
        tpu.yield
      }) : () -> ()
      %mul3A_173 = arith.constant 5 : i32
      %mul3A_174 = arith.muli %add3A_61, %mul3A_173 : i32
      %add3A_175 = arith.constant 0 : i32
      %add3A_176 = arith.addi %add3A_175, %mul3A_174 : i32
      %add3A_177 = arith.constant 4 : i32
      %add3A_178 = arith.addi %add3A_176, %add3A_177 : i32
      %run_scoped3A_179 = arith.constant 1 : i32
      "tpu.region"() ({
        %run_scoped3A_180 = tpu.sem_alloc : memref<!tpu.dma_semaphore, #tpu.memory_space<semaphore_mem>>
        %dma_start3A_181 = arith.constant 0 : i32
        %dma_start3A_182 = arith.constant 0 : i32
        %dma_start3A_183 = tpu.memref_slice %arg8[%run_scoped3A_179, %dma_start3A_181, %dma_start3A_182] : memref<2x625x8xf32, #tpu.memory_space<vmem>> -> memref<1x625x8xf32, #tpu.memory_space<vmem>>
        %dma_start3A_184 = tpu.memref_squeeze %dma_start3A_183 : memref<1x625x8xf32, #tpu.memory_space<vmem>> -> memref<625x8xf32, #tpu.memory_space<vmem>>
        %dma_start3A_185 = arith.constant 500 : i32
        %dma_start3A_186 = arith.constant 0 : i32
        %dma_start3A_187 = tpu.memref_slice %dma_start3A_184[%dma_start3A_185, %dma_start3A_186] : memref<625x8xf32, #tpu.memory_space<vmem>> -> memref<125x8xf32, #tpu.memory_space<vmem>>
        %dma_start3A_188 = arith.constant 0 : i32
        %dma_start3A_189 = tpu.memref_slice %arg7[%add3A_178, %dma_start3A_188] : memref<40x125xi32, #tpu.memory_space<vmem>> -> memref<1x125xi32, #tpu.memory_space<vmem>>
        %dma_start3A_190 = tpu.memref_squeeze %dma_start3A_189 : memref<1x125xi32, #tpu.memory_space<vmem>> -> memref<125xi32, #tpu.memory_space<vmem>>
        %dma_start3A_191 = arith.constant 0 : i32
        %dma_start3A_192 = arith.constant 0 : i32
        %dma_start3A_193 = tpu.memref_slice %arg9[%dma_start3A_191, %dma_start3A_192] : memref<10000x8xf32, #tpu.memory_space<vmem_shared>> -> memref<10000x8xf32, #tpu.memory_space<vmem_shared>>
        tpu.enqueue_indirect_dma source(%dma_start3A_187 : memref<125x8xf32, #tpu.memory_space<vmem>>) target(%dma_start3A_193 : memref<10000x8xf32, #tpu.memory_space<vmem_shared>>) offsets(%dma_start3A_190 : memref<125xi32, #tpu.memory_space<vmem>>) semaphore(%run_scoped3A_180 : memref<!tpu.dma_semaphore, #tpu.memory_space<semaphore_mem>>) {add = true}
        %dma_wait3A_194 = arith.constant 0 : i32
        %dma_wait3A_195 = arith.constant 0 : i32
        %dma_wait3A_196 = tpu.memref_slice %arg8[%run_scoped3A_179, %dma_wait3A_194, %dma_wait3A_195] : memref<2x625x8xf32, #tpu.memory_space<vmem>> -> memref<1x625x8xf32, #tpu.memory_space<vmem>>
        %dma_wait3A_197 = tpu.memref_squeeze %dma_wait3A_196 : memref<1x625x8xf32, #tpu.memory_space<vmem>> -> memref<625x8xf32, #tpu.memory_space<vmem>>
        %dma_wait3A_198 = arith.constant 500 : i32
        %dma_wait3A_199 = arith.constant 0 : i32
        %dma_wait3A_200 = tpu.memref_slice %dma_wait3A_197[%dma_wait3A_198, %dma_wait3A_199] : memref<625x8xf32, #tpu.memory_space<vmem>> -> memref<125x8xf32, #tpu.memory_space<vmem>>
        %dma_wait3A_201 = arith.constant 0 : i32
        %dma_wait3A_202 = tpu.memref_slice %arg7[%add3A_178, %dma_wait3A_201] : memref<40x125xi32, #tpu.memory_space<vmem>> -> memref<1x125xi32, #tpu.memory_space<vmem>>
        %dma_wait3A_203 = tpu.memref_squeeze %dma_wait3A_202 : memref<1x125xi32, #tpu.memory_space<vmem>> -> memref<125xi32, #tpu.memory_space<vmem>>
        %dma_wait3A_204 = arith.constant 0 : i32
        %dma_wait3A_205 = arith.constant 0 : i32
        %dma_wait3A_206 = tpu.memref_slice %arg9[%dma_wait3A_204, %dma_wait3A_205] : memref<10000x8xf32, #tpu.memory_space<vmem_shared>> -> memref<10000x8xf32, #tpu.memory_space<vmem_shared>>
        tpu.wait_indirect_dma semaphore(%run_scoped3A_180 : memref<!tpu.dma_semaphore, #tpu.memory_space<semaphore_mem>>) src(%dma_wait3A_200 : memref<125x8xf32, #tpu.memory_space<vmem>>) dst(%dma_wait3A_206 : memref<10000x8xf32, #tpu.memory_space<vmem_shared>>)
        tpu.yield
      }) : () -> ()
    }
    %scan3A_29 = arith.constant 2 : i32
    %add3A_30 = arith.constant 0 : i32
    %add3A_31 = arith.addi %mul3A_2, %add3A_30 : i32
    %dma_start3A_32 = arith.constant 0 : i32
    %dma_start3A_33 = arith.constant 0 : i32
    %dma_start3A_34 = arith.constant 0 : i32
    %dma_start3A_35 = tpu.memref_slice %arg8[%dma_start3A_32, %dma_start3A_33, %dma_start3A_34] : memref<2x625x8xf32, #tpu.memory_space<vmem>> -> memref<1x625x8xf32, #tpu.memory_space<vmem>>
    %dma_start3A_36 = tpu.memref_squeeze %dma_start3A_35 : memref<1x625x8xf32, #tpu.memory_space<vmem>> -> memref<625x8xf32, #tpu.memory_space<vmem>>
    %dma_start3A_37 = arith.constant 0 : i32
    %dma_start3A_38 = tpu.memref_slice %arg3[%add3A_31, %dma_start3A_37] : memref<80000x128xf32, #tpu.memory_space<hbm>> -> memref<625x8xf32, #tpu.memory_space<hbm>>
    %dma_start3A_39 = arith.constant 0 : i32
    %dma_start3A_40 = arith.constant 0 : i32
    %dma_start3A_41 = tpu.memref_slice %arg8[%dma_start3A_32, %dma_start3A_39, %dma_start3A_40] : memref<2x625x8xf32, #tpu.memory_space<vmem>> -> memref<1x625x8xf32, #tpu.memory_space<vmem>>
    %dma_start3A_42 = tpu.memref_squeeze %dma_start3A_41 : memref<1x625x8xf32, #tpu.memory_space<vmem>> -> memref<625x8xf32, #tpu.memory_space<vmem>>
    %dma_start3A_43 = arith.constant 0 : i32
    %dma_start3A_44 = tpu.memref_slice %arg3[%add3A_31, %dma_start3A_43] : memref<80000x128xf32, #tpu.memory_space<hbm>> -> memref<625x8xf32, #tpu.memory_space<hbm>>
    tpu.enqueue_dma source(%dma_start3A_44 : memref<625x8xf32, #tpu.memory_space<hbm>>) target(%dma_start3A_42 : memref<625x8xf32, #tpu.memory_space<vmem>>) target_semaphore(%arg10 : memref<!tpu.dma_semaphore, #tpu.memory_space<semaphore_mem>>)
    %scan3A_45 = arith.constant 0 : i32
    %scan3A_46 = arith.constant 0 : i32
    %scan3A_47 = arith.constant 2 : i32
    %scan3A_48 = arith.addi %scan3A_46, %scan3A_47 : i32
    %scan3A_49 = arith.constant 1 : i32
    scf.for %scan3A_57 = %scan3A_46 to %scan3A_48 step %scan3A_49  : i32 {
      %mul3A_58 = arith.constant 2 : i32
      %mul3A_59 = arith.muli %mul3A_58, %scan3A_57 : i32
      %add3A_60 = arith.constant 1 : i32
      %add3A_61 = arith.addi %mul3A_59, %add3A_60 : i32
      %mul3A_62 = arith.constant 625 : i32
      %mul3A_63 = arith.muli %add3A_61, %mul3A_62 : i32
      %add3A_64 = arith.addi %mul3A_2, %mul3A_63 : i32
      %dma_start3A_65 = arith.constant 1 : i32
      %dma_start3A_66 = arith.constant 0 : i32
      %dma_start3A_67 = arith.constant 0 : i32
      %dma_start3A_68 = tpu.memref_slice %arg8[%dma_start3A_65, %dma_start3A_66, %dma_start3A_67] : memref<2x625x8xf32, #tpu.memory_space<vmem>> -> memref<1x625x8xf32, #tpu.memory_space<vmem>>
      %dma_start3A_69 = tpu.memref_squeeze %dma_start3A_68 : memref<1x625x8xf32, #tpu.memory_space<vmem>> -> memref<625x8xf32, #tpu.memory_space<vmem>>
      %dma_start3A_70 = arith.constant 0 : i32
      %dma_start3A_71 = tpu.memref_slice %arg3[%add3A_64, %dma_start3A_70] : memref<80000x128xf32, #tpu.memory_space<hbm>> -> memref<625x8xf32, #tpu.memory_space<hbm>>
      %dma_start3A_72 = arith.constant 0 : i32
      %dma_start3A_73 = arith.constant 0 : i32
      %dma_start3A_74 = tpu.memref_slice %arg8[%dma_start3A_65, %dma_start3A_72, %dma_start3A_73] : memref<2x625x8xf32, #tpu.memory_space<vmem>> -> memref<1x625x8xf32, #tpu.memory_space<vmem>>
      %dma_start3A_75 = tpu.memref_squeeze %dma_start3A_74 : memref<1x625x8xf32, #tpu.memory_space<vmem>> -> memref<625x8xf32, #tpu.memory_space<vmem>>
      %dma_start3A_76 = arith.constant 0 : i32
      %dma_start3A_77 = tpu.memref_slice %arg3[%add3A_64, %dma_start3A_76] : memref<80000x128xf32, #tpu.memory_space<hbm>> -> memref<625x8xf32, #tpu.memory_space<hbm>>
      tpu.enqueue_dma source(%dma_start3A_77 : memref<625x8xf32, #tpu.memory_space<hbm>>) target(%dma_start3A_75 : memref<625x8xf32, #tpu.memory_space<vmem>>) target_semaphore(%arg11 : memref<!tpu.dma_semaphore, #tpu.memory_space<semaphore_mem>>)
      %dma_wait3A = arith.constant 0 : i32
      %dma_wait3A_78 = arith.constant 0 : i32
      %dma_wait3A_79 = arith.constant 0 : i32
      %dma_wait3A_80 = tpu.memref_slice %arg8[%dma_wait3A, %dma_wait3A_78, %dma_wait3A_79] : memref<2x625x8xf32, #tpu.memory_space<vmem>> -> memref<1x625x8xf32, #tpu.memory_space<vmem>>
      %dma_wait3A_81 = tpu.memref_squeeze %dma_wait3A_80 : memref<1x625x8xf32, #tpu.memory_space<vmem>> -> memref<625x8xf32, #tpu.memory_space<vmem>>
      %dma_wait3A_82 = arith.constant 0 : i32
      %dma_wait3A_83 = arith.constant 0 : i32
      %dma_wait3A_84 = tpu.memref_slice %arg3[%dma_wait3A_82, %dma_wait3A_83] : memref<80000x128xf32, #tpu.memory_space<hbm>> -> memref<625x8xf32, #tpu.memory_space<hbm>>
      %dma_wait3A_85 = arith.constant 0 : i32
      %dma_wait3A_86 = arith.constant 0 : i32
      %dma_wait3A_87 = tpu.memref_slice %arg8[%dma_wait3A, %dma_wait3A_85, %dma_wait3A_86] : memref<2x625x8xf32, #tpu.memory_space<vmem>> -> memref<1x625x8xf32, #tpu.memory_space<vmem>>
      %dma_wait3A_88 = tpu.memref_squeeze %dma_wait3A_87 : memref<1x625x8xf32, #tpu.memory_space<vmem>> -> memref<625x8xf32, #tpu.memory_space<vmem>>
      %dma_wait3A_89 = arith.constant 0 : i32
      %dma_wait3A_90 = arith.constant 0 : i32
      %dma_wait3A_91 = tpu.memref_slice %arg3[%dma_wait3A_89, %dma_wait3A_90] : memref<80000x128xf32, #tpu.memory_space<hbm>> -> memref<625x8xf32, #tpu.memory_space<hbm>>
      tpu.wait_dma2 semaphore(%arg10 : memref<!tpu.dma_semaphore, #tpu.memory_space<semaphore_mem>>) src(%dma_wait3A_91 : memref<625x8xf32, #tpu.memory_space<hbm>>) dst(%dma_wait3A_88 : memref<625x8xf32, #tpu.memory_space<vmem>>)
      %mul3A_92 = arith.constant 5 : i32
      %mul3A_93 = arith.muli %mul3A_59, %mul3A_92 : i32
      %add3A_94 = arith.constant 20 : i32
      %add3A_95 = arith.addi %add3A_94, %mul3A_93 : i32
      %add3A_96 = arith.constant 0 : i32
      %add3A_97 = arith.addi %add3A_95, %add3A_96 : i32
      %run_scoped3A = arith.constant 0 : i32
      "tpu.region"() ({
        %run_scoped3A_180 = tpu.sem_alloc : memref<!tpu.dma_semaphore, #tpu.memory_space<semaphore_mem>>
        %dma_start3A_181 = arith.constant 0 : i32
        %dma_start3A_182 = arith.constant 0 : i32
        %dma_start3A_183 = tpu.memref_slice %arg8[%run_scoped3A, %dma_start3A_181, %dma_start3A_182] : memref<2x625x8xf32, #tpu.memory_space<vmem>> -> memref<1x625x8xf32, #tpu.memory_space<vmem>>
        %dma_start3A_184 = tpu.memref_squeeze %dma_start3A_183 : memref<1x625x8xf32, #tpu.memory_space<vmem>> -> memref<625x8xf32, #tpu.memory_space<vmem>>
        %dma_start3A_185 = arith.constant 0 : i32
        %dma_start3A_186 = arith.constant 0 : i32
        %dma_start3A_187 = tpu.memref_slice %dma_start3A_184[%dma_start3A_185, %dma_start3A_186] : memref<625x8xf32, #tpu.memory_space<vmem>> -> memref<125x8xf32, #tpu.memory_space<vmem>>
        %dma_start3A_188 = arith.constant 0 : i32
        %dma_start3A_189 = tpu.memref_slice %arg7[%add3A_97, %dma_start3A_188] : memref<40x125xi32, #tpu.memory_space<vmem>> -> memref<1x125xi32, #tpu.memory_space<vmem>>
        %dma_start3A_190 = tpu.memref_squeeze %dma_start3A_189 : memref<1x125xi32, #tpu.memory_space<vmem>> -> memref<125xi32, #tpu.memory_space<vmem>>
        %dma_start3A_191 = arith.constant 0 : i32
        %dma_start3A_192 = arith.constant 0 : i32
        %dma_start3A_193 = tpu.memref_slice %arg9[%dma_start3A_191, %dma_start3A_192] : memref<10000x8xf32, #tpu.memory_space<vmem_shared>> -> memref<10000x8xf32, #tpu.memory_space<vmem_shared>>
        tpu.enqueue_indirect_dma source(%dma_start3A_187 : memref<125x8xf32, #tpu.memory_space<vmem>>) target(%dma_start3A_193 : memref<10000x8xf32, #tpu.memory_space<vmem_shared>>) offsets(%dma_start3A_190 : memref<125xi32, #tpu.memory_space<vmem>>) semaphore(%run_scoped3A_180 : memref<!tpu.dma_semaphore, #tpu.memory_space<semaphore_mem>>) {add = true}
        %dma_wait3A_194 = arith.constant 0 : i32
        %dma_wait3A_195 = arith.constant 0 : i32
        %dma_wait3A_196 = tpu.memref_slice %arg8[%run_scoped3A, %dma_wait3A_194, %dma_wait3A_195] : memref<2x625x8xf32, #tpu.memory_space<vmem>> -> memref<1x625x8xf32, #tpu.memory_space<vmem>>
        %dma_wait3A_197 = tpu.memref_squeeze %dma_wait3A_196 : memref<1x625x8xf32, #tpu.memory_space<vmem>> -> memref<625x8xf32, #tpu.memory_space<vmem>>
        %dma_wait3A_198 = arith.constant 0 : i32
        %dma_wait3A_199 = arith.constant 0 : i32
        %dma_wait3A_200 = tpu.memref_slice %dma_wait3A_197[%dma_wait3A_198, %dma_wait3A_199] : memref<625x8xf32, #tpu.memory_space<vmem>> -> memref<125x8xf32, #tpu.memory_space<vmem>>
        %dma_wait3A_201 = arith.constant 0 : i32
        %dma_wait3A_202 = tpu.memref_slice %arg7[%add3A_97, %dma_wait3A_201] : memref<40x125xi32, #tpu.memory_space<vmem>> -> memref<1x125xi32, #tpu.memory_space<vmem>>
        %dma_wait3A_203 = tpu.memref_squeeze %dma_wait3A_202 : memref<1x125xi32, #tpu.memory_space<vmem>> -> memref<125xi32, #tpu.memory_space<vmem>>
        %dma_wait3A_204 = arith.constant 0 : i32
        %dma_wait3A_205 = arith.constant 0 : i32
        %dma_wait3A_206 = tpu.memref_slice %arg9[%dma_wait3A_204, %dma_wait3A_205] : memref<10000x8xf32, #tpu.memory_space<vmem_shared>> -> memref<10000x8xf32, #tpu.memory_space<vmem_shared>>
        tpu.wait_indirect_dma semaphore(%run_scoped3A_180 : memref<!tpu.dma_semaphore, #tpu.memory_space<semaphore_mem>>) src(%dma_wait3A_200 : memref<125x8xf32, #tpu.memory_space<vmem>>) dst(%dma_wait3A_206 : memref<10000x8xf32, #tpu.memory_space<vmem_shared>>)
        tpu.yield
      }) : () -> ()
      %mul3A_98 = arith.constant 5 : i32
      %mul3A_99 = arith.muli %mul3A_59, %mul3A_98 : i32
      %add3A_100 = arith.constant 20 : i32
      %add3A_101 = arith.addi %add3A_100, %mul3A_99 : i32
      %add3A_102 = arith.constant 1 : i32
      %add3A_103 = arith.addi %add3A_101, %add3A_102 : i32
      %run_scoped3A_104 = arith.constant 0 : i32
      "tpu.region"() ({
        %run_scoped3A_180 = tpu.sem_alloc : memref<!tpu.dma_semaphore, #tpu.memory_space<semaphore_mem>>
        %dma_start3A_181 = arith.constant 0 : i32
        %dma_start3A_182 = arith.constant 0 : i32
        %dma_start3A_183 = tpu.memref_slice %arg8[%run_scoped3A_104, %dma_start3A_181, %dma_start3A_182] : memref<2x625x8xf32, #tpu.memory_space<vmem>> -> memref<1x625x8xf32, #tpu.memory_space<vmem>>
        %dma_start3A_184 = tpu.memref_squeeze %dma_start3A_183 : memref<1x625x8xf32, #tpu.memory_space<vmem>> -> memref<625x8xf32, #tpu.memory_space<vmem>>
        %dma_start3A_185 = arith.constant 125 : i32
        %dma_start3A_186 = arith.constant 0 : i32
        %dma_start3A_187 = tpu.memref_slice %dma_start3A_184[%dma_start3A_185, %dma_start3A_186] : memref<625x8xf32, #tpu.memory_space<vmem>> -> memref<125x8xf32, #tpu.memory_space<vmem>>
        %dma_start3A_188 = arith.constant 0 : i32
        %dma_start3A_189 = tpu.memref_slice %arg7[%add3A_103, %dma_start3A_188] : memref<40x125xi32, #tpu.memory_space<vmem>> -> memref<1x125xi32, #tpu.memory_space<vmem>>
        %dma_start3A_190 = tpu.memref_squeeze %dma_start3A_189 : memref<1x125xi32, #tpu.memory_space<vmem>> -> memref<125xi32, #tpu.memory_space<vmem>>
        %dma_start3A_191 = arith.constant 0 : i32
        %dma_start3A_192 = arith.constant 0 : i32
        %dma_start3A_193 = tpu.memref_slice %arg9[%dma_start3A_191, %dma_start3A_192] : memref<10000x8xf32, #tpu.memory_space<vmem_shared>> -> memref<10000x8xf32, #tpu.memory_space<vmem_shared>>
        tpu.enqueue_indirect_dma source(%dma_start3A_187 : memref<125x8xf32, #tpu.memory_space<vmem>>) target(%dma_start3A_193 : memref<10000x8xf32, #tpu.memory_space<vmem_shared>>) offsets(%dma_start3A_190 : memref<125xi32, #tpu.memory_space<vmem>>) semaphore(%run_scoped3A_180 : memref<!tpu.dma_semaphore, #tpu.memory_space<semaphore_mem>>) {add = true}
        %dma_wait3A_194 = arith.constant 0 : i32
        %dma_wait3A_195 = arith.constant 0 : i32
        %dma_wait3A_196 = tpu.memref_slice %arg8[%run_scoped3A_104, %dma_wait3A_194, %dma_wait3A_195] : memref<2x625x8xf32, #tpu.memory_space<vmem>> -> memref<1x625x8xf32, #tpu.memory_space<vmem>>
        %dma_wait3A_197 = tpu.memref_squeeze %dma_wait3A_196 : memref<1x625x8xf32, #tpu.memory_space<vmem>> -> memref<625x8xf32, #tpu.memory_space<vmem>>
        %dma_wait3A_198 = arith.constant 125 : i32
        %dma_wait3A_199 = arith.constant 0 : i32
        %dma_wait3A_200 = tpu.memref_slice %dma_wait3A_197[%dma_wait3A_198, %dma_wait3A_199] : memref<625x8xf32, #tpu.memory_space<vmem>> -> memref<125x8xf32, #tpu.memory_space<vmem>>
        %dma_wait3A_201 = arith.constant 0 : i32
        %dma_wait3A_202 = tpu.memref_slice %arg7[%add3A_103, %dma_wait3A_201] : memref<40x125xi32, #tpu.memory_space<vmem>> -> memref<1x125xi32, #tpu.memory_space<vmem>>
        %dma_wait3A_203 = tpu.memref_squeeze %dma_wait3A_202 : memref<1x125xi32, #tpu.memory_space<vmem>> -> memref<125xi32, #tpu.memory_space<vmem>>
        %dma_wait3A_204 = arith.constant 0 : i32
        %dma_wait3A_205 = arith.constant 0 : i32
        %dma_wait3A_206 = tpu.memref_slice %arg9[%dma_wait3A_204, %dma_wait3A_205] : memref<10000x8xf32, #tpu.memory_space<vmem_shared>> -> memref<10000x8xf32, #tpu.memory_space<vmem_shared>>
        tpu.wait_indirect_dma semaphore(%run_scoped3A_180 : memref<!tpu.dma_semaphore, #tpu.memory_space<semaphore_mem>>) src(%dma_wait3A_200 : memref<125x8xf32, #tpu.memory_space<vmem>>) dst(%dma_wait3A_206 : memref<10000x8xf32, #tpu.memory_space<vmem_shared>>)
        tpu.yield
      }) : () -> ()
      %mul3A_105 = arith.constant 5 : i32
      %mul3A_106 = arith.muli %mul3A_59, %mul3A_105 : i32
      %add3A_107 = arith.constant 20 : i32
      %add3A_108 = arith.addi %add3A_107, %mul3A_106 : i32
      %add3A_109 = arith.constant 2 : i32
      %add3A_110 = arith.addi %add3A_108, %add3A_109 : i32
      %run_scoped3A_111 = arith.constant 0 : i32
      "tpu.region"() ({
        %run_scoped3A_180 = tpu.sem_alloc : memref<!tpu.dma_semaphore, #tpu.memory_space<semaphore_mem>>
        %dma_start3A_181 = arith.constant 0 : i32
        %dma_start3A_182 = arith.constant 0 : i32
        %dma_start3A_183 = tpu.memref_slice %arg8[%run_scoped3A_111, %dma_start3A_181, %dma_start3A_182] : memref<2x625x8xf32, #tpu.memory_space<vmem>> -> memref<1x625x8xf32, #tpu.memory_space<vmem>>
        %dma_start3A_184 = tpu.memref_squeeze %dma_start3A_183 : memref<1x625x8xf32, #tpu.memory_space<vmem>> -> memref<625x8xf32, #tpu.memory_space<vmem>>
        %dma_start3A_185 = arith.constant 250 : i32
        %dma_start3A_186 = arith.constant 0 : i32
        %dma_start3A_187 = tpu.memref_slice %dma_start3A_184[%dma_start3A_185, %dma_start3A_186] : memref<625x8xf32, #tpu.memory_space<vmem>> -> memref<125x8xf32, #tpu.memory_space<vmem>>
        %dma_start3A_188 = arith.constant 0 : i32
        %dma_start3A_189 = tpu.memref_slice %arg7[%add3A_110, %dma_start3A_188] : memref<40x125xi32, #tpu.memory_space<vmem>> -> memref<1x125xi32, #tpu.memory_space<vmem>>
        %dma_start3A_190 = tpu.memref_squeeze %dma_start3A_189 : memref<1x125xi32, #tpu.memory_space<vmem>> -> memref<125xi32, #tpu.memory_space<vmem>>
        %dma_start3A_191 = arith.constant 0 : i32
        %dma_start3A_192 = arith.constant 0 : i32
        %dma_start3A_193 = tpu.memref_slice %arg9[%dma_start3A_191, %dma_start3A_192] : memref<10000x8xf32, #tpu.memory_space<vmem_shared>> -> memref<10000x8xf32, #tpu.memory_space<vmem_shared>>
        tpu.enqueue_indirect_dma source(%dma_start3A_187 : memref<125x8xf32, #tpu.memory_space<vmem>>) target(%dma_start3A_193 : memref<10000x8xf32, #tpu.memory_space<vmem_shared>>) offsets(%dma_start3A_190 : memref<125xi32, #tpu.memory_space<vmem>>) semaphore(%run_scoped3A_180 : memref<!tpu.dma_semaphore, #tpu.memory_space<semaphore_mem>>) {add = true}
        %dma_wait3A_194 = arith.constant 0 : i32
        %dma_wait3A_195 = arith.constant 0 : i32
        %dma_wait3A_196 = tpu.memref_slice %arg8[%run_scoped3A_111, %dma_wait3A_194, %dma_wait3A_195] : memref<2x625x8xf32, #tpu.memory_space<vmem>> -> memref<1x625x8xf32, #tpu.memory_space<vmem>>
        %dma_wait3A_197 = tpu.memref_squeeze %dma_wait3A_196 : memref<1x625x8xf32, #tpu.memory_space<vmem>> -> memref<625x8xf32, #tpu.memory_space<vmem>>
        %dma_wait3A_198 = arith.constant 250 : i32
        %dma_wait3A_199 = arith.constant 0 : i32
        %dma_wait3A_200 = tpu.memref_slice %dma_wait3A_197[%dma_wait3A_198, %dma_wait3A_199] : memref<625x8xf32, #tpu.memory_space<vmem>> -> memref<125x8xf32, #tpu.memory_space<vmem>>
        %dma_wait3A_201 = arith.constant 0 : i32
        %dma_wait3A_202 = tpu.memref_slice %arg7[%add3A_110, %dma_wait3A_201] : memref<40x125xi32, #tpu.memory_space<vmem>> -> memref<1x125xi32, #tpu.memory_space<vmem>>
        %dma_wait3A_203 = tpu.memref_squeeze %dma_wait3A_202 : memref<1x125xi32, #tpu.memory_space<vmem>> -> memref<125xi32, #tpu.memory_space<vmem>>
        %dma_wait3A_204 = arith.constant 0 : i32
        %dma_wait3A_205 = arith.constant 0 : i32
        %dma_wait3A_206 = tpu.memref_slice %arg9[%dma_wait3A_204, %dma_wait3A_205] : memref<10000x8xf32, #tpu.memory_space<vmem_shared>> -> memref<10000x8xf32, #tpu.memory_space<vmem_shared>>
        tpu.wait_indirect_dma semaphore(%run_scoped3A_180 : memref<!tpu.dma_semaphore, #tpu.memory_space<semaphore_mem>>) src(%dma_wait3A_200 : memref<125x8xf32, #tpu.memory_space<vmem>>) dst(%dma_wait3A_206 : memref<10000x8xf32, #tpu.memory_space<vmem_shared>>)
        tpu.yield
      }) : () -> ()
      %mul3A_112 = arith.constant 5 : i32
      %mul3A_113 = arith.muli %mul3A_59, %mul3A_112 : i32
      %add3A_114 = arith.constant 20 : i32
      %add3A_115 = arith.addi %add3A_114, %mul3A_113 : i32
      %add3A_116 = arith.constant 3 : i32
      %add3A_117 = arith.addi %add3A_115, %add3A_116 : i32
      %run_scoped3A_118 = arith.constant 0 : i32
      "tpu.region"() ({
        %run_scoped3A_180 = tpu.sem_alloc : memref<!tpu.dma_semaphore, #tpu.memory_space<semaphore_mem>>
        %dma_start3A_181 = arith.constant 0 : i32
        %dma_start3A_182 = arith.constant 0 : i32
        %dma_start3A_183 = tpu.memref_slice %arg8[%run_scoped3A_118, %dma_start3A_181, %dma_start3A_182] : memref<2x625x8xf32, #tpu.memory_space<vmem>> -> memref<1x625x8xf32, #tpu.memory_space<vmem>>
        %dma_start3A_184 = tpu.memref_squeeze %dma_start3A_183 : memref<1x625x8xf32, #tpu.memory_space<vmem>> -> memref<625x8xf32, #tpu.memory_space<vmem>>
        %dma_start3A_185 = arith.constant 375 : i32
        %dma_start3A_186 = arith.constant 0 : i32
        %dma_start3A_187 = tpu.memref_slice %dma_start3A_184[%dma_start3A_185, %dma_start3A_186] : memref<625x8xf32, #tpu.memory_space<vmem>> -> memref<125x8xf32, #tpu.memory_space<vmem>>
        %dma_start3A_188 = arith.constant 0 : i32
        %dma_start3A_189 = tpu.memref_slice %arg7[%add3A_117, %dma_start3A_188] : memref<40x125xi32, #tpu.memory_space<vmem>> -> memref<1x125xi32, #tpu.memory_space<vmem>>
        %dma_start3A_190 = tpu.memref_squeeze %dma_start3A_189 : memref<1x125xi32, #tpu.memory_space<vmem>> -> memref<125xi32, #tpu.memory_space<vmem>>
        %dma_start3A_191 = arith.constant 0 : i32
        %dma_start3A_192 = arith.constant 0 : i32
        %dma_start3A_193 = tpu.memref_slice %arg9[%dma_start3A_191, %dma_start3A_192] : memref<10000x8xf32, #tpu.memory_space<vmem_shared>> -> memref<10000x8xf32, #tpu.memory_space<vmem_shared>>
        tpu.enqueue_indirect_dma source(%dma_start3A_187 : memref<125x8xf32, #tpu.memory_space<vmem>>) target(%dma_start3A_193 : memref<10000x8xf32, #tpu.memory_space<vmem_shared>>) offsets(%dma_start3A_190 : memref<125xi32, #tpu.memory_space<vmem>>) semaphore(%run_scoped3A_180 : memref<!tpu.dma_semaphore, #tpu.memory_space<semaphore_mem>>) {add = true}
        %dma_wait3A_194 = arith.constant 0 : i32
        %dma_wait3A_195 = arith.constant 0 : i32
        %dma_wait3A_196 = tpu.memref_slice %arg8[%run_scoped3A_118, %dma_wait3A_194, %dma_wait3A_195] : memref<2x625x8xf32, #tpu.memory_space<vmem>> -> memref<1x625x8xf32, #tpu.memory_space<vmem>>
        %dma_wait3A_197 = tpu.memref_squeeze %dma_wait3A_196 : memref<1x625x8xf32, #tpu.memory_space<vmem>> -> memref<625x8xf32, #tpu.memory_space<vmem>>
        %dma_wait3A_198 = arith.constant 375 : i32
        %dma_wait3A_199 = arith.constant 0 : i32
        %dma_wait3A_200 = tpu.memref_slice %dma_wait3A_197[%dma_wait3A_198, %dma_wait3A_199] : memref<625x8xf32, #tpu.memory_space<vmem>> -> memref<125x8xf32, #tpu.memory_space<vmem>>
        %dma_wait3A_201 = arith.constant 0 : i32
        %dma_wait3A_202 = tpu.memref_slice %arg7[%add3A_117, %dma_wait3A_201] : memref<40x125xi32, #tpu.memory_space<vmem>> -> memref<1x125xi32, #tpu.memory_space<vmem>>
        %dma_wait3A_203 = tpu.memref_squeeze %dma_wait3A_202 : memref<1x125xi32, #tpu.memory_space<vmem>> -> memref<125xi32, #tpu.memory_space<vmem>>
        %dma_wait3A_204 = arith.constant 0 : i32
        %dma_wait3A_205 = arith.constant 0 : i32
        %dma_wait3A_206 = tpu.memref_slice %arg9[%dma_wait3A_204, %dma_wait3A_205] : memref<10000x8xf32, #tpu.memory_space<vmem_shared>> -> memref<10000x8xf32, #tpu.memory_space<vmem_shared>>
        tpu.wait_indirect_dma semaphore(%run_scoped3A_180 : memref<!tpu.dma_semaphore, #tpu.memory_space<semaphore_mem>>) src(%dma_wait3A_200 : memref<125x8xf32, #tpu.memory_space<vmem>>) dst(%dma_wait3A_206 : memref<10000x8xf32, #tpu.memory_space<vmem_shared>>)
        tpu.yield
      }) : () -> ()
      %mul3A_119 = arith.constant 5 : i32
      %mul3A_120 = arith.muli %mul3A_59, %mul3A_119 : i32
      %add3A_121 = arith.constant 20 : i32
      %add3A_122 = arith.addi %add3A_121, %mul3A_120 : i32
      %add3A_123 = arith.constant 4 : i32
      %add3A_124 = arith.addi %add3A_122, %add3A_123 : i32
      %run_scoped3A_125 = arith.constant 0 : i32
      "tpu.region"() ({
        %run_scoped3A_180 = tpu.sem_alloc : memref<!tpu.dma_semaphore, #tpu.memory_space<semaphore_mem>>
        %dma_start3A_181 = arith.constant 0 : i32
        %dma_start3A_182 = arith.constant 0 : i32
        %dma_start3A_183 = tpu.memref_slice %arg8[%run_scoped3A_125, %dma_start3A_181, %dma_start3A_182] : memref<2x625x8xf32, #tpu.memory_space<vmem>> -> memref<1x625x8xf32, #tpu.memory_space<vmem>>
        %dma_start3A_184 = tpu.memref_squeeze %dma_start3A_183 : memref<1x625x8xf32, #tpu.memory_space<vmem>> -> memref<625x8xf32, #tpu.memory_space<vmem>>
        %dma_start3A_185 = arith.constant 500 : i32
        %dma_start3A_186 = arith.constant 0 : i32
        %dma_start3A_187 = tpu.memref_slice %dma_start3A_184[%dma_start3A_185, %dma_start3A_186] : memref<625x8xf32, #tpu.memory_space<vmem>> -> memref<125x8xf32, #tpu.memory_space<vmem>>
        %dma_start3A_188 = arith.constant 0 : i32
        %dma_start3A_189 = tpu.memref_slice %arg7[%add3A_124, %dma_start3A_188] : memref<40x125xi32, #tpu.memory_space<vmem>> -> memref<1x125xi32, #tpu.memory_space<vmem>>
        %dma_start3A_190 = tpu.memref_squeeze %dma_start3A_189 : memref<1x125xi32, #tpu.memory_space<vmem>> -> memref<125xi32, #tpu.memory_space<vmem>>
        %dma_start3A_191 = arith.constant 0 : i32
        %dma_start3A_192 = arith.constant 0 : i32
        %dma_start3A_193 = tpu.memref_slice %arg9[%dma_start3A_191, %dma_start3A_192] : memref<10000x8xf32, #tpu.memory_space<vmem_shared>> -> memref<10000x8xf32, #tpu.memory_space<vmem_shared>>
        tpu.enqueue_indirect_dma source(%dma_start3A_187 : memref<125x8xf32, #tpu.memory_space<vmem>>) target(%dma_start3A_193 : memref<10000x8xf32, #tpu.memory_space<vmem_shared>>) offsets(%dma_start3A_190 : memref<125xi32, #tpu.memory_space<vmem>>) semaphore(%run_scoped3A_180 : memref<!tpu.dma_semaphore, #tpu.memory_space<semaphore_mem>>) {add = true}
        %dma_wait3A_194 = arith.constant 0 : i32
        %dma_wait3A_195 = arith.constant 0 : i32
        %dma_wait3A_196 = tpu.memref_slice %arg8[%run_scoped3A_125, %dma_wait3A_194, %dma_wait3A_195] : memref<2x625x8xf32, #tpu.memory_space<vmem>> -> memref<1x625x8xf32, #tpu.memory_space<vmem>>
        %dma_wait3A_197 = tpu.memref_squeeze %dma_wait3A_196 : memref<1x625x8xf32, #tpu.memory_space<vmem>> -> memref<625x8xf32, #tpu.memory_space<vmem>>
        %dma_wait3A_198 = arith.constant 500 : i32
        %dma_wait3A_199 = arith.constant 0 : i32
        %dma_wait3A_200 = tpu.memref_slice %dma_wait3A_197[%dma_wait3A_198, %dma_wait3A_199] : memref<625x8xf32, #tpu.memory_space<vmem>> -> memref<125x8xf32, #tpu.memory_space<vmem>>
        %dma_wait3A_201 = arith.constant 0 : i32
        %dma_wait3A_202 = tpu.memref_slice %arg7[%add3A_124, %dma_wait3A_201] : memref<40x125xi32, #tpu.memory_space<vmem>> -> memref<1x125xi32, #tpu.memory_space<vmem>>
        %dma_wait3A_203 = tpu.memref_squeeze %dma_wait3A_202 : memref<1x125xi32, #tpu.memory_space<vmem>> -> memref<125xi32, #tpu.memory_space<vmem>>
        %dma_wait3A_204 = arith.constant 0 : i32
        %dma_wait3A_205 = arith.constant 0 : i32
        %dma_wait3A_206 = tpu.memref_slice %arg9[%dma_wait3A_204, %dma_wait3A_205] : memref<10000x8xf32, #tpu.memory_space<vmem_shared>> -> memref<10000x8xf32, #tpu.memory_space<vmem_shared>>
        tpu.wait_indirect_dma semaphore(%run_scoped3A_180 : memref<!tpu.dma_semaphore, #tpu.memory_space<semaphore_mem>>) src(%dma_wait3A_200 : memref<125x8xf32, #tpu.memory_space<vmem>>) dst(%dma_wait3A_206 : memref<10000x8xf32, #tpu.memory_space<vmem_shared>>)
        tpu.yield
      }) : () -> ()
      %lt3A = arith.constant 1 : i32
      %lt3A_126 = arith.cmpi slt, %scan3A_57, %lt3A : i32
      %convert_element_type3A_127 = arith.extui %lt3A_126 : i1 to i32
      %cond3A_128 = arith.constant 0 : i32
      %cond3A_129 = arith.cmpi ne, %convert_element_type3A_127, %cond3A_128 : i32
      scf.if %cond3A_129 {
        %add3A_180 = arith.constant 2 : i32
        %add3A_181 = arith.addi %mul3A_59, %add3A_180 : i32
        %mul3A_182 = arith.constant 625 : i32
        %mul3A_183 = arith.muli %add3A_181, %mul3A_182 : i32
        %add3A_184 = arith.addi %mul3A_2, %mul3A_183 : i32
        %dma_start3A_185 = arith.constant 0 : i32
        %dma_start3A_186 = arith.constant 0 : i32
        %dma_start3A_187 = arith.constant 0 : i32
        %dma_start3A_188 = tpu.memref_slice %arg8[%dma_start3A_185, %dma_start3A_186, %dma_start3A_187] : memref<2x625x8xf32, #tpu.memory_space<vmem>> -> memref<1x625x8xf32, #tpu.memory_space<vmem>>
        %dma_start3A_189 = tpu.memref_squeeze %dma_start3A_188 : memref<1x625x8xf32, #tpu.memory_space<vmem>> -> memref<625x8xf32, #tpu.memory_space<vmem>>
        %dma_start3A_190 = arith.constant 0 : i32
        %dma_start3A_191 = tpu.memref_slice %arg3[%add3A_184, %dma_start3A_190] : memref<80000x128xf32, #tpu.memory_space<hbm>> -> memref<625x8xf32, #tpu.memory_space<hbm>>
        %dma_start3A_192 = arith.constant 0 : i32
        %dma_start3A_193 = arith.constant 0 : i32
        %dma_start3A_194 = tpu.memref_slice %arg8[%dma_start3A_185, %dma_start3A_192, %dma_start3A_193] : memref<2x625x8xf32, #tpu.memory_space<vmem>> -> memref<1x625x8xf32, #tpu.memory_space<vmem>>
        %dma_start3A_195 = tpu.memref_squeeze %dma_start3A_194 : memref<1x625x8xf32, #tpu.memory_space<vmem>> -> memref<625x8xf32, #tpu.memory_space<vmem>>
        %dma_start3A_196 = arith.constant 0 : i32
        %dma_start3A_197 = tpu.memref_slice %arg3[%add3A_184, %dma_start3A_196] : memref<80000x128xf32, #tpu.memory_space<hbm>> -> memref<625x8xf32, #tpu.memory_space<hbm>>
        tpu.enqueue_dma source(%dma_start3A_197 : memref<625x8xf32, #tpu.memory_space<hbm>>) target(%dma_start3A_195 : memref<625x8xf32, #tpu.memory_space<vmem>>) target_semaphore(%arg10 : memref<!tpu.dma_semaphore, #tpu.memory_space<semaphore_mem>>)
      } else {
      }
      %dma_wait3A_130 = arith.constant 1 : i32
      %dma_wait3A_131 = arith.constant 0 : i32
      %dma_wait3A_132 = arith.constant 0 : i32
      %dma_wait3A_133 = tpu.memref_slice %arg8[%dma_wait3A_130, %dma_wait3A_131, %dma_wait3A_132] : memref<2x625x8xf32, #tpu.memory_space<vmem>> -> memref<1x625x8xf32, #tpu.memory_space<vmem>>
      %dma_wait3A_134 = tpu.memref_squeeze %dma_wait3A_133 : memref<1x625x8xf32, #tpu.memory_space<vmem>> -> memref<625x8xf32, #tpu.memory_space<vmem>>
      %dma_wait3A_135 = arith.constant 0 : i32
      %dma_wait3A_136 = arith.constant 0 : i32
      %dma_wait3A_137 = tpu.memref_slice %arg3[%dma_wait3A_135, %dma_wait3A_136] : memref<80000x128xf32, #tpu.memory_space<hbm>> -> memref<625x8xf32, #tpu.memory_space<hbm>>
      %dma_wait3A_138 = arith.constant 0 : i32
      %dma_wait3A_139 = arith.constant 0 : i32
      %dma_wait3A_140 = tpu.memref_slice %arg8[%dma_wait3A_130, %dma_wait3A_138, %dma_wait3A_139] : memref<2x625x8xf32, #tpu.memory_space<vmem>> -> memref<1x625x8xf32, #tpu.memory_space<vmem>>
      %dma_wait3A_141 = tpu.memref_squeeze %dma_wait3A_140 : memref<1x625x8xf32, #tpu.memory_space<vmem>> -> memref<625x8xf32, #tpu.memory_space<vmem>>
      %dma_wait3A_142 = arith.constant 0 : i32
      %dma_wait3A_143 = arith.constant 0 : i32
      %dma_wait3A_144 = tpu.memref_slice %arg3[%dma_wait3A_142, %dma_wait3A_143] : memref<80000x128xf32, #tpu.memory_space<hbm>> -> memref<625x8xf32, #tpu.memory_space<hbm>>
      tpu.wait_dma2 semaphore(%arg11 : memref<!tpu.dma_semaphore, #tpu.memory_space<semaphore_mem>>) src(%dma_wait3A_144 : memref<625x8xf32, #tpu.memory_space<hbm>>) dst(%dma_wait3A_141 : memref<625x8xf32, #tpu.memory_space<vmem>>)
      %mul3A_145 = arith.constant 5 : i32
      %mul3A_146 = arith.muli %add3A_61, %mul3A_145 : i32
      %add3A_147 = arith.constant 20 : i32
      %add3A_148 = arith.addi %add3A_147, %mul3A_146 : i32
      %add3A_149 = arith.constant 0 : i32
      %add3A_150 = arith.addi %add3A_148, %add3A_149 : i32
      %run_scoped3A_151 = arith.constant 1 : i32
      "tpu.region"() ({
        %run_scoped3A_180 = tpu.sem_alloc : memref<!tpu.dma_semaphore, #tpu.memory_space<semaphore_mem>>
        %dma_start3A_181 = arith.constant 0 : i32
        %dma_start3A_182 = arith.constant 0 : i32
        %dma_start3A_183 = tpu.memref_slice %arg8[%run_scoped3A_151, %dma_start3A_181, %dma_start3A_182] : memref<2x625x8xf32, #tpu.memory_space<vmem>> -> memref<1x625x8xf32, #tpu.memory_space<vmem>>
        %dma_start3A_184 = tpu.memref_squeeze %dma_start3A_183 : memref<1x625x8xf32, #tpu.memory_space<vmem>> -> memref<625x8xf32, #tpu.memory_space<vmem>>
        %dma_start3A_185 = arith.constant 0 : i32
        %dma_start3A_186 = arith.constant 0 : i32
        %dma_start3A_187 = tpu.memref_slice %dma_start3A_184[%dma_start3A_185, %dma_start3A_186] : memref<625x8xf32, #tpu.memory_space<vmem>> -> memref<125x8xf32, #tpu.memory_space<vmem>>
        %dma_start3A_188 = arith.constant 0 : i32
        %dma_start3A_189 = tpu.memref_slice %arg7[%add3A_150, %dma_start3A_188] : memref<40x125xi32, #tpu.memory_space<vmem>> -> memref<1x125xi32, #tpu.memory_space<vmem>>
        %dma_start3A_190 = tpu.memref_squeeze %dma_start3A_189 : memref<1x125xi32, #tpu.memory_space<vmem>> -> memref<125xi32, #tpu.memory_space<vmem>>
        %dma_start3A_191 = arith.constant 0 : i32
        %dma_start3A_192 = arith.constant 0 : i32
        %dma_start3A_193 = tpu.memref_slice %arg9[%dma_start3A_191, %dma_start3A_192] : memref<10000x8xf32, #tpu.memory_space<vmem_shared>> -> memref<10000x8xf32, #tpu.memory_space<vmem_shared>>
        tpu.enqueue_indirect_dma source(%dma_start3A_187 : memref<125x8xf32, #tpu.memory_space<vmem>>) target(%dma_start3A_193 : memref<10000x8xf32, #tpu.memory_space<vmem_shared>>) offsets(%dma_start3A_190 : memref<125xi32, #tpu.memory_space<vmem>>) semaphore(%run_scoped3A_180 : memref<!tpu.dma_semaphore, #tpu.memory_space<semaphore_mem>>) {add = true}
        %dma_wait3A_194 = arith.constant 0 : i32
        %dma_wait3A_195 = arith.constant 0 : i32
        %dma_wait3A_196 = tpu.memref_slice %arg8[%run_scoped3A_151, %dma_wait3A_194, %dma_wait3A_195] : memref<2x625x8xf32, #tpu.memory_space<vmem>> -> memref<1x625x8xf32, #tpu.memory_space<vmem>>
        %dma_wait3A_197 = tpu.memref_squeeze %dma_wait3A_196 : memref<1x625x8xf32, #tpu.memory_space<vmem>> -> memref<625x8xf32, #tpu.memory_space<vmem>>
        %dma_wait3A_198 = arith.constant 0 : i32
        %dma_wait3A_199 = arith.constant 0 : i32
        %dma_wait3A_200 = tpu.memref_slice %dma_wait3A_197[%dma_wait3A_198, %dma_wait3A_199] : memref<625x8xf32, #tpu.memory_space<vmem>> -> memref<125x8xf32, #tpu.memory_space<vmem>>
        %dma_wait3A_201 = arith.constant 0 : i32
        %dma_wait3A_202 = tpu.memref_slice %arg7[%add3A_150, %dma_wait3A_201] : memref<40x125xi32, #tpu.memory_space<vmem>> -> memref<1x125xi32, #tpu.memory_space<vmem>>
        %dma_wait3A_203 = tpu.memref_squeeze %dma_wait3A_202 : memref<1x125xi32, #tpu.memory_space<vmem>> -> memref<125xi32, #tpu.memory_space<vmem>>
        %dma_wait3A_204 = arith.constant 0 : i32
        %dma_wait3A_205 = arith.constant 0 : i32
        %dma_wait3A_206 = tpu.memref_slice %arg9[%dma_wait3A_204, %dma_wait3A_205] : memref<10000x8xf32, #tpu.memory_space<vmem_shared>> -> memref<10000x8xf32, #tpu.memory_space<vmem_shared>>
        tpu.wait_indirect_dma semaphore(%run_scoped3A_180 : memref<!tpu.dma_semaphore, #tpu.memory_space<semaphore_mem>>) src(%dma_wait3A_200 : memref<125x8xf32, #tpu.memory_space<vmem>>) dst(%dma_wait3A_206 : memref<10000x8xf32, #tpu.memory_space<vmem_shared>>)
        tpu.yield
      }) : () -> ()
      %mul3A_152 = arith.constant 5 : i32
      %mul3A_153 = arith.muli %add3A_61, %mul3A_152 : i32
      %add3A_154 = arith.constant 20 : i32
      %add3A_155 = arith.addi %add3A_154, %mul3A_153 : i32
      %add3A_156 = arith.constant 1 : i32
      %add3A_157 = arith.addi %add3A_155, %add3A_156 : i32
      %run_scoped3A_158 = arith.constant 1 : i32
      "tpu.region"() ({
        %run_scoped3A_180 = tpu.sem_alloc : memref<!tpu.dma_semaphore, #tpu.memory_space<semaphore_mem>>
        %dma_start3A_181 = arith.constant 0 : i32
        %dma_start3A_182 = arith.constant 0 : i32
        %dma_start3A_183 = tpu.memref_slice %arg8[%run_scoped3A_158, %dma_start3A_181, %dma_start3A_182] : memref<2x625x8xf32, #tpu.memory_space<vmem>> -> memref<1x625x8xf32, #tpu.memory_space<vmem>>
        %dma_start3A_184 = tpu.memref_squeeze %dma_start3A_183 : memref<1x625x8xf32, #tpu.memory_space<vmem>> -> memref<625x8xf32, #tpu.memory_space<vmem>>
        %dma_start3A_185 = arith.constant 125 : i32
        %dma_start3A_186 = arith.constant 0 : i32
        %dma_start3A_187 = tpu.memref_slice %dma_start3A_184[%dma_start3A_185, %dma_start3A_186] : memref<625x8xf32, #tpu.memory_space<vmem>> -> memref<125x8xf32, #tpu.memory_space<vmem>>
        %dma_start3A_188 = arith.constant 0 : i32
        %dma_start3A_189 = tpu.memref_slice %arg7[%add3A_157, %dma_start3A_188] : memref<40x125xi32, #tpu.memory_space<vmem>> -> memref<1x125xi32, #tpu.memory_space<vmem>>
        %dma_start3A_190 = tpu.memref_squeeze %dma_start3A_189 : memref<1x125xi32, #tpu.memory_space<vmem>> -> memref<125xi32, #tpu.memory_space<vmem>>
        %dma_start3A_191 = arith.constant 0 : i32
        %dma_start3A_192 = arith.constant 0 : i32
        %dma_start3A_193 = tpu.memref_slice %arg9[%dma_start3A_191, %dma_start3A_192] : memref<10000x8xf32, #tpu.memory_space<vmem_shared>> -> memref<10000x8xf32, #tpu.memory_space<vmem_shared>>
        tpu.enqueue_indirect_dma source(%dma_start3A_187 : memref<125x8xf32, #tpu.memory_space<vmem>>) target(%dma_start3A_193 : memref<10000x8xf32, #tpu.memory_space<vmem_shared>>) offsets(%dma_start3A_190 : memref<125xi32, #tpu.memory_space<vmem>>) semaphore(%run_scoped3A_180 : memref<!tpu.dma_semaphore, #tpu.memory_space<semaphore_mem>>) {add = true}
        %dma_wait3A_194 = arith.constant 0 : i32
        %dma_wait3A_195 = arith.constant 0 : i32
        %dma_wait3A_196 = tpu.memref_slice %arg8[%run_scoped3A_158, %dma_wait3A_194, %dma_wait3A_195] : memref<2x625x8xf32, #tpu.memory_space<vmem>> -> memref<1x625x8xf32, #tpu.memory_space<vmem>>
        %dma_wait3A_197 = tpu.memref_squeeze %dma_wait3A_196 : memref<1x625x8xf32, #tpu.memory_space<vmem>> -> memref<625x8xf32, #tpu.memory_space<vmem>>
        %dma_wait3A_198 = arith.constant 125 : i32
        %dma_wait3A_199 = arith.constant 0 : i32
        %dma_wait3A_200 = tpu.memref_slice %dma_wait3A_197[%dma_wait3A_198, %dma_wait3A_199] : memref<625x8xf32, #tpu.memory_space<vmem>> -> memref<125x8xf32, #tpu.memory_space<vmem>>
        %dma_wait3A_201 = arith.constant 0 : i32
        %dma_wait3A_202 = tpu.memref_slice %arg7[%add3A_157, %dma_wait3A_201] : memref<40x125xi32, #tpu.memory_space<vmem>> -> memref<1x125xi32, #tpu.memory_space<vmem>>
        %dma_wait3A_203 = tpu.memref_squeeze %dma_wait3A_202 : memref<1x125xi32, #tpu.memory_space<vmem>> -> memref<125xi32, #tpu.memory_space<vmem>>
        %dma_wait3A_204 = arith.constant 0 : i32
        %dma_wait3A_205 = arith.constant 0 : i32
        %dma_wait3A_206 = tpu.memref_slice %arg9[%dma_wait3A_204, %dma_wait3A_205] : memref<10000x8xf32, #tpu.memory_space<vmem_shared>> -> memref<10000x8xf32, #tpu.memory_space<vmem_shared>>
        tpu.wait_indirect_dma semaphore(%run_scoped3A_180 : memref<!tpu.dma_semaphore, #tpu.memory_space<semaphore_mem>>) src(%dma_wait3A_200 : memref<125x8xf32, #tpu.memory_space<vmem>>) dst(%dma_wait3A_206 : memref<10000x8xf32, #tpu.memory_space<vmem_shared>>)
        tpu.yield
      }) : () -> ()
      %mul3A_159 = arith.constant 5 : i32
      %mul3A_160 = arith.muli %add3A_61, %mul3A_159 : i32
      %add3A_161 = arith.constant 20 : i32
      %add3A_162 = arith.addi %add3A_161, %mul3A_160 : i32
      %add3A_163 = arith.constant 2 : i32
      %add3A_164 = arith.addi %add3A_162, %add3A_163 : i32
      %run_scoped3A_165 = arith.constant 1 : i32
      "tpu.region"() ({
        %run_scoped3A_180 = tpu.sem_alloc : memref<!tpu.dma_semaphore, #tpu.memory_space<semaphore_mem>>
        %dma_start3A_181 = arith.constant 0 : i32
        %dma_start3A_182 = arith.constant 0 : i32
        %dma_start3A_183 = tpu.memref_slice %arg8[%run_scoped3A_165, %dma_start3A_181, %dma_start3A_182] : memref<2x625x8xf32, #tpu.memory_space<vmem>> -> memref<1x625x8xf32, #tpu.memory_space<vmem>>
        %dma_start3A_184 = tpu.memref_squeeze %dma_start3A_183 : memref<1x625x8xf32, #tpu.memory_space<vmem>> -> memref<625x8xf32, #tpu.memory_space<vmem>>
        %dma_start3A_185 = arith.constant 250 : i32
        %dma_start3A_186 = arith.constant 0 : i32
        %dma_start3A_187 = tpu.memref_slice %dma_start3A_184[%dma_start3A_185, %dma_start3A_186] : memref<625x8xf32, #tpu.memory_space<vmem>> -> memref<125x8xf32, #tpu.memory_space<vmem>>
        %dma_start3A_188 = arith.constant 0 : i32
        %dma_start3A_189 = tpu.memref_slice %arg7[%add3A_164, %dma_start3A_188] : memref<40x125xi32, #tpu.memory_space<vmem>> -> memref<1x125xi32, #tpu.memory_space<vmem>>
        %dma_start3A_190 = tpu.memref_squeeze %dma_start3A_189 : memref<1x125xi32, #tpu.memory_space<vmem>> -> memref<125xi32, #tpu.memory_space<vmem>>
        %dma_start3A_191 = arith.constant 0 : i32
        %dma_start3A_192 = arith.constant 0 : i32
        %dma_start3A_193 = tpu.memref_slice %arg9[%dma_start3A_191, %dma_start3A_192] : memref<10000x8xf32, #tpu.memory_space<vmem_shared>> -> memref<10000x8xf32, #tpu.memory_space<vmem_shared>>
        tpu.enqueue_indirect_dma source(%dma_start3A_187 : memref<125x8xf32, #tpu.memory_space<vmem>>) target(%dma_start3A_193 : memref<10000x8xf32, #tpu.memory_space<vmem_shared>>) offsets(%dma_start3A_190 : memref<125xi32, #tpu.memory_space<vmem>>) semaphore(%run_scoped3A_180 : memref<!tpu.dma_semaphore, #tpu.memory_space<semaphore_mem>>) {add = true}
        %dma_wait3A_194 = arith.constant 0 : i32
        %dma_wait3A_195 = arith.constant 0 : i32
        %dma_wait3A_196 = tpu.memref_slice %arg8[%run_scoped3A_165, %dma_wait3A_194, %dma_wait3A_195] : memref<2x625x8xf32, #tpu.memory_space<vmem>> -> memref<1x625x8xf32, #tpu.memory_space<vmem>>
        %dma_wait3A_197 = tpu.memref_squeeze %dma_wait3A_196 : memref<1x625x8xf32, #tpu.memory_space<vmem>> -> memref<625x8xf32, #tpu.memory_space<vmem>>
        %dma_wait3A_198 = arith.constant 250 : i32
        %dma_wait3A_199 = arith.constant 0 : i32
        %dma_wait3A_200 = tpu.memref_slice %dma_wait3A_197[%dma_wait3A_198, %dma_wait3A_199] : memref<625x8xf32, #tpu.memory_space<vmem>> -> memref<125x8xf32, #tpu.memory_space<vmem>>
        %dma_wait3A_201 = arith.constant 0 : i32
        %dma_wait3A_202 = tpu.memref_slice %arg7[%add3A_164, %dma_wait3A_201] : memref<40x125xi32, #tpu.memory_space<vmem>> -> memref<1x125xi32, #tpu.memory_space<vmem>>
        %dma_wait3A_203 = tpu.memref_squeeze %dma_wait3A_202 : memref<1x125xi32, #tpu.memory_space<vmem>> -> memref<125xi32, #tpu.memory_space<vmem>>
        %dma_wait3A_204 = arith.constant 0 : i32
        %dma_wait3A_205 = arith.constant 0 : i32
        %dma_wait3A_206 = tpu.memref_slice %arg9[%dma_wait3A_204, %dma_wait3A_205] : memref<10000x8xf32, #tpu.memory_space<vmem_shared>> -> memref<10000x8xf32, #tpu.memory_space<vmem_shared>>
        tpu.wait_indirect_dma semaphore(%run_scoped3A_180 : memref<!tpu.dma_semaphore, #tpu.memory_space<semaphore_mem>>) src(%dma_wait3A_200 : memref<125x8xf32, #tpu.memory_space<vmem>>) dst(%dma_wait3A_206 : memref<10000x8xf32, #tpu.memory_space<vmem_shared>>)
        tpu.yield
      }) : () -> ()
      %mul3A_166 = arith.constant 5 : i32
      %mul3A_167 = arith.muli %add3A_61, %mul3A_166 : i32
      %add3A_168 = arith.constant 20 : i32
      %add3A_169 = arith.addi %add3A_168, %mul3A_167 : i32
      %add3A_170 = arith.constant 3 : i32
      %add3A_171 = arith.addi %add3A_169, %add3A_170 : i32
      %run_scoped3A_172 = arith.constant 1 : i32
      "tpu.region"() ({
        %run_scoped3A_180 = tpu.sem_alloc : memref<!tpu.dma_semaphore, #tpu.memory_space<semaphore_mem>>
        %dma_start3A_181 = arith.constant 0 : i32
        %dma_start3A_182 = arith.constant 0 : i32
        %dma_start3A_183 = tpu.memref_slice %arg8[%run_scoped3A_172, %dma_start3A_181, %dma_start3A_182] : memref<2x625x8xf32, #tpu.memory_space<vmem>> -> memref<1x625x8xf32, #tpu.memory_space<vmem>>
        %dma_start3A_184 = tpu.memref_squeeze %dma_start3A_183 : memref<1x625x8xf32, #tpu.memory_space<vmem>> -> memref<625x8xf32, #tpu.memory_space<vmem>>
        %dma_start3A_185 = arith.constant 375 : i32
        %dma_start3A_186 = arith.constant 0 : i32
        %dma_start3A_187 = tpu.memref_slice %dma_start3A_184[%dma_start3A_185, %dma_start3A_186] : memref<625x8xf32, #tpu.memory_space<vmem>> -> memref<125x8xf32, #tpu.memory_space<vmem>>
        %dma_start3A_188 = arith.constant 0 : i32
        %dma_start3A_189 = tpu.memref_slice %arg7[%add3A_171, %dma_start3A_188] : memref<40x125xi32, #tpu.memory_space<vmem>> -> memref<1x125xi32, #tpu.memory_space<vmem>>
        %dma_start3A_190 = tpu.memref_squeeze %dma_start3A_189 : memref<1x125xi32, #tpu.memory_space<vmem>> -> memref<125xi32, #tpu.memory_space<vmem>>
        %dma_start3A_191 = arith.constant 0 : i32
        %dma_start3A_192 = arith.constant 0 : i32
        %dma_start3A_193 = tpu.memref_slice %arg9[%dma_start3A_191, %dma_start3A_192] : memref<10000x8xf32, #tpu.memory_space<vmem_shared>> -> memref<10000x8xf32, #tpu.memory_space<vmem_shared>>
        tpu.enqueue_indirect_dma source(%dma_start3A_187 : memref<125x8xf32, #tpu.memory_space<vmem>>) target(%dma_start3A_193 : memref<10000x8xf32, #tpu.memory_space<vmem_shared>>) offsets(%dma_start3A_190 : memref<125xi32, #tpu.memory_space<vmem>>) semaphore(%run_scoped3A_180 : memref<!tpu.dma_semaphore, #tpu.memory_space<semaphore_mem>>) {add = true}
        %dma_wait3A_194 = arith.constant 0 : i32
        %dma_wait3A_195 = arith.constant 0 : i32
        %dma_wait3A_196 = tpu.memref_slice %arg8[%run_scoped3A_172, %dma_wait3A_194, %dma_wait3A_195] : memref<2x625x8xf32, #tpu.memory_space<vmem>> -> memref<1x625x8xf32, #tpu.memory_space<vmem>>
        %dma_wait3A_197 = tpu.memref_squeeze %dma_wait3A_196 : memref<1x625x8xf32, #tpu.memory_space<vmem>> -> memref<625x8xf32, #tpu.memory_space<vmem>>
        %dma_wait3A_198 = arith.constant 375 : i32
        %dma_wait3A_199 = arith.constant 0 : i32
        %dma_wait3A_200 = tpu.memref_slice %dma_wait3A_197[%dma_wait3A_198, %dma_wait3A_199] : memref<625x8xf32, #tpu.memory_space<vmem>> -> memref<125x8xf32, #tpu.memory_space<vmem>>
        %dma_wait3A_201 = arith.constant 0 : i32
        %dma_wait3A_202 = tpu.memref_slice %arg7[%add3A_171, %dma_wait3A_201] : memref<40x125xi32, #tpu.memory_space<vmem>> -> memref<1x125xi32, #tpu.memory_space<vmem>>
        %dma_wait3A_203 = tpu.memref_squeeze %dma_wait3A_202 : memref<1x125xi32, #tpu.memory_space<vmem>> -> memref<125xi32, #tpu.memory_space<vmem>>
        %dma_wait3A_204 = arith.constant 0 : i32
        %dma_wait3A_205 = arith.constant 0 : i32
        %dma_wait3A_206 = tpu.memref_slice %arg9[%dma_wait3A_204, %dma_wait3A_205] : memref<10000x8xf32, #tpu.memory_space<vmem_shared>> -> memref<10000x8xf32, #tpu.memory_space<vmem_shared>>
        tpu.wait_indirect_dma semaphore(%run_scoped3A_180 : memref<!tpu.dma_semaphore, #tpu.memory_space<semaphore_mem>>) src(%dma_wait3A_200 : memref<125x8xf32, #tpu.memory_space<vmem>>) dst(%dma_wait3A_206 : memref<10000x8xf32, #tpu.memory_space<vmem_shared>>)
        tpu.yield
      }) : () -> ()
      %mul3A_173 = arith.constant 5 : i32
      %mul3A_174 = arith.muli %add3A_61, %mul3A_173 : i32
      %add3A_175 = arith.constant 20 : i32
      %add3A_176 = arith.addi %add3A_175, %mul3A_174 : i32
      %add3A_177 = arith.constant 4 : i32
      %add3A_178 = arith.addi %add3A_176, %add3A_177 : i32
      %run_scoped3A_179 = arith.constant 1 : i32
      "tpu.region"() ({
        %run_scoped3A_180 = tpu.sem_alloc : memref<!tpu.dma_semaphore, #tpu.memory_space<semaphore_mem>>
        %dma_start3A_181 = arith.constant 0 : i32
        %dma_start3A_182 = arith.constant 0 : i32
        %dma_start3A_183 = tpu.memref_slice %arg8[%run_scoped3A_179, %dma_start3A_181, %dma_start3A_182] : memref<2x625x8xf32, #tpu.memory_space<vmem>> -> memref<1x625x8xf32, #tpu.memory_space<vmem>>
        %dma_start3A_184 = tpu.memref_squeeze %dma_start3A_183 : memref<1x625x8xf32, #tpu.memory_space<vmem>> -> memref<625x8xf32, #tpu.memory_space<vmem>>
        %dma_start3A_185 = arith.constant 500 : i32
        %dma_start3A_186 = arith.constant 0 : i32
        %dma_start3A_187 = tpu.memref_slice %dma_start3A_184[%dma_start3A_185, %dma_start3A_186] : memref<625x8xf32, #tpu.memory_space<vmem>> -> memref<125x8xf32, #tpu.memory_space<vmem>>
        %dma_start3A_188 = arith.constant 0 : i32
        %dma_start3A_189 = tpu.memref_slice %arg7[%add3A_178, %dma_start3A_188] : memref<40x125xi32, #tpu.memory_space<vmem>> -> memref<1x125xi32, #tpu.memory_space<vmem>>
        %dma_start3A_190 = tpu.memref_squeeze %dma_start3A_189 : memref<1x125xi32, #tpu.memory_space<vmem>> -> memref<125xi32, #tpu.memory_space<vmem>>
        %dma_start3A_191 = arith.constant 0 : i32
        %dma_start3A_192 = arith.constant 0 : i32
        %dma_start3A_193 = tpu.memref_slice %arg9[%dma_start3A_191, %dma_start3A_192] : memref<10000x8xf32, #tpu.memory_space<vmem_shared>> -> memref<10000x8xf32, #tpu.memory_space<vmem_shared>>
        tpu.enqueue_indirect_dma source(%dma_start3A_187 : memref<125x8xf32, #tpu.memory_space<vmem>>) target(%dma_start3A_193 : memref<10000x8xf32, #tpu.memory_space<vmem_shared>>) offsets(%dma_start3A_190 : memref<125xi32, #tpu.memory_space<vmem>>) semaphore(%run_scoped3A_180 : memref<!tpu.dma_semaphore, #tpu.memory_space<semaphore_mem>>) {add = true}
        %dma_wait3A_194 = arith.constant 0 : i32
        %dma_wait3A_195 = arith.constant 0 : i32
        %dma_wait3A_196 = tpu.memref_slice %arg8[%run_scoped3A_179, %dma_wait3A_194, %dma_wait3A_195] : memref<2x625x8xf32, #tpu.memory_space<vmem>> -> memref<1x625x8xf32, #tpu.memory_space<vmem>>
        %dma_wait3A_197 = tpu.memref_squeeze %dma_wait3A_196 : memref<1x625x8xf32, #tpu.memory_space<vmem>> -> memref<625x8xf32, #tpu.memory_space<vmem>>
        %dma_wait3A_198 = arith.constant 500 : i32
        %dma_wait3A_199 = arith.constant 0 : i32
        %dma_wait3A_200 = tpu.memref_slice %dma_wait3A_197[%dma_wait3A_198, %dma_wait3A_199] : memref<625x8xf32, #tpu.memory_space<vmem>> -> memref<125x8xf32, #tpu.memory_space<vmem>>
        %dma_wait3A_201 = arith.constant 0 : i32
        %dma_wait3A_202 = tpu.memref_slice %arg7[%add3A_178, %dma_wait3A_201] : memref<40x125xi32, #tpu.memory_space<vmem>> -> memref<1x125xi32, #tpu.memory_space<vmem>>
        %dma_wait3A_203 = tpu.memref_squeeze %dma_wait3A_202 : memref<1x125xi32, #tpu.memory_space<vmem>> -> memref<125xi32, #tpu.memory_space<vmem>>
        %dma_wait3A_204 = arith.constant 0 : i32
        %dma_wait3A_205 = arith.constant 0 : i32
        %dma_wait3A_206 = tpu.memref_slice %arg9[%dma_wait3A_204, %dma_wait3A_205] : memref<10000x8xf32, #tpu.memory_space<vmem_shared>> -> memref<10000x8xf32, #tpu.memory_space<vmem_shared>>
        tpu.wait_indirect_dma semaphore(%run_scoped3A_180 : memref<!tpu.dma_semaphore, #tpu.memory_space<semaphore_mem>>) src(%dma_wait3A_200 : memref<125x8xf32, #tpu.memory_space<vmem>>) dst(%dma_wait3A_206 : memref<10000x8xf32, #tpu.memory_space<vmem_shared>>)
        tpu.yield
      }) : () -> ()
    }
    %scan3A_50 = arith.constant 2 : i32
    %barrier3A_51 = arith.constant 0 : index
    tpu.barrier barrier_id(%barrier3A_51)
    %eq3A_52 = arith.constant 0 : i32
    %eq3A_53 = arith.cmpi eq, %arg1, %eq3A_52 : i32
    %convert_element_type3A_54 = arith.extui %eq3A_53 : i1 to i32
    %cond3A_55 = arith.constant 0 : i32
    %cond3A_56 = arith.cmpi ne, %convert_element_type3A_54, %cond3A_55 : i32
    scf.if %cond3A_56 {
      "tpu.region"() ({
        %run_scoped3A = tpu.sem_alloc : memref<!tpu.dma_semaphore, #tpu.memory_space<semaphore_mem>>
        %dma_start3A_57 = arith.constant 0 : i32
        %dma_start3A_58 = arith.constant 0 : i32
        %dma_start3A_59 = tpu.memref_slice %arg6[%arg0, %dma_start3A_57, %dma_start3A_58] : memref<2x10000x8xf32, #tpu.memory_space<hbm>> -> memref<1x10000x8xf32, #tpu.memory_space<hbm>>
        %dma_start3A_60 = tpu.memref_squeeze %dma_start3A_59 : memref<1x10000x8xf32, #tpu.memory_space<hbm>> -> memref<10000x8xf32, #tpu.memory_space<hbm>>
        tpu.enqueue_dma source(%arg9 : memref<10000x8xf32, #tpu.memory_space<vmem_shared>>) target(%dma_start3A_60 : memref<10000x8xf32, #tpu.memory_space<hbm>>) target_semaphore(%run_scoped3A : memref<!tpu.dma_semaphore, #tpu.memory_space<semaphore_mem>>)
        %dma_wait3A = arith.constant 0 : i32
        %dma_wait3A_61 = arith.constant 0 : i32
        %dma_wait3A_62 = tpu.memref_slice %arg6[%arg0, %dma_wait3A, %dma_wait3A_61] : memref<2x10000x8xf32, #tpu.memory_space<hbm>> -> memref<1x10000x8xf32, #tpu.memory_space<hbm>>
        %dma_wait3A_63 = tpu.memref_squeeze %dma_wait3A_62 : memref<1x10000x8xf32, #tpu.memory_space<hbm>> -> memref<10000x8xf32, #tpu.memory_space<hbm>>
        tpu.wait_dma2 semaphore(%run_scoped3A : memref<!tpu.dma_semaphore, #tpu.memory_space<semaphore_mem>>) src(%arg9 : memref<10000x8xf32, #tpu.memory_space<vmem_shared>>) dst(%dma_wait3A_63 : memref<10000x8xf32, #tpu.memory_space<hbm>>)
        tpu.yield
      }) : () -> ()
    } else {
    }
    return
  }
}

#map = affine_map<(d0, d1) -> (0, 0)>
module attributes {stable_mosaic.version = 14 : i64} {
  func.func @gather_half1(%arg0: i32, %arg1: i32, %arg2: memref<10000x32xf32, #tpu.memory_space<hbm>>, %arg3: memref<10000x16xf32, #tpu.memory_space<hbm>>, %arg4: memref<1280x125xi32, #tpu.memory_space<hbm>>, %arg5: memref<1280x125xi32, #tpu.memory_space<hbm>>, %arg6: memref<80000x128xf32, #tpu.memory_space<hbm>>, %arg7: memref<20x125xi32, #tpu.memory_space<vmem>>, %arg8: memref<20x125xi32, #tpu.memory_space<vmem>>, %arg9: memref<2x625x32xf32, #tpu.memory_space<vmem>>, %arg10: memref<2x625x16xf32, #tpu.memory_space<vmem>>, %arg11: memref<!tpu.dma_semaphore, #tpu.memory_space<semaphore_mem>>, %arg12: memref<!tpu.dma_semaphore, #tpu.memory_space<semaphore_mem>>, %arg13: memref<!tpu.dma_semaphore, #tpu.memory_space<semaphore_mem>>, %arg14: memref<!tpu.dma_semaphore, #tpu.memory_space<semaphore_mem>>) attributes {dimension_semantics = [#tpu.dimension_semantics<core_parallel>, #tpu.dimension_semantics<subcore_parallel>], iteration_bounds = array<i64: 2, 16>, scalar_prefetch = 0 : i64, scratch_operands = 8 : i64, tpu.core_type = #tpu.core_type<sc_vector_subcore>, window_params = [{transform_indices = #map}, {transform_indices = #map}, {transform_indices = #map}, {transform_indices = #map}, {transform_indices = #map}]} {
    %mul3A = arith.constant 2 : i32
    %mul3A_0 = arith.muli %arg1, %mul3A : i32
    %add3A = arith.addi %mul3A_0, %arg0 : i32
    %mul3A_1 = arith.constant 20 : i32
    %mul3A_2 = arith.muli %add3A, %mul3A_1 : i32
    %add3A_3 = arith.constant 640 : i32
    %add3A_4 = arith.addi %add3A_3, %mul3A_2 : i32
    %mul3A_5 = arith.constant 2500 : i32
    %mul3A_6 = arith.muli %add3A, %mul3A_5 : i32
    "tpu.region"() ({
      %run_scoped3A = tpu.sem_alloc : memref<!tpu.dma_semaphore, #tpu.memory_space<semaphore_mem>>
      %dma_start3A_190 = arith.constant 0 : i32
      %dma_start3A_191 = tpu.memref_slice %arg4[%add3A_4, %dma_start3A_190] : memref<1280x125xi32, #tpu.memory_space<hbm>> -> memref<20x125xi32, #tpu.memory_space<hbm>>
      %dma_start3A_192 = arith.constant 0 : i32
      %dma_start3A_193 = tpu.memref_slice %arg4[%add3A_4, %dma_start3A_192] : memref<1280x125xi32, #tpu.memory_space<hbm>> -> memref<20x125xi32, #tpu.memory_space<hbm>>
      tpu.enqueue_dma source(%dma_start3A_193 : memref<20x125xi32, #tpu.memory_space<hbm>>) target(%arg7 : memref<20x125xi32, #tpu.memory_space<vmem>>) target_semaphore(%run_scoped3A : memref<!tpu.dma_semaphore, #tpu.memory_space<semaphore_mem>>)
      %dma_wait3A_194 = arith.constant 0 : i32
      %dma_wait3A_195 = tpu.memref_slice %arg4[%add3A_4, %dma_wait3A_194] : memref<1280x125xi32, #tpu.memory_space<hbm>> -> memref<20x125xi32, #tpu.memory_space<hbm>>
      %dma_wait3A_196 = arith.constant 0 : i32
      %dma_wait3A_197 = tpu.memref_slice %arg4[%add3A_4, %dma_wait3A_196] : memref<1280x125xi32, #tpu.memory_space<hbm>> -> memref<20x125xi32, #tpu.memory_space<hbm>>
      tpu.wait_dma2 semaphore(%run_scoped3A : memref<!tpu.dma_semaphore, #tpu.memory_space<semaphore_mem>>) src(%dma_wait3A_197 : memref<20x125xi32, #tpu.memory_space<hbm>>) dst(%arg7 : memref<20x125xi32, #tpu.memory_space<vmem>>)
      tpu.yield
    }) : () -> ()
    "tpu.region"() ({
      %run_scoped3A = tpu.sem_alloc : memref<!tpu.dma_semaphore, #tpu.memory_space<semaphore_mem>>
      %dma_start3A_190 = arith.constant 0 : i32
      %dma_start3A_191 = tpu.memref_slice %arg5[%add3A_4, %dma_start3A_190] : memref<1280x125xi32, #tpu.memory_space<hbm>> -> memref<20x125xi32, #tpu.memory_space<hbm>>
      %dma_start3A_192 = arith.constant 0 : i32
      %dma_start3A_193 = tpu.memref_slice %arg5[%add3A_4, %dma_start3A_192] : memref<1280x125xi32, #tpu.memory_space<hbm>> -> memref<20x125xi32, #tpu.memory_space<hbm>>
      tpu.enqueue_dma source(%dma_start3A_193 : memref<20x125xi32, #tpu.memory_space<hbm>>) target(%arg8 : memref<20x125xi32, #tpu.memory_space<vmem>>) target_semaphore(%run_scoped3A : memref<!tpu.dma_semaphore, #tpu.memory_space<semaphore_mem>>)
      %dma_wait3A_194 = arith.constant 0 : i32
      %dma_wait3A_195 = tpu.memref_slice %arg5[%add3A_4, %dma_wait3A_194] : memref<1280x125xi32, #tpu.memory_space<hbm>> -> memref<20x125xi32, #tpu.memory_space<hbm>>
      %dma_wait3A_196 = arith.constant 0 : i32
      %dma_wait3A_197 = tpu.memref_slice %arg5[%add3A_4, %dma_wait3A_196] : memref<1280x125xi32, #tpu.memory_space<hbm>> -> memref<20x125xi32, #tpu.memory_space<hbm>>
      tpu.wait_dma2 semaphore(%run_scoped3A : memref<!tpu.dma_semaphore, #tpu.memory_space<semaphore_mem>>) src(%dma_wait3A_197 : memref<20x125xi32, #tpu.memory_space<hbm>>) dst(%arg8 : memref<20x125xi32, #tpu.memory_space<vmem>>)
      tpu.yield
    }) : () -> ()
    %dma_start3A = arith.constant 0 : i32
    %dma_start3A_7 = arith.constant 0 : i32
    %dma_start3A_8 = arith.constant 0 : i32
    %dma_start3A_9 = arith.constant 0 : i32
    %dma_start3A_10 = tpu.memref_slice %arg9[%dma_start3A_7, %dma_start3A_8, %dma_start3A_9] : memref<2x625x32xf32, #tpu.memory_space<vmem>> -> memref<1x625x32xf32, #tpu.memory_space<vmem>>
    %dma_start3A_11 = tpu.memref_squeeze %dma_start3A_10 : memref<1x625x32xf32, #tpu.memory_space<vmem>> -> memref<625x32xf32, #tpu.memory_space<vmem>>
    %dma_start3A_12 = arith.constant 0 : i32
    %dma_start3A_13 = arith.constant 0 : i32
    %dma_start3A_14 = tpu.memref_slice %dma_start3A_11[%dma_start3A_12, %dma_start3A_13] : memref<625x32xf32, #tpu.memory_space<vmem>> -> memref<125x32xf32, #tpu.memory_space<vmem>>
    %dma_start3A_15 = arith.constant 0 : i32
    %dma_start3A_16 = tpu.memref_slice %arg7[%dma_start3A, %dma_start3A_15] : memref<20x125xi32, #tpu.memory_space<vmem>> -> memref<1x125xi32, #tpu.memory_space<vmem>>
    %dma_start3A_17 = tpu.memref_squeeze %dma_start3A_16 : memref<1x125xi32, #tpu.memory_space<vmem>> -> memref<125xi32, #tpu.memory_space<vmem>>
    %dma_start3A_18 = arith.constant 0 : i32
    %dma_start3A_19 = arith.constant 0 : i32
    %dma_start3A_20 = tpu.memref_slice %arg2[%dma_start3A_18, %dma_start3A_19] : memref<10000x32xf32, #tpu.memory_space<hbm>> -> memref<10000x32xf32, #tpu.memory_space<hbm>>
    tpu.enqueue_indirect_dma source(%dma_start3A_20 : memref<10000x32xf32, #tpu.memory_space<hbm>>) target(%dma_start3A_14 : memref<125x32xf32, #tpu.memory_space<vmem>>) offsets(%dma_start3A_17 : memref<125xi32, #tpu.memory_space<vmem>>) semaphore(%arg11 : memref<!tpu.dma_semaphore, #tpu.memory_space<semaphore_mem>>)
    %dma_start3A_21 = arith.constant 0 : i32
    %dma_start3A_22 = arith.constant 0 : i32
    %dma_start3A_23 = arith.constant 0 : i32
    %dma_start3A_24 = arith.constant 0 : i32
    %dma_start3A_25 = tpu.memref_slice %arg10[%dma_start3A_22, %dma_start3A_23, %dma_start3A_24] : memref<2x625x16xf32, #tpu.memory_space<vmem>> -> memref<1x625x16xf32, #tpu.memory_space<vmem>>
    %dma_start3A_26 = tpu.memref_squeeze %dma_start3A_25 : memref<1x625x16xf32, #tpu.memory_space<vmem>> -> memref<625x16xf32, #tpu.memory_space<vmem>>
    %dma_start3A_27 = arith.constant 0 : i32
    %dma_start3A_28 = arith.constant 0 : i32
    %dma_start3A_29 = tpu.memref_slice %dma_start3A_26[%dma_start3A_27, %dma_start3A_28] : memref<625x16xf32, #tpu.memory_space<vmem>> -> memref<125x16xf32, #tpu.memory_space<vmem>>
    %dma_start3A_30 = arith.constant 0 : i32
    %dma_start3A_31 = tpu.memref_slice %arg8[%dma_start3A_21, %dma_start3A_30] : memref<20x125xi32, #tpu.memory_space<vmem>> -> memref<1x125xi32, #tpu.memory_space<vmem>>
    %dma_start3A_32 = tpu.memref_squeeze %dma_start3A_31 : memref<1x125xi32, #tpu.memory_space<vmem>> -> memref<125xi32, #tpu.memory_space<vmem>>
    %dma_start3A_33 = arith.constant 0 : i32
    %dma_start3A_34 = arith.constant 0 : i32
    %dma_start3A_35 = tpu.memref_slice %arg3[%dma_start3A_33, %dma_start3A_34] : memref<10000x16xf32, #tpu.memory_space<hbm>> -> memref<10000x16xf32, #tpu.memory_space<hbm>>
    tpu.enqueue_indirect_dma source(%dma_start3A_35 : memref<10000x16xf32, #tpu.memory_space<hbm>>) target(%dma_start3A_29 : memref<125x16xf32, #tpu.memory_space<vmem>>) offsets(%dma_start3A_32 : memref<125xi32, #tpu.memory_space<vmem>>) semaphore(%arg11 : memref<!tpu.dma_semaphore, #tpu.memory_space<semaphore_mem>>)
    %dma_start3A_36 = arith.constant 1 : i32
    %dma_start3A_37 = arith.constant 0 : i32
    %dma_start3A_38 = arith.constant 0 : i32
    %dma_start3A_39 = arith.constant 0 : i32
    %dma_start3A_40 = tpu.memref_slice %arg9[%dma_start3A_37, %dma_start3A_38, %dma_start3A_39] : memref<2x625x32xf32, #tpu.memory_space<vmem>> -> memref<1x625x32xf32, #tpu.memory_space<vmem>>
    %dma_start3A_41 = tpu.memref_squeeze %dma_start3A_40 : memref<1x625x32xf32, #tpu.memory_space<vmem>> -> memref<625x32xf32, #tpu.memory_space<vmem>>
    %dma_start3A_42 = arith.constant 125 : i32
    %dma_start3A_43 = arith.constant 0 : i32
    %dma_start3A_44 = tpu.memref_slice %dma_start3A_41[%dma_start3A_42, %dma_start3A_43] : memref<625x32xf32, #tpu.memory_space<vmem>> -> memref<125x32xf32, #tpu.memory_space<vmem>>
    %dma_start3A_45 = arith.constant 0 : i32
    %dma_start3A_46 = tpu.memref_slice %arg7[%dma_start3A_36, %dma_start3A_45] : memref<20x125xi32, #tpu.memory_space<vmem>> -> memref<1x125xi32, #tpu.memory_space<vmem>>
    %dma_start3A_47 = tpu.memref_squeeze %dma_start3A_46 : memref<1x125xi32, #tpu.memory_space<vmem>> -> memref<125xi32, #tpu.memory_space<vmem>>
    %dma_start3A_48 = arith.constant 0 : i32
    %dma_start3A_49 = arith.constant 0 : i32
    %dma_start3A_50 = tpu.memref_slice %arg2[%dma_start3A_48, %dma_start3A_49] : memref<10000x32xf32, #tpu.memory_space<hbm>> -> memref<10000x32xf32, #tpu.memory_space<hbm>>
    tpu.enqueue_indirect_dma source(%dma_start3A_50 : memref<10000x32xf32, #tpu.memory_space<hbm>>) target(%dma_start3A_44 : memref<125x32xf32, #tpu.memory_space<vmem>>) offsets(%dma_start3A_47 : memref<125xi32, #tpu.memory_space<vmem>>) semaphore(%arg11 : memref<!tpu.dma_semaphore, #tpu.memory_space<semaphore_mem>>)
    %dma_start3A_51 = arith.constant 1 : i32
    %dma_start3A_52 = arith.constant 0 : i32
    %dma_start3A_53 = arith.constant 0 : i32
    %dma_start3A_54 = arith.constant 0 : i32
    %dma_start3A_55 = tpu.memref_slice %arg10[%dma_start3A_52, %dma_start3A_53, %dma_start3A_54] : memref<2x625x16xf32, #tpu.memory_space<vmem>> -> memref<1x625x16xf32, #tpu.memory_space<vmem>>
    %dma_start3A_56 = tpu.memref_squeeze %dma_start3A_55 : memref<1x625x16xf32, #tpu.memory_space<vmem>> -> memref<625x16xf32, #tpu.memory_space<vmem>>
    %dma_start3A_57 = arith.constant 125 : i32
    %dma_start3A_58 = arith.constant 0 : i32
    %dma_start3A_59 = tpu.memref_slice %dma_start3A_56[%dma_start3A_57, %dma_start3A_58] : memref<625x16xf32, #tpu.memory_space<vmem>> -> memref<125x16xf32, #tpu.memory_space<vmem>>
    %dma_start3A_60 = arith.constant 0 : i32
    %dma_start3A_61 = tpu.memref_slice %arg8[%dma_start3A_51, %dma_start3A_60] : memref<20x125xi32, #tpu.memory_space<vmem>> -> memref<1x125xi32, #tpu.memory_space<vmem>>
    %dma_start3A_62 = tpu.memref_squeeze %dma_start3A_61 : memref<1x125xi32, #tpu.memory_space<vmem>> -> memref<125xi32, #tpu.memory_space<vmem>>
    %dma_start3A_63 = arith.constant 0 : i32
    %dma_start3A_64 = arith.constant 0 : i32
    %dma_start3A_65 = tpu.memref_slice %arg3[%dma_start3A_63, %dma_start3A_64] : memref<10000x16xf32, #tpu.memory_space<hbm>> -> memref<10000x16xf32, #tpu.memory_space<hbm>>
    tpu.enqueue_indirect_dma source(%dma_start3A_65 : memref<10000x16xf32, #tpu.memory_space<hbm>>) target(%dma_start3A_59 : memref<125x16xf32, #tpu.memory_space<vmem>>) offsets(%dma_start3A_62 : memref<125xi32, #tpu.memory_space<vmem>>) semaphore(%arg11 : memref<!tpu.dma_semaphore, #tpu.memory_space<semaphore_mem>>)
    %dma_start3A_66 = arith.constant 2 : i32
    %dma_start3A_67 = arith.constant 0 : i32
    %dma_start3A_68 = arith.constant 0 : i32
    %dma_start3A_69 = arith.constant 0 : i32
    %dma_start3A_70 = tpu.memref_slice %arg9[%dma_start3A_67, %dma_start3A_68, %dma_start3A_69] : memref<2x625x32xf32, #tpu.memory_space<vmem>> -> memref<1x625x32xf32, #tpu.memory_space<vmem>>
    %dma_start3A_71 = tpu.memref_squeeze %dma_start3A_70 : memref<1x625x32xf32, #tpu.memory_space<vmem>> -> memref<625x32xf32, #tpu.memory_space<vmem>>
    %dma_start3A_72 = arith.constant 250 : i32
    %dma_start3A_73 = arith.constant 0 : i32
    %dma_start3A_74 = tpu.memref_slice %dma_start3A_71[%dma_start3A_72, %dma_start3A_73] : memref<625x32xf32, #tpu.memory_space<vmem>> -> memref<125x32xf32, #tpu.memory_space<vmem>>
    %dma_start3A_75 = arith.constant 0 : i32
    %dma_start3A_76 = tpu.memref_slice %arg7[%dma_start3A_66, %dma_start3A_75] : memref<20x125xi32, #tpu.memory_space<vmem>> -> memref<1x125xi32, #tpu.memory_space<vmem>>
    %dma_start3A_77 = tpu.memref_squeeze %dma_start3A_76 : memref<1x125xi32, #tpu.memory_space<vmem>> -> memref<125xi32, #tpu.memory_space<vmem>>
    %dma_start3A_78 = arith.constant 0 : i32
    %dma_start3A_79 = arith.constant 0 : i32
    %dma_start3A_80 = tpu.memref_slice %arg2[%dma_start3A_78, %dma_start3A_79] : memref<10000x32xf32, #tpu.memory_space<hbm>> -> memref<10000x32xf32, #tpu.memory_space<hbm>>
    tpu.enqueue_indirect_dma source(%dma_start3A_80 : memref<10000x32xf32, #tpu.memory_space<hbm>>) target(%dma_start3A_74 : memref<125x32xf32, #tpu.memory_space<vmem>>) offsets(%dma_start3A_77 : memref<125xi32, #tpu.memory_space<vmem>>) semaphore(%arg11 : memref<!tpu.dma_semaphore, #tpu.memory_space<semaphore_mem>>)
    %dma_start3A_81 = arith.constant 2 : i32
    %dma_start3A_82 = arith.constant 0 : i32
    %dma_start3A_83 = arith.constant 0 : i32
    %dma_start3A_84 = arith.constant 0 : i32
    %dma_start3A_85 = tpu.memref_slice %arg10[%dma_start3A_82, %dma_start3A_83, %dma_start3A_84] : memref<2x625x16xf32, #tpu.memory_space<vmem>> -> memref<1x625x16xf32, #tpu.memory_space<vmem>>
    %dma_start3A_86 = tpu.memref_squeeze %dma_start3A_85 : memref<1x625x16xf32, #tpu.memory_space<vmem>> -> memref<625x16xf32, #tpu.memory_space<vmem>>
    %dma_start3A_87 = arith.constant 250 : i32
    %dma_start3A_88 = arith.constant 0 : i32
    %dma_start3A_89 = tpu.memref_slice %dma_start3A_86[%dma_start3A_87, %dma_start3A_88] : memref<625x16xf32, #tpu.memory_space<vmem>> -> memref<125x16xf32, #tpu.memory_space<vmem>>
    %dma_start3A_90 = arith.constant 0 : i32
    %dma_start3A_91 = tpu.memref_slice %arg8[%dma_start3A_81, %dma_start3A_90] : memref<20x125xi32, #tpu.memory_space<vmem>> -> memref<1x125xi32, #tpu.memory_space<vmem>>
    %dma_start3A_92 = tpu.memref_squeeze %dma_start3A_91 : memref<1x125xi32, #tpu.memory_space<vmem>> -> memref<125xi32, #tpu.memory_space<vmem>>
    %dma_start3A_93 = arith.constant 0 : i32
    %dma_start3A_94 = arith.constant 0 : i32
    %dma_start3A_95 = tpu.memref_slice %arg3[%dma_start3A_93, %dma_start3A_94] : memref<10000x16xf32, #tpu.memory_space<hbm>> -> memref<10000x16xf32, #tpu.memory_space<hbm>>
    tpu.enqueue_indirect_dma source(%dma_start3A_95 : memref<10000x16xf32, #tpu.memory_space<hbm>>) target(%dma_start3A_89 : memref<125x16xf32, #tpu.memory_space<vmem>>) offsets(%dma_start3A_92 : memref<125xi32, #tpu.memory_space<vmem>>) semaphore(%arg11 : memref<!tpu.dma_semaphore, #tpu.memory_space<semaphore_mem>>)
    %dma_start3A_96 = arith.constant 3 : i32
    %dma_start3A_97 = arith.constant 0 : i32
    %dma_start3A_98 = arith.constant 0 : i32
    %dma_start3A_99 = arith.constant 0 : i32
    %dma_start3A_100 = tpu.memref_slice %arg9[%dma_start3A_97, %dma_start3A_98, %dma_start3A_99] : memref<2x625x32xf32, #tpu.memory_space<vmem>> -> memref<1x625x32xf32, #tpu.memory_space<vmem>>
    %dma_start3A_101 = tpu.memref_squeeze %dma_start3A_100 : memref<1x625x32xf32, #tpu.memory_space<vmem>> -> memref<625x32xf32, #tpu.memory_space<vmem>>
    %dma_start3A_102 = arith.constant 375 : i32
    %dma_start3A_103 = arith.constant 0 : i32
    %dma_start3A_104 = tpu.memref_slice %dma_start3A_101[%dma_start3A_102, %dma_start3A_103] : memref<625x32xf32, #tpu.memory_space<vmem>> -> memref<125x32xf32, #tpu.memory_space<vmem>>
    %dma_start3A_105 = arith.constant 0 : i32
    %dma_start3A_106 = tpu.memref_slice %arg7[%dma_start3A_96, %dma_start3A_105] : memref<20x125xi32, #tpu.memory_space<vmem>> -> memref<1x125xi32, #tpu.memory_space<vmem>>
    %dma_start3A_107 = tpu.memref_squeeze %dma_start3A_106 : memref<1x125xi32, #tpu.memory_space<vmem>> -> memref<125xi32, #tpu.memory_space<vmem>>
    %dma_start3A_108 = arith.constant 0 : i32
    %dma_start3A_109 = arith.constant 0 : i32
    %dma_start3A_110 = tpu.memref_slice %arg2[%dma_start3A_108, %dma_start3A_109] : memref<10000x32xf32, #tpu.memory_space<hbm>> -> memref<10000x32xf32, #tpu.memory_space<hbm>>
    tpu.enqueue_indirect_dma source(%dma_start3A_110 : memref<10000x32xf32, #tpu.memory_space<hbm>>) target(%dma_start3A_104 : memref<125x32xf32, #tpu.memory_space<vmem>>) offsets(%dma_start3A_107 : memref<125xi32, #tpu.memory_space<vmem>>) semaphore(%arg11 : memref<!tpu.dma_semaphore, #tpu.memory_space<semaphore_mem>>)
    %dma_start3A_111 = arith.constant 3 : i32
    %dma_start3A_112 = arith.constant 0 : i32
    %dma_start3A_113 = arith.constant 0 : i32
    %dma_start3A_114 = arith.constant 0 : i32
    %dma_start3A_115 = tpu.memref_slice %arg10[%dma_start3A_112, %dma_start3A_113, %dma_start3A_114] : memref<2x625x16xf32, #tpu.memory_space<vmem>> -> memref<1x625x16xf32, #tpu.memory_space<vmem>>
    %dma_start3A_116 = tpu.memref_squeeze %dma_start3A_115 : memref<1x625x16xf32, #tpu.memory_space<vmem>> -> memref<625x16xf32, #tpu.memory_space<vmem>>
    %dma_start3A_117 = arith.constant 375 : i32
    %dma_start3A_118 = arith.constant 0 : i32
    %dma_start3A_119 = tpu.memref_slice %dma_start3A_116[%dma_start3A_117, %dma_start3A_118] : memref<625x16xf32, #tpu.memory_space<vmem>> -> memref<125x16xf32, #tpu.memory_space<vmem>>
    %dma_start3A_120 = arith.constant 0 : i32
    %dma_start3A_121 = tpu.memref_slice %arg8[%dma_start3A_111, %dma_start3A_120] : memref<20x125xi32, #tpu.memory_space<vmem>> -> memref<1x125xi32, #tpu.memory_space<vmem>>
    %dma_start3A_122 = tpu.memref_squeeze %dma_start3A_121 : memref<1x125xi32, #tpu.memory_space<vmem>> -> memref<125xi32, #tpu.memory_space<vmem>>
    %dma_start3A_123 = arith.constant 0 : i32
    %dma_start3A_124 = arith.constant 0 : i32
    %dma_start3A_125 = tpu.memref_slice %arg3[%dma_start3A_123, %dma_start3A_124] : memref<10000x16xf32, #tpu.memory_space<hbm>> -> memref<10000x16xf32, #tpu.memory_space<hbm>>
    tpu.enqueue_indirect_dma source(%dma_start3A_125 : memref<10000x16xf32, #tpu.memory_space<hbm>>) target(%dma_start3A_119 : memref<125x16xf32, #tpu.memory_space<vmem>>) offsets(%dma_start3A_122 : memref<125xi32, #tpu.memory_space<vmem>>) semaphore(%arg11 : memref<!tpu.dma_semaphore, #tpu.memory_space<semaphore_mem>>)
    %dma_start3A_126 = arith.constant 4 : i32
    %dma_start3A_127 = arith.constant 0 : i32
    %dma_start3A_128 = arith.constant 0 : i32
    %dma_start3A_129 = arith.constant 0 : i32
    %dma_start3A_130 = tpu.memref_slice %arg9[%dma_start3A_127, %dma_start3A_128, %dma_start3A_129] : memref<2x625x32xf32, #tpu.memory_space<vmem>> -> memref<1x625x32xf32, #tpu.memory_space<vmem>>
    %dma_start3A_131 = tpu.memref_squeeze %dma_start3A_130 : memref<1x625x32xf32, #tpu.memory_space<vmem>> -> memref<625x32xf32, #tpu.memory_space<vmem>>
    %dma_start3A_132 = arith.constant 500 : i32
    %dma_start3A_133 = arith.constant 0 : i32
    %dma_start3A_134 = tpu.memref_slice %dma_start3A_131[%dma_start3A_132, %dma_start3A_133] : memref<625x32xf32, #tpu.memory_space<vmem>> -> memref<125x32xf32, #tpu.memory_space<vmem>>
    %dma_start3A_135 = arith.constant 0 : i32
    %dma_start3A_136 = tpu.memref_slice %arg7[%dma_start3A_126, %dma_start3A_135] : memref<20x125xi32, #tpu.memory_space<vmem>> -> memref<1x125xi32, #tpu.memory_space<vmem>>
    %dma_start3A_137 = tpu.memref_squeeze %dma_start3A_136 : memref<1x125xi32, #tpu.memory_space<vmem>> -> memref<125xi32, #tpu.memory_space<vmem>>
    %dma_start3A_138 = arith.constant 0 : i32
    %dma_start3A_139 = arith.constant 0 : i32
    %dma_start3A_140 = tpu.memref_slice %arg2[%dma_start3A_138, %dma_start3A_139] : memref<10000x32xf32, #tpu.memory_space<hbm>> -> memref<10000x32xf32, #tpu.memory_space<hbm>>
    tpu.enqueue_indirect_dma source(%dma_start3A_140 : memref<10000x32xf32, #tpu.memory_space<hbm>>) target(%dma_start3A_134 : memref<125x32xf32, #tpu.memory_space<vmem>>) offsets(%dma_start3A_137 : memref<125xi32, #tpu.memory_space<vmem>>) semaphore(%arg11 : memref<!tpu.dma_semaphore, #tpu.memory_space<semaphore_mem>>)
    %dma_start3A_141 = arith.constant 4 : i32
    %dma_start3A_142 = arith.constant 0 : i32
    %dma_start3A_143 = arith.constant 0 : i32
    %dma_start3A_144 = arith.constant 0 : i32
    %dma_start3A_145 = tpu.memref_slice %arg10[%dma_start3A_142, %dma_start3A_143, %dma_start3A_144] : memref<2x625x16xf32, #tpu.memory_space<vmem>> -> memref<1x625x16xf32, #tpu.memory_space<vmem>>
    %dma_start3A_146 = tpu.memref_squeeze %dma_start3A_145 : memref<1x625x16xf32, #tpu.memory_space<vmem>> -> memref<625x16xf32, #tpu.memory_space<vmem>>
    %dma_start3A_147 = arith.constant 500 : i32
    %dma_start3A_148 = arith.constant 0 : i32
    %dma_start3A_149 = tpu.memref_slice %dma_start3A_146[%dma_start3A_147, %dma_start3A_148] : memref<625x16xf32, #tpu.memory_space<vmem>> -> memref<125x16xf32, #tpu.memory_space<vmem>>
    %dma_start3A_150 = arith.constant 0 : i32
    %dma_start3A_151 = tpu.memref_slice %arg8[%dma_start3A_141, %dma_start3A_150] : memref<20x125xi32, #tpu.memory_space<vmem>> -> memref<1x125xi32, #tpu.memory_space<vmem>>
    %dma_start3A_152 = tpu.memref_squeeze %dma_start3A_151 : memref<1x125xi32, #tpu.memory_space<vmem>> -> memref<125xi32, #tpu.memory_space<vmem>>
    %dma_start3A_153 = arith.constant 0 : i32
    %dma_start3A_154 = arith.constant 0 : i32
    %dma_start3A_155 = tpu.memref_slice %arg3[%dma_start3A_153, %dma_start3A_154] : memref<10000x16xf32, #tpu.memory_space<hbm>> -> memref<10000x16xf32, #tpu.memory_space<hbm>>
    tpu.enqueue_indirect_dma source(%dma_start3A_155 : memref<10000x16xf32, #tpu.memory_space<hbm>>) target(%dma_start3A_149 : memref<125x16xf32, #tpu.memory_space<vmem>>) offsets(%dma_start3A_152 : memref<125xi32, #tpu.memory_space<vmem>>) semaphore(%arg11 : memref<!tpu.dma_semaphore, #tpu.memory_space<semaphore_mem>>)
    %scan3A = arith.constant 0 : i32
    %scan3A_156 = arith.constant 0 : i32
    %scan3A_157 = arith.constant 2 : i32
    %scan3A_158 = arith.addi %scan3A_156, %scan3A_157 : i32
    %scan3A_159 = arith.constant 1 : i32
    scf.for %scan3A_190 = %scan3A_156 to %scan3A_158 step %scan3A_159  : i32 {
      %mul3A_191 = arith.constant 2 : i32
      %mul3A_192 = arith.muli %mul3A_191, %scan3A_190 : i32
      %add3A_193 = arith.constant 1 : i32
      %add3A_194 = arith.addi %mul3A_192, %add3A_193 : i32
      %dma_wait3A_195 = arith.constant 0 : i32
      %dma_wait3A_196 = arith.constant 0 : i32
      %dma_wait3A_197 = arith.constant 0 : i32
      %dma_wait3A_198 = tpu.memref_slice %arg9[%dma_wait3A_195, %dma_wait3A_196, %dma_wait3A_197] : memref<2x625x32xf32, #tpu.memory_space<vmem>> -> memref<1x625x32xf32, #tpu.memory_space<vmem>>
      %dma_wait3A_199 = tpu.memref_squeeze %dma_wait3A_198 : memref<1x625x32xf32, #tpu.memory_space<vmem>> -> memref<625x32xf32, #tpu.memory_space<vmem>>
      %dma_wait3A_200 = arith.constant 0 : i32
      %dma_wait3A_201 = arith.constant 0 : i32
      %dma_wait3A_202 = tpu.memref_slice %arg2[%dma_wait3A_200, %dma_wait3A_201] : memref<10000x32xf32, #tpu.memory_space<hbm>> -> memref<625x32xf32, #tpu.memory_space<hbm>>
      %dma_wait3A_203 = arith.constant 0 : i32
      %dma_wait3A_204 = arith.constant 0 : i32
      %dma_wait3A_205 = tpu.memref_slice %arg9[%dma_wait3A_195, %dma_wait3A_203, %dma_wait3A_204] : memref<2x625x32xf32, #tpu.memory_space<vmem>> -> memref<1x625x32xf32, #tpu.memory_space<vmem>>
      %dma_wait3A_206 = tpu.memref_squeeze %dma_wait3A_205 : memref<1x625x32xf32, #tpu.memory_space<vmem>> -> memref<625x32xf32, #tpu.memory_space<vmem>>
      %dma_wait3A_207 = arith.constant 0 : i32
      %dma_wait3A_208 = arith.constant 0 : i32
      %dma_wait3A_209 = tpu.memref_slice %arg2[%dma_wait3A_207, %dma_wait3A_208] : memref<10000x32xf32, #tpu.memory_space<hbm>> -> memref<625x32xf32, #tpu.memory_space<hbm>>
      tpu.wait_dma2 semaphore(%arg11 : memref<!tpu.dma_semaphore, #tpu.memory_space<semaphore_mem>>) src(%dma_wait3A_209 : memref<625x32xf32, #tpu.memory_space<hbm>>) dst(%dma_wait3A_206 : memref<625x32xf32, #tpu.memory_space<vmem>>)
      %dma_wait3A_210 = arith.constant 0 : i32
      %dma_wait3A_211 = arith.constant 0 : i32
      %dma_wait3A_212 = arith.constant 0 : i32
      %dma_wait3A_213 = tpu.memref_slice %arg10[%dma_wait3A_210, %dma_wait3A_211, %dma_wait3A_212] : memref<2x625x16xf32, #tpu.memory_space<vmem>> -> memref<1x625x16xf32, #tpu.memory_space<vmem>>
      %dma_wait3A_214 = tpu.memref_squeeze %dma_wait3A_213 : memref<1x625x16xf32, #tpu.memory_space<vmem>> -> memref<625x16xf32, #tpu.memory_space<vmem>>
      %dma_wait3A_215 = arith.constant 0 : i32
      %dma_wait3A_216 = arith.constant 0 : i32
      %dma_wait3A_217 = tpu.memref_slice %arg3[%dma_wait3A_215, %dma_wait3A_216] : memref<10000x16xf32, #tpu.memory_space<hbm>> -> memref<625x16xf32, #tpu.memory_space<hbm>>
      %dma_wait3A_218 = arith.constant 0 : i32
      %dma_wait3A_219 = arith.constant 0 : i32
      %dma_wait3A_220 = tpu.memref_slice %arg10[%dma_wait3A_210, %dma_wait3A_218, %dma_wait3A_219] : memref<2x625x16xf32, #tpu.memory_space<vmem>> -> memref<1x625x16xf32, #tpu.memory_space<vmem>>
      %dma_wait3A_221 = tpu.memref_squeeze %dma_wait3A_220 : memref<1x625x16xf32, #tpu.memory_space<vmem>> -> memref<625x16xf32, #tpu.memory_space<vmem>>
      %dma_wait3A_222 = arith.constant 0 : i32
      %dma_wait3A_223 = arith.constant 0 : i32
      %dma_wait3A_224 = tpu.memref_slice %arg3[%dma_wait3A_222, %dma_wait3A_223] : memref<10000x16xf32, #tpu.memory_space<hbm>> -> memref<625x16xf32, #tpu.memory_space<hbm>>
      tpu.wait_dma2 semaphore(%arg11 : memref<!tpu.dma_semaphore, #tpu.memory_space<semaphore_mem>>) src(%dma_wait3A_224 : memref<625x16xf32, #tpu.memory_space<hbm>>) dst(%dma_wait3A_221 : memref<625x16xf32, #tpu.memory_space<vmem>>)
      %mul3A_225 = arith.constant 625 : i32
      %mul3A_226 = arith.muli %mul3A_192, %mul3A_225 : i32
      %add3A_227 = arith.addi %mul3A_6, %mul3A_226 : i32
      %dma_start3A_228 = arith.constant 0 : i32
      %dma_start3A_229 = arith.constant 0 : i32
      %dma_start3A_230 = arith.constant 0 : i32
      %dma_start3A_231 = tpu.memref_slice %arg9[%dma_start3A_228, %dma_start3A_229, %dma_start3A_230] : memref<2x625x32xf32, #tpu.memory_space<vmem>> -> memref<1x625x32xf32, #tpu.memory_space<vmem>>
      %dma_start3A_232 = tpu.memref_squeeze %dma_start3A_231 : memref<1x625x32xf32, #tpu.memory_space<vmem>> -> memref<625x32xf32, #tpu.memory_space<vmem>>
      %dma_start3A_233 = arith.constant 0 : i32
      %dma_start3A_234 = tpu.memref_slice %arg6[%add3A_227, %dma_start3A_233] : memref<80000x128xf32, #tpu.memory_space<hbm>> -> memref<625x32xf32, #tpu.memory_space<hbm>>
      %dma_start3A_235 = arith.constant 0 : i32
      %dma_start3A_236 = tpu.memref_slice %arg6[%add3A_227, %dma_start3A_235] : memref<80000x128xf32, #tpu.memory_space<hbm>> -> memref<625x32xf32, #tpu.memory_space<hbm>>
      %dma_start3A_237 = arith.constant 0 : i32
      %dma_start3A_238 = arith.constant 0 : i32
      %dma_start3A_239 = tpu.memref_slice %arg9[%dma_start3A_228, %dma_start3A_237, %dma_start3A_238] : memref<2x625x32xf32, #tpu.memory_space<vmem>> -> memref<1x625x32xf32, #tpu.memory_space<vmem>>
      %dma_start3A_240 = tpu.memref_squeeze %dma_start3A_239 : memref<1x625x32xf32, #tpu.memory_space<vmem>> -> memref<625x32xf32, #tpu.memory_space<vmem>>
      tpu.enqueue_dma source(%dma_start3A_240 : memref<625x32xf32, #tpu.memory_space<vmem>>) target(%dma_start3A_236 : memref<625x32xf32, #tpu.memory_space<hbm>>) target_semaphore(%arg13 : memref<!tpu.dma_semaphore, #tpu.memory_space<semaphore_mem>>)
      %dma_start3A_241 = arith.constant 0 : i32
      %dma_start3A_242 = arith.constant 0 : i32
      %dma_start3A_243 = arith.constant 0 : i32
      %dma_start3A_244 = tpu.memref_slice %arg10[%dma_start3A_241, %dma_start3A_242, %dma_start3A_243] : memref<2x625x16xf32, #tpu.memory_space<vmem>> -> memref<1x625x16xf32, #tpu.memory_space<vmem>>
      %dma_start3A_245 = tpu.memref_squeeze %dma_start3A_244 : memref<1x625x16xf32, #tpu.memory_space<vmem>> -> memref<625x16xf32, #tpu.memory_space<vmem>>
      %dma_start3A_246 = arith.constant 32 : i32
      %dma_start3A_247 = tpu.memref_slice %arg6[%add3A_227, %dma_start3A_246] : memref<80000x128xf32, #tpu.memory_space<hbm>> -> memref<625x16xf32, #tpu.memory_space<hbm>>
      %dma_start3A_248 = arith.constant 32 : i32
      %dma_start3A_249 = tpu.memref_slice %arg6[%add3A_227, %dma_start3A_248] : memref<80000x128xf32, #tpu.memory_space<hbm>> -> memref<625x16xf32, #tpu.memory_space<hbm>>
      %dma_start3A_250 = arith.constant 0 : i32
      %dma_start3A_251 = arith.constant 0 : i32
      %dma_start3A_252 = tpu.memref_slice %arg10[%dma_start3A_241, %dma_start3A_250, %dma_start3A_251] : memref<2x625x16xf32, #tpu.memory_space<vmem>> -> memref<1x625x16xf32, #tpu.memory_space<vmem>>
      %dma_start3A_253 = tpu.memref_squeeze %dma_start3A_252 : memref<1x625x16xf32, #tpu.memory_space<vmem>> -> memref<625x16xf32, #tpu.memory_space<vmem>>
      tpu.enqueue_dma source(%dma_start3A_253 : memref<625x16xf32, #tpu.memory_space<vmem>>) target(%dma_start3A_249 : memref<625x16xf32, #tpu.memory_space<hbm>>) target_semaphore(%arg13 : memref<!tpu.dma_semaphore, #tpu.memory_space<semaphore_mem>>)
      %gt3A = arith.constant 0 : i32
      %gt3A_254 = arith.cmpi sgt, %scan3A_190, %gt3A : i32
      %convert_element_type3A = arith.extui %gt3A_254 : i1 to i32
      %cond3A = arith.constant 0 : i32
      %cond3A_255 = arith.cmpi ne, %convert_element_type3A, %cond3A : i32
      scf.if %cond3A_255 {
        %dma_wait3A_509 = arith.constant 1 : i32
        %dma_wait3A_510 = arith.constant 0 : i32
        %dma_wait3A_511 = arith.constant 0 : i32
        %dma_wait3A_512 = tpu.memref_slice %arg9[%dma_wait3A_509, %dma_wait3A_510, %dma_wait3A_511] : memref<2x625x32xf32, #tpu.memory_space<vmem>> -> memref<1x625x32xf32, #tpu.memory_space<vmem>>
        %dma_wait3A_513 = tpu.memref_squeeze %dma_wait3A_512 : memref<1x625x32xf32, #tpu.memory_space<vmem>> -> memref<625x32xf32, #tpu.memory_space<vmem>>
        %dma_wait3A_514 = arith.constant 0 : i32
        %dma_wait3A_515 = arith.constant 0 : i32
        %dma_wait3A_516 = tpu.memref_slice %arg6[%dma_wait3A_514, %dma_wait3A_515] : memref<80000x128xf32, #tpu.memory_space<hbm>> -> memref<625x32xf32, #tpu.memory_space<hbm>>
        %dma_wait3A_517 = arith.constant 0 : i32
        %dma_wait3A_518 = arith.constant 0 : i32
        %dma_wait3A_519 = tpu.memref_slice %arg6[%dma_wait3A_517, %dma_wait3A_518] : memref<80000x128xf32, #tpu.memory_space<hbm>> -> memref<625x32xf32, #tpu.memory_space<hbm>>
        %dma_wait3A_520 = arith.constant 0 : i32
        %dma_wait3A_521 = arith.constant 0 : i32
        %dma_wait3A_522 = tpu.memref_slice %arg9[%dma_wait3A_509, %dma_wait3A_520, %dma_wait3A_521] : memref<2x625x32xf32, #tpu.memory_space<vmem>> -> memref<1x625x32xf32, #tpu.memory_space<vmem>>
        %dma_wait3A_523 = tpu.memref_squeeze %dma_wait3A_522 : memref<1x625x32xf32, #tpu.memory_space<vmem>> -> memref<625x32xf32, #tpu.memory_space<vmem>>
        tpu.wait_dma2 semaphore(%arg14 : memref<!tpu.dma_semaphore, #tpu.memory_space<semaphore_mem>>) src(%dma_wait3A_523 : memref<625x32xf32, #tpu.memory_space<vmem>>) dst(%dma_wait3A_519 : memref<625x32xf32, #tpu.memory_space<hbm>>)
        %dma_wait3A_524 = arith.constant 1 : i32
        %dma_wait3A_525 = arith.constant 0 : i32
        %dma_wait3A_526 = arith.constant 0 : i32
        %dma_wait3A_527 = tpu.memref_slice %arg10[%dma_wait3A_524, %dma_wait3A_525, %dma_wait3A_526] : memref<2x625x16xf32, #tpu.memory_space<vmem>> -> memref<1x625x16xf32, #tpu.memory_space<vmem>>
        %dma_wait3A_528 = tpu.memref_squeeze %dma_wait3A_527 : memref<1x625x16xf32, #tpu.memory_space<vmem>> -> memref<625x16xf32, #tpu.memory_space<vmem>>
        %dma_wait3A_529 = arith.constant 0 : i32
        %dma_wait3A_530 = arith.constant 32 : i32
        %dma_wait3A_531 = tpu.memref_slice %arg6[%dma_wait3A_529, %dma_wait3A_530] : memref<80000x128xf32, #tpu.memory_space<hbm>> -> memref<625x16xf32, #tpu.memory_space<hbm>>
        %dma_wait3A_532 = arith.constant 0 : i32
        %dma_wait3A_533 = arith.constant 32 : i32
        %dma_wait3A_534 = tpu.memref_slice %arg6[%dma_wait3A_532, %dma_wait3A_533] : memref<80000x128xf32, #tpu.memory_space<hbm>> -> memref<625x16xf32, #tpu.memory_space<hbm>>
        %dma_wait3A_535 = arith.constant 0 : i32
        %dma_wait3A_536 = arith.constant 0 : i32
        %dma_wait3A_537 = tpu.memref_slice %arg10[%dma_wait3A_524, %dma_wait3A_535, %dma_wait3A_536] : memref<2x625x16xf32, #tpu.memory_space<vmem>> -> memref<1x625x16xf32, #tpu.memory_space<vmem>>
        %dma_wait3A_538 = tpu.memref_squeeze %dma_wait3A_537 : memref<1x625x16xf32, #tpu.memory_space<vmem>> -> memref<625x16xf32, #tpu.memory_space<vmem>>
        tpu.wait_dma2 semaphore(%arg14 : memref<!tpu.dma_semaphore, #tpu.memory_space<semaphore_mem>>) src(%dma_wait3A_538 : memref<625x16xf32, #tpu.memory_space<vmem>>) dst(%dma_wait3A_534 : memref<625x16xf32, #tpu.memory_space<hbm>>)
      } else {
      }
      %mul3A_256 = arith.constant 5 : i32
      %mul3A_257 = arith.muli %add3A_194, %mul3A_256 : i32
      %add3A_258 = arith.constant 0 : i32
      %add3A_259 = arith.addi %mul3A_257, %add3A_258 : i32
      %dma_start3A_260 = arith.constant 1 : i32
      %dma_start3A_261 = arith.constant 0 : i32
      %dma_start3A_262 = arith.constant 0 : i32
      %dma_start3A_263 = tpu.memref_slice %arg9[%dma_start3A_260, %dma_start3A_261, %dma_start3A_262] : memref<2x625x32xf32, #tpu.memory_space<vmem>> -> memref<1x625x32xf32, #tpu.memory_space<vmem>>
      %dma_start3A_264 = tpu.memref_squeeze %dma_start3A_263 : memref<1x625x32xf32, #tpu.memory_space<vmem>> -> memref<625x32xf32, #tpu.memory_space<vmem>>
      %dma_start3A_265 = arith.constant 0 : i32
      %dma_start3A_266 = arith.constant 0 : i32
      %dma_start3A_267 = tpu.memref_slice %dma_start3A_264[%dma_start3A_265, %dma_start3A_266] : memref<625x32xf32, #tpu.memory_space<vmem>> -> memref<125x32xf32, #tpu.memory_space<vmem>>
      %dma_start3A_268 = arith.constant 0 : i32
      %dma_start3A_269 = tpu.memref_slice %arg7[%add3A_259, %dma_start3A_268] : memref<20x125xi32, #tpu.memory_space<vmem>> -> memref<1x125xi32, #tpu.memory_space<vmem>>
      %dma_start3A_270 = tpu.memref_squeeze %dma_start3A_269 : memref<1x125xi32, #tpu.memory_space<vmem>> -> memref<125xi32, #tpu.memory_space<vmem>>
      %dma_start3A_271 = arith.constant 0 : i32
      %dma_start3A_272 = arith.constant 0 : i32
      %dma_start3A_273 = tpu.memref_slice %arg2[%dma_start3A_271, %dma_start3A_272] : memref<10000x32xf32, #tpu.memory_space<hbm>> -> memref<10000x32xf32, #tpu.memory_space<hbm>>
      tpu.enqueue_indirect_dma source(%dma_start3A_273 : memref<10000x32xf32, #tpu.memory_space<hbm>>) target(%dma_start3A_267 : memref<125x32xf32, #tpu.memory_space<vmem>>) offsets(%dma_start3A_270 : memref<125xi32, #tpu.memory_space<vmem>>) semaphore(%arg12 : memref<!tpu.dma_semaphore, #tpu.memory_space<semaphore_mem>>)
      %dma_start3A_274 = arith.constant 1 : i32
      %dma_start3A_275 = arith.constant 0 : i32
      %dma_start3A_276 = arith.constant 0 : i32
      %dma_start3A_277 = tpu.memref_slice %arg10[%dma_start3A_274, %dma_start3A_275, %dma_start3A_276] : memref<2x625x16xf32, #tpu.memory_space<vmem>> -> memref<1x625x16xf32, #tpu.memory_space<vmem>>
      %dma_start3A_278 = tpu.memref_squeeze %dma_start3A_277 : memref<1x625x16xf32, #tpu.memory_space<vmem>> -> memref<625x16xf32, #tpu.memory_space<vmem>>
      %dma_start3A_279 = arith.constant 0 : i32
      %dma_start3A_280 = arith.constant 0 : i32
      %dma_start3A_281 = tpu.memref_slice %dma_start3A_278[%dma_start3A_279, %dma_start3A_280] : memref<625x16xf32, #tpu.memory_space<vmem>> -> memref<125x16xf32, #tpu.memory_space<vmem>>
      %dma_start3A_282 = arith.constant 0 : i32
      %dma_start3A_283 = tpu.memref_slice %arg8[%add3A_259, %dma_start3A_282] : memref<20x125xi32, #tpu.memory_space<vmem>> -> memref<1x125xi32, #tpu.memory_space<vmem>>
      %dma_start3A_284 = tpu.memref_squeeze %dma_start3A_283 : memref<1x125xi32, #tpu.memory_space<vmem>> -> memref<125xi32, #tpu.memory_space<vmem>>
      %dma_start3A_285 = arith.constant 0 : i32
      %dma_start3A_286 = arith.constant 0 : i32
      %dma_start3A_287 = tpu.memref_slice %arg3[%dma_start3A_285, %dma_start3A_286] : memref<10000x16xf32, #tpu.memory_space<hbm>> -> memref<10000x16xf32, #tpu.memory_space<hbm>>
      tpu.enqueue_indirect_dma source(%dma_start3A_287 : memref<10000x16xf32, #tpu.memory_space<hbm>>) target(%dma_start3A_281 : memref<125x16xf32, #tpu.memory_space<vmem>>) offsets(%dma_start3A_284 : memref<125xi32, #tpu.memory_space<vmem>>) semaphore(%arg12 : memref<!tpu.dma_semaphore, #tpu.memory_space<semaphore_mem>>)
      %mul3A_288 = arith.constant 5 : i32
      %mul3A_289 = arith.muli %add3A_194, %mul3A_288 : i32
      %add3A_290 = arith.constant 1 : i32
      %add3A_291 = arith.addi %mul3A_289, %add3A_290 : i32
      %dma_start3A_292 = arith.constant 1 : i32
      %dma_start3A_293 = arith.constant 0 : i32
      %dma_start3A_294 = arith.constant 0 : i32
      %dma_start3A_295 = tpu.memref_slice %arg9[%dma_start3A_292, %dma_start3A_293, %dma_start3A_294] : memref<2x625x32xf32, #tpu.memory_space<vmem>> -> memref<1x625x32xf32, #tpu.memory_space<vmem>>
      %dma_start3A_296 = tpu.memref_squeeze %dma_start3A_295 : memref<1x625x32xf32, #tpu.memory_space<vmem>> -> memref<625x32xf32, #tpu.memory_space<vmem>>
      %dma_start3A_297 = arith.constant 125 : i32
      %dma_start3A_298 = arith.constant 0 : i32
      %dma_start3A_299 = tpu.memref_slice %dma_start3A_296[%dma_start3A_297, %dma_start3A_298] : memref<625x32xf32, #tpu.memory_space<vmem>> -> memref<125x32xf32, #tpu.memory_space<vmem>>
      %dma_start3A_300 = arith.constant 0 : i32
      %dma_start3A_301 = tpu.memref_slice %arg7[%add3A_291, %dma_start3A_300] : memref<20x125xi32, #tpu.memory_space<vmem>> -> memref<1x125xi32, #tpu.memory_space<vmem>>
      %dma_start3A_302 = tpu.memref_squeeze %dma_start3A_301 : memref<1x125xi32, #tpu.memory_space<vmem>> -> memref<125xi32, #tpu.memory_space<vmem>>
      %dma_start3A_303 = arith.constant 0 : i32
      %dma_start3A_304 = arith.constant 0 : i32
      %dma_start3A_305 = tpu.memref_slice %arg2[%dma_start3A_303, %dma_start3A_304] : memref<10000x32xf32, #tpu.memory_space<hbm>> -> memref<10000x32xf32, #tpu.memory_space<hbm>>
      tpu.enqueue_indirect_dma source(%dma_start3A_305 : memref<10000x32xf32, #tpu.memory_space<hbm>>) target(%dma_start3A_299 : memref<125x32xf32, #tpu.memory_space<vmem>>) offsets(%dma_start3A_302 : memref<125xi32, #tpu.memory_space<vmem>>) semaphore(%arg12 : memref<!tpu.dma_semaphore, #tpu.memory_space<semaphore_mem>>)
      %dma_start3A_306 = arith.constant 1 : i32
      %dma_start3A_307 = arith.constant 0 : i32
      %dma_start3A_308 = arith.constant 0 : i32
      %dma_start3A_309 = tpu.memref_slice %arg10[%dma_start3A_306, %dma_start3A_307, %dma_start3A_308] : memref<2x625x16xf32, #tpu.memory_space<vmem>> -> memref<1x625x16xf32, #tpu.memory_space<vmem>>
      %dma_start3A_310 = tpu.memref_squeeze %dma_start3A_309 : memref<1x625x16xf32, #tpu.memory_space<vmem>> -> memref<625x16xf32, #tpu.memory_space<vmem>>
      %dma_start3A_311 = arith.constant 125 : i32
      %dma_start3A_312 = arith.constant 0 : i32
      %dma_start3A_313 = tpu.memref_slice %dma_start3A_310[%dma_start3A_311, %dma_start3A_312] : memref<625x16xf32, #tpu.memory_space<vmem>> -> memref<125x16xf32, #tpu.memory_space<vmem>>
      %dma_start3A_314 = arith.constant 0 : i32
      %dma_start3A_315 = tpu.memref_slice %arg8[%add3A_291, %dma_start3A_314] : memref<20x125xi32, #tpu.memory_space<vmem>> -> memref<1x125xi32, #tpu.memory_space<vmem>>
      %dma_start3A_316 = tpu.memref_squeeze %dma_start3A_315 : memref<1x125xi32, #tpu.memory_space<vmem>> -> memref<125xi32, #tpu.memory_space<vmem>>
      %dma_start3A_317 = arith.constant 0 : i32
      %dma_start3A_318 = arith.constant 0 : i32
      %dma_start3A_319 = tpu.memref_slice %arg3[%dma_start3A_317, %dma_start3A_318] : memref<10000x16xf32, #tpu.memory_space<hbm>> -> memref<10000x16xf32, #tpu.memory_space<hbm>>
      tpu.enqueue_indirect_dma source(%dma_start3A_319 : memref<10000x16xf32, #tpu.memory_space<hbm>>) target(%dma_start3A_313 : memref<125x16xf32, #tpu.memory_space<vmem>>) offsets(%dma_start3A_316 : memref<125xi32, #tpu.memory_space<vmem>>) semaphore(%arg12 : memref<!tpu.dma_semaphore, #tpu.memory_space<semaphore_mem>>)
      %mul3A_320 = arith.constant 5 : i32
      %mul3A_321 = arith.muli %add3A_194, %mul3A_320 : i32
      %add3A_322 = arith.constant 2 : i32
      %add3A_323 = arith.addi %mul3A_321, %add3A_322 : i32
      %dma_start3A_324 = arith.constant 1 : i32
      %dma_start3A_325 = arith.constant 0 : i32
      %dma_start3A_326 = arith.constant 0 : i32
      %dma_start3A_327 = tpu.memref_slice %arg9[%dma_start3A_324, %dma_start3A_325, %dma_start3A_326] : memref<2x625x32xf32, #tpu.memory_space<vmem>> -> memref<1x625x32xf32, #tpu.memory_space<vmem>>
      %dma_start3A_328 = tpu.memref_squeeze %dma_start3A_327 : memref<1x625x32xf32, #tpu.memory_space<vmem>> -> memref<625x32xf32, #tpu.memory_space<vmem>>
      %dma_start3A_329 = arith.constant 250 : i32
      %dma_start3A_330 = arith.constant 0 : i32
      %dma_start3A_331 = tpu.memref_slice %dma_start3A_328[%dma_start3A_329, %dma_start3A_330] : memref<625x32xf32, #tpu.memory_space<vmem>> -> memref<125x32xf32, #tpu.memory_space<vmem>>
      %dma_start3A_332 = arith.constant 0 : i32
      %dma_start3A_333 = tpu.memref_slice %arg7[%add3A_323, %dma_start3A_332] : memref<20x125xi32, #tpu.memory_space<vmem>> -> memref<1x125xi32, #tpu.memory_space<vmem>>
      %dma_start3A_334 = tpu.memref_squeeze %dma_start3A_333 : memref<1x125xi32, #tpu.memory_space<vmem>> -> memref<125xi32, #tpu.memory_space<vmem>>
      %dma_start3A_335 = arith.constant 0 : i32
      %dma_start3A_336 = arith.constant 0 : i32
      %dma_start3A_337 = tpu.memref_slice %arg2[%dma_start3A_335, %dma_start3A_336] : memref<10000x32xf32, #tpu.memory_space<hbm>> -> memref<10000x32xf32, #tpu.memory_space<hbm>>
      tpu.enqueue_indirect_dma source(%dma_start3A_337 : memref<10000x32xf32, #tpu.memory_space<hbm>>) target(%dma_start3A_331 : memref<125x32xf32, #tpu.memory_space<vmem>>) offsets(%dma_start3A_334 : memref<125xi32, #tpu.memory_space<vmem>>) semaphore(%arg12 : memref<!tpu.dma_semaphore, #tpu.memory_space<semaphore_mem>>)
      %dma_start3A_338 = arith.constant 1 : i32
      %dma_start3A_339 = arith.constant 0 : i32
      %dma_start3A_340 = arith.constant 0 : i32
      %dma_start3A_341 = tpu.memref_slice %arg10[%dma_start3A_338, %dma_start3A_339, %dma_start3A_340] : memref<2x625x16xf32, #tpu.memory_space<vmem>> -> memref<1x625x16xf32, #tpu.memory_space<vmem>>
      %dma_start3A_342 = tpu.memref_squeeze %dma_start3A_341 : memref<1x625x16xf32, #tpu.memory_space<vmem>> -> memref<625x16xf32, #tpu.memory_space<vmem>>
      %dma_start3A_343 = arith.constant 250 : i32
      %dma_start3A_344 = arith.constant 0 : i32
      %dma_start3A_345 = tpu.memref_slice %dma_start3A_342[%dma_start3A_343, %dma_start3A_344] : memref<625x16xf32, #tpu.memory_space<vmem>> -> memref<125x16xf32, #tpu.memory_space<vmem>>
      %dma_start3A_346 = arith.constant 0 : i32
      %dma_start3A_347 = tpu.memref_slice %arg8[%add3A_323, %dma_start3A_346] : memref<20x125xi32, #tpu.memory_space<vmem>> -> memref<1x125xi32, #tpu.memory_space<vmem>>
      %dma_start3A_348 = tpu.memref_squeeze %dma_start3A_347 : memref<1x125xi32, #tpu.memory_space<vmem>> -> memref<125xi32, #tpu.memory_space<vmem>>
      %dma_start3A_349 = arith.constant 0 : i32
      %dma_start3A_350 = arith.constant 0 : i32
      %dma_start3A_351 = tpu.memref_slice %arg3[%dma_start3A_349, %dma_start3A_350] : memref<10000x16xf32, #tpu.memory_space<hbm>> -> memref<10000x16xf32, #tpu.memory_space<hbm>>
      tpu.enqueue_indirect_dma source(%dma_start3A_351 : memref<10000x16xf32, #tpu.memory_space<hbm>>) target(%dma_start3A_345 : memref<125x16xf32, #tpu.memory_space<vmem>>) offsets(%dma_start3A_348 : memref<125xi32, #tpu.memory_space<vmem>>) semaphore(%arg12 : memref<!tpu.dma_semaphore, #tpu.memory_space<semaphore_mem>>)
      %mul3A_352 = arith.constant 5 : i32
      %mul3A_353 = arith.muli %add3A_194, %mul3A_352 : i32
      %add3A_354 = arith.constant 3 : i32
      %add3A_355 = arith.addi %mul3A_353, %add3A_354 : i32
      %dma_start3A_356 = arith.constant 1 : i32
      %dma_start3A_357 = arith.constant 0 : i32
      %dma_start3A_358 = arith.constant 0 : i32
      %dma_start3A_359 = tpu.memref_slice %arg9[%dma_start3A_356, %dma_start3A_357, %dma_start3A_358] : memref<2x625x32xf32, #tpu.memory_space<vmem>> -> memref<1x625x32xf32, #tpu.memory_space<vmem>>
      %dma_start3A_360 = tpu.memref_squeeze %dma_start3A_359 : memref<1x625x32xf32, #tpu.memory_space<vmem>> -> memref<625x32xf32, #tpu.memory_space<vmem>>
      %dma_start3A_361 = arith.constant 375 : i32
      %dma_start3A_362 = arith.constant 0 : i32
      %dma_start3A_363 = tpu.memref_slice %dma_start3A_360[%dma_start3A_361, %dma_start3A_362] : memref<625x32xf32, #tpu.memory_space<vmem>> -> memref<125x32xf32, #tpu.memory_space<vmem>>
      %dma_start3A_364 = arith.constant 0 : i32
      %dma_start3A_365 = tpu.memref_slice %arg7[%add3A_355, %dma_start3A_364] : memref<20x125xi32, #tpu.memory_space<vmem>> -> memref<1x125xi32, #tpu.memory_space<vmem>>
      %dma_start3A_366 = tpu.memref_squeeze %dma_start3A_365 : memref<1x125xi32, #tpu.memory_space<vmem>> -> memref<125xi32, #tpu.memory_space<vmem>>
      %dma_start3A_367 = arith.constant 0 : i32
      %dma_start3A_368 = arith.constant 0 : i32
      %dma_start3A_369 = tpu.memref_slice %arg2[%dma_start3A_367, %dma_start3A_368] : memref<10000x32xf32, #tpu.memory_space<hbm>> -> memref<10000x32xf32, #tpu.memory_space<hbm>>
      tpu.enqueue_indirect_dma source(%dma_start3A_369 : memref<10000x32xf32, #tpu.memory_space<hbm>>) target(%dma_start3A_363 : memref<125x32xf32, #tpu.memory_space<vmem>>) offsets(%dma_start3A_366 : memref<125xi32, #tpu.memory_space<vmem>>) semaphore(%arg12 : memref<!tpu.dma_semaphore, #tpu.memory_space<semaphore_mem>>)
      %dma_start3A_370 = arith.constant 1 : i32
      %dma_start3A_371 = arith.constant 0 : i32
      %dma_start3A_372 = arith.constant 0 : i32
      %dma_start3A_373 = tpu.memref_slice %arg10[%dma_start3A_370, %dma_start3A_371, %dma_start3A_372] : memref<2x625x16xf32, #tpu.memory_space<vmem>> -> memref<1x625x16xf32, #tpu.memory_space<vmem>>
      %dma_start3A_374 = tpu.memref_squeeze %dma_start3A_373 : memref<1x625x16xf32, #tpu.memory_space<vmem>> -> memref<625x16xf32, #tpu.memory_space<vmem>>
      %dma_start3A_375 = arith.constant 375 : i32
      %dma_start3A_376 = arith.constant 0 : i32
      %dma_start3A_377 = tpu.memref_slice %dma_start3A_374[%dma_start3A_375, %dma_start3A_376] : memref<625x16xf32, #tpu.memory_space<vmem>> -> memref<125x16xf32, #tpu.memory_space<vmem>>
      %dma_start3A_378 = arith.constant 0 : i32
      %dma_start3A_379 = tpu.memref_slice %arg8[%add3A_355, %dma_start3A_378] : memref<20x125xi32, #tpu.memory_space<vmem>> -> memref<1x125xi32, #tpu.memory_space<vmem>>
      %dma_start3A_380 = tpu.memref_squeeze %dma_start3A_379 : memref<1x125xi32, #tpu.memory_space<vmem>> -> memref<125xi32, #tpu.memory_space<vmem>>
      %dma_start3A_381 = arith.constant 0 : i32
      %dma_start3A_382 = arith.constant 0 : i32
      %dma_start3A_383 = tpu.memref_slice %arg3[%dma_start3A_381, %dma_start3A_382] : memref<10000x16xf32, #tpu.memory_space<hbm>> -> memref<10000x16xf32, #tpu.memory_space<hbm>>
      tpu.enqueue_indirect_dma source(%dma_start3A_383 : memref<10000x16xf32, #tpu.memory_space<hbm>>) target(%dma_start3A_377 : memref<125x16xf32, #tpu.memory_space<vmem>>) offsets(%dma_start3A_380 : memref<125xi32, #tpu.memory_space<vmem>>) semaphore(%arg12 : memref<!tpu.dma_semaphore, #tpu.memory_space<semaphore_mem>>)
      %mul3A_384 = arith.constant 5 : i32
      %mul3A_385 = arith.muli %add3A_194, %mul3A_384 : i32
      %add3A_386 = arith.constant 4 : i32
      %add3A_387 = arith.addi %mul3A_385, %add3A_386 : i32
      %dma_start3A_388 = arith.constant 1 : i32
      %dma_start3A_389 = arith.constant 0 : i32
      %dma_start3A_390 = arith.constant 0 : i32
      %dma_start3A_391 = tpu.memref_slice %arg9[%dma_start3A_388, %dma_start3A_389, %dma_start3A_390] : memref<2x625x32xf32, #tpu.memory_space<vmem>> -> memref<1x625x32xf32, #tpu.memory_space<vmem>>
      %dma_start3A_392 = tpu.memref_squeeze %dma_start3A_391 : memref<1x625x32xf32, #tpu.memory_space<vmem>> -> memref<625x32xf32, #tpu.memory_space<vmem>>
      %dma_start3A_393 = arith.constant 500 : i32
      %dma_start3A_394 = arith.constant 0 : i32
      %dma_start3A_395 = tpu.memref_slice %dma_start3A_392[%dma_start3A_393, %dma_start3A_394] : memref<625x32xf32, #tpu.memory_space<vmem>> -> memref<125x32xf32, #tpu.memory_space<vmem>>
      %dma_start3A_396 = arith.constant 0 : i32
      %dma_start3A_397 = tpu.memref_slice %arg7[%add3A_387, %dma_start3A_396] : memref<20x125xi32, #tpu.memory_space<vmem>> -> memref<1x125xi32, #tpu.memory_space<vmem>>
      %dma_start3A_398 = tpu.memref_squeeze %dma_start3A_397 : memref<1x125xi32, #tpu.memory_space<vmem>> -> memref<125xi32, #tpu.memory_space<vmem>>
      %dma_start3A_399 = arith.constant 0 : i32
      %dma_start3A_400 = arith.constant 0 : i32
      %dma_start3A_401 = tpu.memref_slice %arg2[%dma_start3A_399, %dma_start3A_400] : memref<10000x32xf32, #tpu.memory_space<hbm>> -> memref<10000x32xf32, #tpu.memory_space<hbm>>
      tpu.enqueue_indirect_dma source(%dma_start3A_401 : memref<10000x32xf32, #tpu.memory_space<hbm>>) target(%dma_start3A_395 : memref<125x32xf32, #tpu.memory_space<vmem>>) offsets(%dma_start3A_398 : memref<125xi32, #tpu.memory_space<vmem>>) semaphore(%arg12 : memref<!tpu.dma_semaphore, #tpu.memory_space<semaphore_mem>>)
      %dma_start3A_402 = arith.constant 1 : i32
      %dma_start3A_403 = arith.constant 0 : i32
      %dma_start3A_404 = arith.constant 0 : i32
      %dma_start3A_405 = tpu.memref_slice %arg10[%dma_start3A_402, %dma_start3A_403, %dma_start3A_404] : memref<2x625x16xf32, #tpu.memory_space<vmem>> -> memref<1x625x16xf32, #tpu.memory_space<vmem>>
      %dma_start3A_406 = tpu.memref_squeeze %dma_start3A_405 : memref<1x625x16xf32, #tpu.memory_space<vmem>> -> memref<625x16xf32, #tpu.memory_space<vmem>>
      %dma_start3A_407 = arith.constant 500 : i32
      %dma_start3A_408 = arith.constant 0 : i32
      %dma_start3A_409 = tpu.memref_slice %dma_start3A_406[%dma_start3A_407, %dma_start3A_408] : memref<625x16xf32, #tpu.memory_space<vmem>> -> memref<125x16xf32, #tpu.memory_space<vmem>>
      %dma_start3A_410 = arith.constant 0 : i32
      %dma_start3A_411 = tpu.memref_slice %arg8[%add3A_387, %dma_start3A_410] : memref<20x125xi32, #tpu.memory_space<vmem>> -> memref<1x125xi32, #tpu.memory_space<vmem>>
      %dma_start3A_412 = tpu.memref_squeeze %dma_start3A_411 : memref<1x125xi32, #tpu.memory_space<vmem>> -> memref<125xi32, #tpu.memory_space<vmem>>
      %dma_start3A_413 = arith.constant 0 : i32
      %dma_start3A_414 = arith.constant 0 : i32
      %dma_start3A_415 = tpu.memref_slice %arg3[%dma_start3A_413, %dma_start3A_414] : memref<10000x16xf32, #tpu.memory_space<hbm>> -> memref<10000x16xf32, #tpu.memory_space<hbm>>
      tpu.enqueue_indirect_dma source(%dma_start3A_415 : memref<10000x16xf32, #tpu.memory_space<hbm>>) target(%dma_start3A_409 : memref<125x16xf32, #tpu.memory_space<vmem>>) offsets(%dma_start3A_412 : memref<125xi32, #tpu.memory_space<vmem>>) semaphore(%arg12 : memref<!tpu.dma_semaphore, #tpu.memory_space<semaphore_mem>>)
      %dma_wait3A_416 = arith.constant 1 : i32
      %dma_wait3A_417 = arith.constant 0 : i32
      %dma_wait3A_418 = arith.constant 0 : i32
      %dma_wait3A_419 = tpu.memref_slice %arg9[%dma_wait3A_416, %dma_wait3A_417, %dma_wait3A_418] : memref<2x625x32xf32, #tpu.memory_space<vmem>> -> memref<1x625x32xf32, #tpu.memory_space<vmem>>
      %dma_wait3A_420 = tpu.memref_squeeze %dma_wait3A_419 : memref<1x625x32xf32, #tpu.memory_space<vmem>> -> memref<625x32xf32, #tpu.memory_space<vmem>>
      %dma_wait3A_421 = arith.constant 0 : i32
      %dma_wait3A_422 = arith.constant 0 : i32
      %dma_wait3A_423 = tpu.memref_slice %arg2[%dma_wait3A_421, %dma_wait3A_422] : memref<10000x32xf32, #tpu.memory_space<hbm>> -> memref<625x32xf32, #tpu.memory_space<hbm>>
      %dma_wait3A_424 = arith.constant 0 : i32
      %dma_wait3A_425 = arith.constant 0 : i32
      %dma_wait3A_426 = tpu.memref_slice %arg9[%dma_wait3A_416, %dma_wait3A_424, %dma_wait3A_425] : memref<2x625x32xf32, #tpu.memory_space<vmem>> -> memref<1x625x32xf32, #tpu.memory_space<vmem>>
      %dma_wait3A_427 = tpu.memref_squeeze %dma_wait3A_426 : memref<1x625x32xf32, #tpu.memory_space<vmem>> -> memref<625x32xf32, #tpu.memory_space<vmem>>
      %dma_wait3A_428 = arith.constant 0 : i32
      %dma_wait3A_429 = arith.constant 0 : i32
      %dma_wait3A_430 = tpu.memref_slice %arg2[%dma_wait3A_428, %dma_wait3A_429] : memref<10000x32xf32, #tpu.memory_space<hbm>> -> memref<625x32xf32, #tpu.memory_space<hbm>>
      tpu.wait_dma2 semaphore(%arg12 : memref<!tpu.dma_semaphore, #tpu.memory_space<semaphore_mem>>) src(%dma_wait3A_430 : memref<625x32xf32, #tpu.memory_space<hbm>>) dst(%dma_wait3A_427 : memref<625x32xf32, #tpu.memory_space<vmem>>)
      %dma_wait3A_431 = arith.constant 1 : i32
      %dma_wait3A_432 = arith.constant 0 : i32
      %dma_wait3A_433 = arith.constant 0 : i32
      %dma_wait3A_434 = tpu.memref_slice %arg10[%dma_wait3A_431, %dma_wait3A_432, %dma_wait3A_433] : memref<2x625x16xf32, #tpu.memory_space<vmem>> -> memref<1x625x16xf32, #tpu.memory_space<vmem>>
      %dma_wait3A_435 = tpu.memref_squeeze %dma_wait3A_434 : memref<1x625x16xf32, #tpu.memory_space<vmem>> -> memref<625x16xf32, #tpu.memory_space<vmem>>
      %dma_wait3A_436 = arith.constant 0 : i32
      %dma_wait3A_437 = arith.constant 0 : i32
      %dma_wait3A_438 = tpu.memref_slice %arg3[%dma_wait3A_436, %dma_wait3A_437] : memref<10000x16xf32, #tpu.memory_space<hbm>> -> memref<625x16xf32, #tpu.memory_space<hbm>>
      %dma_wait3A_439 = arith.constant 0 : i32
      %dma_wait3A_440 = arith.constant 0 : i32
      %dma_wait3A_441 = tpu.memref_slice %arg10[%dma_wait3A_431, %dma_wait3A_439, %dma_wait3A_440] : memref<2x625x16xf32, #tpu.memory_space<vmem>> -> memref<1x625x16xf32, #tpu.memory_space<vmem>>
      %dma_wait3A_442 = tpu.memref_squeeze %dma_wait3A_441 : memref<1x625x16xf32, #tpu.memory_space<vmem>> -> memref<625x16xf32, #tpu.memory_space<vmem>>
      %dma_wait3A_443 = arith.constant 0 : i32
      %dma_wait3A_444 = arith.constant 0 : i32
      %dma_wait3A_445 = tpu.memref_slice %arg3[%dma_wait3A_443, %dma_wait3A_444] : memref<10000x16xf32, #tpu.memory_space<hbm>> -> memref<625x16xf32, #tpu.memory_space<hbm>>
      tpu.wait_dma2 semaphore(%arg12 : memref<!tpu.dma_semaphore, #tpu.memory_space<semaphore_mem>>) src(%dma_wait3A_445 : memref<625x16xf32, #tpu.memory_space<hbm>>) dst(%dma_wait3A_442 : memref<625x16xf32, #tpu.memory_space<vmem>>)
      %mul3A_446 = arith.constant 625 : i32
      %mul3A_447 = arith.muli %add3A_194, %mul3A_446 : i32
      %add3A_448 = arith.addi %mul3A_6, %mul3A_447 : i32
      %dma_start3A_449 = arith.constant 1 : i32
      %dma_start3A_450 = arith.constant 0 : i32
      %dma_start3A_451 = arith.constant 0 : i32
      %dma_start3A_452 = tpu.memref_slice %arg9[%dma_start3A_449, %dma_start3A_450, %dma_start3A_451] : memref<2x625x32xf32, #tpu.memory_space<vmem>> -> memref<1x625x32xf32, #tpu.memory_space<vmem>>
      %dma_start3A_453 = tpu.memref_squeeze %dma_start3A_452 : memref<1x625x32xf32, #tpu.memory_space<vmem>> -> memref<625x32xf32, #tpu.memory_space<vmem>>
      %dma_start3A_454 = arith.constant 0 : i32
      %dma_start3A_455 = tpu.memref_slice %arg6[%add3A_448, %dma_start3A_454] : memref<80000x128xf32, #tpu.memory_space<hbm>> -> memref<625x32xf32, #tpu.memory_space<hbm>>
      %dma_start3A_456 = arith.constant 0 : i32
      %dma_start3A_457 = tpu.memref_slice %arg6[%add3A_448, %dma_start3A_456] : memref<80000x128xf32, #tpu.memory_space<hbm>> -> memref<625x32xf32, #tpu.memory_space<hbm>>
      %dma_start3A_458 = arith.constant 0 : i32
      %dma_start3A_459 = arith.constant 0 : i32
      %dma_start3A_460 = tpu.memref_slice %arg9[%dma_start3A_449, %dma_start3A_458, %dma_start3A_459] : memref<2x625x32xf32, #tpu.memory_space<vmem>> -> memref<1x625x32xf32, #tpu.memory_space<vmem>>
      %dma_start3A_461 = tpu.memref_squeeze %dma_start3A_460 : memref<1x625x32xf32, #tpu.memory_space<vmem>> -> memref<625x32xf32, #tpu.memory_space<vmem>>
      tpu.enqueue_dma source(%dma_start3A_461 : memref<625x32xf32, #tpu.memory_space<vmem>>) target(%dma_start3A_457 : memref<625x32xf32, #tpu.memory_space<hbm>>) target_semaphore(%arg14 : memref<!tpu.dma_semaphore, #tpu.memory_space<semaphore_mem>>)
      %dma_start3A_462 = arith.constant 1 : i32
      %dma_start3A_463 = arith.constant 0 : i32
      %dma_start3A_464 = arith.constant 0 : i32
      %dma_start3A_465 = tpu.memref_slice %arg10[%dma_start3A_462, %dma_start3A_463, %dma_start3A_464] : memref<2x625x16xf32, #tpu.memory_space<vmem>> -> memref<1x625x16xf32, #tpu.memory_space<vmem>>
      %dma_start3A_466 = tpu.memref_squeeze %dma_start3A_465 : memref<1x625x16xf32, #tpu.memory_space<vmem>> -> memref<625x16xf32, #tpu.memory_space<vmem>>
      %dma_start3A_467 = arith.constant 32 : i32
      %dma_start3A_468 = tpu.memref_slice %arg6[%add3A_448, %dma_start3A_467] : memref<80000x128xf32, #tpu.memory_space<hbm>> -> memref<625x16xf32, #tpu.memory_space<hbm>>
      %dma_start3A_469 = arith.constant 32 : i32
      %dma_start3A_470 = tpu.memref_slice %arg6[%add3A_448, %dma_start3A_469] : memref<80000x128xf32, #tpu.memory_space<hbm>> -> memref<625x16xf32, #tpu.memory_space<hbm>>
      %dma_start3A_471 = arith.constant 0 : i32
      %dma_start3A_472 = arith.constant 0 : i32
      %dma_start3A_473 = tpu.memref_slice %arg10[%dma_start3A_462, %dma_start3A_471, %dma_start3A_472] : memref<2x625x16xf32, #tpu.memory_space<vmem>> -> memref<1x625x16xf32, #tpu.memory_space<vmem>>
      %dma_start3A_474 = tpu.memref_squeeze %dma_start3A_473 : memref<1x625x16xf32, #tpu.memory_space<vmem>> -> memref<625x16xf32, #tpu.memory_space<vmem>>
      tpu.enqueue_dma source(%dma_start3A_474 : memref<625x16xf32, #tpu.memory_space<vmem>>) target(%dma_start3A_470 : memref<625x16xf32, #tpu.memory_space<hbm>>) target_semaphore(%arg14 : memref<!tpu.dma_semaphore, #tpu.memory_space<semaphore_mem>>)
      %dma_wait3A_475 = arith.constant 0 : i32
      %dma_wait3A_476 = arith.constant 0 : i32
      %dma_wait3A_477 = arith.constant 0 : i32
      %dma_wait3A_478 = tpu.memref_slice %arg9[%dma_wait3A_475, %dma_wait3A_476, %dma_wait3A_477] : memref<2x625x32xf32, #tpu.memory_space<vmem>> -> memref<1x625x32xf32, #tpu.memory_space<vmem>>
      %dma_wait3A_479 = tpu.memref_squeeze %dma_wait3A_478 : memref<1x625x32xf32, #tpu.memory_space<vmem>> -> memref<625x32xf32, #tpu.memory_space<vmem>>
      %dma_wait3A_480 = arith.constant 0 : i32
      %dma_wait3A_481 = arith.constant 0 : i32
      %dma_wait3A_482 = tpu.memref_slice %arg6[%dma_wait3A_480, %dma_wait3A_481] : memref<80000x128xf32, #tpu.memory_space<hbm>> -> memref<625x32xf32, #tpu.memory_space<hbm>>
      %dma_wait3A_483 = arith.constant 0 : i32
      %dma_wait3A_484 = arith.constant 0 : i32
      %dma_wait3A_485 = tpu.memref_slice %arg6[%dma_wait3A_483, %dma_wait3A_484] : memref<80000x128xf32, #tpu.memory_space<hbm>> -> memref<625x32xf32, #tpu.memory_space<hbm>>
      %dma_wait3A_486 = arith.constant 0 : i32
      %dma_wait3A_487 = arith.constant 0 : i32
      %dma_wait3A_488 = tpu.memref_slice %arg9[%dma_wait3A_475, %dma_wait3A_486, %dma_wait3A_487] : memref<2x625x32xf32, #tpu.memory_space<vmem>> -> memref<1x625x32xf32, #tpu.memory_space<vmem>>
      %dma_wait3A_489 = tpu.memref_squeeze %dma_wait3A_488 : memref<1x625x32xf32, #tpu.memory_space<vmem>> -> memref<625x32xf32, #tpu.memory_space<vmem>>
      tpu.wait_dma2 semaphore(%arg13 : memref<!tpu.dma_semaphore, #tpu.memory_space<semaphore_mem>>) src(%dma_wait3A_489 : memref<625x32xf32, #tpu.memory_space<vmem>>) dst(%dma_wait3A_485 : memref<625x32xf32, #tpu.memory_space<hbm>>)
      %dma_wait3A_490 = arith.constant 0 : i32
      %dma_wait3A_491 = arith.constant 0 : i32
      %dma_wait3A_492 = arith.constant 0 : i32
      %dma_wait3A_493 = tpu.memref_slice %arg10[%dma_wait3A_490, %dma_wait3A_491, %dma_wait3A_492] : memref<2x625x16xf32, #tpu.memory_space<vmem>> -> memref<1x625x16xf32, #tpu.memory_space<vmem>>
      %dma_wait3A_494 = tpu.memref_squeeze %dma_wait3A_493 : memref<1x625x16xf32, #tpu.memory_space<vmem>> -> memref<625x16xf32, #tpu.memory_space<vmem>>
      %dma_wait3A_495 = arith.constant 0 : i32
      %dma_wait3A_496 = arith.constant 32 : i32
      %dma_wait3A_497 = tpu.memref_slice %arg6[%dma_wait3A_495, %dma_wait3A_496] : memref<80000x128xf32, #tpu.memory_space<hbm>> -> memref<625x16xf32, #tpu.memory_space<hbm>>
      %dma_wait3A_498 = arith.constant 0 : i32
      %dma_wait3A_499 = arith.constant 32 : i32
      %dma_wait3A_500 = tpu.memref_slice %arg6[%dma_wait3A_498, %dma_wait3A_499] : memref<80000x128xf32, #tpu.memory_space<hbm>> -> memref<625x16xf32, #tpu.memory_space<hbm>>
      %dma_wait3A_501 = arith.constant 0 : i32
      %dma_wait3A_502 = arith.constant 0 : i32
      %dma_wait3A_503 = tpu.memref_slice %arg10[%dma_wait3A_490, %dma_wait3A_501, %dma_wait3A_502] : memref<2x625x16xf32, #tpu.memory_space<vmem>> -> memref<1x625x16xf32, #tpu.memory_space<vmem>>
      %dma_wait3A_504 = tpu.memref_squeeze %dma_wait3A_503 : memref<1x625x16xf32, #tpu.memory_space<vmem>> -> memref<625x16xf32, #tpu.memory_space<vmem>>
      tpu.wait_dma2 semaphore(%arg13 : memref<!tpu.dma_semaphore, #tpu.memory_space<semaphore_mem>>) src(%dma_wait3A_504 : memref<625x16xf32, #tpu.memory_space<vmem>>) dst(%dma_wait3A_500 : memref<625x16xf32, #tpu.memory_space<hbm>>)
      %lt3A = arith.constant 1 : i32
      %lt3A_505 = arith.cmpi slt, %scan3A_190, %lt3A : i32
      %convert_element_type3A_506 = arith.extui %lt3A_505 : i1 to i32
      %cond3A_507 = arith.constant 0 : i32
      %cond3A_508 = arith.cmpi ne, %convert_element_type3A_506, %cond3A_507 : i32
      scf.if %cond3A_508 {
        %add3A_509 = arith.constant 2 : i32
        %add3A_510 = arith.addi %mul3A_192, %add3A_509 : i32
        %mul3A_511 = arith.constant 5 : i32
        %mul3A_512 = arith.muli %add3A_510, %mul3A_511 : i32
        %add3A_513 = arith.constant 0 : i32
        %add3A_514 = arith.addi %mul3A_512, %add3A_513 : i32
        %dma_start3A_515 = arith.constant 0 : i32
        %dma_start3A_516 = arith.constant 0 : i32
        %dma_start3A_517 = arith.constant 0 : i32
        %dma_start3A_518 = tpu.memref_slice %arg9[%dma_start3A_515, %dma_start3A_516, %dma_start3A_517] : memref<2x625x32xf32, #tpu.memory_space<vmem>> -> memref<1x625x32xf32, #tpu.memory_space<vmem>>
        %dma_start3A_519 = tpu.memref_squeeze %dma_start3A_518 : memref<1x625x32xf32, #tpu.memory_space<vmem>> -> memref<625x32xf32, #tpu.memory_space<vmem>>
        %dma_start3A_520 = arith.constant 0 : i32
        %dma_start3A_521 = arith.constant 0 : i32
        %dma_start3A_522 = tpu.memref_slice %dma_start3A_519[%dma_start3A_520, %dma_start3A_521] : memref<625x32xf32, #tpu.memory_space<vmem>> -> memref<125x32xf32, #tpu.memory_space<vmem>>
        %dma_start3A_523 = arith.constant 0 : i32
        %dma_start3A_524 = tpu.memref_slice %arg7[%add3A_514, %dma_start3A_523] : memref<20x125xi32, #tpu.memory_space<vmem>> -> memref<1x125xi32, #tpu.memory_space<vmem>>
        %dma_start3A_525 = tpu.memref_squeeze %dma_start3A_524 : memref<1x125xi32, #tpu.memory_space<vmem>> -> memref<125xi32, #tpu.memory_space<vmem>>
        %dma_start3A_526 = arith.constant 0 : i32
        %dma_start3A_527 = arith.constant 0 : i32
        %dma_start3A_528 = tpu.memref_slice %arg2[%dma_start3A_526, %dma_start3A_527] : memref<10000x32xf32, #tpu.memory_space<hbm>> -> memref<10000x32xf32, #tpu.memory_space<hbm>>
        tpu.enqueue_indirect_dma source(%dma_start3A_528 : memref<10000x32xf32, #tpu.memory_space<hbm>>) target(%dma_start3A_522 : memref<125x32xf32, #tpu.memory_space<vmem>>) offsets(%dma_start3A_525 : memref<125xi32, #tpu.memory_space<vmem>>) semaphore(%arg11 : memref<!tpu.dma_semaphore, #tpu.memory_space<semaphore_mem>>)
        %dma_start3A_529 = arith.constant 0 : i32
        %dma_start3A_530 = arith.constant 0 : i32
        %dma_start3A_531 = arith.constant 0 : i32
        %dma_start3A_532 = tpu.memref_slice %arg10[%dma_start3A_529, %dma_start3A_530, %dma_start3A_531] : memref<2x625x16xf32, #tpu.memory_space<vmem>> -> memref<1x625x16xf32, #tpu.memory_space<vmem>>
        %dma_start3A_533 = tpu.memref_squeeze %dma_start3A_532 : memref<1x625x16xf32, #tpu.memory_space<vmem>> -> memref<625x16xf32, #tpu.memory_space<vmem>>
        %dma_start3A_534 = arith.constant 0 : i32
        %dma_start3A_535 = arith.constant 0 : i32
        %dma_start3A_536 = tpu.memref_slice %dma_start3A_533[%dma_start3A_534, %dma_start3A_535] : memref<625x16xf32, #tpu.memory_space<vmem>> -> memref<125x16xf32, #tpu.memory_space<vmem>>
        %dma_start3A_537 = arith.constant 0 : i32
        %dma_start3A_538 = tpu.memref_slice %arg8[%add3A_514, %dma_start3A_537] : memref<20x125xi32, #tpu.memory_space<vmem>> -> memref<1x125xi32, #tpu.memory_space<vmem>>
        %dma_start3A_539 = tpu.memref_squeeze %dma_start3A_538 : memref<1x125xi32, #tpu.memory_space<vmem>> -> memref<125xi32, #tpu.memory_space<vmem>>
        %dma_start3A_540 = arith.constant 0 : i32
        %dma_start3A_541 = arith.constant 0 : i32
        %dma_start3A_542 = tpu.memref_slice %arg3[%dma_start3A_540, %dma_start3A_541] : memref<10000x16xf32, #tpu.memory_space<hbm>> -> memref<10000x16xf32, #tpu.memory_space<hbm>>
        tpu.enqueue_indirect_dma source(%dma_start3A_542 : memref<10000x16xf32, #tpu.memory_space<hbm>>) target(%dma_start3A_536 : memref<125x16xf32, #tpu.memory_space<vmem>>) offsets(%dma_start3A_539 : memref<125xi32, #tpu.memory_space<vmem>>) semaphore(%arg11 : memref<!tpu.dma_semaphore, #tpu.memory_space<semaphore_mem>>)
        %mul3A_543 = arith.constant 5 : i32
        %mul3A_544 = arith.muli %add3A_510, %mul3A_543 : i32
        %add3A_545 = arith.constant 1 : i32
        %add3A_546 = arith.addi %mul3A_544, %add3A_545 : i32
        %dma_start3A_547 = arith.constant 0 : i32
        %dma_start3A_548 = arith.constant 0 : i32
        %dma_start3A_549 = arith.constant 0 : i32
        %dma_start3A_550 = tpu.memref_slice %arg9[%dma_start3A_547, %dma_start3A_548, %dma_start3A_549] : memref<2x625x32xf32, #tpu.memory_space<vmem>> -> memref<1x625x32xf32, #tpu.memory_space<vmem>>
        %dma_start3A_551 = tpu.memref_squeeze %dma_start3A_550 : memref<1x625x32xf32, #tpu.memory_space<vmem>> -> memref<625x32xf32, #tpu.memory_space<vmem>>
        %dma_start3A_552 = arith.constant 125 : i32
        %dma_start3A_553 = arith.constant 0 : i32
        %dma_start3A_554 = tpu.memref_slice %dma_start3A_551[%dma_start3A_552, %dma_start3A_553] : memref<625x32xf32, #tpu.memory_space<vmem>> -> memref<125x32xf32, #tpu.memory_space<vmem>>
        %dma_start3A_555 = arith.constant 0 : i32
        %dma_start3A_556 = tpu.memref_slice %arg7[%add3A_546, %dma_start3A_555] : memref<20x125xi32, #tpu.memory_space<vmem>> -> memref<1x125xi32, #tpu.memory_space<vmem>>
        %dma_start3A_557 = tpu.memref_squeeze %dma_start3A_556 : memref<1x125xi32, #tpu.memory_space<vmem>> -> memref<125xi32, #tpu.memory_space<vmem>>
        %dma_start3A_558 = arith.constant 0 : i32
        %dma_start3A_559 = arith.constant 0 : i32
        %dma_start3A_560 = tpu.memref_slice %arg2[%dma_start3A_558, %dma_start3A_559] : memref<10000x32xf32, #tpu.memory_space<hbm>> -> memref<10000x32xf32, #tpu.memory_space<hbm>>
        tpu.enqueue_indirect_dma source(%dma_start3A_560 : memref<10000x32xf32, #tpu.memory_space<hbm>>) target(%dma_start3A_554 : memref<125x32xf32, #tpu.memory_space<vmem>>) offsets(%dma_start3A_557 : memref<125xi32, #tpu.memory_space<vmem>>) semaphore(%arg11 : memref<!tpu.dma_semaphore, #tpu.memory_space<semaphore_mem>>)
        %dma_start3A_561 = arith.constant 0 : i32
        %dma_start3A_562 = arith.constant 0 : i32
        %dma_start3A_563 = arith.constant 0 : i32
        %dma_start3A_564 = tpu.memref_slice %arg10[%dma_start3A_561, %dma_start3A_562, %dma_start3A_563] : memref<2x625x16xf32, #tpu.memory_space<vmem>> -> memref<1x625x16xf32, #tpu.memory_space<vmem>>
        %dma_start3A_565 = tpu.memref_squeeze %dma_start3A_564 : memref<1x625x16xf32, #tpu.memory_space<vmem>> -> memref<625x16xf32, #tpu.memory_space<vmem>>
        %dma_start3A_566 = arith.constant 125 : i32
        %dma_start3A_567 = arith.constant 0 : i32
        %dma_start3A_568 = tpu.memref_slice %dma_start3A_565[%dma_start3A_566, %dma_start3A_567] : memref<625x16xf32, #tpu.memory_space<vmem>> -> memref<125x16xf32, #tpu.memory_space<vmem>>
        %dma_start3A_569 = arith.constant 0 : i32
        %dma_start3A_570 = tpu.memref_slice %arg8[%add3A_546, %dma_start3A_569] : memref<20x125xi32, #tpu.memory_space<vmem>> -> memref<1x125xi32, #tpu.memory_space<vmem>>
        %dma_start3A_571 = tpu.memref_squeeze %dma_start3A_570 : memref<1x125xi32, #tpu.memory_space<vmem>> -> memref<125xi32, #tpu.memory_space<vmem>>
        %dma_start3A_572 = arith.constant 0 : i32
        %dma_start3A_573 = arith.constant 0 : i32
        %dma_start3A_574 = tpu.memref_slice %arg3[%dma_start3A_572, %dma_start3A_573] : memref<10000x16xf32, #tpu.memory_space<hbm>> -> memref<10000x16xf32, #tpu.memory_space<hbm>>
        tpu.enqueue_indirect_dma source(%dma_start3A_574 : memref<10000x16xf32, #tpu.memory_space<hbm>>) target(%dma_start3A_568 : memref<125x16xf32, #tpu.memory_space<vmem>>) offsets(%dma_start3A_571 : memref<125xi32, #tpu.memory_space<vmem>>) semaphore(%arg11 : memref<!tpu.dma_semaphore, #tpu.memory_space<semaphore_mem>>)
        %mul3A_575 = arith.constant 5 : i32
        %mul3A_576 = arith.muli %add3A_510, %mul3A_575 : i32
        %add3A_577 = arith.constant 2 : i32
        %add3A_578 = arith.addi %mul3A_576, %add3A_577 : i32
        %dma_start3A_579 = arith.constant 0 : i32
        %dma_start3A_580 = arith.constant 0 : i32
        %dma_start3A_581 = arith.constant 0 : i32
        %dma_start3A_582 = tpu.memref_slice %arg9[%dma_start3A_579, %dma_start3A_580, %dma_start3A_581] : memref<2x625x32xf32, #tpu.memory_space<vmem>> -> memref<1x625x32xf32, #tpu.memory_space<vmem>>
        %dma_start3A_583 = tpu.memref_squeeze %dma_start3A_582 : memref<1x625x32xf32, #tpu.memory_space<vmem>> -> memref<625x32xf32, #tpu.memory_space<vmem>>
        %dma_start3A_584 = arith.constant 250 : i32
        %dma_start3A_585 = arith.constant 0 : i32
        %dma_start3A_586 = tpu.memref_slice %dma_start3A_583[%dma_start3A_584, %dma_start3A_585] : memref<625x32xf32, #tpu.memory_space<vmem>> -> memref<125x32xf32, #tpu.memory_space<vmem>>
        %dma_start3A_587 = arith.constant 0 : i32
        %dma_start3A_588 = tpu.memref_slice %arg7[%add3A_578, %dma_start3A_587] : memref<20x125xi32, #tpu.memory_space<vmem>> -> memref<1x125xi32, #tpu.memory_space<vmem>>
        %dma_start3A_589 = tpu.memref_squeeze %dma_start3A_588 : memref<1x125xi32, #tpu.memory_space<vmem>> -> memref<125xi32, #tpu.memory_space<vmem>>
        %dma_start3A_590 = arith.constant 0 : i32
        %dma_start3A_591 = arith.constant 0 : i32
        %dma_start3A_592 = tpu.memref_slice %arg2[%dma_start3A_590, %dma_start3A_591] : memref<10000x32xf32, #tpu.memory_space<hbm>> -> memref<10000x32xf32, #tpu.memory_space<hbm>>
        tpu.enqueue_indirect_dma source(%dma_start3A_592 : memref<10000x32xf32, #tpu.memory_space<hbm>>) target(%dma_start3A_586 : memref<125x32xf32, #tpu.memory_space<vmem>>) offsets(%dma_start3A_589 : memref<125xi32, #tpu.memory_space<vmem>>) semaphore(%arg11 : memref<!tpu.dma_semaphore, #tpu.memory_space<semaphore_mem>>)
        %dma_start3A_593 = arith.constant 0 : i32
        %dma_start3A_594 = arith.constant 0 : i32
        %dma_start3A_595 = arith.constant 0 : i32
        %dma_start3A_596 = tpu.memref_slice %arg10[%dma_start3A_593, %dma_start3A_594, %dma_start3A_595] : memref<2x625x16xf32, #tpu.memory_space<vmem>> -> memref<1x625x16xf32, #tpu.memory_space<vmem>>
        %dma_start3A_597 = tpu.memref_squeeze %dma_start3A_596 : memref<1x625x16xf32, #tpu.memory_space<vmem>> -> memref<625x16xf32, #tpu.memory_space<vmem>>
        %dma_start3A_598 = arith.constant 250 : i32
        %dma_start3A_599 = arith.constant 0 : i32
        %dma_start3A_600 = tpu.memref_slice %dma_start3A_597[%dma_start3A_598, %dma_start3A_599] : memref<625x16xf32, #tpu.memory_space<vmem>> -> memref<125x16xf32, #tpu.memory_space<vmem>>
        %dma_start3A_601 = arith.constant 0 : i32
        %dma_start3A_602 = tpu.memref_slice %arg8[%add3A_578, %dma_start3A_601] : memref<20x125xi32, #tpu.memory_space<vmem>> -> memref<1x125xi32, #tpu.memory_space<vmem>>
        %dma_start3A_603 = tpu.memref_squeeze %dma_start3A_602 : memref<1x125xi32, #tpu.memory_space<vmem>> -> memref<125xi32, #tpu.memory_space<vmem>>
        %dma_start3A_604 = arith.constant 0 : i32
        %dma_start3A_605 = arith.constant 0 : i32
        %dma_start3A_606 = tpu.memref_slice %arg3[%dma_start3A_604, %dma_start3A_605] : memref<10000x16xf32, #tpu.memory_space<hbm>> -> memref<10000x16xf32, #tpu.memory_space<hbm>>
        tpu.enqueue_indirect_dma source(%dma_start3A_606 : memref<10000x16xf32, #tpu.memory_space<hbm>>) target(%dma_start3A_600 : memref<125x16xf32, #tpu.memory_space<vmem>>) offsets(%dma_start3A_603 : memref<125xi32, #tpu.memory_space<vmem>>) semaphore(%arg11 : memref<!tpu.dma_semaphore, #tpu.memory_space<semaphore_mem>>)
        %mul3A_607 = arith.constant 5 : i32
        %mul3A_608 = arith.muli %add3A_510, %mul3A_607 : i32
        %add3A_609 = arith.constant 3 : i32
        %add3A_610 = arith.addi %mul3A_608, %add3A_609 : i32
        %dma_start3A_611 = arith.constant 0 : i32
        %dma_start3A_612 = arith.constant 0 : i32
        %dma_start3A_613 = arith.constant 0 : i32
        %dma_start3A_614 = tpu.memref_slice %arg9[%dma_start3A_611, %dma_start3A_612, %dma_start3A_613] : memref<2x625x32xf32, #tpu.memory_space<vmem>> -> memref<1x625x32xf32, #tpu.memory_space<vmem>>
        %dma_start3A_615 = tpu.memref_squeeze %dma_start3A_614 : memref<1x625x32xf32, #tpu.memory_space<vmem>> -> memref<625x32xf32, #tpu.memory_space<vmem>>
        %dma_start3A_616 = arith.constant 375 : i32
        %dma_start3A_617 = arith.constant 0 : i32
        %dma_start3A_618 = tpu.memref_slice %dma_start3A_615[%dma_start3A_616, %dma_start3A_617] : memref<625x32xf32, #tpu.memory_space<vmem>> -> memref<125x32xf32, #tpu.memory_space<vmem>>
        %dma_start3A_619 = arith.constant 0 : i32
        %dma_start3A_620 = tpu.memref_slice %arg7[%add3A_610, %dma_start3A_619] : memref<20x125xi32, #tpu.memory_space<vmem>> -> memref<1x125xi32, #tpu.memory_space<vmem>>
        %dma_start3A_621 = tpu.memref_squeeze %dma_start3A_620 : memref<1x125xi32, #tpu.memory_space<vmem>> -> memref<125xi32, #tpu.memory_space<vmem>>
        %dma_start3A_622 = arith.constant 0 : i32
        %dma_start3A_623 = arith.constant 0 : i32
        %dma_start3A_624 = tpu.memref_slice %arg2[%dma_start3A_622, %dma_start3A_623] : memref<10000x32xf32, #tpu.memory_space<hbm>> -> memref<10000x32xf32, #tpu.memory_space<hbm>>
        tpu.enqueue_indirect_dma source(%dma_start3A_624 : memref<10000x32xf32, #tpu.memory_space<hbm>>) target(%dma_start3A_618 : memref<125x32xf32, #tpu.memory_space<vmem>>) offsets(%dma_start3A_621 : memref<125xi32, #tpu.memory_space<vmem>>) semaphore(%arg11 : memref<!tpu.dma_semaphore, #tpu.memory_space<semaphore_mem>>)
        %dma_start3A_625 = arith.constant 0 : i32
        %dma_start3A_626 = arith.constant 0 : i32
        %dma_start3A_627 = arith.constant 0 : i32
        %dma_start3A_628 = tpu.memref_slice %arg10[%dma_start3A_625, %dma_start3A_626, %dma_start3A_627] : memref<2x625x16xf32, #tpu.memory_space<vmem>> -> memref<1x625x16xf32, #tpu.memory_space<vmem>>
        %dma_start3A_629 = tpu.memref_squeeze %dma_start3A_628 : memref<1x625x16xf32, #tpu.memory_space<vmem>> -> memref<625x16xf32, #tpu.memory_space<vmem>>
        %dma_start3A_630 = arith.constant 375 : i32
        %dma_start3A_631 = arith.constant 0 : i32
        %dma_start3A_632 = tpu.memref_slice %dma_start3A_629[%dma_start3A_630, %dma_start3A_631] : memref<625x16xf32, #tpu.memory_space<vmem>> -> memref<125x16xf32, #tpu.memory_space<vmem>>
        %dma_start3A_633 = arith.constant 0 : i32
        %dma_start3A_634 = tpu.memref_slice %arg8[%add3A_610, %dma_start3A_633] : memref<20x125xi32, #tpu.memory_space<vmem>> -> memref<1x125xi32, #tpu.memory_space<vmem>>
        %dma_start3A_635 = tpu.memref_squeeze %dma_start3A_634 : memref<1x125xi32, #tpu.memory_space<vmem>> -> memref<125xi32, #tpu.memory_space<vmem>>
        %dma_start3A_636 = arith.constant 0 : i32
        %dma_start3A_637 = arith.constant 0 : i32
        %dma_start3A_638 = tpu.memref_slice %arg3[%dma_start3A_636, %dma_start3A_637] : memref<10000x16xf32, #tpu.memory_space<hbm>> -> memref<10000x16xf32, #tpu.memory_space<hbm>>
        tpu.enqueue_indirect_dma source(%dma_start3A_638 : memref<10000x16xf32, #tpu.memory_space<hbm>>) target(%dma_start3A_632 : memref<125x16xf32, #tpu.memory_space<vmem>>) offsets(%dma_start3A_635 : memref<125xi32, #tpu.memory_space<vmem>>) semaphore(%arg11 : memref<!tpu.dma_semaphore, #tpu.memory_space<semaphore_mem>>)
        %mul3A_639 = arith.constant 5 : i32
        %mul3A_640 = arith.muli %add3A_510, %mul3A_639 : i32
        %add3A_641 = arith.constant 4 : i32
        %add3A_642 = arith.addi %mul3A_640, %add3A_641 : i32
        %dma_start3A_643 = arith.constant 0 : i32
        %dma_start3A_644 = arith.constant 0 : i32
        %dma_start3A_645 = arith.constant 0 : i32
        %dma_start3A_646 = tpu.memref_slice %arg9[%dma_start3A_643, %dma_start3A_644, %dma_start3A_645] : memref<2x625x32xf32, #tpu.memory_space<vmem>> -> memref<1x625x32xf32, #tpu.memory_space<vmem>>
        %dma_start3A_647 = tpu.memref_squeeze %dma_start3A_646 : memref<1x625x32xf32, #tpu.memory_space<vmem>> -> memref<625x32xf32, #tpu.memory_space<vmem>>
        %dma_start3A_648 = arith.constant 500 : i32
        %dma_start3A_649 = arith.constant 0 : i32
        %dma_start3A_650 = tpu.memref_slice %dma_start3A_647[%dma_start3A_648, %dma_start3A_649] : memref<625x32xf32, #tpu.memory_space<vmem>> -> memref<125x32xf32, #tpu.memory_space<vmem>>
        %dma_start3A_651 = arith.constant 0 : i32
        %dma_start3A_652 = tpu.memref_slice %arg7[%add3A_642, %dma_start3A_651] : memref<20x125xi32, #tpu.memory_space<vmem>> -> memref<1x125xi32, #tpu.memory_space<vmem>>
        %dma_start3A_653 = tpu.memref_squeeze %dma_start3A_652 : memref<1x125xi32, #tpu.memory_space<vmem>> -> memref<125xi32, #tpu.memory_space<vmem>>
        %dma_start3A_654 = arith.constant 0 : i32
        %dma_start3A_655 = arith.constant 0 : i32
        %dma_start3A_656 = tpu.memref_slice %arg2[%dma_start3A_654, %dma_start3A_655] : memref<10000x32xf32, #tpu.memory_space<hbm>> -> memref<10000x32xf32, #tpu.memory_space<hbm>>
        tpu.enqueue_indirect_dma source(%dma_start3A_656 : memref<10000x32xf32, #tpu.memory_space<hbm>>) target(%dma_start3A_650 : memref<125x32xf32, #tpu.memory_space<vmem>>) offsets(%dma_start3A_653 : memref<125xi32, #tpu.memory_space<vmem>>) semaphore(%arg11 : memref<!tpu.dma_semaphore, #tpu.memory_space<semaphore_mem>>)
        %dma_start3A_657 = arith.constant 0 : i32
        %dma_start3A_658 = arith.constant 0 : i32
        %dma_start3A_659 = arith.constant 0 : i32
        %dma_start3A_660 = tpu.memref_slice %arg10[%dma_start3A_657, %dma_start3A_658, %dma_start3A_659] : memref<2x625x16xf32, #tpu.memory_space<vmem>> -> memref<1x625x16xf32, #tpu.memory_space<vmem>>
        %dma_start3A_661 = tpu.memref_squeeze %dma_start3A_660 : memref<1x625x16xf32, #tpu.memory_space<vmem>> -> memref<625x16xf32, #tpu.memory_space<vmem>>
        %dma_start3A_662 = arith.constant 500 : i32
        %dma_start3A_663 = arith.constant 0 : i32
        %dma_start3A_664 = tpu.memref_slice %dma_start3A_661[%dma_start3A_662, %dma_start3A_663] : memref<625x16xf32, #tpu.memory_space<vmem>> -> memref<125x16xf32, #tpu.memory_space<vmem>>
        %dma_start3A_665 = arith.constant 0 : i32
        %dma_start3A_666 = tpu.memref_slice %arg8[%add3A_642, %dma_start3A_665] : memref<20x125xi32, #tpu.memory_space<vmem>> -> memref<1x125xi32, #tpu.memory_space<vmem>>
        %dma_start3A_667 = tpu.memref_squeeze %dma_start3A_666 : memref<1x125xi32, #tpu.memory_space<vmem>> -> memref<125xi32, #tpu.memory_space<vmem>>
        %dma_start3A_668 = arith.constant 0 : i32
        %dma_start3A_669 = arith.constant 0 : i32
        %dma_start3A_670 = tpu.memref_slice %arg3[%dma_start3A_668, %dma_start3A_669] : memref<10000x16xf32, #tpu.memory_space<hbm>> -> memref<10000x16xf32, #tpu.memory_space<hbm>>
        tpu.enqueue_indirect_dma source(%dma_start3A_670 : memref<10000x16xf32, #tpu.memory_space<hbm>>) target(%dma_start3A_664 : memref<125x16xf32, #tpu.memory_space<vmem>>) offsets(%dma_start3A_667 : memref<125xi32, #tpu.memory_space<vmem>>) semaphore(%arg11 : memref<!tpu.dma_semaphore, #tpu.memory_space<semaphore_mem>>)
      } else {
      }
    }
    %scan3A_160 = arith.constant 2 : i32
    %dma_wait3A = arith.constant 1 : i32
    %dma_wait3A_161 = arith.constant 0 : i32
    %dma_wait3A_162 = arith.constant 0 : i32
    %dma_wait3A_163 = tpu.memref_slice %arg9[%dma_wait3A, %dma_wait3A_161, %dma_wait3A_162] : memref<2x625x32xf32, #tpu.memory_space<vmem>> -> memref<1x625x32xf32, #tpu.memory_space<vmem>>
    %dma_wait3A_164 = tpu.memref_squeeze %dma_wait3A_163 : memref<1x625x32xf32, #tpu.memory_space<vmem>> -> memref<625x32xf32, #tpu.memory_space<vmem>>
    %dma_wait3A_165 = arith.constant 0 : i32
    %dma_wait3A_166 = arith.constant 0 : i32
    %dma_wait3A_167 = tpu.memref_slice %arg6[%dma_wait3A_165, %dma_wait3A_166] : memref<80000x128xf32, #tpu.memory_space<hbm>> -> memref<625x32xf32, #tpu.memory_space<hbm>>
    %dma_wait3A_168 = arith.constant 0 : i32
    %dma_wait3A_169 = arith.constant 0 : i32
    %dma_wait3A_170 = tpu.memref_slice %arg6[%dma_wait3A_168, %dma_wait3A_169] : memref<80000x128xf32, #tpu.memory_space<hbm>> -> memref<625x32xf32, #tpu.memory_space<hbm>>
    %dma_wait3A_171 = arith.constant 0 : i32
    %dma_wait3A_172 = arith.constant 0 : i32
    %dma_wait3A_173 = tpu.memref_slice %arg9[%dma_wait3A, %dma_wait3A_171, %dma_wait3A_172] : memref<2x625x32xf32, #tpu.memory_space<vmem>> -> memref<1x625x32xf32, #tpu.memory_space<vmem>>
    %dma_wait3A_174 = tpu.memref_squeeze %dma_wait3A_173 : memref<1x625x32xf32, #tpu.memory_space<vmem>> -> memref<625x32xf32, #tpu.memory_space<vmem>>
    tpu.wait_dma2 semaphore(%arg14 : memref<!tpu.dma_semaphore, #tpu.memory_space<semaphore_mem>>) src(%dma_wait3A_174 : memref<625x32xf32, #tpu.memory_space<vmem>>) dst(%dma_wait3A_170 : memref<625x32xf32, #tpu.memory_space<hbm>>)
    %dma_wait3A_175 = arith.constant 1 : i32
    %dma_wait3A_176 = arith.constant 0 : i32
    %dma_wait3A_177 = arith.constant 0 : i32
    %dma_wait3A_178 = tpu.memref_slice %arg10[%dma_wait3A_175, %dma_wait3A_176, %dma_wait3A_177] : memref<2x625x16xf32, #tpu.memory_space<vmem>> -> memref<1x625x16xf32, #tpu.memory_space<vmem>>
    %dma_wait3A_179 = tpu.memref_squeeze %dma_wait3A_178 : memref<1x625x16xf32, #tpu.memory_space<vmem>> -> memref<625x16xf32, #tpu.memory_space<vmem>>
    %dma_wait3A_180 = arith.constant 0 : i32
    %dma_wait3A_181 = arith.constant 32 : i32
    %dma_wait3A_182 = tpu.memref_slice %arg6[%dma_wait3A_180, %dma_wait3A_181] : memref<80000x128xf32, #tpu.memory_space<hbm>> -> memref<625x16xf32, #tpu.memory_space<hbm>>
    %dma_wait3A_183 = arith.constant 0 : i32
    %dma_wait3A_184 = arith.constant 32 : i32
    %dma_wait3A_185 = tpu.memref_slice %arg6[%dma_wait3A_183, %dma_wait3A_184] : memref<80000x128xf32, #tpu.memory_space<hbm>> -> memref<625x16xf32, #tpu.memory_space<hbm>>
    %dma_wait3A_186 = arith.constant 0 : i32
    %dma_wait3A_187 = arith.constant 0 : i32
    %dma_wait3A_188 = tpu.memref_slice %arg10[%dma_wait3A_175, %dma_wait3A_186, %dma_wait3A_187] : memref<2x625x16xf32, #tpu.memory_space<vmem>> -> memref<1x625x16xf32, #tpu.memory_space<vmem>>
    %dma_wait3A_189 = tpu.memref_squeeze %dma_wait3A_188 : memref<1x625x16xf32, #tpu.memory_space<vmem>> -> memref<625x16xf32, #tpu.memory_space<vmem>>
    tpu.wait_dma2 semaphore(%arg14 : memref<!tpu.dma_semaphore, #tpu.memory_space<semaphore_mem>>) src(%dma_wait3A_189 : memref<625x16xf32, #tpu.memory_space<vmem>>) dst(%dma_wait3A_185 : memref<625x16xf32, #tpu.memory_space<hbm>>)
    return
  }
}

#map = affine_map<(d0, d1) -> (0, 0)>
module attributes {stable_mosaic.version = 14 : i64} {
  func.func @gather_half0(%arg0: i32, %arg1: i32, %arg2: memref<10000x32xf32, #tpu.memory_space<hbm>>, %arg3: memref<10000x16xf32, #tpu.memory_space<hbm>>, %arg4: memref<1280x125xi32, #tpu.memory_space<hbm>>, %arg5: memref<1280x125xi32, #tpu.memory_space<hbm>>, %arg6: memref<80000x128xf32, #tpu.memory_space<hbm>>, %arg7: memref<20x125xi32, #tpu.memory_space<vmem>>, %arg8: memref<20x125xi32, #tpu.memory_space<vmem>>, %arg9: memref<2x625x32xf32, #tpu.memory_space<vmem>>, %arg10: memref<2x625x16xf32, #tpu.memory_space<vmem>>, %arg11: memref<!tpu.dma_semaphore, #tpu.memory_space<semaphore_mem>>, %arg12: memref<!tpu.dma_semaphore, #tpu.memory_space<semaphore_mem>>, %arg13: memref<!tpu.dma_semaphore, #tpu.memory_space<semaphore_mem>>, %arg14: memref<!tpu.dma_semaphore, #tpu.memory_space<semaphore_mem>>) attributes {dimension_semantics = [#tpu.dimension_semantics<core_parallel>, #tpu.dimension_semantics<subcore_parallel>], iteration_bounds = array<i64: 2, 16>, scalar_prefetch = 0 : i64, scratch_operands = 8 : i64, tpu.core_type = #tpu.core_type<sc_vector_subcore>, window_params = [{transform_indices = #map}, {transform_indices = #map}, {transform_indices = #map}, {transform_indices = #map}, {transform_indices = #map}]} {
    %mul3A = arith.constant 2 : i32
    %mul3A_0 = arith.muli %arg1, %mul3A : i32
    %add3A = arith.addi %mul3A_0, %arg0 : i32
    %mul3A_1 = arith.constant 20 : i32
    %mul3A_2 = arith.muli %add3A, %mul3A_1 : i32
    %add3A_3 = arith.constant 0 : i32
    %add3A_4 = arith.addi %add3A_3, %mul3A_2 : i32
    %mul3A_5 = arith.constant 2500 : i32
    %mul3A_6 = arith.muli %add3A, %mul3A_5 : i32
    "tpu.region"() ({
      %run_scoped3A = tpu.sem_alloc : memref<!tpu.dma_semaphore, #tpu.memory_space<semaphore_mem>>
      %dma_start3A_190 = arith.constant 0 : i32
      %dma_start3A_191 = tpu.memref_slice %arg4[%add3A_4, %dma_start3A_190] : memref<1280x125xi32, #tpu.memory_space<hbm>> -> memref<20x125xi32, #tpu.memory_space<hbm>>
      %dma_start3A_192 = arith.constant 0 : i32
      %dma_start3A_193 = tpu.memref_slice %arg4[%add3A_4, %dma_start3A_192] : memref<1280x125xi32, #tpu.memory_space<hbm>> -> memref<20x125xi32, #tpu.memory_space<hbm>>
      tpu.enqueue_dma source(%dma_start3A_193 : memref<20x125xi32, #tpu.memory_space<hbm>>) target(%arg7 : memref<20x125xi32, #tpu.memory_space<vmem>>) target_semaphore(%run_scoped3A : memref<!tpu.dma_semaphore, #tpu.memory_space<semaphore_mem>>)
      %dma_wait3A_194 = arith.constant 0 : i32
      %dma_wait3A_195 = tpu.memref_slice %arg4[%add3A_4, %dma_wait3A_194] : memref<1280x125xi32, #tpu.memory_space<hbm>> -> memref<20x125xi32, #tpu.memory_space<hbm>>
      %dma_wait3A_196 = arith.constant 0 : i32
      %dma_wait3A_197 = tpu.memref_slice %arg4[%add3A_4, %dma_wait3A_196] : memref<1280x125xi32, #tpu.memory_space<hbm>> -> memref<20x125xi32, #tpu.memory_space<hbm>>
      tpu.wait_dma2 semaphore(%run_scoped3A : memref<!tpu.dma_semaphore, #tpu.memory_space<semaphore_mem>>) src(%dma_wait3A_197 : memref<20x125xi32, #tpu.memory_space<hbm>>) dst(%arg7 : memref<20x125xi32, #tpu.memory_space<vmem>>)
      tpu.yield
    }) : () -> ()
    "tpu.region"() ({
      %run_scoped3A = tpu.sem_alloc : memref<!tpu.dma_semaphore, #tpu.memory_space<semaphore_mem>>
      %dma_start3A_190 = arith.constant 0 : i32
      %dma_start3A_191 = tpu.memref_slice %arg5[%add3A_4, %dma_start3A_190] : memref<1280x125xi32, #tpu.memory_space<hbm>> -> memref<20x125xi32, #tpu.memory_space<hbm>>
      %dma_start3A_192 = arith.constant 0 : i32
      %dma_start3A_193 = tpu.memref_slice %arg5[%add3A_4, %dma_start3A_192] : memref<1280x125xi32, #tpu.memory_space<hbm>> -> memref<20x125xi32, #tpu.memory_space<hbm>>
      tpu.enqueue_dma source(%dma_start3A_193 : memref<20x125xi32, #tpu.memory_space<hbm>>) target(%arg8 : memref<20x125xi32, #tpu.memory_space<vmem>>) target_semaphore(%run_scoped3A : memref<!tpu.dma_semaphore, #tpu.memory_space<semaphore_mem>>)
      %dma_wait3A_194 = arith.constant 0 : i32
      %dma_wait3A_195 = tpu.memref_slice %arg5[%add3A_4, %dma_wait3A_194] : memref<1280x125xi32, #tpu.memory_space<hbm>> -> memref<20x125xi32, #tpu.memory_space<hbm>>
      %dma_wait3A_196 = arith.constant 0 : i32
      %dma_wait3A_197 = tpu.memref_slice %arg5[%add3A_4, %dma_wait3A_196] : memref<1280x125xi32, #tpu.memory_space<hbm>> -> memref<20x125xi32, #tpu.memory_space<hbm>>
      tpu.wait_dma2 semaphore(%run_scoped3A : memref<!tpu.dma_semaphore, #tpu.memory_space<semaphore_mem>>) src(%dma_wait3A_197 : memref<20x125xi32, #tpu.memory_space<hbm>>) dst(%arg8 : memref<20x125xi32, #tpu.memory_space<vmem>>)
      tpu.yield
    }) : () -> ()
    %dma_start3A = arith.constant 0 : i32
    %dma_start3A_7 = arith.constant 0 : i32
    %dma_start3A_8 = arith.constant 0 : i32
    %dma_start3A_9 = arith.constant 0 : i32
    %dma_start3A_10 = tpu.memref_slice %arg9[%dma_start3A_7, %dma_start3A_8, %dma_start3A_9] : memref<2x625x32xf32, #tpu.memory_space<vmem>> -> memref<1x625x32xf32, #tpu.memory_space<vmem>>
    %dma_start3A_11 = tpu.memref_squeeze %dma_start3A_10 : memref<1x625x32xf32, #tpu.memory_space<vmem>> -> memref<625x32xf32, #tpu.memory_space<vmem>>
    %dma_start3A_12 = arith.constant 0 : i32
    %dma_start3A_13 = arith.constant 0 : i32
    %dma_start3A_14 = tpu.memref_slice %dma_start3A_11[%dma_start3A_12, %dma_start3A_13] : memref<625x32xf32, #tpu.memory_space<vmem>> -> memref<125x32xf32, #tpu.memory_space<vmem>>
    %dma_start3A_15 = arith.constant 0 : i32
    %dma_start3A_16 = tpu.memref_slice %arg7[%dma_start3A, %dma_start3A_15] : memref<20x125xi32, #tpu.memory_space<vmem>> -> memref<1x125xi32, #tpu.memory_space<vmem>>
    %dma_start3A_17 = tpu.memref_squeeze %dma_start3A_16 : memref<1x125xi32, #tpu.memory_space<vmem>> -> memref<125xi32, #tpu.memory_space<vmem>>
    %dma_start3A_18 = arith.constant 0 : i32
    %dma_start3A_19 = arith.constant 0 : i32
    %dma_start3A_20 = tpu.memref_slice %arg2[%dma_start3A_18, %dma_start3A_19] : memref<10000x32xf32, #tpu.memory_space<hbm>> -> memref<10000x32xf32, #tpu.memory_space<hbm>>
    tpu.enqueue_indirect_dma source(%dma_start3A_20 : memref<10000x32xf32, #tpu.memory_space<hbm>>) target(%dma_start3A_14 : memref<125x32xf32, #tpu.memory_space<vmem>>) offsets(%dma_start3A_17 : memref<125xi32, #tpu.memory_space<vmem>>) semaphore(%arg11 : memref<!tpu.dma_semaphore, #tpu.memory_space<semaphore_mem>>)
    %dma_start3A_21 = arith.constant 0 : i32
    %dma_start3A_22 = arith.constant 0 : i32
    %dma_start3A_23 = arith.constant 0 : i32
    %dma_start3A_24 = arith.constant 0 : i32
    %dma_start3A_25 = tpu.memref_slice %arg10[%dma_start3A_22, %dma_start3A_23, %dma_start3A_24] : memref<2x625x16xf32, #tpu.memory_space<vmem>> -> memref<1x625x16xf32, #tpu.memory_space<vmem>>
    %dma_start3A_26 = tpu.memref_squeeze %dma_start3A_25 : memref<1x625x16xf32, #tpu.memory_space<vmem>> -> memref<625x16xf32, #tpu.memory_space<vmem>>
    %dma_start3A_27 = arith.constant 0 : i32
    %dma_start3A_28 = arith.constant 0 : i32
    %dma_start3A_29 = tpu.memref_slice %dma_start3A_26[%dma_start3A_27, %dma_start3A_28] : memref<625x16xf32, #tpu.memory_space<vmem>> -> memref<125x16xf32, #tpu.memory_space<vmem>>
    %dma_start3A_30 = arith.constant 0 : i32
    %dma_start3A_31 = tpu.memref_slice %arg8[%dma_start3A_21, %dma_start3A_30] : memref<20x125xi32, #tpu.memory_space<vmem>> -> memref<1x125xi32, #tpu.memory_space<vmem>>
    %dma_start3A_32 = tpu.memref_squeeze %dma_start3A_31 : memref<1x125xi32, #tpu.memory_space<vmem>> -> memref<125xi32, #tpu.memory_space<vmem>>
    %dma_start3A_33 = arith.constant 0 : i32
    %dma_start3A_34 = arith.constant 0 : i32
    %dma_start3A_35 = tpu.memref_slice %arg3[%dma_start3A_33, %dma_start3A_34] : memref<10000x16xf32, #tpu.memory_space<hbm>> -> memref<10000x16xf32, #tpu.memory_space<hbm>>
    tpu.enqueue_indirect_dma source(%dma_start3A_35 : memref<10000x16xf32, #tpu.memory_space<hbm>>) target(%dma_start3A_29 : memref<125x16xf32, #tpu.memory_space<vmem>>) offsets(%dma_start3A_32 : memref<125xi32, #tpu.memory_space<vmem>>) semaphore(%arg11 : memref<!tpu.dma_semaphore, #tpu.memory_space<semaphore_mem>>)
    %dma_start3A_36 = arith.constant 1 : i32
    %dma_start3A_37 = arith.constant 0 : i32
    %dma_start3A_38 = arith.constant 0 : i32
    %dma_start3A_39 = arith.constant 0 : i32
    %dma_start3A_40 = tpu.memref_slice %arg9[%dma_start3A_37, %dma_start3A_38, %dma_start3A_39] : memref<2x625x32xf32, #tpu.memory_space<vmem>> -> memref<1x625x32xf32, #tpu.memory_space<vmem>>
    %dma_start3A_41 = tpu.memref_squeeze %dma_start3A_40 : memref<1x625x32xf32, #tpu.memory_space<vmem>> -> memref<625x32xf32, #tpu.memory_space<vmem>>
    %dma_start3A_42 = arith.constant 125 : i32
    %dma_start3A_43 = arith.constant 0 : i32
    %dma_start3A_44 = tpu.memref_slice %dma_start3A_41[%dma_start3A_42, %dma_start3A_43] : memref<625x32xf32, #tpu.memory_space<vmem>> -> memref<125x32xf32, #tpu.memory_space<vmem>>
    %dma_start3A_45 = arith.constant 0 : i32
    %dma_start3A_46 = tpu.memref_slice %arg7[%dma_start3A_36, %dma_start3A_45] : memref<20x125xi32, #tpu.memory_space<vmem>> -> memref<1x125xi32, #tpu.memory_space<vmem>>
    %dma_start3A_47 = tpu.memref_squeeze %dma_start3A_46 : memref<1x125xi32, #tpu.memory_space<vmem>> -> memref<125xi32, #tpu.memory_space<vmem>>
    %dma_start3A_48 = arith.constant 0 : i32
    %dma_start3A_49 = arith.constant 0 : i32
    %dma_start3A_50 = tpu.memref_slice %arg2[%dma_start3A_48, %dma_start3A_49] : memref<10000x32xf32, #tpu.memory_space<hbm>> -> memref<10000x32xf32, #tpu.memory_space<hbm>>
    tpu.enqueue_indirect_dma source(%dma_start3A_50 : memref<10000x32xf32, #tpu.memory_space<hbm>>) target(%dma_start3A_44 : memref<125x32xf32, #tpu.memory_space<vmem>>) offsets(%dma_start3A_47 : memref<125xi32, #tpu.memory_space<vmem>>) semaphore(%arg11 : memref<!tpu.dma_semaphore, #tpu.memory_space<semaphore_mem>>)
    %dma_start3A_51 = arith.constant 1 : i32
    %dma_start3A_52 = arith.constant 0 : i32
    %dma_start3A_53 = arith.constant 0 : i32
    %dma_start3A_54 = arith.constant 0 : i32
    %dma_start3A_55 = tpu.memref_slice %arg10[%dma_start3A_52, %dma_start3A_53, %dma_start3A_54] : memref<2x625x16xf32, #tpu.memory_space<vmem>> -> memref<1x625x16xf32, #tpu.memory_space<vmem>>
    %dma_start3A_56 = tpu.memref_squeeze %dma_start3A_55 : memref<1x625x16xf32, #tpu.memory_space<vmem>> -> memref<625x16xf32, #tpu.memory_space<vmem>>
    %dma_start3A_57 = arith.constant 125 : i32
    %dma_start3A_58 = arith.constant 0 : i32
    %dma_start3A_59 = tpu.memref_slice %dma_start3A_56[%dma_start3A_57, %dma_start3A_58] : memref<625x16xf32, #tpu.memory_space<vmem>> -> memref<125x16xf32, #tpu.memory_space<vmem>>
    %dma_start3A_60 = arith.constant 0 : i32
    %dma_start3A_61 = tpu.memref_slice %arg8[%dma_start3A_51, %dma_start3A_60] : memref<20x125xi32, #tpu.memory_space<vmem>> -> memref<1x125xi32, #tpu.memory_space<vmem>>
    %dma_start3A_62 = tpu.memref_squeeze %dma_start3A_61 : memref<1x125xi32, #tpu.memory_space<vmem>> -> memref<125xi32, #tpu.memory_space<vmem>>
    %dma_start3A_63 = arith.constant 0 : i32
    %dma_start3A_64 = arith.constant 0 : i32
    %dma_start3A_65 = tpu.memref_slice %arg3[%dma_start3A_63, %dma_start3A_64] : memref<10000x16xf32, #tpu.memory_space<hbm>> -> memref<10000x16xf32, #tpu.memory_space<hbm>>
    tpu.enqueue_indirect_dma source(%dma_start3A_65 : memref<10000x16xf32, #tpu.memory_space<hbm>>) target(%dma_start3A_59 : memref<125x16xf32, #tpu.memory_space<vmem>>) offsets(%dma_start3A_62 : memref<125xi32, #tpu.memory_space<vmem>>) semaphore(%arg11 : memref<!tpu.dma_semaphore, #tpu.memory_space<semaphore_mem>>)
    %dma_start3A_66 = arith.constant 2 : i32
    %dma_start3A_67 = arith.constant 0 : i32
    %dma_start3A_68 = arith.constant 0 : i32
    %dma_start3A_69 = arith.constant 0 : i32
    %dma_start3A_70 = tpu.memref_slice %arg9[%dma_start3A_67, %dma_start3A_68, %dma_start3A_69] : memref<2x625x32xf32, #tpu.memory_space<vmem>> -> memref<1x625x32xf32, #tpu.memory_space<vmem>>
    %dma_start3A_71 = tpu.memref_squeeze %dma_start3A_70 : memref<1x625x32xf32, #tpu.memory_space<vmem>> -> memref<625x32xf32, #tpu.memory_space<vmem>>
    %dma_start3A_72 = arith.constant 250 : i32
    %dma_start3A_73 = arith.constant 0 : i32
    %dma_start3A_74 = tpu.memref_slice %dma_start3A_71[%dma_start3A_72, %dma_start3A_73] : memref<625x32xf32, #tpu.memory_space<vmem>> -> memref<125x32xf32, #tpu.memory_space<vmem>>
    %dma_start3A_75 = arith.constant 0 : i32
    %dma_start3A_76 = tpu.memref_slice %arg7[%dma_start3A_66, %dma_start3A_75] : memref<20x125xi32, #tpu.memory_space<vmem>> -> memref<1x125xi32, #tpu.memory_space<vmem>>
    %dma_start3A_77 = tpu.memref_squeeze %dma_start3A_76 : memref<1x125xi32, #tpu.memory_space<vmem>> -> memref<125xi32, #tpu.memory_space<vmem>>
    %dma_start3A_78 = arith.constant 0 : i32
    %dma_start3A_79 = arith.constant 0 : i32
    %dma_start3A_80 = tpu.memref_slice %arg2[%dma_start3A_78, %dma_start3A_79] : memref<10000x32xf32, #tpu.memory_space<hbm>> -> memref<10000x32xf32, #tpu.memory_space<hbm>>
    tpu.enqueue_indirect_dma source(%dma_start3A_80 : memref<10000x32xf32, #tpu.memory_space<hbm>>) target(%dma_start3A_74 : memref<125x32xf32, #tpu.memory_space<vmem>>) offsets(%dma_start3A_77 : memref<125xi32, #tpu.memory_space<vmem>>) semaphore(%arg11 : memref<!tpu.dma_semaphore, #tpu.memory_space<semaphore_mem>>)
    %dma_start3A_81 = arith.constant 2 : i32
    %dma_start3A_82 = arith.constant 0 : i32
    %dma_start3A_83 = arith.constant 0 : i32
    %dma_start3A_84 = arith.constant 0 : i32
    %dma_start3A_85 = tpu.memref_slice %arg10[%dma_start3A_82, %dma_start3A_83, %dma_start3A_84] : memref<2x625x16xf32, #tpu.memory_space<vmem>> -> memref<1x625x16xf32, #tpu.memory_space<vmem>>
    %dma_start3A_86 = tpu.memref_squeeze %dma_start3A_85 : memref<1x625x16xf32, #tpu.memory_space<vmem>> -> memref<625x16xf32, #tpu.memory_space<vmem>>
    %dma_start3A_87 = arith.constant 250 : i32
    %dma_start3A_88 = arith.constant 0 : i32
    %dma_start3A_89 = tpu.memref_slice %dma_start3A_86[%dma_start3A_87, %dma_start3A_88] : memref<625x16xf32, #tpu.memory_space<vmem>> -> memref<125x16xf32, #tpu.memory_space<vmem>>
    %dma_start3A_90 = arith.constant 0 : i32
    %dma_start3A_91 = tpu.memref_slice %arg8[%dma_start3A_81, %dma_start3A_90] : memref<20x125xi32, #tpu.memory_space<vmem>> -> memref<1x125xi32, #tpu.memory_space<vmem>>
    %dma_start3A_92 = tpu.memref_squeeze %dma_start3A_91 : memref<1x125xi32, #tpu.memory_space<vmem>> -> memref<125xi32, #tpu.memory_space<vmem>>
    %dma_start3A_93 = arith.constant 0 : i32
    %dma_start3A_94 = arith.constant 0 : i32
    %dma_start3A_95 = tpu.memref_slice %arg3[%dma_start3A_93, %dma_start3A_94] : memref<10000x16xf32, #tpu.memory_space<hbm>> -> memref<10000x16xf32, #tpu.memory_space<hbm>>
    tpu.enqueue_indirect_dma source(%dma_start3A_95 : memref<10000x16xf32, #tpu.memory_space<hbm>>) target(%dma_start3A_89 : memref<125x16xf32, #tpu.memory_space<vmem>>) offsets(%dma_start3A_92 : memref<125xi32, #tpu.memory_space<vmem>>) semaphore(%arg11 : memref<!tpu.dma_semaphore, #tpu.memory_space<semaphore_mem>>)
    %dma_start3A_96 = arith.constant 3 : i32
    %dma_start3A_97 = arith.constant 0 : i32
    %dma_start3A_98 = arith.constant 0 : i32
    %dma_start3A_99 = arith.constant 0 : i32
    %dma_start3A_100 = tpu.memref_slice %arg9[%dma_start3A_97, %dma_start3A_98, %dma_start3A_99] : memref<2x625x32xf32, #tpu.memory_space<vmem>> -> memref<1x625x32xf32, #tpu.memory_space<vmem>>
    %dma_start3A_101 = tpu.memref_squeeze %dma_start3A_100 : memref<1x625x32xf32, #tpu.memory_space<vmem>> -> memref<625x32xf32, #tpu.memory_space<vmem>>
    %dma_start3A_102 = arith.constant 375 : i32
    %dma_start3A_103 = arith.constant 0 : i32
    %dma_start3A_104 = tpu.memref_slice %dma_start3A_101[%dma_start3A_102, %dma_start3A_103] : memref<625x32xf32, #tpu.memory_space<vmem>> -> memref<125x32xf32, #tpu.memory_space<vmem>>
    %dma_start3A_105 = arith.constant 0 : i32
    %dma_start3A_106 = tpu.memref_slice %arg7[%dma_start3A_96, %dma_start3A_105] : memref<20x125xi32, #tpu.memory_space<vmem>> -> memref<1x125xi32, #tpu.memory_space<vmem>>
    %dma_start3A_107 = tpu.memref_squeeze %dma_start3A_106 : memref<1x125xi32, #tpu.memory_space<vmem>> -> memref<125xi32, #tpu.memory_space<vmem>>
    %dma_start3A_108 = arith.constant 0 : i32
    %dma_start3A_109 = arith.constant 0 : i32
    %dma_start3A_110 = tpu.memref_slice %arg2[%dma_start3A_108, %dma_start3A_109] : memref<10000x32xf32, #tpu.memory_space<hbm>> -> memref<10000x32xf32, #tpu.memory_space<hbm>>
    tpu.enqueue_indirect_dma source(%dma_start3A_110 : memref<10000x32xf32, #tpu.memory_space<hbm>>) target(%dma_start3A_104 : memref<125x32xf32, #tpu.memory_space<vmem>>) offsets(%dma_start3A_107 : memref<125xi32, #tpu.memory_space<vmem>>) semaphore(%arg11 : memref<!tpu.dma_semaphore, #tpu.memory_space<semaphore_mem>>)
    %dma_start3A_111 = arith.constant 3 : i32
    %dma_start3A_112 = arith.constant 0 : i32
    %dma_start3A_113 = arith.constant 0 : i32
    %dma_start3A_114 = arith.constant 0 : i32
    %dma_start3A_115 = tpu.memref_slice %arg10[%dma_start3A_112, %dma_start3A_113, %dma_start3A_114] : memref<2x625x16xf32, #tpu.memory_space<vmem>> -> memref<1x625x16xf32, #tpu.memory_space<vmem>>
    %dma_start3A_116 = tpu.memref_squeeze %dma_start3A_115 : memref<1x625x16xf32, #tpu.memory_space<vmem>> -> memref<625x16xf32, #tpu.memory_space<vmem>>
    %dma_start3A_117 = arith.constant 375 : i32
    %dma_start3A_118 = arith.constant 0 : i32
    %dma_start3A_119 = tpu.memref_slice %dma_start3A_116[%dma_start3A_117, %dma_start3A_118] : memref<625x16xf32, #tpu.memory_space<vmem>> -> memref<125x16xf32, #tpu.memory_space<vmem>>
    %dma_start3A_120 = arith.constant 0 : i32
    %dma_start3A_121 = tpu.memref_slice %arg8[%dma_start3A_111, %dma_start3A_120] : memref<20x125xi32, #tpu.memory_space<vmem>> -> memref<1x125xi32, #tpu.memory_space<vmem>>
    %dma_start3A_122 = tpu.memref_squeeze %dma_start3A_121 : memref<1x125xi32, #tpu.memory_space<vmem>> -> memref<125xi32, #tpu.memory_space<vmem>>
    %dma_start3A_123 = arith.constant 0 : i32
    %dma_start3A_124 = arith.constant 0 : i32
    %dma_start3A_125 = tpu.memref_slice %arg3[%dma_start3A_123, %dma_start3A_124] : memref<10000x16xf32, #tpu.memory_space<hbm>> -> memref<10000x16xf32, #tpu.memory_space<hbm>>
    tpu.enqueue_indirect_dma source(%dma_start3A_125 : memref<10000x16xf32, #tpu.memory_space<hbm>>) target(%dma_start3A_119 : memref<125x16xf32, #tpu.memory_space<vmem>>) offsets(%dma_start3A_122 : memref<125xi32, #tpu.memory_space<vmem>>) semaphore(%arg11 : memref<!tpu.dma_semaphore, #tpu.memory_space<semaphore_mem>>)
    %dma_start3A_126 = arith.constant 4 : i32
    %dma_start3A_127 = arith.constant 0 : i32
    %dma_start3A_128 = arith.constant 0 : i32
    %dma_start3A_129 = arith.constant 0 : i32
    %dma_start3A_130 = tpu.memref_slice %arg9[%dma_start3A_127, %dma_start3A_128, %dma_start3A_129] : memref<2x625x32xf32, #tpu.memory_space<vmem>> -> memref<1x625x32xf32, #tpu.memory_space<vmem>>
    %dma_start3A_131 = tpu.memref_squeeze %dma_start3A_130 : memref<1x625x32xf32, #tpu.memory_space<vmem>> -> memref<625x32xf32, #tpu.memory_space<vmem>>
    %dma_start3A_132 = arith.constant 500 : i32
    %dma_start3A_133 = arith.constant 0 : i32
    %dma_start3A_134 = tpu.memref_slice %dma_start3A_131[%dma_start3A_132, %dma_start3A_133] : memref<625x32xf32, #tpu.memory_space<vmem>> -> memref<125x32xf32, #tpu.memory_space<vmem>>
    %dma_start3A_135 = arith.constant 0 : i32
    %dma_start3A_136 = tpu.memref_slice %arg7[%dma_start3A_126, %dma_start3A_135] : memref<20x125xi32, #tpu.memory_space<vmem>> -> memref<1x125xi32, #tpu.memory_space<vmem>>
    %dma_start3A_137 = tpu.memref_squeeze %dma_start3A_136 : memref<1x125xi32, #tpu.memory_space<vmem>> -> memref<125xi32, #tpu.memory_space<vmem>>
    %dma_start3A_138 = arith.constant 0 : i32
    %dma_start3A_139 = arith.constant 0 : i32
    %dma_start3A_140 = tpu.memref_slice %arg2[%dma_start3A_138, %dma_start3A_139] : memref<10000x32xf32, #tpu.memory_space<hbm>> -> memref<10000x32xf32, #tpu.memory_space<hbm>>
    tpu.enqueue_indirect_dma source(%dma_start3A_140 : memref<10000x32xf32, #tpu.memory_space<hbm>>) target(%dma_start3A_134 : memref<125x32xf32, #tpu.memory_space<vmem>>) offsets(%dma_start3A_137 : memref<125xi32, #tpu.memory_space<vmem>>) semaphore(%arg11 : memref<!tpu.dma_semaphore, #tpu.memory_space<semaphore_mem>>)
    %dma_start3A_141 = arith.constant 4 : i32
    %dma_start3A_142 = arith.constant 0 : i32
    %dma_start3A_143 = arith.constant 0 : i32
    %dma_start3A_144 = arith.constant 0 : i32
    %dma_start3A_145 = tpu.memref_slice %arg10[%dma_start3A_142, %dma_start3A_143, %dma_start3A_144] : memref<2x625x16xf32, #tpu.memory_space<vmem>> -> memref<1x625x16xf32, #tpu.memory_space<vmem>>
    %dma_start3A_146 = tpu.memref_squeeze %dma_start3A_145 : memref<1x625x16xf32, #tpu.memory_space<vmem>> -> memref<625x16xf32, #tpu.memory_space<vmem>>
    %dma_start3A_147 = arith.constant 500 : i32
    %dma_start3A_148 = arith.constant 0 : i32
    %dma_start3A_149 = tpu.memref_slice %dma_start3A_146[%dma_start3A_147, %dma_start3A_148] : memref<625x16xf32, #tpu.memory_space<vmem>> -> memref<125x16xf32, #tpu.memory_space<vmem>>
    %dma_start3A_150 = arith.constant 0 : i32
    %dma_start3A_151 = tpu.memref_slice %arg8[%dma_start3A_141, %dma_start3A_150] : memref<20x125xi32, #tpu.memory_space<vmem>> -> memref<1x125xi32, #tpu.memory_space<vmem>>
    %dma_start3A_152 = tpu.memref_squeeze %dma_start3A_151 : memref<1x125xi32, #tpu.memory_space<vmem>> -> memref<125xi32, #tpu.memory_space<vmem>>
    %dma_start3A_153 = arith.constant 0 : i32
    %dma_start3A_154 = arith.constant 0 : i32
    %dma_start3A_155 = tpu.memref_slice %arg3[%dma_start3A_153, %dma_start3A_154] : memref<10000x16xf32, #tpu.memory_space<hbm>> -> memref<10000x16xf32, #tpu.memory_space<hbm>>
    tpu.enqueue_indirect_dma source(%dma_start3A_155 : memref<10000x16xf32, #tpu.memory_space<hbm>>) target(%dma_start3A_149 : memref<125x16xf32, #tpu.memory_space<vmem>>) offsets(%dma_start3A_152 : memref<125xi32, #tpu.memory_space<vmem>>) semaphore(%arg11 : memref<!tpu.dma_semaphore, #tpu.memory_space<semaphore_mem>>)
    %scan3A = arith.constant 0 : i32
    %scan3A_156 = arith.constant 0 : i32
    %scan3A_157 = arith.constant 2 : i32
    %scan3A_158 = arith.addi %scan3A_156, %scan3A_157 : i32
    %scan3A_159 = arith.constant 1 : i32
    scf.for %scan3A_190 = %scan3A_156 to %scan3A_158 step %scan3A_159  : i32 {
      %mul3A_191 = arith.constant 2 : i32
      %mul3A_192 = arith.muli %mul3A_191, %scan3A_190 : i32
      %add3A_193 = arith.constant 1 : i32
      %add3A_194 = arith.addi %mul3A_192, %add3A_193 : i32
      %dma_wait3A_195 = arith.constant 0 : i32
      %dma_wait3A_196 = arith.constant 0 : i32
      %dma_wait3A_197 = arith.constant 0 : i32
      %dma_wait3A_198 = tpu.memref_slice %arg9[%dma_wait3A_195, %dma_wait3A_196, %dma_wait3A_197] : memref<2x625x32xf32, #tpu.memory_space<vmem>> -> memref<1x625x32xf32, #tpu.memory_space<vmem>>
      %dma_wait3A_199 = tpu.memref_squeeze %dma_wait3A_198 : memref<1x625x32xf32, #tpu.memory_space<vmem>> -> memref<625x32xf32, #tpu.memory_space<vmem>>
      %dma_wait3A_200 = arith.constant 0 : i32
      %dma_wait3A_201 = arith.constant 0 : i32
      %dma_wait3A_202 = tpu.memref_slice %arg2[%dma_wait3A_200, %dma_wait3A_201] : memref<10000x32xf32, #tpu.memory_space<hbm>> -> memref<625x32xf32, #tpu.memory_space<hbm>>
      %dma_wait3A_203 = arith.constant 0 : i32
      %dma_wait3A_204 = arith.constant 0 : i32
      %dma_wait3A_205 = tpu.memref_slice %arg9[%dma_wait3A_195, %dma_wait3A_203, %dma_wait3A_204] : memref<2x625x32xf32, #tpu.memory_space<vmem>> -> memref<1x625x32xf32, #tpu.memory_space<vmem>>
      %dma_wait3A_206 = tpu.memref_squeeze %dma_wait3A_205 : memref<1x625x32xf32, #tpu.memory_space<vmem>> -> memref<625x32xf32, #tpu.memory_space<vmem>>
      %dma_wait3A_207 = arith.constant 0 : i32
      %dma_wait3A_208 = arith.constant 0 : i32
      %dma_wait3A_209 = tpu.memref_slice %arg2[%dma_wait3A_207, %dma_wait3A_208] : memref<10000x32xf32, #tpu.memory_space<hbm>> -> memref<625x32xf32, #tpu.memory_space<hbm>>
      tpu.wait_dma2 semaphore(%arg11 : memref<!tpu.dma_semaphore, #tpu.memory_space<semaphore_mem>>) src(%dma_wait3A_209 : memref<625x32xf32, #tpu.memory_space<hbm>>) dst(%dma_wait3A_206 : memref<625x32xf32, #tpu.memory_space<vmem>>)
      %dma_wait3A_210 = arith.constant 0 : i32
      %dma_wait3A_211 = arith.constant 0 : i32
      %dma_wait3A_212 = arith.constant 0 : i32
      %dma_wait3A_213 = tpu.memref_slice %arg10[%dma_wait3A_210, %dma_wait3A_211, %dma_wait3A_212] : memref<2x625x16xf32, #tpu.memory_space<vmem>> -> memref<1x625x16xf32, #tpu.memory_space<vmem>>
      %dma_wait3A_214 = tpu.memref_squeeze %dma_wait3A_213 : memref<1x625x16xf32, #tpu.memory_space<vmem>> -> memref<625x16xf32, #tpu.memory_space<vmem>>
      %dma_wait3A_215 = arith.constant 0 : i32
      %dma_wait3A_216 = arith.constant 0 : i32
      %dma_wait3A_217 = tpu.memref_slice %arg3[%dma_wait3A_215, %dma_wait3A_216] : memref<10000x16xf32, #tpu.memory_space<hbm>> -> memref<625x16xf32, #tpu.memory_space<hbm>>
      %dma_wait3A_218 = arith.constant 0 : i32
      %dma_wait3A_219 = arith.constant 0 : i32
      %dma_wait3A_220 = tpu.memref_slice %arg10[%dma_wait3A_210, %dma_wait3A_218, %dma_wait3A_219] : memref<2x625x16xf32, #tpu.memory_space<vmem>> -> memref<1x625x16xf32, #tpu.memory_space<vmem>>
      %dma_wait3A_221 = tpu.memref_squeeze %dma_wait3A_220 : memref<1x625x16xf32, #tpu.memory_space<vmem>> -> memref<625x16xf32, #tpu.memory_space<vmem>>
      %dma_wait3A_222 = arith.constant 0 : i32
      %dma_wait3A_223 = arith.constant 0 : i32
      %dma_wait3A_224 = tpu.memref_slice %arg3[%dma_wait3A_222, %dma_wait3A_223] : memref<10000x16xf32, #tpu.memory_space<hbm>> -> memref<625x16xf32, #tpu.memory_space<hbm>>
      tpu.wait_dma2 semaphore(%arg11 : memref<!tpu.dma_semaphore, #tpu.memory_space<semaphore_mem>>) src(%dma_wait3A_224 : memref<625x16xf32, #tpu.memory_space<hbm>>) dst(%dma_wait3A_221 : memref<625x16xf32, #tpu.memory_space<vmem>>)
      %mul3A_225 = arith.constant 625 : i32
      %mul3A_226 = arith.muli %mul3A_192, %mul3A_225 : i32
      %add3A_227 = arith.addi %mul3A_6, %mul3A_226 : i32
      %dma_start3A_228 = arith.constant 0 : i32
      %dma_start3A_229 = arith.constant 0 : i32
      %dma_start3A_230 = arith.constant 0 : i32
      %dma_start3A_231 = tpu.memref_slice %arg9[%dma_start3A_228, %dma_start3A_229, %dma_start3A_230] : memref<2x625x32xf32, #tpu.memory_space<vmem>> -> memref<1x625x32xf32, #tpu.memory_space<vmem>>
      %dma_start3A_232 = tpu.memref_squeeze %dma_start3A_231 : memref<1x625x32xf32, #tpu.memory_space<vmem>> -> memref<625x32xf32, #tpu.memory_space<vmem>>
      %dma_start3A_233 = arith.constant 0 : i32
      %dma_start3A_234 = tpu.memref_slice %arg6[%add3A_227, %dma_start3A_233] : memref<80000x128xf32, #tpu.memory_space<hbm>> -> memref<625x32xf32, #tpu.memory_space<hbm>>
      %dma_start3A_235 = arith.constant 0 : i32
      %dma_start3A_236 = tpu.memref_slice %arg6[%add3A_227, %dma_start3A_235] : memref<80000x128xf32, #tpu.memory_space<hbm>> -> memref<625x32xf32, #tpu.memory_space<hbm>>
      %dma_start3A_237 = arith.constant 0 : i32
      %dma_start3A_238 = arith.constant 0 : i32
      %dma_start3A_239 = tpu.memref_slice %arg9[%dma_start3A_228, %dma_start3A_237, %dma_start3A_238] : memref<2x625x32xf32, #tpu.memory_space<vmem>> -> memref<1x625x32xf32, #tpu.memory_space<vmem>>
      %dma_start3A_240 = tpu.memref_squeeze %dma_start3A_239 : memref<1x625x32xf32, #tpu.memory_space<vmem>> -> memref<625x32xf32, #tpu.memory_space<vmem>>
      tpu.enqueue_dma source(%dma_start3A_240 : memref<625x32xf32, #tpu.memory_space<vmem>>) target(%dma_start3A_236 : memref<625x32xf32, #tpu.memory_space<hbm>>) target_semaphore(%arg13 : memref<!tpu.dma_semaphore, #tpu.memory_space<semaphore_mem>>)
      %dma_start3A_241 = arith.constant 0 : i32
      %dma_start3A_242 = arith.constant 0 : i32
      %dma_start3A_243 = arith.constant 0 : i32
      %dma_start3A_244 = tpu.memref_slice %arg10[%dma_start3A_241, %dma_start3A_242, %dma_start3A_243] : memref<2x625x16xf32, #tpu.memory_space<vmem>> -> memref<1x625x16xf32, #tpu.memory_space<vmem>>
      %dma_start3A_245 = tpu.memref_squeeze %dma_start3A_244 : memref<1x625x16xf32, #tpu.memory_space<vmem>> -> memref<625x16xf32, #tpu.memory_space<vmem>>
      %dma_start3A_246 = arith.constant 32 : i32
      %dma_start3A_247 = tpu.memref_slice %arg6[%add3A_227, %dma_start3A_246] : memref<80000x128xf32, #tpu.memory_space<hbm>> -> memref<625x16xf32, #tpu.memory_space<hbm>>
      %dma_start3A_248 = arith.constant 32 : i32
      %dma_start3A_249 = tpu.memref_slice %arg6[%add3A_227, %dma_start3A_248] : memref<80000x128xf32, #tpu.memory_space<hbm>> -> memref<625x16xf32, #tpu.memory_space<hbm>>
      %dma_start3A_250 = arith.constant 0 : i32
      %dma_start3A_251 = arith.constant 0 : i32
      %dma_start3A_252 = tpu.memref_slice %arg10[%dma_start3A_241, %dma_start3A_250, %dma_start3A_251] : memref<2x625x16xf32, #tpu.memory_space<vmem>> -> memref<1x625x16xf32, #tpu.memory_space<vmem>>
      %dma_start3A_253 = tpu.memref_squeeze %dma_start3A_252 : memref<1x625x16xf32, #tpu.memory_space<vmem>> -> memref<625x16xf32, #tpu.memory_space<vmem>>
      tpu.enqueue_dma source(%dma_start3A_253 : memref<625x16xf32, #tpu.memory_space<vmem>>) target(%dma_start3A_249 : memref<625x16xf32, #tpu.memory_space<hbm>>) target_semaphore(%arg13 : memref<!tpu.dma_semaphore, #tpu.memory_space<semaphore_mem>>)
      %gt3A = arith.constant 0 : i32
      %gt3A_254 = arith.cmpi sgt, %scan3A_190, %gt3A : i32
      %convert_element_type3A = arith.extui %gt3A_254 : i1 to i32
      %cond3A = arith.constant 0 : i32
      %cond3A_255 = arith.cmpi ne, %convert_element_type3A, %cond3A : i32
      scf.if %cond3A_255 {
        %dma_wait3A_509 = arith.constant 1 : i32
        %dma_wait3A_510 = arith.constant 0 : i32
        %dma_wait3A_511 = arith.constant 0 : i32
        %dma_wait3A_512 = tpu.memref_slice %arg9[%dma_wait3A_509, %dma_wait3A_510, %dma_wait3A_511] : memref<2x625x32xf32, #tpu.memory_space<vmem>> -> memref<1x625x32xf32, #tpu.memory_space<vmem>>
        %dma_wait3A_513 = tpu.memref_squeeze %dma_wait3A_512 : memref<1x625x32xf32, #tpu.memory_space<vmem>> -> memref<625x32xf32, #tpu.memory_space<vmem>>
        %dma_wait3A_514 = arith.constant 0 : i32
        %dma_wait3A_515 = arith.constant 0 : i32
        %dma_wait3A_516 = tpu.memref_slice %arg6[%dma_wait3A_514, %dma_wait3A_515] : memref<80000x128xf32, #tpu.memory_space<hbm>> -> memref<625x32xf32, #tpu.memory_space<hbm>>
        %dma_wait3A_517 = arith.constant 0 : i32
        %dma_wait3A_518 = arith.constant 0 : i32
        %dma_wait3A_519 = tpu.memref_slice %arg6[%dma_wait3A_517, %dma_wait3A_518] : memref<80000x128xf32, #tpu.memory_space<hbm>> -> memref<625x32xf32, #tpu.memory_space<hbm>>
        %dma_wait3A_520 = arith.constant 0 : i32
        %dma_wait3A_521 = arith.constant 0 : i32
        %dma_wait3A_522 = tpu.memref_slice %arg9[%dma_wait3A_509, %dma_wait3A_520, %dma_wait3A_521] : memref<2x625x32xf32, #tpu.memory_space<vmem>> -> memref<1x625x32xf32, #tpu.memory_space<vmem>>
        %dma_wait3A_523 = tpu.memref_squeeze %dma_wait3A_522 : memref<1x625x32xf32, #tpu.memory_space<vmem>> -> memref<625x32xf32, #tpu.memory_space<vmem>>
        tpu.wait_dma2 semaphore(%arg14 : memref<!tpu.dma_semaphore, #tpu.memory_space<semaphore_mem>>) src(%dma_wait3A_523 : memref<625x32xf32, #tpu.memory_space<vmem>>) dst(%dma_wait3A_519 : memref<625x32xf32, #tpu.memory_space<hbm>>)
        %dma_wait3A_524 = arith.constant 1 : i32
        %dma_wait3A_525 = arith.constant 0 : i32
        %dma_wait3A_526 = arith.constant 0 : i32
        %dma_wait3A_527 = tpu.memref_slice %arg10[%dma_wait3A_524, %dma_wait3A_525, %dma_wait3A_526] : memref<2x625x16xf32, #tpu.memory_space<vmem>> -> memref<1x625x16xf32, #tpu.memory_space<vmem>>
        %dma_wait3A_528 = tpu.memref_squeeze %dma_wait3A_527 : memref<1x625x16xf32, #tpu.memory_space<vmem>> -> memref<625x16xf32, #tpu.memory_space<vmem>>
        %dma_wait3A_529 = arith.constant 0 : i32
        %dma_wait3A_530 = arith.constant 32 : i32
        %dma_wait3A_531 = tpu.memref_slice %arg6[%dma_wait3A_529, %dma_wait3A_530] : memref<80000x128xf32, #tpu.memory_space<hbm>> -> memref<625x16xf32, #tpu.memory_space<hbm>>
        %dma_wait3A_532 = arith.constant 0 : i32
        %dma_wait3A_533 = arith.constant 32 : i32
        %dma_wait3A_534 = tpu.memref_slice %arg6[%dma_wait3A_532, %dma_wait3A_533] : memref<80000x128xf32, #tpu.memory_space<hbm>> -> memref<625x16xf32, #tpu.memory_space<hbm>>
        %dma_wait3A_535 = arith.constant 0 : i32
        %dma_wait3A_536 = arith.constant 0 : i32
        %dma_wait3A_537 = tpu.memref_slice %arg10[%dma_wait3A_524, %dma_wait3A_535, %dma_wait3A_536] : memref<2x625x16xf32, #tpu.memory_space<vmem>> -> memref<1x625x16xf32, #tpu.memory_space<vmem>>
        %dma_wait3A_538 = tpu.memref_squeeze %dma_wait3A_537 : memref<1x625x16xf32, #tpu.memory_space<vmem>> -> memref<625x16xf32, #tpu.memory_space<vmem>>
        tpu.wait_dma2 semaphore(%arg14 : memref<!tpu.dma_semaphore, #tpu.memory_space<semaphore_mem>>) src(%dma_wait3A_538 : memref<625x16xf32, #tpu.memory_space<vmem>>) dst(%dma_wait3A_534 : memref<625x16xf32, #tpu.memory_space<hbm>>)
      } else {
      }
      %mul3A_256 = arith.constant 5 : i32
      %mul3A_257 = arith.muli %add3A_194, %mul3A_256 : i32
      %add3A_258 = arith.constant 0 : i32
      %add3A_259 = arith.addi %mul3A_257, %add3A_258 : i32
      %dma_start3A_260 = arith.constant 1 : i32
      %dma_start3A_261 = arith.constant 0 : i32
      %dma_start3A_262 = arith.constant 0 : i32
      %dma_start3A_263 = tpu.memref_slice %arg9[%dma_start3A_260, %dma_start3A_261, %dma_start3A_262] : memref<2x625x32xf32, #tpu.memory_space<vmem>> -> memref<1x625x32xf32, #tpu.memory_space<vmem>>
      %dma_start3A_264 = tpu.memref_squeeze %dma_start3A_263 : memref<1x625x32xf32, #tpu.memory_space<vmem>> -> memref<625x32xf32, #tpu.memory_space<vmem>>
      %dma_start3A_265 = arith.constant 0 : i32
      %dma_start3A_266 = arith.constant 0 : i32
      %dma_start3A_267 = tpu.memref_slice %dma_start3A_264[%dma_start3A_265, %dma_start3A_266] : memref<625x32xf32, #tpu.memory_space<vmem>> -> memref<125x32xf32, #tpu.memory_space<vmem>>
      %dma_start3A_268 = arith.constant 0 : i32
      %dma_start3A_269 = tpu.memref_slice %arg7[%add3A_259, %dma_start3A_268] : memref<20x125xi32, #tpu.memory_space<vmem>> -> memref<1x125xi32, #tpu.memory_space<vmem>>
      %dma_start3A_270 = tpu.memref_squeeze %dma_start3A_269 : memref<1x125xi32, #tpu.memory_space<vmem>> -> memref<125xi32, #tpu.memory_space<vmem>>
      %dma_start3A_271 = arith.constant 0 : i32
      %dma_start3A_272 = arith.constant 0 : i32
      %dma_start3A_273 = tpu.memref_slice %arg2[%dma_start3A_271, %dma_start3A_272] : memref<10000x32xf32, #tpu.memory_space<hbm>> -> memref<10000x32xf32, #tpu.memory_space<hbm>>
      tpu.enqueue_indirect_dma source(%dma_start3A_273 : memref<10000x32xf32, #tpu.memory_space<hbm>>) target(%dma_start3A_267 : memref<125x32xf32, #tpu.memory_space<vmem>>) offsets(%dma_start3A_270 : memref<125xi32, #tpu.memory_space<vmem>>) semaphore(%arg12 : memref<!tpu.dma_semaphore, #tpu.memory_space<semaphore_mem>>)
      %dma_start3A_274 = arith.constant 1 : i32
      %dma_start3A_275 = arith.constant 0 : i32
      %dma_start3A_276 = arith.constant 0 : i32
      %dma_start3A_277 = tpu.memref_slice %arg10[%dma_start3A_274, %dma_start3A_275, %dma_start3A_276] : memref<2x625x16xf32, #tpu.memory_space<vmem>> -> memref<1x625x16xf32, #tpu.memory_space<vmem>>
      %dma_start3A_278 = tpu.memref_squeeze %dma_start3A_277 : memref<1x625x16xf32, #tpu.memory_space<vmem>> -> memref<625x16xf32, #tpu.memory_space<vmem>>
      %dma_start3A_279 = arith.constant 0 : i32
      %dma_start3A_280 = arith.constant 0 : i32
      %dma_start3A_281 = tpu.memref_slice %dma_start3A_278[%dma_start3A_279, %dma_start3A_280] : memref<625x16xf32, #tpu.memory_space<vmem>> -> memref<125x16xf32, #tpu.memory_space<vmem>>
      %dma_start3A_282 = arith.constant 0 : i32
      %dma_start3A_283 = tpu.memref_slice %arg8[%add3A_259, %dma_start3A_282] : memref<20x125xi32, #tpu.memory_space<vmem>> -> memref<1x125xi32, #tpu.memory_space<vmem>>
      %dma_start3A_284 = tpu.memref_squeeze %dma_start3A_283 : memref<1x125xi32, #tpu.memory_space<vmem>> -> memref<125xi32, #tpu.memory_space<vmem>>
      %dma_start3A_285 = arith.constant 0 : i32
      %dma_start3A_286 = arith.constant 0 : i32
      %dma_start3A_287 = tpu.memref_slice %arg3[%dma_start3A_285, %dma_start3A_286] : memref<10000x16xf32, #tpu.memory_space<hbm>> -> memref<10000x16xf32, #tpu.memory_space<hbm>>
      tpu.enqueue_indirect_dma source(%dma_start3A_287 : memref<10000x16xf32, #tpu.memory_space<hbm>>) target(%dma_start3A_281 : memref<125x16xf32, #tpu.memory_space<vmem>>) offsets(%dma_start3A_284 : memref<125xi32, #tpu.memory_space<vmem>>) semaphore(%arg12 : memref<!tpu.dma_semaphore, #tpu.memory_space<semaphore_mem>>)
      %mul3A_288 = arith.constant 5 : i32
      %mul3A_289 = arith.muli %add3A_194, %mul3A_288 : i32
      %add3A_290 = arith.constant 1 : i32
      %add3A_291 = arith.addi %mul3A_289, %add3A_290 : i32
      %dma_start3A_292 = arith.constant 1 : i32
      %dma_start3A_293 = arith.constant 0 : i32
      %dma_start3A_294 = arith.constant 0 : i32
      %dma_start3A_295 = tpu.memref_slice %arg9[%dma_start3A_292, %dma_start3A_293, %dma_start3A_294] : memref<2x625x32xf32, #tpu.memory_space<vmem>> -> memref<1x625x32xf32, #tpu.memory_space<vmem>>
      %dma_start3A_296 = tpu.memref_squeeze %dma_start3A_295 : memref<1x625x32xf32, #tpu.memory_space<vmem>> -> memref<625x32xf32, #tpu.memory_space<vmem>>
      %dma_start3A_297 = arith.constant 125 : i32
      %dma_start3A_298 = arith.constant 0 : i32
      %dma_start3A_299 = tpu.memref_slice %dma_start3A_296[%dma_start3A_297, %dma_start3A_298] : memref<625x32xf32, #tpu.memory_space<vmem>> -> memref<125x32xf32, #tpu.memory_space<vmem>>
      %dma_start3A_300 = arith.constant 0 : i32
      %dma_start3A_301 = tpu.memref_slice %arg7[%add3A_291, %dma_start3A_300] : memref<20x125xi32, #tpu.memory_space<vmem>> -> memref<1x125xi32, #tpu.memory_space<vmem>>
      %dma_start3A_302 = tpu.memref_squeeze %dma_start3A_301 : memref<1x125xi32, #tpu.memory_space<vmem>> -> memref<125xi32, #tpu.memory_space<vmem>>
      %dma_start3A_303 = arith.constant 0 : i32
      %dma_start3A_304 = arith.constant 0 : i32
      %dma_start3A_305 = tpu.memref_slice %arg2[%dma_start3A_303, %dma_start3A_304] : memref<10000x32xf32, #tpu.memory_space<hbm>> -> memref<10000x32xf32, #tpu.memory_space<hbm>>
      tpu.enqueue_indirect_dma source(%dma_start3A_305 : memref<10000x32xf32, #tpu.memory_space<hbm>>) target(%dma_start3A_299 : memref<125x32xf32, #tpu.memory_space<vmem>>) offsets(%dma_start3A_302 : memref<125xi32, #tpu.memory_space<vmem>>) semaphore(%arg12 : memref<!tpu.dma_semaphore, #tpu.memory_space<semaphore_mem>>)
      %dma_start3A_306 = arith.constant 1 : i32
      %dma_start3A_307 = arith.constant 0 : i32
      %dma_start3A_308 = arith.constant 0 : i32
      %dma_start3A_309 = tpu.memref_slice %arg10[%dma_start3A_306, %dma_start3A_307, %dma_start3A_308] : memref<2x625x16xf32, #tpu.memory_space<vmem>> -> memref<1x625x16xf32, #tpu.memory_space<vmem>>
      %dma_start3A_310 = tpu.memref_squeeze %dma_start3A_309 : memref<1x625x16xf32, #tpu.memory_space<vmem>> -> memref<625x16xf32, #tpu.memory_space<vmem>>
      %dma_start3A_311 = arith.constant 125 : i32
      %dma_start3A_312 = arith.constant 0 : i32
      %dma_start3A_313 = tpu.memref_slice %dma_start3A_310[%dma_start3A_311, %dma_start3A_312] : memref<625x16xf32, #tpu.memory_space<vmem>> -> memref<125x16xf32, #tpu.memory_space<vmem>>
      %dma_start3A_314 = arith.constant 0 : i32
      %dma_start3A_315 = tpu.memref_slice %arg8[%add3A_291, %dma_start3A_314] : memref<20x125xi32, #tpu.memory_space<vmem>> -> memref<1x125xi32, #tpu.memory_space<vmem>>
      %dma_start3A_316 = tpu.memref_squeeze %dma_start3A_315 : memref<1x125xi32, #tpu.memory_space<vmem>> -> memref<125xi32, #tpu.memory_space<vmem>>
      %dma_start3A_317 = arith.constant 0 : i32
      %dma_start3A_318 = arith.constant 0 : i32
      %dma_start3A_319 = tpu.memref_slice %arg3[%dma_start3A_317, %dma_start3A_318] : memref<10000x16xf32, #tpu.memory_space<hbm>> -> memref<10000x16xf32, #tpu.memory_space<hbm>>
      tpu.enqueue_indirect_dma source(%dma_start3A_319 : memref<10000x16xf32, #tpu.memory_space<hbm>>) target(%dma_start3A_313 : memref<125x16xf32, #tpu.memory_space<vmem>>) offsets(%dma_start3A_316 : memref<125xi32, #tpu.memory_space<vmem>>) semaphore(%arg12 : memref<!tpu.dma_semaphore, #tpu.memory_space<semaphore_mem>>)
      %mul3A_320 = arith.constant 5 : i32
      %mul3A_321 = arith.muli %add3A_194, %mul3A_320 : i32
      %add3A_322 = arith.constant 2 : i32
      %add3A_323 = arith.addi %mul3A_321, %add3A_322 : i32
      %dma_start3A_324 = arith.constant 1 : i32
      %dma_start3A_325 = arith.constant 0 : i32
      %dma_start3A_326 = arith.constant 0 : i32
      %dma_start3A_327 = tpu.memref_slice %arg9[%dma_start3A_324, %dma_start3A_325, %dma_start3A_326] : memref<2x625x32xf32, #tpu.memory_space<vmem>> -> memref<1x625x32xf32, #tpu.memory_space<vmem>>
      %dma_start3A_328 = tpu.memref_squeeze %dma_start3A_327 : memref<1x625x32xf32, #tpu.memory_space<vmem>> -> memref<625x32xf32, #tpu.memory_space<vmem>>
      %dma_start3A_329 = arith.constant 250 : i32
      %dma_start3A_330 = arith.constant 0 : i32
      %dma_start3A_331 = tpu.memref_slice %dma_start3A_328[%dma_start3A_329, %dma_start3A_330] : memref<625x32xf32, #tpu.memory_space<vmem>> -> memref<125x32xf32, #tpu.memory_space<vmem>>
      %dma_start3A_332 = arith.constant 0 : i32
      %dma_start3A_333 = tpu.memref_slice %arg7[%add3A_323, %dma_start3A_332] : memref<20x125xi32, #tpu.memory_space<vmem>> -> memref<1x125xi32, #tpu.memory_space<vmem>>
      %dma_start3A_334 = tpu.memref_squeeze %dma_start3A_333 : memref<1x125xi32, #tpu.memory_space<vmem>> -> memref<125xi32, #tpu.memory_space<vmem>>
      %dma_start3A_335 = arith.constant 0 : i32
      %dma_start3A_336 = arith.constant 0 : i32
      %dma_start3A_337 = tpu.memref_slice %arg2[%dma_start3A_335, %dma_start3A_336] : memref<10000x32xf32, #tpu.memory_space<hbm>> -> memref<10000x32xf32, #tpu.memory_space<hbm>>
      tpu.enqueue_indirect_dma source(%dma_start3A_337 : memref<10000x32xf32, #tpu.memory_space<hbm>>) target(%dma_start3A_331 : memref<125x32xf32, #tpu.memory_space<vmem>>) offsets(%dma_start3A_334 : memref<125xi32, #tpu.memory_space<vmem>>) semaphore(%arg12 : memref<!tpu.dma_semaphore, #tpu.memory_space<semaphore_mem>>)
      %dma_start3A_338 = arith.constant 1 : i32
      %dma_start3A_339 = arith.constant 0 : i32
      %dma_start3A_340 = arith.constant 0 : i32
      %dma_start3A_341 = tpu.memref_slice %arg10[%dma_start3A_338, %dma_start3A_339, %dma_start3A_340] : memref<2x625x16xf32, #tpu.memory_space<vmem>> -> memref<1x625x16xf32, #tpu.memory_space<vmem>>
      %dma_start3A_342 = tpu.memref_squeeze %dma_start3A_341 : memref<1x625x16xf32, #tpu.memory_space<vmem>> -> memref<625x16xf32, #tpu.memory_space<vmem>>
      %dma_start3A_343 = arith.constant 250 : i32
      %dma_start3A_344 = arith.constant 0 : i32
      %dma_start3A_345 = tpu.memref_slice %dma_start3A_342[%dma_start3A_343, %dma_start3A_344] : memref<625x16xf32, #tpu.memory_space<vmem>> -> memref<125x16xf32, #tpu.memory_space<vmem>>
      %dma_start3A_346 = arith.constant 0 : i32
      %dma_start3A_347 = tpu.memref_slice %arg8[%add3A_323, %dma_start3A_346] : memref<20x125xi32, #tpu.memory_space<vmem>> -> memref<1x125xi32, #tpu.memory_space<vmem>>
      %dma_start3A_348 = tpu.memref_squeeze %dma_start3A_347 : memref<1x125xi32, #tpu.memory_space<vmem>> -> memref<125xi32, #tpu.memory_space<vmem>>
      %dma_start3A_349 = arith.constant 0 : i32
      %dma_start3A_350 = arith.constant 0 : i32
      %dma_start3A_351 = tpu.memref_slice %arg3[%dma_start3A_349, %dma_start3A_350] : memref<10000x16xf32, #tpu.memory_space<hbm>> -> memref<10000x16xf32, #tpu.memory_space<hbm>>
      tpu.enqueue_indirect_dma source(%dma_start3A_351 : memref<10000x16xf32, #tpu.memory_space<hbm>>) target(%dma_start3A_345 : memref<125x16xf32, #tpu.memory_space<vmem>>) offsets(%dma_start3A_348 : memref<125xi32, #tpu.memory_space<vmem>>) semaphore(%arg12 : memref<!tpu.dma_semaphore, #tpu.memory_space<semaphore_mem>>)
      %mul3A_352 = arith.constant 5 : i32
      %mul3A_353 = arith.muli %add3A_194, %mul3A_352 : i32
      %add3A_354 = arith.constant 3 : i32
      %add3A_355 = arith.addi %mul3A_353, %add3A_354 : i32
      %dma_start3A_356 = arith.constant 1 : i32
      %dma_start3A_357 = arith.constant 0 : i32
      %dma_start3A_358 = arith.constant 0 : i32
      %dma_start3A_359 = tpu.memref_slice %arg9[%dma_start3A_356, %dma_start3A_357, %dma_start3A_358] : memref<2x625x32xf32, #tpu.memory_space<vmem>> -> memref<1x625x32xf32, #tpu.memory_space<vmem>>
      %dma_start3A_360 = tpu.memref_squeeze %dma_start3A_359 : memref<1x625x32xf32, #tpu.memory_space<vmem>> -> memref<625x32xf32, #tpu.memory_space<vmem>>
      %dma_start3A_361 = arith.constant 375 : i32
      %dma_start3A_362 = arith.constant 0 : i32
      %dma_start3A_363 = tpu.memref_slice %dma_start3A_360[%dma_start3A_361, %dma_start3A_362] : memref<625x32xf32, #tpu.memory_space<vmem>> -> memref<125x32xf32, #tpu.memory_space<vmem>>
      %dma_start3A_364 = arith.constant 0 : i32
      %dma_start3A_365 = tpu.memref_slice %arg7[%add3A_355, %dma_start3A_364] : memref<20x125xi32, #tpu.memory_space<vmem>> -> memref<1x125xi32, #tpu.memory_space<vmem>>
      %dma_start3A_366 = tpu.memref_squeeze %dma_start3A_365 : memref<1x125xi32, #tpu.memory_space<vmem>> -> memref<125xi32, #tpu.memory_space<vmem>>
      %dma_start3A_367 = arith.constant 0 : i32
      %dma_start3A_368 = arith.constant 0 : i32
      %dma_start3A_369 = tpu.memref_slice %arg2[%dma_start3A_367, %dma_start3A_368] : memref<10000x32xf32, #tpu.memory_space<hbm>> -> memref<10000x32xf32, #tpu.memory_space<hbm>>
      tpu.enqueue_indirect_dma source(%dma_start3A_369 : memref<10000x32xf32, #tpu.memory_space<hbm>>) target(%dma_start3A_363 : memref<125x32xf32, #tpu.memory_space<vmem>>) offsets(%dma_start3A_366 : memref<125xi32, #tpu.memory_space<vmem>>) semaphore(%arg12 : memref<!tpu.dma_semaphore, #tpu.memory_space<semaphore_mem>>)
      %dma_start3A_370 = arith.constant 1 : i32
      %dma_start3A_371 = arith.constant 0 : i32
      %dma_start3A_372 = arith.constant 0 : i32
      %dma_start3A_373 = tpu.memref_slice %arg10[%dma_start3A_370, %dma_start3A_371, %dma_start3A_372] : memref<2x625x16xf32, #tpu.memory_space<vmem>> -> memref<1x625x16xf32, #tpu.memory_space<vmem>>
      %dma_start3A_374 = tpu.memref_squeeze %dma_start3A_373 : memref<1x625x16xf32, #tpu.memory_space<vmem>> -> memref<625x16xf32, #tpu.memory_space<vmem>>
      %dma_start3A_375 = arith.constant 375 : i32
      %dma_start3A_376 = arith.constant 0 : i32
      %dma_start3A_377 = tpu.memref_slice %dma_start3A_374[%dma_start3A_375, %dma_start3A_376] : memref<625x16xf32, #tpu.memory_space<vmem>> -> memref<125x16xf32, #tpu.memory_space<vmem>>
      %dma_start3A_378 = arith.constant 0 : i32
      %dma_start3A_379 = tpu.memref_slice %arg8[%add3A_355, %dma_start3A_378] : memref<20x125xi32, #tpu.memory_space<vmem>> -> memref<1x125xi32, #tpu.memory_space<vmem>>
      %dma_start3A_380 = tpu.memref_squeeze %dma_start3A_379 : memref<1x125xi32, #tpu.memory_space<vmem>> -> memref<125xi32, #tpu.memory_space<vmem>>
      %dma_start3A_381 = arith.constant 0 : i32
      %dma_start3A_382 = arith.constant 0 : i32
      %dma_start3A_383 = tpu.memref_slice %arg3[%dma_start3A_381, %dma_start3A_382] : memref<10000x16xf32, #tpu.memory_space<hbm>> -> memref<10000x16xf32, #tpu.memory_space<hbm>>
      tpu.enqueue_indirect_dma source(%dma_start3A_383 : memref<10000x16xf32, #tpu.memory_space<hbm>>) target(%dma_start3A_377 : memref<125x16xf32, #tpu.memory_space<vmem>>) offsets(%dma_start3A_380 : memref<125xi32, #tpu.memory_space<vmem>>) semaphore(%arg12 : memref<!tpu.dma_semaphore, #tpu.memory_space<semaphore_mem>>)
      %mul3A_384 = arith.constant 5 : i32
      %mul3A_385 = arith.muli %add3A_194, %mul3A_384 : i32
      %add3A_386 = arith.constant 4 : i32
      %add3A_387 = arith.addi %mul3A_385, %add3A_386 : i32
      %dma_start3A_388 = arith.constant 1 : i32
      %dma_start3A_389 = arith.constant 0 : i32
      %dma_start3A_390 = arith.constant 0 : i32
      %dma_start3A_391 = tpu.memref_slice %arg9[%dma_start3A_388, %dma_start3A_389, %dma_start3A_390] : memref<2x625x32xf32, #tpu.memory_space<vmem>> -> memref<1x625x32xf32, #tpu.memory_space<vmem>>
      %dma_start3A_392 = tpu.memref_squeeze %dma_start3A_391 : memref<1x625x32xf32, #tpu.memory_space<vmem>> -> memref<625x32xf32, #tpu.memory_space<vmem>>
      %dma_start3A_393 = arith.constant 500 : i32
      %dma_start3A_394 = arith.constant 0 : i32
      %dma_start3A_395 = tpu.memref_slice %dma_start3A_392[%dma_start3A_393, %dma_start3A_394] : memref<625x32xf32, #tpu.memory_space<vmem>> -> memref<125x32xf32, #tpu.memory_space<vmem>>
      %dma_start3A_396 = arith.constant 0 : i32
      %dma_start3A_397 = tpu.memref_slice %arg7[%add3A_387, %dma_start3A_396] : memref<20x125xi32, #tpu.memory_space<vmem>> -> memref<1x125xi32, #tpu.memory_space<vmem>>
      %dma_start3A_398 = tpu.memref_squeeze %dma_start3A_397 : memref<1x125xi32, #tpu.memory_space<vmem>> -> memref<125xi32, #tpu.memory_space<vmem>>
      %dma_start3A_399 = arith.constant 0 : i32
      %dma_start3A_400 = arith.constant 0 : i32
      %dma_start3A_401 = tpu.memref_slice %arg2[%dma_start3A_399, %dma_start3A_400] : memref<10000x32xf32, #tpu.memory_space<hbm>> -> memref<10000x32xf32, #tpu.memory_space<hbm>>
      tpu.enqueue_indirect_dma source(%dma_start3A_401 : memref<10000x32xf32, #tpu.memory_space<hbm>>) target(%dma_start3A_395 : memref<125x32xf32, #tpu.memory_space<vmem>>) offsets(%dma_start3A_398 : memref<125xi32, #tpu.memory_space<vmem>>) semaphore(%arg12 : memref<!tpu.dma_semaphore, #tpu.memory_space<semaphore_mem>>)
      %dma_start3A_402 = arith.constant 1 : i32
      %dma_start3A_403 = arith.constant 0 : i32
      %dma_start3A_404 = arith.constant 0 : i32
      %dma_start3A_405 = tpu.memref_slice %arg10[%dma_start3A_402, %dma_start3A_403, %dma_start3A_404] : memref<2x625x16xf32, #tpu.memory_space<vmem>> -> memref<1x625x16xf32, #tpu.memory_space<vmem>>
      %dma_start3A_406 = tpu.memref_squeeze %dma_start3A_405 : memref<1x625x16xf32, #tpu.memory_space<vmem>> -> memref<625x16xf32, #tpu.memory_space<vmem>>
      %dma_start3A_407 = arith.constant 500 : i32
      %dma_start3A_408 = arith.constant 0 : i32
      %dma_start3A_409 = tpu.memref_slice %dma_start3A_406[%dma_start3A_407, %dma_start3A_408] : memref<625x16xf32, #tpu.memory_space<vmem>> -> memref<125x16xf32, #tpu.memory_space<vmem>>
      %dma_start3A_410 = arith.constant 0 : i32
      %dma_start3A_411 = tpu.memref_slice %arg8[%add3A_387, %dma_start3A_410] : memref<20x125xi32, #tpu.memory_space<vmem>> -> memref<1x125xi32, #tpu.memory_space<vmem>>
      %dma_start3A_412 = tpu.memref_squeeze %dma_start3A_411 : memref<1x125xi32, #tpu.memory_space<vmem>> -> memref<125xi32, #tpu.memory_space<vmem>>
      %dma_start3A_413 = arith.constant 0 : i32
      %dma_start3A_414 = arith.constant 0 : i32
      %dma_start3A_415 = tpu.memref_slice %arg3[%dma_start3A_413, %dma_start3A_414] : memref<10000x16xf32, #tpu.memory_space<hbm>> -> memref<10000x16xf32, #tpu.memory_space<hbm>>
      tpu.enqueue_indirect_dma source(%dma_start3A_415 : memref<10000x16xf32, #tpu.memory_space<hbm>>) target(%dma_start3A_409 : memref<125x16xf32, #tpu.memory_space<vmem>>) offsets(%dma_start3A_412 : memref<125xi32, #tpu.memory_space<vmem>>) semaphore(%arg12 : memref<!tpu.dma_semaphore, #tpu.memory_space<semaphore_mem>>)
      %dma_wait3A_416 = arith.constant 1 : i32
      %dma_wait3A_417 = arith.constant 0 : i32
      %dma_wait3A_418 = arith.constant 0 : i32
      %dma_wait3A_419 = tpu.memref_slice %arg9[%dma_wait3A_416, %dma_wait3A_417, %dma_wait3A_418] : memref<2x625x32xf32, #tpu.memory_space<vmem>> -> memref<1x625x32xf32, #tpu.memory_space<vmem>>
      %dma_wait3A_420 = tpu.memref_squeeze %dma_wait3A_419 : memref<1x625x32xf32, #tpu.memory_space<vmem>> -> memref<625x32xf32, #tpu.memory_space<vmem>>
      %dma_wait3A_421 = arith.constant 0 : i32
      %dma_wait3A_422 = arith.constant 0 : i32
      %dma_wait3A_423 = tpu.memref_slice %arg2[%dma_wait3A_421, %dma_wait3A_422] : memref<10000x32xf32, #tpu.memory_space<hbm>> -> memref<625x32xf32, #tpu.memory_space<hbm>>
      %dma_wait3A_424 = arith.constant 0 : i32
      %dma_wait3A_425 = arith.constant 0 : i32
      %dma_wait3A_426 = tpu.memref_slice %arg9[%dma_wait3A_416, %dma_wait3A_424, %dma_wait3A_425] : memref<2x625x32xf32, #tpu.memory_space<vmem>> -> memref<1x625x32xf32, #tpu.memory_space<vmem>>
      %dma_wait3A_427 = tpu.memref_squeeze %dma_wait3A_426 : memref<1x625x32xf32, #tpu.memory_space<vmem>> -> memref<625x32xf32, #tpu.memory_space<vmem>>
      %dma_wait3A_428 = arith.constant 0 : i32
      %dma_wait3A_429 = arith.constant 0 : i32
      %dma_wait3A_430 = tpu.memref_slice %arg2[%dma_wait3A_428, %dma_wait3A_429] : memref<10000x32xf32, #tpu.memory_space<hbm>> -> memref<625x32xf32, #tpu.memory_space<hbm>>
      tpu.wait_dma2 semaphore(%arg12 : memref<!tpu.dma_semaphore, #tpu.memory_space<semaphore_mem>>) src(%dma_wait3A_430 : memref<625x32xf32, #tpu.memory_space<hbm>>) dst(%dma_wait3A_427 : memref<625x32xf32, #tpu.memory_space<vmem>>)
      %dma_wait3A_431 = arith.constant 1 : i32
      %dma_wait3A_432 = arith.constant 0 : i32
      %dma_wait3A_433 = arith.constant 0 : i32
      %dma_wait3A_434 = tpu.memref_slice %arg10[%dma_wait3A_431, %dma_wait3A_432, %dma_wait3A_433] : memref<2x625x16xf32, #tpu.memory_space<vmem>> -> memref<1x625x16xf32, #tpu.memory_space<vmem>>
      %dma_wait3A_435 = tpu.memref_squeeze %dma_wait3A_434 : memref<1x625x16xf32, #tpu.memory_space<vmem>> -> memref<625x16xf32, #tpu.memory_space<vmem>>
      %dma_wait3A_436 = arith.constant 0 : i32
      %dma_wait3A_437 = arith.constant 0 : i32
      %dma_wait3A_438 = tpu.memref_slice %arg3[%dma_wait3A_436, %dma_wait3A_437] : memref<10000x16xf32, #tpu.memory_space<hbm>> -> memref<625x16xf32, #tpu.memory_space<hbm>>
      %dma_wait3A_439 = arith.constant 0 : i32
      %dma_wait3A_440 = arith.constant 0 : i32
      %dma_wait3A_441 = tpu.memref_slice %arg10[%dma_wait3A_431, %dma_wait3A_439, %dma_wait3A_440] : memref<2x625x16xf32, #tpu.memory_space<vmem>> -> memref<1x625x16xf32, #tpu.memory_space<vmem>>
      %dma_wait3A_442 = tpu.memref_squeeze %dma_wait3A_441 : memref<1x625x16xf32, #tpu.memory_space<vmem>> -> memref<625x16xf32, #tpu.memory_space<vmem>>
      %dma_wait3A_443 = arith.constant 0 : i32
      %dma_wait3A_444 = arith.constant 0 : i32
      %dma_wait3A_445 = tpu.memref_slice %arg3[%dma_wait3A_443, %dma_wait3A_444] : memref<10000x16xf32, #tpu.memory_space<hbm>> -> memref<625x16xf32, #tpu.memory_space<hbm>>
      tpu.wait_dma2 semaphore(%arg12 : memref<!tpu.dma_semaphore, #tpu.memory_space<semaphore_mem>>) src(%dma_wait3A_445 : memref<625x16xf32, #tpu.memory_space<hbm>>) dst(%dma_wait3A_442 : memref<625x16xf32, #tpu.memory_space<vmem>>)
      %mul3A_446 = arith.constant 625 : i32
      %mul3A_447 = arith.muli %add3A_194, %mul3A_446 : i32
      %add3A_448 = arith.addi %mul3A_6, %mul3A_447 : i32
      %dma_start3A_449 = arith.constant 1 : i32
      %dma_start3A_450 = arith.constant 0 : i32
      %dma_start3A_451 = arith.constant 0 : i32
      %dma_start3A_452 = tpu.memref_slice %arg9[%dma_start3A_449, %dma_start3A_450, %dma_start3A_451] : memref<2x625x32xf32, #tpu.memory_space<vmem>> -> memref<1x625x32xf32, #tpu.memory_space<vmem>>
      %dma_start3A_453 = tpu.memref_squeeze %dma_start3A_452 : memref<1x625x32xf32, #tpu.memory_space<vmem>> -> memref<625x32xf32, #tpu.memory_space<vmem>>
      %dma_start3A_454 = arith.constant 0 : i32
      %dma_start3A_455 = tpu.memref_slice %arg6[%add3A_448, %dma_start3A_454] : memref<80000x128xf32, #tpu.memory_space<hbm>> -> memref<625x32xf32, #tpu.memory_space<hbm>>
      %dma_start3A_456 = arith.constant 0 : i32
      %dma_start3A_457 = tpu.memref_slice %arg6[%add3A_448, %dma_start3A_456] : memref<80000x128xf32, #tpu.memory_space<hbm>> -> memref<625x32xf32, #tpu.memory_space<hbm>>
      %dma_start3A_458 = arith.constant 0 : i32
      %dma_start3A_459 = arith.constant 0 : i32
      %dma_start3A_460 = tpu.memref_slice %arg9[%dma_start3A_449, %dma_start3A_458, %dma_start3A_459] : memref<2x625x32xf32, #tpu.memory_space<vmem>> -> memref<1x625x32xf32, #tpu.memory_space<vmem>>
      %dma_start3A_461 = tpu.memref_squeeze %dma_start3A_460 : memref<1x625x32xf32, #tpu.memory_space<vmem>> -> memref<625x32xf32, #tpu.memory_space<vmem>>
      tpu.enqueue_dma source(%dma_start3A_461 : memref<625x32xf32, #tpu.memory_space<vmem>>) target(%dma_start3A_457 : memref<625x32xf32, #tpu.memory_space<hbm>>) target_semaphore(%arg14 : memref<!tpu.dma_semaphore, #tpu.memory_space<semaphore_mem>>)
      %dma_start3A_462 = arith.constant 1 : i32
      %dma_start3A_463 = arith.constant 0 : i32
      %dma_start3A_464 = arith.constant 0 : i32
      %dma_start3A_465 = tpu.memref_slice %arg10[%dma_start3A_462, %dma_start3A_463, %dma_start3A_464] : memref<2x625x16xf32, #tpu.memory_space<vmem>> -> memref<1x625x16xf32, #tpu.memory_space<vmem>>
      %dma_start3A_466 = tpu.memref_squeeze %dma_start3A_465 : memref<1x625x16xf32, #tpu.memory_space<vmem>> -> memref<625x16xf32, #tpu.memory_space<vmem>>
      %dma_start3A_467 = arith.constant 32 : i32
      %dma_start3A_468 = tpu.memref_slice %arg6[%add3A_448, %dma_start3A_467] : memref<80000x128xf32, #tpu.memory_space<hbm>> -> memref<625x16xf32, #tpu.memory_space<hbm>>
      %dma_start3A_469 = arith.constant 32 : i32
      %dma_start3A_470 = tpu.memref_slice %arg6[%add3A_448, %dma_start3A_469] : memref<80000x128xf32, #tpu.memory_space<hbm>> -> memref<625x16xf32, #tpu.memory_space<hbm>>
      %dma_start3A_471 = arith.constant 0 : i32
      %dma_start3A_472 = arith.constant 0 : i32
      %dma_start3A_473 = tpu.memref_slice %arg10[%dma_start3A_462, %dma_start3A_471, %dma_start3A_472] : memref<2x625x16xf32, #tpu.memory_space<vmem>> -> memref<1x625x16xf32, #tpu.memory_space<vmem>>
      %dma_start3A_474 = tpu.memref_squeeze %dma_start3A_473 : memref<1x625x16xf32, #tpu.memory_space<vmem>> -> memref<625x16xf32, #tpu.memory_space<vmem>>
      tpu.enqueue_dma source(%dma_start3A_474 : memref<625x16xf32, #tpu.memory_space<vmem>>) target(%dma_start3A_470 : memref<625x16xf32, #tpu.memory_space<hbm>>) target_semaphore(%arg14 : memref<!tpu.dma_semaphore, #tpu.memory_space<semaphore_mem>>)
      %dma_wait3A_475 = arith.constant 0 : i32
      %dma_wait3A_476 = arith.constant 0 : i32
      %dma_wait3A_477 = arith.constant 0 : i32
      %dma_wait3A_478 = tpu.memref_slice %arg9[%dma_wait3A_475, %dma_wait3A_476, %dma_wait3A_477] : memref<2x625x32xf32, #tpu.memory_space<vmem>> -> memref<1x625x32xf32, #tpu.memory_space<vmem>>
      %dma_wait3A_479 = tpu.memref_squeeze %dma_wait3A_478 : memref<1x625x32xf32, #tpu.memory_space<vmem>> -> memref<625x32xf32, #tpu.memory_space<vmem>>
      %dma_wait3A_480 = arith.constant 0 : i32
      %dma_wait3A_481 = arith.constant 0 : i32
      %dma_wait3A_482 = tpu.memref_slice %arg6[%dma_wait3A_480, %dma_wait3A_481] : memref<80000x128xf32, #tpu.memory_space<hbm>> -> memref<625x32xf32, #tpu.memory_space<hbm>>
      %dma_wait3A_483 = arith.constant 0 : i32
      %dma_wait3A_484 = arith.constant 0 : i32
      %dma_wait3A_485 = tpu.memref_slice %arg6[%dma_wait3A_483, %dma_wait3A_484] : memref<80000x128xf32, #tpu.memory_space<hbm>> -> memref<625x32xf32, #tpu.memory_space<hbm>>
      %dma_wait3A_486 = arith.constant 0 : i32
      %dma_wait3A_487 = arith.constant 0 : i32
      %dma_wait3A_488 = tpu.memref_slice %arg9[%dma_wait3A_475, %dma_wait3A_486, %dma_wait3A_487] : memref<2x625x32xf32, #tpu.memory_space<vmem>> -> memref<1x625x32xf32, #tpu.memory_space<vmem>>
      %dma_wait3A_489 = tpu.memref_squeeze %dma_wait3A_488 : memref<1x625x32xf32, #tpu.memory_space<vmem>> -> memref<625x32xf32, #tpu.memory_space<vmem>>
      tpu.wait_dma2 semaphore(%arg13 : memref<!tpu.dma_semaphore, #tpu.memory_space<semaphore_mem>>) src(%dma_wait3A_489 : memref<625x32xf32, #tpu.memory_space<vmem>>) dst(%dma_wait3A_485 : memref<625x32xf32, #tpu.memory_space<hbm>>)
      %dma_wait3A_490 = arith.constant 0 : i32
      %dma_wait3A_491 = arith.constant 0 : i32
      %dma_wait3A_492 = arith.constant 0 : i32
      %dma_wait3A_493 = tpu.memref_slice %arg10[%dma_wait3A_490, %dma_wait3A_491, %dma_wait3A_492] : memref<2x625x16xf32, #tpu.memory_space<vmem>> -> memref<1x625x16xf32, #tpu.memory_space<vmem>>
      %dma_wait3A_494 = tpu.memref_squeeze %dma_wait3A_493 : memref<1x625x16xf32, #tpu.memory_space<vmem>> -> memref<625x16xf32, #tpu.memory_space<vmem>>
      %dma_wait3A_495 = arith.constant 0 : i32
      %dma_wait3A_496 = arith.constant 32 : i32
      %dma_wait3A_497 = tpu.memref_slice %arg6[%dma_wait3A_495, %dma_wait3A_496] : memref<80000x128xf32, #tpu.memory_space<hbm>> -> memref<625x16xf32, #tpu.memory_space<hbm>>
      %dma_wait3A_498 = arith.constant 0 : i32
      %dma_wait3A_499 = arith.constant 32 : i32
      %dma_wait3A_500 = tpu.memref_slice %arg6[%dma_wait3A_498, %dma_wait3A_499] : memref<80000x128xf32, #tpu.memory_space<hbm>> -> memref<625x16xf32, #tpu.memory_space<hbm>>
      %dma_wait3A_501 = arith.constant 0 : i32
      %dma_wait3A_502 = arith.constant 0 : i32
      %dma_wait3A_503 = tpu.memref_slice %arg10[%dma_wait3A_490, %dma_wait3A_501, %dma_wait3A_502] : memref<2x625x16xf32, #tpu.memory_space<vmem>> -> memref<1x625x16xf32, #tpu.memory_space<vmem>>
      %dma_wait3A_504 = tpu.memref_squeeze %dma_wait3A_503 : memref<1x625x16xf32, #tpu.memory_space<vmem>> -> memref<625x16xf32, #tpu.memory_space<vmem>>
      tpu.wait_dma2 semaphore(%arg13 : memref<!tpu.dma_semaphore, #tpu.memory_space<semaphore_mem>>) src(%dma_wait3A_504 : memref<625x16xf32, #tpu.memory_space<vmem>>) dst(%dma_wait3A_500 : memref<625x16xf32, #tpu.memory_space<hbm>>)
      %lt3A = arith.constant 1 : i32
      %lt3A_505 = arith.cmpi slt, %scan3A_190, %lt3A : i32
      %convert_element_type3A_506 = arith.extui %lt3A_505 : i1 to i32
      %cond3A_507 = arith.constant 0 : i32
      %cond3A_508 = arith.cmpi ne, %convert_element_type3A_506, %cond3A_507 : i32
      scf.if %cond3A_508 {
        %add3A_509 = arith.constant 2 : i32
        %add3A_510 = arith.addi %mul3A_192, %add3A_509 : i32
        %mul3A_511 = arith.constant 5 : i32
        %mul3A_512 = arith.muli %add3A_510, %mul3A_511 : i32
        %add3A_513 = arith.constant 0 : i32
        %add3A_514 = arith.addi %mul3A_512, %add3A_513 : i32
        %dma_start3A_515 = arith.constant 0 : i32
        %dma_start3A_516 = arith.constant 0 : i32
        %dma_start3A_517 = arith.constant 0 : i32
        %dma_start3A_518 = tpu.memref_slice %arg9[%dma_start3A_515, %dma_start3A_516, %dma_start3A_517] : memref<2x625x32xf32, #tpu.memory_space<vmem>> -> memref<1x625x32xf32, #tpu.memory_space<vmem>>
        %dma_start3A_519 = tpu.memref_squeeze %dma_start3A_518 : memref<1x625x32xf32, #tpu.memory_space<vmem>> -> memref<625x32xf32, #tpu.memory_space<vmem>>
        %dma_start3A_520 = arith.constant 0 : i32
        %dma_start3A_521 = arith.constant 0 : i32
        %dma_start3A_522 = tpu.memref_slice %dma_start3A_519[%dma_start3A_520, %dma_start3A_521] : memref<625x32xf32, #tpu.memory_space<vmem>> -> memref<125x32xf32, #tpu.memory_space<vmem>>
        %dma_start3A_523 = arith.constant 0 : i32
        %dma_start3A_524 = tpu.memref_slice %arg7[%add3A_514, %dma_start3A_523] : memref<20x125xi32, #tpu.memory_space<vmem>> -> memref<1x125xi32, #tpu.memory_space<vmem>>
        %dma_start3A_525 = tpu.memref_squeeze %dma_start3A_524 : memref<1x125xi32, #tpu.memory_space<vmem>> -> memref<125xi32, #tpu.memory_space<vmem>>
        %dma_start3A_526 = arith.constant 0 : i32
        %dma_start3A_527 = arith.constant 0 : i32
        %dma_start3A_528 = tpu.memref_slice %arg2[%dma_start3A_526, %dma_start3A_527] : memref<10000x32xf32, #tpu.memory_space<hbm>> -> memref<10000x32xf32, #tpu.memory_space<hbm>>
        tpu.enqueue_indirect_dma source(%dma_start3A_528 : memref<10000x32xf32, #tpu.memory_space<hbm>>) target(%dma_start3A_522 : memref<125x32xf32, #tpu.memory_space<vmem>>) offsets(%dma_start3A_525 : memref<125xi32, #tpu.memory_space<vmem>>) semaphore(%arg11 : memref<!tpu.dma_semaphore, #tpu.memory_space<semaphore_mem>>)
        %dma_start3A_529 = arith.constant 0 : i32
        %dma_start3A_530 = arith.constant 0 : i32
        %dma_start3A_531 = arith.constant 0 : i32
        %dma_start3A_532 = tpu.memref_slice %arg10[%dma_start3A_529, %dma_start3A_530, %dma_start3A_531] : memref<2x625x16xf32, #tpu.memory_space<vmem>> -> memref<1x625x16xf32, #tpu.memory_space<vmem>>
        %dma_start3A_533 = tpu.memref_squeeze %dma_start3A_532 : memref<1x625x16xf32, #tpu.memory_space<vmem>> -> memref<625x16xf32, #tpu.memory_space<vmem>>
        %dma_start3A_534 = arith.constant 0 : i32
        %dma_start3A_535 = arith.constant 0 : i32
        %dma_start3A_536 = tpu.memref_slice %dma_start3A_533[%dma_start3A_534, %dma_start3A_535] : memref<625x16xf32, #tpu.memory_space<vmem>> -> memref<125x16xf32, #tpu.memory_space<vmem>>
        %dma_start3A_537 = arith.constant 0 : i32
        %dma_start3A_538 = tpu.memref_slice %arg8[%add3A_514, %dma_start3A_537] : memref<20x125xi32, #tpu.memory_space<vmem>> -> memref<1x125xi32, #tpu.memory_space<vmem>>
        %dma_start3A_539 = tpu.memref_squeeze %dma_start3A_538 : memref<1x125xi32, #tpu.memory_space<vmem>> -> memref<125xi32, #tpu.memory_space<vmem>>
        %dma_start3A_540 = arith.constant 0 : i32
        %dma_start3A_541 = arith.constant 0 : i32
        %dma_start3A_542 = tpu.memref_slice %arg3[%dma_start3A_540, %dma_start3A_541] : memref<10000x16xf32, #tpu.memory_space<hbm>> -> memref<10000x16xf32, #tpu.memory_space<hbm>>
        tpu.enqueue_indirect_dma source(%dma_start3A_542 : memref<10000x16xf32, #tpu.memory_space<hbm>>) target(%dma_start3A_536 : memref<125x16xf32, #tpu.memory_space<vmem>>) offsets(%dma_start3A_539 : memref<125xi32, #tpu.memory_space<vmem>>) semaphore(%arg11 : memref<!tpu.dma_semaphore, #tpu.memory_space<semaphore_mem>>)
        %mul3A_543 = arith.constant 5 : i32
        %mul3A_544 = arith.muli %add3A_510, %mul3A_543 : i32
        %add3A_545 = arith.constant 1 : i32
        %add3A_546 = arith.addi %mul3A_544, %add3A_545 : i32
        %dma_start3A_547 = arith.constant 0 : i32
        %dma_start3A_548 = arith.constant 0 : i32
        %dma_start3A_549 = arith.constant 0 : i32
        %dma_start3A_550 = tpu.memref_slice %arg9[%dma_start3A_547, %dma_start3A_548, %dma_start3A_549] : memref<2x625x32xf32, #tpu.memory_space<vmem>> -> memref<1x625x32xf32, #tpu.memory_space<vmem>>
        %dma_start3A_551 = tpu.memref_squeeze %dma_start3A_550 : memref<1x625x32xf32, #tpu.memory_space<vmem>> -> memref<625x32xf32, #tpu.memory_space<vmem>>
        %dma_start3A_552 = arith.constant 125 : i32
        %dma_start3A_553 = arith.constant 0 : i32
        %dma_start3A_554 = tpu.memref_slice %dma_start3A_551[%dma_start3A_552, %dma_start3A_553] : memref<625x32xf32, #tpu.memory_space<vmem>> -> memref<125x32xf32, #tpu.memory_space<vmem>>
        %dma_start3A_555 = arith.constant 0 : i32
        %dma_start3A_556 = tpu.memref_slice %arg7[%add3A_546, %dma_start3A_555] : memref<20x125xi32, #tpu.memory_space<vmem>> -> memref<1x125xi32, #tpu.memory_space<vmem>>
        %dma_start3A_557 = tpu.memref_squeeze %dma_start3A_556 : memref<1x125xi32, #tpu.memory_space<vmem>> -> memref<125xi32, #tpu.memory_space<vmem>>
        %dma_start3A_558 = arith.constant 0 : i32
        %dma_start3A_559 = arith.constant 0 : i32
        %dma_start3A_560 = tpu.memref_slice %arg2[%dma_start3A_558, %dma_start3A_559] : memref<10000x32xf32, #tpu.memory_space<hbm>> -> memref<10000x32xf32, #tpu.memory_space<hbm>>
        tpu.enqueue_indirect_dma source(%dma_start3A_560 : memref<10000x32xf32, #tpu.memory_space<hbm>>) target(%dma_start3A_554 : memref<125x32xf32, #tpu.memory_space<vmem>>) offsets(%dma_start3A_557 : memref<125xi32, #tpu.memory_space<vmem>>) semaphore(%arg11 : memref<!tpu.dma_semaphore, #tpu.memory_space<semaphore_mem>>)
        %dma_start3A_561 = arith.constant 0 : i32
        %dma_start3A_562 = arith.constant 0 : i32
        %dma_start3A_563 = arith.constant 0 : i32
        %dma_start3A_564 = tpu.memref_slice %arg10[%dma_start3A_561, %dma_start3A_562, %dma_start3A_563] : memref<2x625x16xf32, #tpu.memory_space<vmem>> -> memref<1x625x16xf32, #tpu.memory_space<vmem>>
        %dma_start3A_565 = tpu.memref_squeeze %dma_start3A_564 : memref<1x625x16xf32, #tpu.memory_space<vmem>> -> memref<625x16xf32, #tpu.memory_space<vmem>>
        %dma_start3A_566 = arith.constant 125 : i32
        %dma_start3A_567 = arith.constant 0 : i32
        %dma_start3A_568 = tpu.memref_slice %dma_start3A_565[%dma_start3A_566, %dma_start3A_567] : memref<625x16xf32, #tpu.memory_space<vmem>> -> memref<125x16xf32, #tpu.memory_space<vmem>>
        %dma_start3A_569 = arith.constant 0 : i32
        %dma_start3A_570 = tpu.memref_slice %arg8[%add3A_546, %dma_start3A_569] : memref<20x125xi32, #tpu.memory_space<vmem>> -> memref<1x125xi32, #tpu.memory_space<vmem>>
        %dma_start3A_571 = tpu.memref_squeeze %dma_start3A_570 : memref<1x125xi32, #tpu.memory_space<vmem>> -> memref<125xi32, #tpu.memory_space<vmem>>
        %dma_start3A_572 = arith.constant 0 : i32
        %dma_start3A_573 = arith.constant 0 : i32
        %dma_start3A_574 = tpu.memref_slice %arg3[%dma_start3A_572, %dma_start3A_573] : memref<10000x16xf32, #tpu.memory_space<hbm>> -> memref<10000x16xf32, #tpu.memory_space<hbm>>
        tpu.enqueue_indirect_dma source(%dma_start3A_574 : memref<10000x16xf32, #tpu.memory_space<hbm>>) target(%dma_start3A_568 : memref<125x16xf32, #tpu.memory_space<vmem>>) offsets(%dma_start3A_571 : memref<125xi32, #tpu.memory_space<vmem>>) semaphore(%arg11 : memref<!tpu.dma_semaphore, #tpu.memory_space<semaphore_mem>>)
        %mul3A_575 = arith.constant 5 : i32
        %mul3A_576 = arith.muli %add3A_510, %mul3A_575 : i32
        %add3A_577 = arith.constant 2 : i32
        %add3A_578 = arith.addi %mul3A_576, %add3A_577 : i32
        %dma_start3A_579 = arith.constant 0 : i32
        %dma_start3A_580 = arith.constant 0 : i32
        %dma_start3A_581 = arith.constant 0 : i32
        %dma_start3A_582 = tpu.memref_slice %arg9[%dma_start3A_579, %dma_start3A_580, %dma_start3A_581] : memref<2x625x32xf32, #tpu.memory_space<vmem>> -> memref<1x625x32xf32, #tpu.memory_space<vmem>>
        %dma_start3A_583 = tpu.memref_squeeze %dma_start3A_582 : memref<1x625x32xf32, #tpu.memory_space<vmem>> -> memref<625x32xf32, #tpu.memory_space<vmem>>
        %dma_start3A_584 = arith.constant 250 : i32
        %dma_start3A_585 = arith.constant 0 : i32
        %dma_start3A_586 = tpu.memref_slice %dma_start3A_583[%dma_start3A_584, %dma_start3A_585] : memref<625x32xf32, #tpu.memory_space<vmem>> -> memref<125x32xf32, #tpu.memory_space<vmem>>
        %dma_start3A_587 = arith.constant 0 : i32
        %dma_start3A_588 = tpu.memref_slice %arg7[%add3A_578, %dma_start3A_587] : memref<20x125xi32, #tpu.memory_space<vmem>> -> memref<1x125xi32, #tpu.memory_space<vmem>>
        %dma_start3A_589 = tpu.memref_squeeze %dma_start3A_588 : memref<1x125xi32, #tpu.memory_space<vmem>> -> memref<125xi32, #tpu.memory_space<vmem>>
        %dma_start3A_590 = arith.constant 0 : i32
        %dma_start3A_591 = arith.constant 0 : i32
        %dma_start3A_592 = tpu.memref_slice %arg2[%dma_start3A_590, %dma_start3A_591] : memref<10000x32xf32, #tpu.memory_space<hbm>> -> memref<10000x32xf32, #tpu.memory_space<hbm>>
        tpu.enqueue_indirect_dma source(%dma_start3A_592 : memref<10000x32xf32, #tpu.memory_space<hbm>>) target(%dma_start3A_586 : memref<125x32xf32, #tpu.memory_space<vmem>>) offsets(%dma_start3A_589 : memref<125xi32, #tpu.memory_space<vmem>>) semaphore(%arg11 : memref<!tpu.dma_semaphore, #tpu.memory_space<semaphore_mem>>)
        %dma_start3A_593 = arith.constant 0 : i32
        %dma_start3A_594 = arith.constant 0 : i32
        %dma_start3A_595 = arith.constant 0 : i32
        %dma_start3A_596 = tpu.memref_slice %arg10[%dma_start3A_593, %dma_start3A_594, %dma_start3A_595] : memref<2x625x16xf32, #tpu.memory_space<vmem>> -> memref<1x625x16xf32, #tpu.memory_space<vmem>>
        %dma_start3A_597 = tpu.memref_squeeze %dma_start3A_596 : memref<1x625x16xf32, #tpu.memory_space<vmem>> -> memref<625x16xf32, #tpu.memory_space<vmem>>
        %dma_start3A_598 = arith.constant 250 : i32
        %dma_start3A_599 = arith.constant 0 : i32
        %dma_start3A_600 = tpu.memref_slice %dma_start3A_597[%dma_start3A_598, %dma_start3A_599] : memref<625x16xf32, #tpu.memory_space<vmem>> -> memref<125x16xf32, #tpu.memory_space<vmem>>
        %dma_start3A_601 = arith.constant 0 : i32
        %dma_start3A_602 = tpu.memref_slice %arg8[%add3A_578, %dma_start3A_601] : memref<20x125xi32, #tpu.memory_space<vmem>> -> memref<1x125xi32, #tpu.memory_space<vmem>>
        %dma_start3A_603 = tpu.memref_squeeze %dma_start3A_602 : memref<1x125xi32, #tpu.memory_space<vmem>> -> memref<125xi32, #tpu.memory_space<vmem>>
        %dma_start3A_604 = arith.constant 0 : i32
        %dma_start3A_605 = arith.constant 0 : i32
        %dma_start3A_606 = tpu.memref_slice %arg3[%dma_start3A_604, %dma_start3A_605] : memref<10000x16xf32, #tpu.memory_space<hbm>> -> memref<10000x16xf32, #tpu.memory_space<hbm>>
        tpu.enqueue_indirect_dma source(%dma_start3A_606 : memref<10000x16xf32, #tpu.memory_space<hbm>>) target(%dma_start3A_600 : memref<125x16xf32, #tpu.memory_space<vmem>>) offsets(%dma_start3A_603 : memref<125xi32, #tpu.memory_space<vmem>>) semaphore(%arg11 : memref<!tpu.dma_semaphore, #tpu.memory_space<semaphore_mem>>)
        %mul3A_607 = arith.constant 5 : i32
        %mul3A_608 = arith.muli %add3A_510, %mul3A_607 : i32
        %add3A_609 = arith.constant 3 : i32
        %add3A_610 = arith.addi %mul3A_608, %add3A_609 : i32
        %dma_start3A_611 = arith.constant 0 : i32
        %dma_start3A_612 = arith.constant 0 : i32
        %dma_start3A_613 = arith.constant 0 : i32
        %dma_start3A_614 = tpu.memref_slice %arg9[%dma_start3A_611, %dma_start3A_612, %dma_start3A_613] : memref<2x625x32xf32, #tpu.memory_space<vmem>> -> memref<1x625x32xf32, #tpu.memory_space<vmem>>
        %dma_start3A_615 = tpu.memref_squeeze %dma_start3A_614 : memref<1x625x32xf32, #tpu.memory_space<vmem>> -> memref<625x32xf32, #tpu.memory_space<vmem>>
        %dma_start3A_616 = arith.constant 375 : i32
        %dma_start3A_617 = arith.constant 0 : i32
        %dma_start3A_618 = tpu.memref_slice %dma_start3A_615[%dma_start3A_616, %dma_start3A_617] : memref<625x32xf32, #tpu.memory_space<vmem>> -> memref<125x32xf32, #tpu.memory_space<vmem>>
        %dma_start3A_619 = arith.constant 0 : i32
        %dma_start3A_620 = tpu.memref_slice %arg7[%add3A_610, %dma_start3A_619] : memref<20x125xi32, #tpu.memory_space<vmem>> -> memref<1x125xi32, #tpu.memory_space<vmem>>
        %dma_start3A_621 = tpu.memref_squeeze %dma_start3A_620 : memref<1x125xi32, #tpu.memory_space<vmem>> -> memref<125xi32, #tpu.memory_space<vmem>>
        %dma_start3A_622 = arith.constant 0 : i32
        %dma_start3A_623 = arith.constant 0 : i32
        %dma_start3A_624 = tpu.memref_slice %arg2[%dma_start3A_622, %dma_start3A_623] : memref<10000x32xf32, #tpu.memory_space<hbm>> -> memref<10000x32xf32, #tpu.memory_space<hbm>>
        tpu.enqueue_indirect_dma source(%dma_start3A_624 : memref<10000x32xf32, #tpu.memory_space<hbm>>) target(%dma_start3A_618 : memref<125x32xf32, #tpu.memory_space<vmem>>) offsets(%dma_start3A_621 : memref<125xi32, #tpu.memory_space<vmem>>) semaphore(%arg11 : memref<!tpu.dma_semaphore, #tpu.memory_space<semaphore_mem>>)
        %dma_start3A_625 = arith.constant 0 : i32
        %dma_start3A_626 = arith.constant 0 : i32
        %dma_start3A_627 = arith.constant 0 : i32
        %dma_start3A_628 = tpu.memref_slice %arg10[%dma_start3A_625, %dma_start3A_626, %dma_start3A_627] : memref<2x625x16xf32, #tpu.memory_space<vmem>> -> memref<1x625x16xf32, #tpu.memory_space<vmem>>
        %dma_start3A_629 = tpu.memref_squeeze %dma_start3A_628 : memref<1x625x16xf32, #tpu.memory_space<vmem>> -> memref<625x16xf32, #tpu.memory_space<vmem>>
        %dma_start3A_630 = arith.constant 375 : i32
        %dma_start3A_631 = arith.constant 0 : i32
        %dma_start3A_632 = tpu.memref_slice %dma_start3A_629[%dma_start3A_630, %dma_start3A_631] : memref<625x16xf32, #tpu.memory_space<vmem>> -> memref<125x16xf32, #tpu.memory_space<vmem>>
        %dma_start3A_633 = arith.constant 0 : i32
        %dma_start3A_634 = tpu.memref_slice %arg8[%add3A_610, %dma_start3A_633] : memref<20x125xi32, #tpu.memory_space<vmem>> -> memref<1x125xi32, #tpu.memory_space<vmem>>
        %dma_start3A_635 = tpu.memref_squeeze %dma_start3A_634 : memref<1x125xi32, #tpu.memory_space<vmem>> -> memref<125xi32, #tpu.memory_space<vmem>>
        %dma_start3A_636 = arith.constant 0 : i32
        %dma_start3A_637 = arith.constant 0 : i32
        %dma_start3A_638 = tpu.memref_slice %arg3[%dma_start3A_636, %dma_start3A_637] : memref<10000x16xf32, #tpu.memory_space<hbm>> -> memref<10000x16xf32, #tpu.memory_space<hbm>>
        tpu.enqueue_indirect_dma source(%dma_start3A_638 : memref<10000x16xf32, #tpu.memory_space<hbm>>) target(%dma_start3A_632 : memref<125x16xf32, #tpu.memory_space<vmem>>) offsets(%dma_start3A_635 : memref<125xi32, #tpu.memory_space<vmem>>) semaphore(%arg11 : memref<!tpu.dma_semaphore, #tpu.memory_space<semaphore_mem>>)
        %mul3A_639 = arith.constant 5 : i32
        %mul3A_640 = arith.muli %add3A_510, %mul3A_639 : i32
        %add3A_641 = arith.constant 4 : i32
        %add3A_642 = arith.addi %mul3A_640, %add3A_641 : i32
        %dma_start3A_643 = arith.constant 0 : i32
        %dma_start3A_644 = arith.constant 0 : i32
        %dma_start3A_645 = arith.constant 0 : i32
        %dma_start3A_646 = tpu.memref_slice %arg9[%dma_start3A_643, %dma_start3A_644, %dma_start3A_645] : memref<2x625x32xf32, #tpu.memory_space<vmem>> -> memref<1x625x32xf32, #tpu.memory_space<vmem>>
        %dma_start3A_647 = tpu.memref_squeeze %dma_start3A_646 : memref<1x625x32xf32, #tpu.memory_space<vmem>> -> memref<625x32xf32, #tpu.memory_space<vmem>>
        %dma_start3A_648 = arith.constant 500 : i32
        %dma_start3A_649 = arith.constant 0 : i32
        %dma_start3A_650 = tpu.memref_slice %dma_start3A_647[%dma_start3A_648, %dma_start3A_649] : memref<625x32xf32, #tpu.memory_space<vmem>> -> memref<125x32xf32, #tpu.memory_space<vmem>>
        %dma_start3A_651 = arith.constant 0 : i32
        %dma_start3A_652 = tpu.memref_slice %arg7[%add3A_642, %dma_start3A_651] : memref<20x125xi32, #tpu.memory_space<vmem>> -> memref<1x125xi32, #tpu.memory_space<vmem>>
        %dma_start3A_653 = tpu.memref_squeeze %dma_start3A_652 : memref<1x125xi32, #tpu.memory_space<vmem>> -> memref<125xi32, #tpu.memory_space<vmem>>
        %dma_start3A_654 = arith.constant 0 : i32
        %dma_start3A_655 = arith.constant 0 : i32
        %dma_start3A_656 = tpu.memref_slice %arg2[%dma_start3A_654, %dma_start3A_655] : memref<10000x32xf32, #tpu.memory_space<hbm>> -> memref<10000x32xf32, #tpu.memory_space<hbm>>
        tpu.enqueue_indirect_dma source(%dma_start3A_656 : memref<10000x32xf32, #tpu.memory_space<hbm>>) target(%dma_start3A_650 : memref<125x32xf32, #tpu.memory_space<vmem>>) offsets(%dma_start3A_653 : memref<125xi32, #tpu.memory_space<vmem>>) semaphore(%arg11 : memref<!tpu.dma_semaphore, #tpu.memory_space<semaphore_mem>>)
        %dma_start3A_657 = arith.constant 0 : i32
        %dma_start3A_658 = arith.constant 0 : i32
        %dma_start3A_659 = arith.constant 0 : i32
        %dma_start3A_660 = tpu.memref_slice %arg10[%dma_start3A_657, %dma_start3A_658, %dma_start3A_659] : memref<2x625x16xf32, #tpu.memory_space<vmem>> -> memref<1x625x16xf32, #tpu.memory_space<vmem>>
        %dma_start3A_661 = tpu.memref_squeeze %dma_start3A_660 : memref<1x625x16xf32, #tpu.memory_space<vmem>> -> memref<625x16xf32, #tpu.memory_space<vmem>>
        %dma_start3A_662 = arith.constant 500 : i32
        %dma_start3A_663 = arith.constant 0 : i32
        %dma_start3A_664 = tpu.memref_slice %dma_start3A_661[%dma_start3A_662, %dma_start3A_663] : memref<625x16xf32, #tpu.memory_space<vmem>> -> memref<125x16xf32, #tpu.memory_space<vmem>>
        %dma_start3A_665 = arith.constant 0 : i32
        %dma_start3A_666 = tpu.memref_slice %arg8[%add3A_642, %dma_start3A_665] : memref<20x125xi32, #tpu.memory_space<vmem>> -> memref<1x125xi32, #tpu.memory_space<vmem>>
        %dma_start3A_667 = tpu.memref_squeeze %dma_start3A_666 : memref<1x125xi32, #tpu.memory_space<vmem>> -> memref<125xi32, #tpu.memory_space<vmem>>
        %dma_start3A_668 = arith.constant 0 : i32
        %dma_start3A_669 = arith.constant 0 : i32
        %dma_start3A_670 = tpu.memref_slice %arg3[%dma_start3A_668, %dma_start3A_669] : memref<10000x16xf32, #tpu.memory_space<hbm>> -> memref<10000x16xf32, #tpu.memory_space<hbm>>
        tpu.enqueue_indirect_dma source(%dma_start3A_670 : memref<10000x16xf32, #tpu.memory_space<hbm>>) target(%dma_start3A_664 : memref<125x16xf32, #tpu.memory_space<vmem>>) offsets(%dma_start3A_667 : memref<125xi32, #tpu.memory_space<vmem>>) semaphore(%arg11 : memref<!tpu.dma_semaphore, #tpu.memory_space<semaphore_mem>>)
      } else {
      }
    }
    %scan3A_160 = arith.constant 2 : i32
    %dma_wait3A = arith.constant 1 : i32
    %dma_wait3A_161 = arith.constant 0 : i32
    %dma_wait3A_162 = arith.constant 0 : i32
    %dma_wait3A_163 = tpu.memref_slice %arg9[%dma_wait3A, %dma_wait3A_161, %dma_wait3A_162] : memref<2x625x32xf32, #tpu.memory_space<vmem>> -> memref<1x625x32xf32, #tpu.memory_space<vmem>>
    %dma_wait3A_164 = tpu.memref_squeeze %dma_wait3A_163 : memref<1x625x32xf32, #tpu.memory_space<vmem>> -> memref<625x32xf32, #tpu.memory_space<vmem>>
    %dma_wait3A_165 = arith.constant 0 : i32
    %dma_wait3A_166 = arith.constant 0 : i32
    %dma_wait3A_167 = tpu.memref_slice %arg6[%dma_wait3A_165, %dma_wait3A_166] : memref<80000x128xf32, #tpu.memory_space<hbm>> -> memref<625x32xf32, #tpu.memory_space<hbm>>
    %dma_wait3A_168 = arith.constant 0 : i32
    %dma_wait3A_169 = arith.constant 0 : i32
    %dma_wait3A_170 = tpu.memref_slice %arg6[%dma_wait3A_168, %dma_wait3A_169] : memref<80000x128xf32, #tpu.memory_space<hbm>> -> memref<625x32xf32, #tpu.memory_space<hbm>>
    %dma_wait3A_171 = arith.constant 0 : i32
    %dma_wait3A_172 = arith.constant 0 : i32
    %dma_wait3A_173 = tpu.memref_slice %arg9[%dma_wait3A, %dma_wait3A_171, %dma_wait3A_172] : memref<2x625x32xf32, #tpu.memory_space<vmem>> -> memref<1x625x32xf32, #tpu.memory_space<vmem>>
    %dma_wait3A_174 = tpu.memref_squeeze %dma_wait3A_173 : memref<1x625x32xf32, #tpu.memory_space<vmem>> -> memref<625x32xf32, #tpu.memory_space<vmem>>
    tpu.wait_dma2 semaphore(%arg14 : memref<!tpu.dma_semaphore, #tpu.memory_space<semaphore_mem>>) src(%dma_wait3A_174 : memref<625x32xf32, #tpu.memory_space<vmem>>) dst(%dma_wait3A_170 : memref<625x32xf32, #tpu.memory_space<hbm>>)
    %dma_wait3A_175 = arith.constant 1 : i32
    %dma_wait3A_176 = arith.constant 0 : i32
    %dma_wait3A_177 = arith.constant 0 : i32
    %dma_wait3A_178 = tpu.memref_slice %arg10[%dma_wait3A_175, %dma_wait3A_176, %dma_wait3A_177] : memref<2x625x16xf32, #tpu.memory_space<vmem>> -> memref<1x625x16xf32, #tpu.memory_space<vmem>>
    %dma_wait3A_179 = tpu.memref_squeeze %dma_wait3A_178 : memref<1x625x16xf32, #tpu.memory_space<vmem>> -> memref<625x16xf32, #tpu.memory_space<vmem>>
    %dma_wait3A_180 = arith.constant 0 : i32
    %dma_wait3A_181 = arith.constant 32 : i32
    %dma_wait3A_182 = tpu.memref_slice %arg6[%dma_wait3A_180, %dma_wait3A_181] : memref<80000x128xf32, #tpu.memory_space<hbm>> -> memref<625x16xf32, #tpu.memory_space<hbm>>
    %dma_wait3A_183 = arith.constant 0 : i32
    %dma_wait3A_184 = arith.constant 32 : i32
    %dma_wait3A_185 = tpu.memref_slice %arg6[%dma_wait3A_183, %dma_wait3A_184] : memref<80000x128xf32, #tpu.memory_space<hbm>> -> memref<625x16xf32, #tpu.memory_space<hbm>>
    %dma_wait3A_186 = arith.constant 0 : i32
    %dma_wait3A_187 = arith.constant 0 : i32
    %dma_wait3A_188 = tpu.memref_slice %arg10[%dma_wait3A_175, %dma_wait3A_186, %dma_wait3A_187] : memref<2x625x16xf32, #tpu.memory_space<vmem>> -> memref<1x625x16xf32, #tpu.memory_space<vmem>>
    %dma_wait3A_189 = tpu.memref_squeeze %dma_wait3A_188 : memref<1x625x16xf32, #tpu.memory_space<vmem>> -> memref<625x16xf32, #tpu.memory_space<vmem>>
    tpu.wait_dma2 semaphore(%arg14 : memref<!tpu.dma_semaphore, #tpu.memory_space<semaphore_mem>>) src(%dma_wait3A_189 : memref<625x16xf32, #tpu.memory_space<vmem>>) dst(%dma_wait3A_185 : memref<625x16xf32, #tpu.memory_space<hbm>>)
    return
  }
}

module attributes {stable_mosaic.version = 14 : i64} {
  func.func @tc_compute_half1(%arg0: i32, %arg1: memref<16x3200xf32, #tpu.memory_space<vmem>>, %arg2: memref<4x3200xf32, #tpu.memory_space<vmem>>, %arg3: memref<3200x128xf32, #tpu.memory_space<vmem>>, %arg4: memref<16x128xf32, #tpu.memory_space<vmem>>, %arg5: memref<48x128xf32, #tpu.memory_space<vmem>>, %arg6: memref<256x128xf32, #tpu.memory_space<vmem>>, %arg7: memref<16x128xf32, #tpu.memory_space<vmem>>, %arg8: memref<4x256xf32, #tpu.memory_space<vmem>>, %arg9: memref<128x128xf32, #tpu.memory_space<vmem>>, %arg10: memref<3200x128xf32, #tpu.memory_space<vmem>>) attributes {dimension_semantics = [#tpu.dimension_semantics<arbitrary>], iteration_bounds = array<i64: 25>, scalar_prefetch = 0 : i64, scratch_operands = 0 : i64, tpu.core_type = #tpu.core_type<tc>, window_params = [{transform_indices = @transform_0, window_bounds = array<i64: 16, 3200>}, {transform_indices = @transform_1, window_bounds = array<i64: 4, 3200>}, {transform_indices = @transform_2, window_bounds = array<i64: 3200, 128>}, {pipeline_mode = #tpu.pipeline_mode<synchronous>, transform_indices = @transform_3, window_bounds = array<i64: 16, 128>}, {pipeline_mode = #tpu.pipeline_mode<synchronous>, transform_indices = @transform_4, window_bounds = array<i64: 48, 128>}, {pipeline_mode = #tpu.pipeline_mode<synchronous>, transform_indices = @transform_5, window_bounds = array<i64: 256, 128>}, {pipeline_mode = #tpu.pipeline_mode<synchronous>, transform_indices = @transform_6, window_bounds = array<i64: 16, 128>}, {pipeline_mode = #tpu.pipeline_mode<synchronous>, transform_indices = @transform_7, window_bounds = array<i64: 4, 256>}, {pipeline_mode = #tpu.pipeline_mode<synchronous>, transform_indices = @transform_8, window_bounds = array<i64: 128, 128>}, {transform_indices = @transform_9, window_bounds = array<i64: 3200, 128>}]} {
    %get3A = arith.constant 0 : index
    %get3A_0 = arith.constant 0 : index
    %get3A_1 = vector.load %arg3[%get3A, %get3A_0] : memref<3200x128xf32, #tpu.memory_space<vmem>>, vector<3200x48xf32>
    %get3A_2 = arith.constant 0 : index
    %get3A_3 = arith.constant 0 : index
    %get3A_4 = vector.load %arg1[%get3A_2, %get3A_3] : memref<16x3200xf32, #tpu.memory_space<vmem>>, vector<16x3200xf32>
    %get3A_5 = arith.constant 0 : index
    %get3A_6 = arith.constant 0 : index
    %get3A_7 = vector.load %arg4[%get3A_5, %get3A_6] : memref<16x128xf32, #tpu.memory_space<vmem>>, vector<16x128xf32>
    %dot_general3A = arith.constant dense<0.000000e+00> : vector<3200x128xf32>
    %dot_general3A_8 = tpu.matmul %get3A_4, %get3A_7, %dot_general3A {dimension_numbers = #tpu.dot_dimension_numbers<[0], [0], [1], [1], [0, 1, 1, 1], [], []>, transpose_lhs_hint = false} : vector<16x3200xf32>, vector<16x128xf32>, vector<3200x128xf32> -> vector<3200x128xf32>
    %get3A_9 = arith.constant 0 : index
    %get3A_10 = arith.constant 0 : index
    %get3A_11 = vector.load %arg5[%get3A_9, %get3A_10] : memref<48x128xf32, #tpu.memory_space<vmem>>, vector<48x128xf32>
    %dot_general3A_12 = arith.constant dense<0.000000e+00> : vector<3200x128xf32>
    %dot_general3A_13 = tpu.matmul %get3A_1, %get3A_11, %dot_general3A_12 {dimension_numbers = #tpu.dot_dimension_numbers<[1], [0], [0], [1], [0, 0, 1, 1], [], []>, transpose_lhs_hint = false} : vector<3200x48xf32>, vector<48x128xf32>, vector<3200x128xf32> -> vector<3200x128xf32>
    %add3A = arith.addf %dot_general3A_8, %dot_general3A_13 : vector<3200x128xf32>
    %max3A = arith.constant 0.000000e+00 : f32
    %max3A_14 = vector.broadcast %max3A : f32 to vector<3200x128xf32>
    %max3A_15 = arith.maximumf %add3A, %max3A_14 : vector<3200x128xf32>
    %get3A_16 = arith.constant 0 : index
    %get3A_17 = arith.constant 0 : index
    %get3A_18 = vector.load %arg2[%get3A_16, %get3A_17] : memref<4x3200xf32, #tpu.memory_space<vmem>>, vector<4x3200xf32>
    %get3A_19 = arith.constant 0 : index
    %get3A_20 = arith.constant 0 : index
    %get3A_21 = vector.load %arg8[%get3A_19, %get3A_20] : memref<4x256xf32, #tpu.memory_space<vmem>>, vector<4x256xf32>
    %dot_general3A_22 = arith.constant dense<0.000000e+00> : vector<3200x256xf32>
    %dot_general3A_23 = tpu.matmul %get3A_18, %get3A_21, %dot_general3A_22 {dimension_numbers = #tpu.dot_dimension_numbers<[0], [0], [1], [1], [0, 1, 1, 1], [], []>, transpose_lhs_hint = false} : vector<4x3200xf32>, vector<4x256xf32>, vector<3200x256xf32> -> vector<3200x256xf32>
    %slice3A = vector.extract_strided_slice %dot_general3A_23 {offsets = [0, 0], sizes = [3200, 128], strides = [1, 1]} : vector<3200x256xf32> to vector<3200x128xf32>
    %mul3A = arith.mulf %max3A_15, %slice3A : vector<3200x128xf32>
    %slice3A_24 = vector.extract_strided_slice %dot_general3A_23 {offsets = [0, 128], sizes = [3200, 128], strides = [1, 1]} : vector<3200x256xf32> to vector<3200x128xf32>
    %mul3A_25 = arith.mulf %max3A_15, %slice3A_24 : vector<3200x128xf32>
    %concatenate3A = tpu.concatenate %mul3A, %mul3A_25 in 1 : vector<3200x128xf32>, vector<3200x128xf32> -> vector<3200x256xf32>
    %get3A_26 = arith.constant 0 : index
    %get3A_27 = arith.constant 0 : index
    %get3A_28 = vector.load %arg6[%get3A_26, %get3A_27] : memref<256x128xf32, #tpu.memory_space<vmem>>, vector<256x128xf32>
    %dot_general3A_29 = arith.constant dense<0.000000e+00> : vector<3200x128xf32>
    %dot_general3A_30 = tpu.matmul %concatenate3A, %get3A_28, %dot_general3A_29 {dimension_numbers = #tpu.dot_dimension_numbers<[1], [0], [0], [1], [0, 0, 1, 1], [], []>, transpose_lhs_hint = false} : vector<3200x256xf32>, vector<256x128xf32>, vector<3200x128xf32> -> vector<3200x128xf32>
    %slice3A_31 = vector.extract_strided_slice %get3A_1 {offsets = [0, 0], sizes = [3200, 16], strides = [1, 1]} : vector<3200x48xf32> to vector<3200x16xf32>
    %get3A_32 = arith.constant 0 : index
    %get3A_33 = arith.constant 0 : index
    %get3A_34 = vector.load %arg7[%get3A_32, %get3A_33] : memref<16x128xf32, #tpu.memory_space<vmem>>, vector<16x128xf32>
    %dot_general3A_35 = arith.constant dense<0.000000e+00> : vector<3200x128xf32>
    %dot_general3A_36 = tpu.matmul %slice3A_31, %get3A_34, %dot_general3A_35 {dimension_numbers = #tpu.dot_dimension_numbers<[1], [0], [0], [1], [0, 0, 1, 1], [], []>, transpose_lhs_hint = false} : vector<3200x16xf32>, vector<16x128xf32>, vector<3200x128xf32> -> vector<3200x128xf32>
    %mul3A_37 = arith.mulf %dot_general3A_30, %dot_general3A_36 : vector<3200x128xf32>
    %get3A_38 = arith.constant 0 : index
    %get3A_39 = arith.constant 0 : index
    %get3A_40 = vector.load %arg9[%get3A_38, %get3A_39] : memref<128x128xf32, #tpu.memory_space<vmem>>, vector<128x128xf32>
    %dot_general3A_41 = arith.constant dense<0.000000e+00> : vector<3200x128xf32>
    %dot_general3A_42 = tpu.matmul %mul3A_37, %get3A_40, %dot_general3A_41 {dimension_numbers = #tpu.dot_dimension_numbers<[1], [0], [0], [1], [0, 0, 1, 1], [], []>, transpose_lhs_hint = false} : vector<3200x128xf32>, vector<128x128xf32>, vector<3200x128xf32> -> vector<3200x128xf32>
    %swap3A = arith.constant 0 : index
    %swap3A_43 = arith.constant 0 : index
    %swap3A_44 = vector.load %arg10[%swap3A, %swap3A_43] : memref<3200x128xf32, #tpu.memory_space<vmem>>, vector<3200x128xf32>
    tpu.vector_store %arg10[%swap3A, %swap3A_43], %dot_general3A_42 {strides = array<i32>} : memref<3200x128xf32, #tpu.memory_space<vmem>>, vector<3200x128xf32>,
    return
  }
  func.func @transform_0(%arg0: i32) -> (i32, i32) {
    %add3A = arith.constant 25 : i32
    %add3A_0 = arith.addi %arg0, %add3A : i32
    %c0_i32 = arith.constant 0 : i32
    %c0_i32_1 = arith.constant 0 : i32
    return %c0_i32, %add3A_0 : i32, i32
  }
  func.func @transform_1(%arg0: i32) -> (i32, i32) {
    %add3A = arith.constant 25 : i32
    %add3A_0 = arith.addi %arg0, %add3A : i32
    %c0_i32 = arith.constant 0 : i32
    %c0_i32_1 = arith.constant 0 : i32
    return %c0_i32, %add3A_0 : i32, i32
  }
  func.func @transform_2(%arg0: i32) -> (i32, i32) {
    %c0_i32 = arith.constant 0 : i32
    %c0_i32_0 = arith.constant 0 : i32
    return %arg0, %c0_i32 : i32, i32
  }
  func.func @transform_3(%arg0: i32) -> (i32, i32) {
    %c0_i32 = arith.constant 0 : i32
    %c0_i32_0 = arith.constant 0 : i32
    %c0_i32_1 = arith.constant 0 : i32
    return %c0_i32, %c0_i32_0 : i32, i32
  }
  func.func @transform_4(%arg0: i32) -> (i32, i32) {
    %c0_i32 = arith.constant 0 : i32
    %c0_i32_0 = arith.constant 0 : i32
    %c0_i32_1 = arith.constant 0 : i32
    return %c0_i32, %c0_i32_0 : i32, i32
  }
  func.func @transform_5(%arg0: i32) -> (i32, i32) {
    %c0_i32 = arith.constant 0 : i32
    %c0_i32_0 = arith.constant 0 : i32
    %c0_i32_1 = arith.constant 0 : i32
    return %c0_i32, %c0_i32_0 : i32, i32
  }
  func.func @transform_6(%arg0: i32) -> (i32, i32) {
    %c0_i32 = arith.constant 0 : i32
    %c0_i32_0 = arith.constant 0 : i32
    %c0_i32_1 = arith.constant 0 : i32
    return %c0_i32, %c0_i32_0 : i32, i32
  }
  func.func @transform_7(%arg0: i32) -> (i32, i32) {
    %c0_i32 = arith.constant 0 : i32
    %c0_i32_0 = arith.constant 0 : i32
    %c0_i32_1 = arith.constant 0 : i32
    return %c0_i32, %c0_i32_0 : i32, i32
  }
  func.func @transform_8(%arg0: i32) -> (i32, i32) {
    %c0_i32 = arith.constant 0 : i32
    %c0_i32_0 = arith.constant 0 : i32
    %c0_i32_1 = arith.constant 0 : i32
    return %c0_i32, %c0_i32_0 : i32, i32
  }
  func.func @transform_9(%arg0: i32) -> (i32, i32) {
    %c0_i32 = arith.constant 0 : i32
    %c0_i32_0 = arith.constant 0 : i32
    return %arg0, %c0_i32 : i32, i32
  }
}

module attributes {stable_mosaic.version = 14 : i64} {
  func.func @tc_compute_half0(%arg0: i32, %arg1: memref<16x3200xf32, #tpu.memory_space<vmem>>, %arg2: memref<4x3200xf32, #tpu.memory_space<vmem>>, %arg3: memref<3200x128xf32, #tpu.memory_space<vmem>>, %arg4: memref<16x128xf32, #tpu.memory_space<vmem>>, %arg5: memref<48x128xf32, #tpu.memory_space<vmem>>, %arg6: memref<256x128xf32, #tpu.memory_space<vmem>>, %arg7: memref<16x128xf32, #tpu.memory_space<vmem>>, %arg8: memref<4x256xf32, #tpu.memory_space<vmem>>, %arg9: memref<128x128xf32, #tpu.memory_space<vmem>>, %arg10: memref<3200x128xf32, #tpu.memory_space<vmem>>) attributes {dimension_semantics = [#tpu.dimension_semantics<arbitrary>], iteration_bounds = array<i64: 25>, scalar_prefetch = 0 : i64, scratch_operands = 0 : i64, tpu.core_type = #tpu.core_type<tc>, window_params = [{transform_indices = @transform_0, window_bounds = array<i64: 16, 3200>}, {transform_indices = @transform_1, window_bounds = array<i64: 4, 3200>}, {transform_indices = @transform_2, window_bounds = array<i64: 3200, 128>}, {pipeline_mode = #tpu.pipeline_mode<synchronous>, transform_indices = @transform_3, window_bounds = array<i64: 16, 128>}, {pipeline_mode = #tpu.pipeline_mode<synchronous>, transform_indices = @transform_4, window_bounds = array<i64: 48, 128>}, {pipeline_mode = #tpu.pipeline_mode<synchronous>, transform_indices = @transform_5, window_bounds = array<i64: 256, 128>}, {pipeline_mode = #tpu.pipeline_mode<synchronous>, transform_indices = @transform_6, window_bounds = array<i64: 16, 128>}, {pipeline_mode = #tpu.pipeline_mode<synchronous>, transform_indices = @transform_7, window_bounds = array<i64: 4, 256>}, {pipeline_mode = #tpu.pipeline_mode<synchronous>, transform_indices = @transform_8, window_bounds = array<i64: 128, 128>}, {transform_indices = @transform_9, window_bounds = array<i64: 3200, 128>}]} {
    %get3A = arith.constant 0 : index
    %get3A_0 = arith.constant 0 : index
    %get3A_1 = vector.load %arg3[%get3A, %get3A_0] : memref<3200x128xf32, #tpu.memory_space<vmem>>, vector<3200x48xf32>
    %get3A_2 = arith.constant 0 : index
    %get3A_3 = arith.constant 0 : index
    %get3A_4 = vector.load %arg1[%get3A_2, %get3A_3] : memref<16x3200xf32, #tpu.memory_space<vmem>>, vector<16x3200xf32>
    %get3A_5 = arith.constant 0 : index
    %get3A_6 = arith.constant 0 : index
    %get3A_7 = vector.load %arg4[%get3A_5, %get3A_6] : memref<16x128xf32, #tpu.memory_space<vmem>>, vector<16x128xf32>
    %dot_general3A = arith.constant dense<0.000000e+00> : vector<3200x128xf32>
    %dot_general3A_8 = tpu.matmul %get3A_4, %get3A_7, %dot_general3A {dimension_numbers = #tpu.dot_dimension_numbers<[0], [0], [1], [1], [0, 1, 1, 1], [], []>, transpose_lhs_hint = false} : vector<16x3200xf32>, vector<16x128xf32>, vector<3200x128xf32> -> vector<3200x128xf32>
    %get3A_9 = arith.constant 0 : index
    %get3A_10 = arith.constant 0 : index
    %get3A_11 = vector.load %arg5[%get3A_9, %get3A_10] : memref<48x128xf32, #tpu.memory_space<vmem>>, vector<48x128xf32>
    %dot_general3A_12 = arith.constant dense<0.000000e+00> : vector<3200x128xf32>
    %dot_general3A_13 = tpu.matmul %get3A_1, %get3A_11, %dot_general3A_12 {dimension_numbers = #tpu.dot_dimension_numbers<[1], [0], [0], [1], [0, 0, 1, 1], [], []>, transpose_lhs_hint = false} : vector<3200x48xf32>, vector<48x128xf32>, vector<3200x128xf32> -> vector<3200x128xf32>
    %add3A = arith.addf %dot_general3A_8, %dot_general3A_13 : vector<3200x128xf32>
    %max3A = arith.constant 0.000000e+00 : f32
    %max3A_14 = vector.broadcast %max3A : f32 to vector<3200x128xf32>
    %max3A_15 = arith.maximumf %add3A, %max3A_14 : vector<3200x128xf32>
    %get3A_16 = arith.constant 0 : index
    %get3A_17 = arith.constant 0 : index
    %get3A_18 = vector.load %arg2[%get3A_16, %get3A_17] : memref<4x3200xf32, #tpu.memory_space<vmem>>, vector<4x3200xf32>
    %get3A_19 = arith.constant 0 : index
    %get3A_20 = arith.constant 0 : index
    %get3A_21 = vector.load %arg8[%get3A_19, %get3A_20] : memref<4x256xf32, #tpu.memory_space<vmem>>, vector<4x256xf32>
    %dot_general3A_22 = arith.constant dense<0.000000e+00> : vector<3200x256xf32>
    %dot_general3A_23 = tpu.matmul %get3A_18, %get3A_21, %dot_general3A_22 {dimension_numbers = #tpu.dot_dimension_numbers<[0], [0], [1], [1], [0, 1, 1, 1], [], []>, transpose_lhs_hint = false} : vector<4x3200xf32>, vector<4x256xf32>, vector<3200x256xf32> -> vector<3200x256xf32>
    %slice3A = vector.extract_strided_slice %dot_general3A_23 {offsets = [0, 0], sizes = [3200, 128], strides = [1, 1]} : vector<3200x256xf32> to vector<3200x128xf32>
    %mul3A = arith.mulf %max3A_15, %slice3A : vector<3200x128xf32>
    %slice3A_24 = vector.extract_strided_slice %dot_general3A_23 {offsets = [0, 128], sizes = [3200, 128], strides = [1, 1]} : vector<3200x256xf32> to vector<3200x128xf32>
    %mul3A_25 = arith.mulf %max3A_15, %slice3A_24 : vector<3200x128xf32>
    %concatenate3A = tpu.concatenate %mul3A, %mul3A_25 in 1 : vector<3200x128xf32>, vector<3200x128xf32> -> vector<3200x256xf32>
    %get3A_26 = arith.constant 0 : index
    %get3A_27 = arith.constant 0 : index
    %get3A_28 = vector.load %arg6[%get3A_26, %get3A_27] : memref<256x128xf32, #tpu.memory_space<vmem>>, vector<256x128xf32>
    %dot_general3A_29 = arith.constant dense<0.000000e+00> : vector<3200x128xf32>
    %dot_general3A_30 = tpu.matmul %concatenate3A, %get3A_28, %dot_general3A_29 {dimension_numbers = #tpu.dot_dimension_numbers<[1], [0], [0], [1], [0, 0, 1, 1], [], []>, transpose_lhs_hint = false} : vector<3200x256xf32>, vector<256x128xf32>, vector<3200x128xf32> -> vector<3200x128xf32>
    %slice3A_31 = vector.extract_strided_slice %get3A_1 {offsets = [0, 0], sizes = [3200, 16], strides = [1, 1]} : vector<3200x48xf32> to vector<3200x16xf32>
    %get3A_32 = arith.constant 0 : index
    %get3A_33 = arith.constant 0 : index
    %get3A_34 = vector.load %arg7[%get3A_32, %get3A_33] : memref<16x128xf32, #tpu.memory_space<vmem>>, vector<16x128xf32>
    %dot_general3A_35 = arith.constant dense<0.000000e+00> : vector<3200x128xf32>
    %dot_general3A_36 = tpu.matmul %slice3A_31, %get3A_34, %dot_general3A_35 {dimension_numbers = #tpu.dot_dimension_numbers<[1], [0], [0], [1], [0, 0, 1, 1], [], []>, transpose_lhs_hint = false} : vector<3200x16xf32>, vector<16x128xf32>, vector<3200x128xf32> -> vector<3200x128xf32>
    %mul3A_37 = arith.mulf %dot_general3A_30, %dot_general3A_36 : vector<3200x128xf32>
    %get3A_38 = arith.constant 0 : index
    %get3A_39 = arith.constant 0 : index
    %get3A_40 = vector.load %arg9[%get3A_38, %get3A_39] : memref<128x128xf32, #tpu.memory_space<vmem>>, vector<128x128xf32>
    %dot_general3A_41 = arith.constant dense<0.000000e+00> : vector<3200x128xf32>
    %dot_general3A_42 = tpu.matmul %mul3A_37, %get3A_40, %dot_general3A_41 {dimension_numbers = #tpu.dot_dimension_numbers<[1], [0], [0], [1], [0, 0, 1, 1], [], []>, transpose_lhs_hint = false} : vector<3200x128xf32>, vector<128x128xf32>, vector<3200x128xf32> -> vector<3200x128xf32>
    %swap3A = arith.constant 0 : index
    %swap3A_43 = arith.constant 0 : index
    %swap3A_44 = vector.load %arg10[%swap3A, %swap3A_43] : memref<3200x128xf32, #tpu.memory_space<vmem>>, vector<3200x128xf32>
    tpu.vector_store %arg10[%swap3A, %swap3A_43], %dot_general3A_42 {strides = array<i32>} : memref<3200x128xf32, #tpu.memory_space<vmem>>, vector<3200x128xf32>,
    return
  }
  func.func @transform_0(%arg0: i32) -> (i32, i32) {
    %add3A = arith.constant 0 : i32
    %add3A_0 = arith.addi %arg0, %add3A : i32
    %c0_i32 = arith.constant 0 : i32
    %c0_i32_1 = arith.constant 0 : i32
    return %c0_i32, %add3A_0 : i32, i32
  }
  func.func @transform_1(%arg0: i32) -> (i32, i32) {
    %add3A = arith.constant 0 : i32
    %add3A_0 = arith.addi %arg0, %add3A : i32
    %c0_i32 = arith.constant 0 : i32
    %c0_i32_1 = arith.constant 0 : i32
    return %c0_i32, %add3A_0 : i32, i32
  }
  func.func @transform_2(%arg0: i32) -> (i32, i32) {
    %c0_i32 = arith.constant 0 : i32
    %c0_i32_0 = arith.constant 0 : i32
    return %arg0, %c0_i32 : i32, i32
  }
  func.func @transform_3(%arg0: i32) -> (i32, i32) {
    %c0_i32 = arith.constant 0 : i32
    %c0_i32_0 = arith.constant 0 : i32
    %c0_i32_1 = arith.constant 0 : i32
    return %c0_i32, %c0_i32_0 : i32, i32
  }
  func.func @transform_4(%arg0: i32) -> (i32, i32) {
    %c0_i32 = arith.constant 0 : i32
    %c0_i32_0 = arith.constant 0 : i32
    %c0_i32_1 = arith.constant 0 : i32
    return %c0_i32, %c0_i32_0 : i32, i32
  }
  func.func @transform_5(%arg0: i32) -> (i32, i32) {
    %c0_i32 = arith.constant 0 : i32
    %c0_i32_0 = arith.constant 0 : i32
    %c0_i32_1 = arith.constant 0 : i32
    return %c0_i32, %c0_i32_0 : i32, i32
  }
  func.func @transform_6(%arg0: i32) -> (i32, i32) {
    %c0_i32 = arith.constant 0 : i32
    %c0_i32_0 = arith.constant 0 : i32
    %c0_i32_1 = arith.constant 0 : i32
    return %c0_i32, %c0_i32_0 : i32, i32
  }
  func.func @transform_7(%arg0: i32) -> (i32, i32) {
    %c0_i32 = arith.constant 0 : i32
    %c0_i32_0 = arith.constant 0 : i32
    %c0_i32_1 = arith.constant 0 : i32
    return %c0_i32, %c0_i32_0 : i32, i32
  }
  func.func @transform_8(%arg0: i32) -> (i32, i32) {
    %c0_i32 = arith.constant 0 : i32
    %c0_i32_0 = arith.constant 0 : i32
    %c0_i32_1 = arith.constant 0 : i32
    return %c0_i32, %c0_i32_0 : i32, i32
  }
  func.func @transform_9(%arg0: i32) -> (i32, i32) {
    %c0_i32 = arith.constant 0 : i32
    %c0_i32_0 = arith.constant 0 : i32
    return %arg0, %c0_i32 : i32, i32
  }
}

module attributes {stable_mosaic.version = 14 : i64} {
  func.func @body(%arg0: memref<2x10000x8xf32, #tpu.memory_space<vmem>>, %arg1: memref<10000x8xf32, #tpu.memory_space<vmem>>) attributes {dimension_semantics = [], scalar_prefetch = 0 : i64, scratch_operands = 0 : i64, tpu.core_type = #tpu.core_type<tc>} {
    %get3A = arith.constant 0 : index
    %get3A_0 = arith.constant 0 : index
    %get3A_1 = arith.constant 0 : index
    %get3A_2 = vector.load %arg0[%get3A, %get3A_0, %get3A_1] : memref<2x10000x8xf32, #tpu.memory_space<vmem>>, vector<1x10000x8xf32>
    %get3A_3 = vector.shape_cast %get3A_2 : vector<1x10000x8xf32> to vector<10000x8xf32>
    %get3A_4 = arith.constant 1 : index
    %get3A_5 = arith.constant 0 : index
    %get3A_6 = arith.constant 0 : index
    %get3A_7 = vector.load %arg0[%get3A_4, %get3A_5, %get3A_6] : memref<2x10000x8xf32, #tpu.memory_space<vmem>>, vector<1x10000x8xf32>
    %get3A_8 = vector.shape_cast %get3A_7 : vector<1x10000x8xf32> to vector<10000x8xf32>
    %add3A = arith.addf %get3A_3, %get3A_8 : vector<10000x8xf32>
    %swap3A = arith.constant 0 : index
    %swap3A_9 = arith.constant 0 : index
    %swap3A_10 = vector.load %arg1[%swap3A, %swap3A_9] : memref<10000x8xf32, #tpu.memory_space<vmem>>, vector<10000x8xf32>
    tpu.vector_store %arg1[%swap3A, %swap3A_9], %add3A {strides = array<i32>} : memref<10000x8xf32, #tpu.memory_space<vmem>>, vector<10000x8xf32>,
    return
  }
}

</mosaic_0001>

<sc_bundles>
// kernel: gather_half0.3.cloned.1.call-start
scs
__scs_entry_jumppad:
0x0: {  	(pc) =	sbr.rel $0x88, $3  }
0x1: {  	(tag) =	ssettag $0x0;
	lr =	simm.s32 $0x1  }
0x2: {  	[smem:$0x3F99] =	sst lr;
	_ =	strace $0xD0000000  }
0x3: {  	_ = 	snop  }
0x4: {  	_ = 	snop  }
0x5: {  	_ = 	snop  }
0x6: {  	_ = 	snop  }
0x7: {  	_ = 	snop  }
__scs_overlays_trampoline_lowered:
0x8: {  	[smem:$0x3FA8] =	sst s0  }
0x9: {  	[smem:$0x3FA9] =	sst s1  }
0xa: {  	[smem:$0x3FAA] =	sst s2  }
0xb: {  	[smem:$0x3FAB] =	sst s3  }
0xc: {  	[smem:$0x3FAC] =	sst s4  }
0xd: {  	[smem:$0x3FAD] =	sst s5  }
0xe: {  	[smem:$0x3FAE] =	sst s6  }
0xf: {  	[smem:$0x3FAF] =	sst s7  }
0x10: {  	[smem:$0x3FB0] =	sst s8  }
0x11: {  	[smem:$0x3FB1] =	sst s9;
	s0 =	simm.s32 @!p0 $0x0  }
0x12: {  	s1 =	sld [smem:$0x3F97];
	s0 =	simm.s32 @p0 $0x1  }
0x13: {  	[smem:$0x3FB2] =	sst s0;
	s0 =	simm.s32 @!p1 $0x0  }
0x14: {  	s2 =	sld [smem:$0x3F96];
	s0 =	simm.s32 @p1 $0x1  }
0x15: {  	[smem:$0x3FB3] =	sst s0;
	s0 =	simm.s32 @!p2 $0x0  }
0x16: {  	s3 =	sld [smem:$0x3FDB];
	s0 =	simm.s32 @p2 $0x1  }
0x17: {  	s4 =	simm.s32 $0x1BF5;
	[smem:$0x3FB5] =	sst s0  }
0x18: {  	s0 =	sld [smem:$0x3F98];
	_ =	swait.ge [sflag:s4], $0x0  }
0x19: {  	s7 =	sld [smem:$0x3F99]  }
0x1a: {  	s8 =	sadd.s32 $0xFFFFE003, lr  }
0x1b: {  	s9 =	sadd.s32 $0xFFFFFEF7, lr;
	s5 =	simm.s32 $0xFFFFFFFF;
	p2 =	slt.u32 s8, $0xFFFFF086  }
0x1c: {  	p1 =	slt.u32 s9, $0xF7A;
	s5 =	simm.s32 @!p2 $0x0  }
0x1d: {  	s5 =	simm.s32 @p1 $0x1;
	p0 =	seq.s32 s7, s2  }
0x1e: {  	s7 =	smul.u32 @!p0 $0xF7A, s2;
	p2 =	seq.s32 @!p0 s5, $0x0  }
0x1f: {  	s9 =	smul.u32 $0xF7A, s1;
	s8 =	simm.s32 @!p0 $0x1BF5;
	p2 =	por !p2, p0  }
0x20: {  	[sflag:s8] =	ssyncset.s32 @!p0 $0xFFFFF086;
	s6 =	sadd.s32 @!p0 s3, s7;
	s7 =	simm.s32 @!p0 $0x108  }
0x21: {  	s3 =	sadd.s32 s3, s9;
	s6 =	sadd.s32 @!p0 $0x88, s6;
	s7 =	simm.s32 @p2 $0x1082  }
0x22: {  	[simem:s7], [sflag:s8] =	dma.local @!p0 [hbm:s6], $0xF7A  }
0x23: {  	s9 =	sor.u32 $0xD0000000, s2;
	s6 =	simm.s32 $0x108;
	_ =	swait.ge @!p0 [sflag:s8], $0x0  }
0x24: {  	s3 =	sadd.s32 $0x88, s3;
	s6 =	simm.s32 @!p1 $0x1082;
	[sflag:s4] =	ssyncset.s32 $0xFFFFF086  }
0x25: {  	[simem:s6], [sflag:s4] =	dma.local [hbm:s3], $0xF7A  }
0x26: {  	[smem:$0x3F99] =	sst s1;
	(tag) =	ssettag s2;
	_ =	strace s9  }
0x27: {  	s1 =	sld [smem:$0x3FA9]  }
0x28: {  	s2 =	sld [smem:$0x3FAA]  }
0x29: {  	s4 =	sld [smem:$0x3FAC]  }
0x2a: {  	p0 =	seq.s32 s5, $0x0;
	s5 =	sld [smem:$0x3FAD]  }
0x2b: {  	s6 =	sld [smem:$0x3FAE]  }
0x2c: {  	s7 =	sld [smem:$0x3FAF]  }
0x2d: {  	s3 =	simm.s32 $0x108;
	s8 =	sld [smem:$0x3FB0]  }
0x2e: {  	s3 =	simm.s32 @!p0 $0x1082;
	s9 =	sld [smem:$0x3FB1]  }
0x2f: {  	lr =	sadd.s32 s0, s3;
	s0 =	sld [smem:$0x3FA8]  }
0x30: {  	s3 =	sld [smem:$0x3FAB]  }
0x31: {  	[smem:$0x3FB4] =	sst s10  }
0x32: {  	s10 =	sld [smem:$0x3FB2];
	_ =	sdelay $0x3  }
0x33: {  	p0 =	seq.s32 s10, $0x1;
	s10 =	sld [smem:$0x3FB4];
	_ =	sdelay $0x3  }
0x34: {  	[smem:$0x3FB4] =	sst s10  }
0x35: {  	s10 =	sld [smem:$0x3FB3];
	_ =	sdelay $0x3  }
0x36: {  	p1 =	seq.s32 s10, $0x1;
	s10 =	sld [smem:$0x3FB4];
	_ =	sdelay $0x3  }
0x37: {  	[smem:$0x3FB4] =	sst s10  }
0x38: {  	s10 =	sld [smem:$0x3FB5]  }
0x39: {  	_ = 	snop;
	(pc) =	sbr.ind lr, $3  }
0x3a: {  	_ = 	snop  }
0x3b: {  	_ = 	snop  }
0x3c: {  	p2 =	seq.s32 s10, $0x1;
	s10 =	sld [smem:$0x3FB4]  }
0x3d: {  	_ =	shalt  }
0x3e: {  	_ =	shalt  }
0x3f: {  	_ =	shalt  }
0x40: {  	_ =	shalt  }
0x41: {  	_ =	shalt  }
0x42: {  	_ =	shalt  }
0x43: {  	_ =	shalt  }
0x44: {  	_ =	shalt  }
0x45: {  	_ =	shalt  }
0x46: {  	_ =	shalt  }
0x47: {  	_ =	shalt  }
0x48: {  	_ =	shalt  }
0x49: {  	_ =	shalt  }
0x4a: {  	_ =	shalt  }
0x4b: {  	_ =	shalt  }
0x4c: {  	_ =	shalt  }
0x4d: {  	_ =	shalt  }
0x4e: {  	_ =	shalt  }
0x4f: {  	_ =	shalt  }
0x50: {  	_ =	shalt  }
0x51: {  	_ =	shalt  }
0x52: {  	_ =	shalt  }
0x53: {  	_ =	shalt  }
0x54: {  	_ =	shalt  }
0x55: {  	_ =	shalt  }
0x56: {  	_ =	shalt  }
0x57: {  	_ =	shalt  }
0x58: {  	_ =	shalt  }
0x59: {  	_ =	shalt  }
0x5a: {  	_ =	shalt  }
0x5b: {  	_ =	shalt  }
0x5c: {  	_ =	shalt  }
0x5d: {  	_ =	shalt  }
0x5e: {  	_ =	shalt  }
0x5f: {  	_ =	shalt  }
0x60: {  	_ =	shalt  }
0x61: {  	_ =	shalt  }
0x62: {  	_ =	shalt  }
0x63: {  	_ =	shalt  }
0x64: {  	_ =	shalt  }
0x65: {  	_ =	shalt  }
0x66: {  	_ =	shalt  }
0x67: {  	_ =	shalt  }
0x68: {  	_ =	shalt  }
0x69: {  	_ =	shalt  }
0x6a: {  	_ =	shalt  }
0x6b: {  	_ =	shalt  }
0x6c: {  	_ =	shalt  }
0x6d: {  	_ =	shalt  }
0x6e: {  	_ =	shalt  }
0x6f: {  	_ =	shalt  }
0x70: {  	_ =	shalt  }
0x71: {  	_ =	shalt  }
0x72: {  	_ =	shalt  }
0x73: {  	_ =	shalt  }
0x74: {  	_ =	shalt  }
0x75: {  	_ =	shalt  }
0x76: {  	_ =	shalt  }
0x77: {  	_ =	shalt  }
0x78: {  	_ =	shalt  }
0x79: {  	_ =	shalt  }
0x7a: {  	_ =	shalt  }
0x7b: {  	_ =	shalt  }
0x7c: {  	_ =	shalt  }
0x7d: {  	_ =	shalt  }
0x7e: {  	_ =	shalt  }
0x7f: {  	_ =	shalt  }
0x80: {  	_ =	shalt  }
0x81: {  	_ =	shalt  }
0x82: {  	_ =	shalt  }
0x83: {  	_ =	shalt  }
0x84: {  	_ =	shalt  }
0x85: {  	_ =	shalt  }
0x86: {  	_ =	shalt  }
0x87: {  	_ =	shalt  }
.Lfunc_end0:
.L_simem_size_0:
called_computation_lowered:
.L_overlay_start_0:
0x88: {  	s2 =	sld [smem:$0x3FD9]  }
0x89: {  	s3 =	sld [smem:$0x3FFE];
	_ =	sdelay $0x1  }
0x8a: {  	s1 =	srdreg.scid  }
0x8b: {  	s0 =	sand.u32 $0x1, s1  }
0x8c: {  	s17 =	sshll.u32 s0, $0xA;
	s2 =	sadd.s32 s3, s2  }
0x8d: {  	s2 =	sadd.s32 s2, s17  }
0x8e: {  	[smem:$0x3FC0] =	sst s2  }
0x8f: {  	_ = 	snop  }
0x90: {  	(tm) =	ssettm $0x1  }
0x91: {  	s18 =	sld [smem:$0x3FFB];
	_ =	sdelay $0x3  }
0x92: {  	_ =	strace s18  }
0x93: {  	s2 =	sld [smem:$0x3FFC];
	_ =	sdelay $0x3  }
0x94: {  	_ =	strace s2  }
0x95: {  	s2 =	sld [smem:$0x3FFD];
	_ =	sdelay $0x3  }
0x96: {  	_ =	strace s2  }
0x97: {  	_ =	strace $0x8FFFFFFF  }
0x98: {  	s19 =	sld [smem:$0x3FDB];
	_ =	sdelay $0x1  }
0x99: {  	s20 =	simm.s32 $_scs_section_size  }
0x9a: {  	s4 =	simm.s32 $_size__tile_overlayer_lowered;
	s5 =	simm.s32 $_tile_overlayer_lowered  }
0x9b: {  	s6 =	simm.s32 $0x1BFF;
	s21 =	sshll.u32 s5, $0x1;
	s3 =	sadd.s32 s20, s19  }
0x9c: {  	s22 =	simm.s32 $0x0;
	s4 =	sshll.u32 s4, $0x1;
	s5 =	sadd.s32 s21, s3  }
0x9d: {  	[timem:s22], [sflag:s6] =	dma.local [hbm:s5], s4  }
0x9e: {  	_ =	swait.ge [sflag:s6], s4  }
0x9f: {  	s4 =	ssub.s32 $0x0, s4;
	[sflag:s6] =	ssyncset.done $0x0  }
0xa0: {  	[sflag:s6] =	ssyncadd.s32 s4;
	_ =	sdelay $0x1  }
0xa1: {  	s23 =	simm.s32 $0x1B8B  }
0xa2: {  	_ =	swait.ge [sflag:s23], $0x1  }
0xa3: {  	[sflag:s23] =	ssyncset.done $0x0  }
0xa4: {  	[sflag:s23] =	ssyncadd.s32 $0xFFFFFFFF  }
0xa5: {  	s4 =	sld [smem:$0x0]  }
0xa6: {  	s5 =	sand.u32 $0xFFFFFFFE, s1  }
0xa7: {  	p0 =	sne.s32 s1, s5  }
0xa8: {  	s5 =	sshll.u32 @p0 s5, $0xE  }
0xa9: {  	s5 =	sadd.s32 @p0 $0x11B8D, s5;
	s6 =	sshll.u32 @p0 s4, $0x11  }
0xaa: {  	s5 =	sor.u32 @p0 s6, s5  }
0xab: {  	[sflag:s5] =	ssyncadd.remote.s32 @p0 $0x1;
	_ =	sdelay $0x1  }
0xac: {  	s5 =	simm.s32 @p0 $0x1B8D  }
0xad: {  	_ =	swait.eq @p0 [sflag:s5], $0x1  }
0xae: {  	[sflag:s5] =	ssyncadd.s32 @p0 $0xFFFFFFFF  }
0xaf: {  	s6 =	sshll.u32 @!p0 s1, $0xE  }
0xb0: {  	s6 =	sor.u32 @!p0 $0x4000, s6;
	s5 =	simm.s32 @!p0 $0x1B8D  }
0xb1: {  	s4 =	sshll.u32 @!p0 s4, $0x11;
	s6 =	sadd.s32 @!p0 $0x11B8D, s6;
	_ =	swait.eq @!p0 [sflag:s5], $0x1  }
0xb2: {  	s4 =	sor.u32 @!p0 s4, s6;
	[sflag:s5] =	ssyncadd.s32 @!p0 $0xFFFFFFFF  }
0xb3: {  	s25 =	simm.s32 $0x1B8E;
	s24 =	sld [smem:$0x3FFE];
	[sflag:s4] =	ssyncadd.remote.s32 @!p0 $0x1  }
0xb4: {  	s26 =	simm.s32 $execute0_lowered;
	[smem:$0x3FD2] =	sst s25  }
0xb5: {  	s5 =	sshll.u32 s26, $0x1;
	_ =	strace $0x80000049;
	[dreg:$0x1] =	wrdreg $0xFFFFFFFF  }
0xb6: {  	s28 =	simm.s32 $_size_execute0_lowered;
	s3 =	sadd.s32 s3, s5;
	[dreg:$0x0] =	wrdreg $0x0  }
0xb7: {  	s5 =	sshll.u32 s28, $0x1;
	[dreg:$0x2] =	wrdreg s3  }
0xb8: {  	[dreg:$0x3] =	wrdreg s5  }
0xb9: {  	[dreg:$0x4] =	wrdreg $0xC0  }
0xba: {  	_ =	task [dreg:s22], $0x5FFFF  }
0xbb: {  	[dreg:$0x1] =	wrdreg $0xFFFFFFFF  }
0xbc: {  	[dreg:$0x0] =	wrdreg $0x60  }
0xbd: {  	[dreg:$0x2] =	wrdreg s24  }
0xbe: {  	[dreg:$0x3] =	wrdreg $0x9  }
0xbf: {  	_ =	task.clear_ibuf [dreg:s22], $0x4FFFF;
	_ =	strace $0x90000049  }
0xc0: {  	s29 =	simm.s32 $0x9;
	_ =	strace $0x8000004B  }
0xc1: {  	_ =	swait.ge [sflag:s29], $0x1  }
0xc2: {  	[sflag:s29] =	ssyncadd.s32 $0xFFFFFFFF  }
0xc3: {  	_ =	strace $0x9000004B  }
0xc4: {  	_ =	sfence  }
0xc5: {  	s30 =	sld [smem:$0x0];
	_ =	sdelay $0x2  }
0xc6: {  	s31 =	sshll.u32 s1, $0xD;
	s1 =	sshrl.u32 s1, $0x2  }
0xc7: {  	s4 =	sand.u32 $0x4000, s31;
	s1 =	sadd.s32 s1, s30  }
0xc8: {  	s0 =	sor.u32 s4, s0;
	s1 =	sshll.u32 s1, $0x11  }
0xc9: {  	s0 =	sor.u32 s1, s0  }
0xca: {  	s0 =	sadd.s32 $0x8F2B, s0  }
0xcb: {  	[sflag:s0] =	ssyncadd.remote.s32 $0x1  }
0xcc: {  	_ =	sfence.sel $0xFFFF  }
0xcd: {  	[dreg:$0x0] =	wrdreg $0xFFFFFFFF;
	(pc) =	sbr.abs _section_cstart, $3  }
0xce: {  	[dreg:$0x1] =	wrdreg $0xFFFFFFFF  }
0xcf: {  	_ =	task.clear_ibuf [dreg:s22], $0x2FFFF;
	_ =	strace $0x9FFFFFFF  }
0xd0: {  	(tm) =	ssettm $0x7FFFFFFF  }
0xd1: {  	_ =	shalt  }
tec
execute0_lowered:
.L_overlay_start_1:
0x0: {  	(tag) =	ssettag $0x1  }
0x1: {  	s0 =	srdreg.scid;
	s1 =	stileid.u32;
	s12 =	simm.s32 $0x0  }
0x2: {  	s0 =	sand.u32 $0x1, s0;
	s1 =	sshll.u32 s1, $0x1;
	[smem:$0x7FF] =	sst s12  }
0x3: {  	s8 =	simm.s32 $0xA80;
	s2 =	sor.u32 s0, s1;
	s1 =	rddreg [dreg:$0x0]  }
0x4: {  	s9 =	simm.s32 $0x100;
	_ =	strace $0x8000004A;
	[dreg:$0xc] =	wrdreg s8  }
0x5: {  	s10 =	simm.s32 $0xB00;
	[dreg:$0xd] =	wrdreg s9  }
0x6: {  	s11 =	simm.s32 $0x180;
	[dreg:$0xe] =	wrdreg s10  }
0x7: {  	s13 =	simm.s32 $0xB80;
	[dreg:$0xf] =	wrdreg s11  }
0x8: {  	s14 =	simm.s32 $0x200;
	[dreg:$0x10] =	wrdreg s13  }
0x9: {  	s15 =	simm.s32 $0xC00;
	[dreg:$0x11] =	wrdreg s14  }
0xa: {  	s16 =	simm.s32 $0x280;
	[dreg:$0x12] =	wrdreg s15  }
0xb: {  	s17 =	simm.s32 $0xC80;
	[dreg:$0x13] =	wrdreg s16  }
0xc: {  	s18 =	simm.s32 $0x300;
	[dreg:$0x14] =	wrdreg s17  }
0xd: {  	s19 =	simm.s32 $0xD00;
	[dreg:$0x15] =	wrdreg s18  }
0xe: {  	[dreg:$0x16] =	wrdreg s19;
	s8 =	simm.s32 $0xF80  }
0xf: {  	s9 =	simm.s32 $0x600;
	[smem:$0x7ED] =	sst s8  }
0x10: {  	s10 =	simm.s32 $0x1000;
	[smem:$0x7EE] =	sst s9  }
0x11: {  	s11 =	simm.s32 $0x680;
	[smem:$0x7EF] =	sst s10  }
0x12: {  	s28 =	simm.s32 $0xB810;
	s14 =	simm.s32 $0x1080;
	[smem:$0x7F0] =	sst s11  }
0x13: {  	s30 =	simm.s32 $0x1;
	s15 =	simm.s32 $0x700;
	[smem:$0x7F1] =	sst s14  }
0x14: {  	p0 =	por $0x0, $0x0;
	s17 =	simm.s32 $0x1100;
	[smem:$0x7F2] =	sst s15  }
0x15: {  	s31 =	simm.s32 $0xDF20;
	s19 =	simm.s32 $0x780;
	[smem:$0x7F3] =	sst s17  }
0x16: {  	s3 =	smul.u32 $0x140, s2;
	[smem:$0x7F4] =	sst s19;
	s9 =	simm.s32 $0x1300  }
0x17: {  	s2 =	smul.u32 $0x9C40, s2;
	s10 =	simm.s32 $0x980;
	[smem:$0x7FB] =	sst s9  }
0x18: {  	s5 =	sadd.s32 $0x153C00, s1;
	s14 =	simm.s32 $0x1380;
	[smem:$0x7FC] =	sst s10  }
0x19: {  	s20 =	sadd.s32 $0x153C04, s1;
	[smem:$0x7FD] =	sst s14;
	s21 =	sadd.s32 s5, s2  }
0x1a: {  	s3 =	sadd.s32 s3, s1;
	s22 =	sadd.s32 s2, s20;
	[dreg:$0x4] =	wrdreg s21  }
0x1b: {  	s29 =	simm.s32 $0x8160;
	s4 =	sadd.s32 $0x7600, s3;
	[dreg:$0x5] =	wrdreg s22  }
0x1c: {  	s6 =	sadd.s32 $0x2710, s2;
	s3 =	sadd.s32 $0x2600, s3;
	[dreg:$0x2] =	wrdreg s4  }
0x1d: {  	s0 =	ssub.s32 $0x2, s0;
	s23 =	sadd.s32 s5, s6;
	[dreg:$0x3] =	wrdreg s3  }
0x1e: {  	s25 =	sadd.s32 $0x4E20, s2;
	s24 =	sadd.s32 s6, s20;
	[dreg:$0x6] =	wrdreg s23  }
0x1f: {  	s16 =	simm.s32 $0x5;
	s26 =	sadd.s32 s5, s25;
	[dreg:$0x7] =	wrdreg s24  }
0x20: {  	s2 =	sadd.s32 $0x7530, s2;
	s6 =	sadd.s32 s25, s20;
	[dreg:$0x8] =	wrdreg s26  }
0x21: {  	s18 =	simm.s32 $0x23A0;
	s7 =	sadd.s32 s5, s2;
	[dreg:$0x9] =	wrdreg s6  }
0x22: {  	s8 =	simm.s32 $0x10;
	s2 =	sadd.s32 s2, s20;
	[dreg:$0xa] =	wrdreg s7  }
0x23: {  	s11 =	simm.s32 $0xD750;
	s20 =	simm.s32 $0x380;
	[dreg:$0xb] =	wrdreg s2  }
0x24: {  	s15 =	simm.s32 $0x2;
	s21 =	simm.s32 $0xD80;
	[dreg:$0x17] =	wrdreg s20  }
0x25: {  	s10 =	simm.s32 $0x6220;
	s22 =	simm.s32 $0x400;
	[dreg:$0x18] =	wrdreg s21  }
0x26: {  	s14 =	simm.s32 $0x3;
	s25 =	simm.s32 $0xE80;
	[dreg:$0x19] =	wrdreg s22  }
0x27: {  	s5 =	simm.s32 $0x500;
	s2 =	sadd.s32 $0x11600, s1;
	[dreg:$0x1c] =	wrdreg s25  }
0x28: {  	s23 =	simm.s32 $0xE00;
	s3 =	sadd.s32 $0xC600, s1;
	[dreg:$0x1d] =	wrdreg s5  }
0x29: {  	s24 =	simm.s32 $0x480;
	s26 =	sshrl.u32 s0, $0x1;
	[dreg:$0x1a] =	wrdreg s23  }
0x2a: {  	s6 =	simm.s32 $0xF00;
	s7 =	simm.s32 $0x580;
	[dreg:$0x1b] =	wrdreg s24  }
0x2b: {  	s20 =	simm.s32 $0xA00;
	s5 =	simm.s32 $0x7D;
	[dreg:$0x1e] =	wrdreg s6  }
0x2c: {  	s21 =	simm.s32 $0xB040;
	s22 =	simm.s32 $0x1180;
	[dreg:$0x1f] =	wrdreg s7  }
0x2d: {  	s25 =	simm.s32 $0x880;
	s0 =	ssub.s32 s0, s26;
	[smem:$0x7F5] =	sst s22  }
0x2e: {  	s4 =	simm.s32 $0x80;
	[smem:$0x7F8] =	sst s25;
	s13 =	smax.u32 s0, $0x1  }
0x2f: {  	s23 =	simm.s32 $0x800;
	s19 =	rddreg [dreg:$0x2];
	p1 =	sne.s32 s13, $0x1  }
.Ltmp0:
0x30: {  	s24 =	simm.s32 $0x1200;
	[smem:$0x7F6] =	sst s23;
	(pc) =	sbr.rel @!p1 .LBB2_5-.Ltmp0, $4  }
0x31: {  	s1 =	simm.s32 $0x3340;
	s7 =	simm.s32 $0x1280;
	[smem:$0x7F7] =	sst s24  }
0x32: {  	s6 =	simm.s32 $0x1400;
	s26 =	simm.s32 $0x900;
	[smem:$0x7F9] =	sst s7  }
0x33: {  	s25 =	simm.s32 $0x71C0;
	[smem:$0x7FA] =	sst s26;
	s7 =	simm.s32 $0x20  }
0x34: {  	s26 =	simm.s32 $0xE6F0;
	s0 =	sadd.s32 $0xFFFFFFFF, s13;
	s13 =	simm.s32 $0x4  }
0x35: {  	[tilespmem:s12], [sflag:$0x5] =	stream.linear.gather [hbm4b:s19+s12], $0xA00, $0x38;
	[tilespmem:$0xFE60] =	vst v63  }
0x36: {  	_ =	swait.ge [sflag:s16], $0xA00  }
0x37: {  	[sflag:s16] =	ssyncset.done $0x0  }
0x38: {  	s22 =	rddreg [dreg:$0x3];
	[sflag:s16] =	ssyncadd.s32 $0xFFFFF600  }
0x39: {  	[tilespmem:s20], [sflag:$0x5] =	stream.linear.gather [hbm4b:s22+s12], $0xA00, $0x38;
	[tilespmem:$0xFE60] =	vst v63  }
0x3a: {  	_ =	swait.ge [sflag:s16], $0xA00  }
0x3b: {  	[sflag:s16] =	ssyncset.done $0x0  }
0x3c: {  	[sflag:s16] =	ssyncadd.s32 $0xFFFFF600  }
0x3d: {  	[tilespmem:s6], [sflag:$0x1] =	stream.indirect.gather [hbm4b:s2+s5], $0x20, s12, s5, $0xb8;
	[tilespmem:$0xFE60] =	vst v63  }
0x3e: {  	_ = 	snop  }
0x3f: {  	[tilespmem:s21], [sflag:$0x1] =	stream.indirect.gather [hbm4b:s3+s5], $0x10, s20, s5, $0xb8;
	[tilespmem:$0xFE60] =	vst v63  }
0x40: {  	_ = 	snop  }
0x41: {  	[tilespmem:s18], [sflag:$0x1] =	stream.indirect.gather [hbm4b:s2+s5], $0x20, s4, s5, $0xb8;
	[tilespmem:$0xFE60] =	vst v63  }
0x42: {  	s23 =	rddreg [dreg:$0xc];
	s6 =	simm.s32 $0xB810  }
0x43: {  	[tilespmem:s6], [sflag:$0x1] =	stream.indirect.gather [hbm4b:s3+s5], $0x10, s23, s5, $0xb8;
	[tilespmem:$0xFE60] =	vst v63  }
0x44: {  	s31 =	simm.s32 $0x3340;
	s24 =	rddreg [dreg:$0xd]  }
0x45: {  	[tilespmem:s31], [sflag:$0x1] =	stream.indirect.gather [hbm4b:s2+s5], $0x20, s24, s5, $0xb8;
	[tilespmem:$0xFE60] =	vst v63  }
0x46: {  	s28 =	rddreg [dreg:$0xe];
	s21 =	simm.s32 $0xBFE0  }
0x47: {  	[tilespmem:s21], [sflag:$0x1] =	stream.indirect.gather [hbm4b:s3+s5], $0x10, s28, s5, $0xb8;
	[tilespmem:$0xFE60] =	vst v63  }
0x48: {  	s29 =	rddreg [dreg:$0xf];
	s23 =	simm.s32 $0x42E0  }
0x49: {  	[tilespmem:s23], [sflag:$0x1] =	stream.indirect.gather [hbm4b:s2+s5], $0x20, s29, s5, $0xb8;
	[tilespmem:$0xFE60] =	vst v63  }
0x4a: {  	s22 =	rddreg [dreg:$0x10];
	s24 =	simm.s32 $0xC7B0  }
0x4b: {  	[tilespmem:s24], [sflag:$0x1] =	stream.indirect.gather [hbm4b:s3+s5], $0x10, s22, s5, $0xb8;
	[tilespmem:$0xFE60] =	vst v63  }
0x4c: {  	s28 =	rddreg [dreg:$0x11];
	s22 =	simm.s32 $0x5280  }
0x4d: {  	[tilespmem:s22], [sflag:$0x1] =	stream.indirect.gather [hbm4b:s2+s5], $0x20, s28, s5, $0xb8;
	[tilespmem:$0xFE60] =	vst v63  }
0x4e: {  	s8 =	simm.s32 $0xCF80;
	s29 =	rddreg [dreg:$0x12]  }
0x4f: {  	[tilespmem:s8], [sflag:$0x1] =	stream.indirect.gather [hbm4b:s3+s5], $0x10, s29, s5, $0xb8;
	[tilespmem:$0xFE60] =	vst v63  }
0x50: {  	_ =	swait.ge [sflag:s30], $0x4E20  }
0x51: {  	[sflag:s30] =	ssyncset.done $0x0  }
0x52: {  	[sflag:s30] =	ssyncadd.s32 $0xFFFFB1E0  }
0x53: {  	_ =	swait.ge [sflag:s30], $0x2710  }
0x54: {  	s7 =	simm.s32 $0x20;
	[sflag:s30] =	ssyncset.done $0x0  }
0x55: {  	s16 =	simm.s32 $0x1400;
	s28 =	rddreg [dreg:$0x4];
	[sflag:s30] =	ssyncadd.s32 $0xFFFFD8F0  }
0x56: {  	[hbm4b:s28+s7] =	stream.strided.scatter [tilespmem:s16], [sflag:$0x3], $0x4E20, s4, s7, $0x38;
	[tilespmem:$0xFE60] =	vst v63  }
0x57: {  	s10 =	simm.s32 $0x10;
	s9 =	simm.s32 $0xB040;
	s29 =	rddreg [dreg:$0x5]  }
0x58: {  	[hbm4b:s29+s10] =	stream.strided.scatter [tilespmem:s9], [sflag:$0x3], $0x2710, s4, s10, $0x38;
	[tilespmem:$0xFE60] =	vst v63  }
0x59: {  	s1 =	smov.u32 s0;
	s0 =	simm.s32 $0x6220;
	s28 =	rddreg [dreg:$0x13]  }
0x5a: {  	[tilespmem:s0], [sflag:$0x2] =	stream.indirect.gather [hbm4b:s2+s5], $0x20, s28, s5, $0xb8;
	[tilespmem:$0xFE60] =	vst v63  }
0x5b: {  	s29 =	rddreg [dreg:$0x14]  }
0x5c: {  	[tilespmem:s11], [sflag:$0x2] =	stream.indirect.gather [hbm4b:s3+s5], $0x10, s29, s5, $0xb8;
	[tilespmem:$0xFE60] =	vst v63  }
0x5d: {  	s12 =	simm.s32 $0x71C0;
	s28 =	rddreg [dreg:$0x15]  }
0x5e: {  	[tilespmem:s12], [sflag:$0x2] =	stream.indirect.gather [hbm4b:s2+s5], $0x20, s28, s5, $0xb8;
	[tilespmem:$0xFE60] =	vst v63  }
0x5f: {  	s17 =	simm.s32 $0xDF20;
	s29 =	rddreg [dreg:$0x16]  }
0x60: {  	[tilespmem:s17], [sflag:$0x2] =	stream.indirect.gather [hbm4b:s3+s5], $0x10, s29, s5, $0xb8;
	[tilespmem:$0xFE60] =	vst v63  }
0x61: {  	s25 =	simm.s32 $0x8160;
	s28 =	rddreg [dreg:$0x17]  }
0x62: {  	[tilespmem:s25], [sflag:$0x2] =	stream.indirect.gather [hbm4b:s2+s5], $0x20, s28, s5, $0xb8;
	[tilespmem:$0xFE60] =	vst v63  }
0x63: {  	s26 =	simm.s32 $0xE6F0;
	s29 =	rddreg [dreg:$0x18]  }
0x64: {  	[tilespmem:s26], [sflag:$0x2] =	stream.indirect.gather [hbm4b:s3+s5], $0x10, s29, s5, $0xb8;
	[tilespmem:$0xFE60] =	vst v63  }
0x65: {  	s28 =	rddreg [dreg:$0x19];
	s26 =	simm.s32 $0x9100  }
0x66: {  	[tilespmem:s26], [sflag:$0x2] =	stream.indirect.gather [hbm4b:s2+s5], $0x20, s28, s5, $0xb8;
	[tilespmem:$0xFE60] =	vst v63  }
0x67: {  	s25 =	simm.s32 $0xEEC0;
	s29 =	rddreg [dreg:$0x1a]  }
0x68: {  	[tilespmem:s25], [sflag:$0x2] =	stream.indirect.gather [hbm4b:s3+s5], $0x10, s29, s5, $0xb8;
	[tilespmem:$0xFE60] =	vst v63  }
0x69: {  	s28 =	rddreg [dreg:$0x1b];
	s29 =	simm.s32 $0xA0A0  }
0x6a: {  	[tilespmem:s29], [sflag:$0x2] =	stream.indirect.gather [hbm4b:s2+s5], $0x20, s28, s5, $0xb8;
	[tilespmem:$0xFE60] =	vst v63  }
0x6b: {  	s19 =	rddreg [dreg:$0x1c];
	s28 =	simm.s32 $0xF690  }
0x6c: {  	[tilespmem:s28], [sflag:$0x2] =	stream.indirect.gather [hbm4b:s3+s5], $0x10, s19, s5, $0xb8;
	[tilespmem:$0xFE60] =	vst v63  }
0x6d: {  	_ =	swait.ge [sflag:s15], $0x4E20  }
0x6e: {  	[sflag:s15] =	ssyncset.done $0x0  }
0x6f: {  	[sflag:s15] =	ssyncadd.s32 $0xFFFFB1E0  }
0x70: {  	_ =	swait.ge [sflag:s15], $0x2710  }
0x71: {  	[sflag:s15] =	ssyncset.done $0x0  }
0x72: {  	s18 =	rddreg [dreg:$0x6];
	[sflag:s15] =	ssyncadd.s32 $0xFFFFD8F0  }
0x73: {  	[hbm4b:s18+s7] =	stream.strided.scatter [tilespmem:s0], [sflag:$0x4], $0x4E20, s4, s7, $0x38;
	[tilespmem:$0xFE60] =	vst v63  }
0x74: {  	s19 =	rddreg [dreg:$0x7]  }
0x75: {  	[hbm4b:s19+s10] =	stream.strided.scatter [tilespmem:s11], [sflag:$0x4], $0x2710, s4, s10, $0x38;
	[tilespmem:$0xFE60] =	vst v63  }
0x76: {  	_ =	swait.ge [sflag:s14], $0x4E20  }
0x77: {  	[sflag:s14] =	ssyncset.done $0x0  }
0x78: {  	[sflag:s14] =	ssyncadd.s32 $0xFFFFB1E0  }
0x79: {  	_ =	swait.ge [sflag:s14], $0x2710  }
0x7a: {  	s0 =	rddreg [dreg:$0x1d];
	[sflag:s14] =	ssyncset.done $0x0  }
0x7b: {  	s19 =	rddreg [dreg:$0x1e];
	[sflag:s14] =	ssyncadd.s32 $0xFFFFD8F0  }
0x7c: {  	[tilespmem:s16], [sflag:$0x1] =	stream.indirect.gather [hbm4b:s2+s5], $0x20, s0, s5, $0xb8;
	[tilespmem:$0xFE60] =	vst v63  }
0x7d: {  	s0 =	rddreg [dreg:$0x1f]  }
0x7e: {  	[tilespmem:s9], [sflag:$0x1] =	stream.indirect.gather [hbm4b:s3+s5], $0x10, s19, s5, $0xb8;
	[tilespmem:$0xFE60] =	vst v63  }
0x7f: {  	s19 =	sld [smem:$0x7ED];
	s9 =	simm.s32 $0x23A0  }
0x80: {  	[tilespmem:s9], [sflag:$0x1] =	stream.indirect.gather [hbm4b:s2+s5], $0x20, s0, s5, $0xb8;
	[tilespmem:$0xFE60] =	vst v63  }
0x81: {  	s0 =	sld [smem:$0x7EE]  }
0x82: {  	[tilespmem:s6], [sflag:$0x1] =	stream.indirect.gather [hbm4b:s3+s5], $0x10, s19, s5, $0xb8;
	[tilespmem:$0xFE60] =	vst v63  }
0x83: {  	s9 =	sld [smem:$0x7EF]  }
0x84: {  	[tilespmem:s31], [sflag:$0x1] =	stream.indirect.gather [hbm4b:s2+s5], $0x20, s0, s5, $0xb8;
	[tilespmem:$0xFE60] =	vst v63  }
0x85: {  	s31 =	sld [smem:$0x7F0]  }
0x86: {  	[tilespmem:s21], [sflag:$0x1] =	stream.indirect.gather [hbm4b:s3+s5], $0x10, s9, s5, $0xb8;
	[tilespmem:$0xFE60] =	vst v63  }
0x87: {  	s0 =	sld [smem:$0x7F1]  }
0x88: {  	[tilespmem:s23], [sflag:$0x1] =	stream.indirect.gather [hbm4b:s2+s5], $0x20, s31, s5, $0xb8;
	[tilespmem:$0xFE60] =	vst v63  }
0x89: {  	s6 =	sld [smem:$0x7F2]  }
0x8a: {  	[tilespmem:s24], [sflag:$0x1] =	stream.indirect.gather [hbm4b:s3+s5], $0x10, s0, s5, $0xb8;
	[tilespmem:$0xFE60] =	vst v63  }
0x8b: {  	s9 =	sld [smem:$0x7F3]  }
0x8c: {  	[tilespmem:s22], [sflag:$0x1] =	stream.indirect.gather [hbm4b:s2+s5], $0x20, s6, s5, $0xb8;
	[tilespmem:$0xFE60] =	vst v63  }
0x8d: {  	_ = 	snop  }
0x8e: {  	[tilespmem:s8], [sflag:$0x1] =	stream.indirect.gather [hbm4b:s3+s5], $0x10, s9, s5, $0xb8;
	[tilespmem:$0xFE60] =	vst v63  }
0x8f: {  	_ =	swait.ge [sflag:s30], $0x4E20  }
0x90: {  	[sflag:s30] =	ssyncset.done $0x0  }
0x91: {  	[sflag:s30] =	ssyncadd.s32 $0xFFFFB1E0  }
0x92: {  	_ =	swait.ge [sflag:s30], $0x2710  }
0x93: {  	[sflag:s30] =	ssyncset.done $0x0  }
0x94: {  	s23 =	rddreg [dreg:$0x8];
	[sflag:s30] =	ssyncadd.s32 $0xFFFFD8F0  }
0x95: {  	[hbm4b:s23+s7] =	stream.strided.scatter [tilespmem:s16], [sflag:$0x3], $0x4E20, s4, s7, $0x38;
	[tilespmem:$0xFE60] =	vst v63  }
0x96: {  	s21 =	simm.s32 $0xB040;
	s24 =	rddreg [dreg:$0x9]  }
0x97: {  	[hbm4b:s24+s10] =	stream.strided.scatter [tilespmem:s21], [sflag:$0x3], $0x2710, s4, s10, $0x38;
	[tilespmem:$0xFE60] =	vst v63  }
0x98: {  	_ =	swait.ge [sflag:s13], $0x4E20  }
0x99: {  	[sflag:s13] =	ssyncset.done $0x0  }
0x9a: {  	[sflag:s13] =	ssyncadd.s32 $0xFFFFB1E0  }
0x9b: {  	_ =	swait.ge [sflag:s13], $0x2710  }
0x9c: {  	s31 =	sld [smem:$0x7F4]  }
0x9d: {  	[sflag:s13] =	ssyncset.done $0x0  }
0x9e: {  	s10 =	simm.s32 $0x6220;
	s0 =	sld [smem:$0x7F5];
	[sflag:s13] =	ssyncadd.s32 $0xFFFFD8F0  }
0x9f: {  	[tilespmem:s10], [sflag:$0x2] =	stream.indirect.gather [hbm4b:s2+s5], $0x20, s31, s5, $0xb8;
	[tilespmem:$0xFE60] =	vst v63  }
0xa0: {  	s6 =	sld [smem:$0x7F6]  }
0xa1: {  	[tilespmem:s11], [sflag:$0x2] =	stream.indirect.gather [hbm4b:s3+s5], $0x10, s0, s5, $0xb8;
	[tilespmem:$0xFE60] =	vst v63  }
0xa2: {  	s8 =	sld [smem:$0x7F7]  }
0xa3: {  	[tilespmem:s12], [sflag:$0x2] =	stream.indirect.gather [hbm4b:s2+s5], $0x20, s6, s5, $0xb8;
	[tilespmem:$0xFE60] =	vst v63  }
0xa4: {  	s9 =	sld [smem:$0x7F8]  }
0xa5: {  	[tilespmem:s17], [sflag:$0x2] =	stream.indirect.gather [hbm4b:s3+s5], $0x10, s8, s5, $0xb8;
	[tilespmem:$0xFE60] =	vst v63  }
0xa6: {  	s16 =	simm.s32 $0x8160;
	s12 =	sld [smem:$0x7F9]  }
0xa7: {  	[tilespmem:s16], [sflag:$0x2] =	stream.indirect.gather [hbm4b:s2+s5], $0x20, s9, s5, $0xb8;
	[tilespmem:$0xFE60] =	vst v63  }
0xa8: {  	s22 =	simm.s32 $0xE6F0;
	s17 =	sld [smem:$0x7FA]  }
0xa9: {  	[tilespmem:s22], [sflag:$0x2] =	stream.indirect.gather [hbm4b:s3+s5], $0x10, s12, s5, $0xb8;
	[tilespmem:$0xFE60] =	vst v63  }
0xaa: {  	s23 =	sld [smem:$0x7FB]  }
0xab: {  	[tilespmem:s26], [sflag:$0x2] =	stream.indirect.gather [hbm4b:s2+s5], $0x20, s17, s5, $0xb8;
	[tilespmem:$0xFE60] =	vst v63  }
0xac: {  	s24 =	sld [smem:$0x7FC]  }
0xad: {  	[tilespmem:s25], [sflag:$0x2] =	stream.indirect.gather [hbm4b:s3+s5], $0x10, s23, s5, $0xb8;
	[tilespmem:$0xFE60] =	vst v63  }
0xae: {  	s26 =	sld [smem:$0x7FD]  }
0xaf: {  	[tilespmem:s29], [sflag:$0x2] =	stream.indirect.gather [hbm4b:s2+s5], $0x20, s24, s5, $0xb8;
	[tilespmem:$0xFE60] =	vst v63  }
0xb0: {  	_ = 	snop  }
0xb1: {  	[tilespmem:s28], [sflag:$0x2] =	stream.indirect.gather [hbm4b:s3+s5], $0x10, s26, s5, $0xb8;
	[tilespmem:$0xFE60] =	vst v63  }
0xb2: {  	_ =	swait.ge [sflag:s15], $0x4E20  }
0xb3: {  	[sflag:s15] =	ssyncset.done $0x0  }
0xb4: {  	[sflag:s15] =	ssyncadd.s32 $0xFFFFB1E0  }
0xb5: {  	_ =	swait.ge [sflag:s15], $0x2710  }
0xb6: {  	[sflag:s15] =	ssyncset.done $0x0  }
0xb7: {  	s29 =	rddreg [dreg:$0xa];
	[sflag:s15] =	ssyncadd.s32 $0xFFFFD8F0  }
0xb8: {  	[hbm4b:s29+s7] =	stream.strided.scatter [tilespmem:s10], [sflag:$0x4], $0x4E20, s4, s7, $0x38;
	[tilespmem:$0xFE60] =	vst v63  }
0xb9: {  	s8 =	simm.s32 $0x10;
	s31 =	rddreg [dreg:$0xb]  }
0xba: {  	[hbm4b:s31+s8] =	stream.strided.scatter [tilespmem:s11], [sflag:$0x4], $0x2710, s4, s8, $0x38;
	[tilespmem:$0xFE60] =	vst v63  }
0xbb: {  	_ =	swait.ge [sflag:s14], $0x4E20  }
0xbc: {  	[sflag:s14] =	ssyncset.done $0x0  }
0xbd: {  	[sflag:s14] =	ssyncadd.s32 $0xFFFFB1E0  }
0xbe: {  	_ =	swait.ge [sflag:s14], $0x2710  }
0xbf: {  	[sflag:s14] =	ssyncset.done $0x0  }
0xc0: {  	p1 =	sne.s32 s1, $0x1;
	[sflag:s14] =	ssyncadd.s32 $0xFFFFD8F0  }
.Ltmp1:
0xc1: {  	_ =	swait.ge [sflag:s13], $0x4E20;
	(pc) =	sbr.rel @!p1 .LBB2_6-.Ltmp1, $4  }
0xc2: {  	[sflag:s13] =	ssyncset.done $0x0  }
0xc3: {  	[sflag:s13] =	ssyncadd.s32 $0xFFFFB1E0  }
0xc4: {  	p0 =	por $0x1, $0x1;
	_ =	swait.ge [sflag:s13], $0x2710  }
0xc5: {  	s18 =	sadd.s32 $0xFFFFFFFF, s1;
	s19 =	rddreg [dreg:$0x2];
	[sflag:s13] =	ssyncset.done $0x0  }
0xc6: {  	s16 =	simm.s32 $0x1400;
	s17 =	simm.s32 $0x23A0  }
0xc7: {  	s31 =	simm.s32 $0x3340;
	s9 =	simm.s32 $0xB040;
	s23 =	simm.s32 $0x42E0  }
0xc8: {  	s24 =	simm.s32 $0xC7B0;
	s22 =	simm.s32 $0x5280;
	s7 =	simm.s32 $0x20  }
0xc9: {  	s6 =	simm.s32 $0x71C0;
	s12 =	simm.s32 $0xDF20;
	s26 =	simm.s32 $0x9100  }
0xca: {  	s25 =	simm.s32 $0xEEC0;
	s29 =	simm.s32 $0xA0A0;
	s28 =	simm.s32 $0xF690  }
.LBB2_3:
0xcb: {  	[sflag:s13] =	ssyncadd.s32 $0xFFFFD8F0;
	s0 =	simm.s32 $0x0;
	s1 =	simm.s32 $0x5  }
0xcc: {  	[tilespmem:s0], [sflag:$0x5] =	stream.linear.gather [hbm4b:s19+s0], $0xA00, $0x38;
	[tilespmem:$0xFE60] =	vst v63  }
0xcd: {  	_ =	swait.ge [sflag:s1], $0xA00  }
0xce: {  	[sflag:s1] =	ssyncset.done $0x0  }
0xcf: {  	s19 =	rddreg [dreg:$0x3];
	[sflag:s1] =	ssyncadd.s32 $0xFFFFF600  }
0xd0: {  	[tilespmem:s20], [sflag:$0x5] =	stream.linear.gather [hbm4b:s19+s0], $0xA00, $0x38;
	[tilespmem:$0xFE60] =	vst v63  }
0xd1: {  	_ =	swait.ge [sflag:s1], $0xA00  }
0xd2: {  	[sflag:s1] =	ssyncset.done $0x0  }
0xd3: {  	[sflag:s1] =	ssyncadd.s32 $0xFFFFF600  }
0xd4: {  	[tilespmem:s16], [sflag:$0x1] =	stream.indirect.gather [hbm4b:s2+s5], $0x20, s0, s5, $0xb8;
	[tilespmem:$0xFE60] =	vst v63  }
0xd5: {  	_ = 	snop  }
0xd6: {  	[tilespmem:s21], [sflag:$0x1] =	stream.indirect.gather [hbm4b:s3+s5], $0x10, s20, s5, $0xb8;
	[tilespmem:$0xFE60] =	vst v63  }
0xd7: {  	_ = 	snop  }
0xd8: {  	[tilespmem:s17], [sflag:$0x1] =	stream.indirect.gather [hbm4b:s2+s5], $0x20, s4, s5, $0xb8;
	[tilespmem:$0xFE60] =	vst v63  }
0xd9: {  	s1 =	simm.s32 $0xB810;
	s20 =	rddreg [dreg:$0xc]  }
0xda: {  	[tilespmem:s1], [sflag:$0x1] =	stream.indirect.gather [hbm4b:s3+s5], $0x10, s20, s5, $0xb8;
	[tilespmem:$0xFE60] =	vst v63  }
0xdb: {  	s21 =	rddreg [dreg:$0xd]  }
0xdc: {  	[tilespmem:s31], [sflag:$0x1] =	stream.indirect.gather [hbm4b:s2+s5], $0x20, s21, s5, $0xb8;
	[tilespmem:$0xFE60] =	vst v63  }
0xdd: {  	s0 =	rddreg [dreg:$0xe];
	s21 =	simm.s32 $0xBFE0  }
0xde: {  	[tilespmem:s21], [sflag:$0x1] =	stream.indirect.gather [hbm4b:s3+s5], $0x10, s0, s5, $0xb8;
	[tilespmem:$0xFE60] =	vst v63  }
0xdf: {  	s4 =	rddreg [dreg:$0xf]  }
0xe0: {  	[tilespmem:s23], [sflag:$0x1] =	stream.indirect.gather [hbm4b:s2+s5], $0x20, s4, s5, $0xb8;
	[tilespmem:$0xFE60] =	vst v63  }
0xe1: {  	s0 =	rddreg [dreg:$0x10]  }
0xe2: {  	[tilespmem:s24], [sflag:$0x1] =	stream.indirect.gather [hbm4b:s3+s5], $0x10, s0, s5, $0xb8;
	[tilespmem:$0xFE60] =	vst v63  }
0xe3: {  	s4 =	rddreg [dreg:$0x11]  }
0xe4: {  	[tilespmem:s22], [sflag:$0x1] =	stream.indirect.gather [hbm4b:s2+s5], $0x20, s4, s5, $0xb8;
	[tilespmem:$0xFE60] =	vst v63  }
0xe5: {  	s19 =	rddreg [dreg:$0x12];
	s4 =	simm.s32 $0xCF80  }
0xe6: {  	[tilespmem:s4], [sflag:$0x1] =	stream.indirect.gather [hbm4b:s3+s5], $0x10, s19, s5, $0xb8;
	[tilespmem:$0xFE60] =	vst v63  }
0xe7: {  	_ =	swait.ge [sflag:s30], $0x4E20  }
0xe8: {  	[sflag:s30] =	ssyncset.done $0x0  }
0xe9: {  	[sflag:s30] =	ssyncadd.s32 $0xFFFFB1E0  }
0xea: {  	_ =	swait.ge [sflag:s30], $0x2710  }
0xeb: {  	[sflag:s30] =	ssyncset.done $0x0  }
0xec: {  	s0 =	simm.s32 $0x80;
	s19 =	rddreg [dreg:$0x4];
	[sflag:s30] =	ssyncadd.s32 $0xFFFFD8F0  }
0xed: {  	[hbm4b:s19+s7] =	stream.strided.scatter [tilespmem:s16], [sflag:$0x3], $0x4E20, s0, s7, $0x38;
	[tilespmem:$0xFE60] =	vst v63  }
0xee: {  	s20 =	rddreg [dreg:$0x5]  }
0xef: {  	[hbm4b:s20+s8] =	stream.strided.scatter [tilespmem:s9], [sflag:$0x3], $0x2710, s0, s8, $0x38;
	[tilespmem:$0xFE60] =	vst v63  }
0xf0: {  	s19 =	rddreg [dreg:$0x13]  }
0xf1: {  	[tilespmem:s10], [sflag:$0x2] =	stream.indirect.gather [hbm4b:s2+s5], $0x20, s19, s5, $0xb8;
	[tilespmem:$0xFE60] =	vst v63  }
0xf2: {  	s8 =	rddreg [dreg:$0x14]  }
0xf3: {  	[tilespmem:s11], [sflag:$0x2] =	stream.indirect.gather [hbm4b:s3+s5], $0x10, s8, s5, $0xb8;
	[tilespmem:$0xFE60] =	vst v63  }
0xf4: {  	s10 =	rddreg [dreg:$0x15]  }
0xf5: {  	[tilespmem:s6], [sflag:$0x2] =	stream.indirect.gather [hbm4b:s2+s5], $0x20, s10, s5, $0xb8;
	[tilespmem:$0xFE60] =	vst v63  }
0xf6: {  	s8 =	rddreg [dreg:$0x16]  }
0xf7: {  	[tilespmem:s12], [sflag:$0x2] =	stream.indirect.gather [hbm4b:s3+s5], $0x10, s8, s5, $0xb8;
	[tilespmem:$0xFE60] =	vst v63  }
0xf8: {  	s11 =	simm.s32 $0x8160;
	s10 =	rddreg [dreg:$0x17]  }
0xf9: {  	[tilespmem:s11], [sflag:$0x2] =	stream.indirect.gather [hbm4b:s2+s5], $0x20, s10, s5, $0xb8;
	[tilespmem:$0xFE60] =	vst v63  }
0xfa: {  	s20 =	rddreg [dreg:$0x18];
	s8 =	simm.s32 $0xE6F0  }
0xfb: {  	[tilespmem:s8], [sflag:$0x2] =	stream.indirect.gather [hbm4b:s3+s5], $0x10, s20, s5, $0xb8;
	[tilespmem:$0xFE60] =	vst v63  }
0xfc: {  	s19 =	rddreg [dreg:$0x19]  }
0xfd: {  	[tilespmem:s26], [sflag:$0x2] =	stream.indirect.gather [hbm4b:s2+s5], $0x20, s19, s5, $0xb8;
	[tilespmem:$0xFE60] =	vst v63  }
0xfe: {  	s20 =	rddreg [dreg:$0x1a]  }
0xff: {  	[tilespmem:s25], [sflag:$0x2] =	stream.indirect.gather [hbm4b:s3+s5], $0x10, s20, s5, $0xb8;
	[tilespmem:$0xFE60] =	vst v63  }
0x100: {  	s19 =	rddreg [dreg:$0x1b]  }
0x101: {  	[tilespmem:s29], [sflag:$0x2] =	stream.indirect.gather [hbm4b:s2+s5], $0x20, s19, s5, $0xb8;
	[tilespmem:$0xFE60] =	vst v63  }
0x102: {  	s20 =	rddreg [dreg:$0x1c]  }
0x103: {  	[tilespmem:s28], [sflag:$0x2] =	stream.indirect.gather [hbm4b:s3+s5], $0x10, s20, s5, $0xb8;
	[tilespmem:$0xFE60] =	vst v63  }
0x104: {  	_ =	swait.ge [sflag:s15], $0x4E20  }
0x105: {  	[sflag:s15] =	ssyncset.done $0x0  }
0x106: {  	[sflag:s15] =	ssyncadd.s32 $0xFFFFB1E0  }
0x107: {  	_ =	swait.ge [sflag:s15], $0x2710  }
0x108: {  	[sflag:s15] =	ssyncset.done $0x0  }
0x109: {  	s11 =	simm.s32 $0x6220;
	s19 =	rddreg [dreg:$0x6];
	[sflag:s15] =	ssyncadd.s32 $0xFFFFD8F0  }
0x10a: {  	[hbm4b:s19+s7] =	stream.strided.scatter [tilespmem:s11], [sflag:$0x4], $0x4E20, s0, s7, $0x38;
	[tilespmem:$0xFE60] =	vst v63  }
0x10b: {  	s10 =	simm.s32 $0x10;
	s20 =	rddreg [dreg:$0x7];
	s11 =	simm.s32 $0xD750  }
0x10c: {  	[hbm4b:s20+s10] =	stream.strided.scatter [tilespmem:s11], [sflag:$0x4], $0x2710, s0, s10, $0x38;
	[tilespmem:$0xFE60] =	vst v63  }
0x10d: {  	_ =	swait.ge [sflag:s14], $0x4E20  }
0x10e: {  	[sflag:s14] =	ssyncset.done $0x0  }
0x10f: {  	[sflag:s14] =	ssyncadd.s32 $0xFFFFB1E0  }
0x110: {  	_ =	swait.ge [sflag:s14], $0x2710  }
0x111: {  	s0 =	rddreg [dreg:$0x1d];
	[sflag:s14] =	ssyncset.done $0x0  }
0x112: {  	s20 =	rddreg [dreg:$0x1e];
	[sflag:s14] =	ssyncadd.s32 $0xFFFFD8F0  }
0x113: {  	[tilespmem:s16], [sflag:$0x1] =	stream.indirect.gather [hbm4b:s2+s5], $0x20, s0, s5, $0xb8;
	[tilespmem:$0xFE60] =	vst v63  }
0x114: {  	s0 =	rddreg [dreg:$0x1f]  }
0x115: {  	[tilespmem:s9], [sflag:$0x1] =	stream.indirect.gather [hbm4b:s3+s5], $0x10, s20, s5, $0xb8;
	[tilespmem:$0xFE60] =	vst v63  }
0x116: {  	s20 =	sld [smem:$0x7ED]  }
0x117: {  	[tilespmem:s17], [sflag:$0x1] =	stream.indirect.gather [hbm4b:s2+s5], $0x20, s0, s5, $0xb8;
	[tilespmem:$0xFE60] =	vst v63  }
0x118: {  	s0 =	sld [smem:$0x7EE]  }
0x119: {  	[tilespmem:s1], [sflag:$0x1] =	stream.indirect.gather [hbm4b:s3+s5], $0x10, s20, s5, $0xb8;
	[tilespmem:$0xFE60] =	vst v63  }
0x11a: {  	s1 =	sld [smem:$0x7EF]  }
0x11b: {  	[tilespmem:s31], [sflag:$0x1] =	stream.indirect.gather [hbm4b:s2+s5], $0x20, s0, s5, $0xb8;
	[tilespmem:$0xFE60] =	vst v63  }
0x11c: {  	s0 =	sld [smem:$0x7F0]  }
0x11d: {  	[tilespmem:s21], [sflag:$0x1] =	stream.indirect.gather [hbm4b:s3+s5], $0x10, s1, s5, $0xb8;
	[tilespmem:$0xFE60] =	vst v63  }
0x11e: {  	s1 =	sld [smem:$0x7F1]  }
0x11f: {  	[tilespmem:s23], [sflag:$0x1] =	stream.indirect.gather [hbm4b:s2+s5], $0x20, s0, s5, $0xb8;
	[tilespmem:$0xFE60] =	vst v63  }
0x120: {  	s0 =	sld [smem:$0x7F2]  }
0x121: {  	[tilespmem:s24], [sflag:$0x1] =	stream.indirect.gather [hbm4b:s3+s5], $0x10, s1, s5, $0xb8;
	[tilespmem:$0xFE60] =	vst v63  }
0x122: {  	s1 =	sld [smem:$0x7F3]  }
0x123: {  	[tilespmem:s22], [sflag:$0x1] =	stream.indirect.gather [hbm4b:s2+s5], $0x20, s0, s5, $0xb8;
	[tilespmem:$0xFE60] =	vst v63  }
0x124: {  	_ = 	snop  }
0x125: {  	[tilespmem:s4], [sflag:$0x1] =	stream.indirect.gather [hbm4b:s3+s5], $0x10, s1, s5, $0xb8;
	[tilespmem:$0xFE60] =	vst v63  }
0x126: {  	_ =	swait.ge [sflag:s30], $0x4E20  }
0x127: {  	[sflag:s30] =	ssyncset.done $0x0  }
0x128: {  	[sflag:s30] =	ssyncadd.s32 $0xFFFFB1E0  }
0x129: {  	_ =	swait.ge [sflag:s30], $0x2710  }
0x12a: {  	[sflag:s30] =	ssyncset.done $0x0  }
0x12b: {  	s4 =	simm.s32 $0x80;
	s0 =	rddreg [dreg:$0x8];
	[sflag:s30] =	ssyncadd.s32 $0xFFFFD8F0  }
0x12c: {  	[hbm4b:s0+s7] =	stream.strided.scatter [tilespmem:s16], [sflag:$0x3], $0x4E20, s4, s7, $0x38;
	[tilespmem:$0xFE60] =	vst v63  }
0x12d: {  	s21 =	simm.s32 $0xB040;
	s1 =	rddreg [dreg:$0x9]  }
0x12e: {  	[hbm4b:s1+s10] =	stream.strided.scatter [tilespmem:s21], [sflag:$0x3], $0x2710, s4, s10, $0x38;
	[tilespmem:$0xFE60] =	vst v63  }
0x12f: {  	_ =	swait.ge [sflag:s13], $0x4E20  }
0x130: {  	[sflag:s13] =	ssyncset.done $0x0  }
0x131: {  	[sflag:s13] =	ssyncadd.s32 $0xFFFFB1E0  }
0x132: {  	_ =	swait.ge [sflag:s13], $0x2710  }
0x133: {  	s0 =	sld [smem:$0x7F4]  }
0x134: {  	[sflag:s13] =	ssyncset.done $0x0  }
0x135: {  	s10 =	simm.s32 $0x6220;
	s1 =	sld [smem:$0x7F5];
	[sflag:s13] =	ssyncadd.s32 $0xFFFFD8F0  }
0x136: {  	[tilespmem:s10], [sflag:$0x2] =	stream.indirect.gather [hbm4b:s2+s5], $0x20, s0, s5, $0xb8;
	[tilespmem:$0xFE60] =	vst v63  }
0x137: {  	s0 =	sld [smem:$0x7F6]  }
0x138: {  	[tilespmem:s11], [sflag:$0x2] =	stream.indirect.gather [hbm4b:s3+s5], $0x10, s1, s5, $0xb8;
	[tilespmem:$0xFE60] =	vst v63  }
0x139: {  	s1 =	sld [smem:$0x7F7]  }
0x13a: {  	[tilespmem:s6], [sflag:$0x2] =	stream.indirect.gather [hbm4b:s2+s5], $0x20, s0, s5, $0xb8;
	[tilespmem:$0xFE60] =	vst v63  }
0x13b: {  	s0 =	sld [smem:$0x7F8]  }
0x13c: {  	[tilespmem:s12], [sflag:$0x2] =	stream.indirect.gather [hbm4b:s3+s5], $0x10, s1, s5, $0xb8;
	[tilespmem:$0xFE60] =	vst v63  }
0x13d: {  	s20 =	sld [smem:$0x7F9];
	s1 =	simm.s32 $0x8160  }
0x13e: {  	[tilespmem:s1], [sflag:$0x2] =	stream.indirect.gather [hbm4b:s2+s5], $0x20, s0, s5, $0xb8;
	[tilespmem:$0xFE60] =	vst v63  }
0x13f: {  	s0 =	sld [smem:$0x7FA]  }
0x140: {  	[tilespmem:s8], [sflag:$0x2] =	stream.indirect.gather [hbm4b:s3+s5], $0x10, s20, s5, $0xb8;
	[tilespmem:$0xFE60] =	vst v63  }
0x141: {  	s1 =	sld [smem:$0x7FB]  }
0x142: {  	[tilespmem:s26], [sflag:$0x2] =	stream.indirect.gather [hbm4b:s2+s5], $0x20, s0, s5, $0xb8;
	[tilespmem:$0xFE60] =	vst v63  }
0x143: {  	s0 =	sld [smem:$0x7FC]  }
0x144: {  	[tilespmem:s25], [sflag:$0x2] =	stream.indirect.gather [hbm4b:s3+s5], $0x10, s1, s5, $0xb8;
	[tilespmem:$0xFE60] =	vst v63  }
0x145: {  	s1 =	sld [smem:$0x7FD]  }
0x146: {  	[tilespmem:s29], [sflag:$0x2] =	stream.indirect.gather [hbm4b:s2+s5], $0x20, s0, s5, $0xb8;
	[tilespmem:$0xFE60] =	vst v63  }
0x147: {  	_ = 	snop  }
0x148: {  	[tilespmem:s28], [sflag:$0x2] =	stream.indirect.gather [hbm4b:s3+s5], $0x10, s1, s5, $0xb8;
	[tilespmem:$0xFE60] =	vst v63  }
0x149: {  	_ =	swait.ge [sflag:s15], $0x4E20  }
0x14a: {  	[sflag:s15] =	ssyncset.done $0x0  }
0x14b: {  	[sflag:s15] =	ssyncadd.s32 $0xFFFFB1E0  }
0x14c: {  	_ =	swait.ge [sflag:s15], $0x2710  }
0x14d: {  	[sflag:s15] =	ssyncset.done $0x0  }
0x14e: {  	s0 =	rddreg [dreg:$0xa];
	[sflag:s15] =	ssyncadd.s32 $0xFFFFD8F0  }
0x14f: {  	[hbm4b:s0+s7] =	stream.strided.scatter [tilespmem:s10], [sflag:$0x4], $0x4E20, s4, s7, $0x38;
	[tilespmem:$0xFE60] =	vst v63  }
0x150: {  	s8 =	simm.s32 $0x10;
	s1 =	rddreg [dreg:$0xb]  }
0x151: {  	[hbm4b:s1+s8] =	stream.strided.scatter [tilespmem:s11], [sflag:$0x4], $0x2710, s4, s8, $0x38;
	[tilespmem:$0xFE60] =	vst v63  }
0x152: {  	_ =	swait.ge [sflag:s14], $0x4E20  }
0x153: {  	[sflag:s14] =	ssyncset.done $0x0  }
0x154: {  	[sflag:s14] =	ssyncadd.s32 $0xFFFFB1E0  }
0x155: {  	_ =	swait.ge [sflag:s14], $0x2710  }
0x156: {  	[sflag:s14] =	ssyncset.done $0x0  }
0x157: {  	p1 =	sne.s32 s18, $0x1;
	[sflag:s14] =	ssyncadd.s32 $0xFFFFD8F0  }
.Ltmp2:
0x158: {  	_ =	swait.ge [sflag:s13], $0x4E20;
	(pc) =	sbr.rel @p1 .LBB2_3-.Ltmp2, $4  }
0x159: {  	[sflag:s13] =	ssyncset.done $0x0  }
0x15a: {  	[sflag:s13] =	ssyncadd.s32 $0xFFFFB1E0  }
0x15b: {  	s18 =	sadd.s32 $0xFFFFFFFF, s18;
	_ =	swait.ge [sflag:s13], $0x2710  }
0x15c: {  	s20 =	simm.s32 $0xA00;
	s19 =	rddreg [dreg:$0x2];
	[sflag:s13] =	ssyncset.done $0x0  }
0x15d: {  	s25 =	simm.s32 $0x71C0  }
0x15e: {  	s26 =	simm.s32 $0xE6F0;
	s28 =	simm.s32 $0xB810;
	s29 =	simm.s32 $0x8160  }
0x15f: {  	s1 =	simm.s32 $0x3340;
	s31 =	simm.s32 $0xDF20;
	s12 =	simm.s32 $0x0  }
0x160: {  	s6 =	simm.s32 $0x1400;
	s7 =	simm.s32 $0x20;
	s16 =	simm.s32 $0x5  }
.LBB2_5:
0x161: {  	[sflag:s13] =	ssyncadd.s32 @p0 $0xFFFFD8F0  }
0x162: {  	[tilespmem:s12], [sflag:$0x5] =	stream.linear.gather [hbm4b:s19+s12], $0xA00, $0x38;
	[tilespmem:$0xFE60] =	vst v63  }
0x163: {  	_ =	swait.ge [sflag:s16], $0xA00  }
0x164: {  	[sflag:s16] =	ssyncset.done $0x0  }
0x165: {  	s18 =	rddreg [dreg:$0x3];
	[sflag:s16] =	ssyncadd.s32 $0xFFFFF600  }
0x166: {  	[tilespmem:s20], [sflag:$0x5] =	stream.linear.gather [hbm4b:s18+s12], $0xA00, $0x38;
	[tilespmem:$0xFE60] =	vst v63  }
0x167: {  	_ =	swait.ge [sflag:s16], $0xA00  }
0x168: {  	[sflag:s16] =	ssyncset.done $0x0  }
0x169: {  	[sflag:s16] =	ssyncadd.s32 $0xFFFFF600  }
0x16a: {  	[tilespmem:s6], [sflag:$0x1] =	stream.indirect.gather [hbm4b:s2+s5], $0x20, s12, s5, $0xb8;
	[tilespmem:$0xFE60] =	vst v63  }
0x16b: {  	_ = 	snop  }
0x16c: {  	[tilespmem:s21], [sflag:$0x1] =	stream.indirect.gather [hbm4b:s3+s5], $0x10, s20, s5, $0xb8;
	[tilespmem:$0xFE60] =	vst v63  }
0x16d: {  	s22 =	simm.s32 $0x23A0  }
0x16e: {  	[tilespmem:s22], [sflag:$0x1] =	stream.indirect.gather [hbm4b:s2+s5], $0x20, s4, s5, $0xb8;
	[tilespmem:$0xFE60] =	vst v63  }
0x16f: {  	s19 =	rddreg [dreg:$0xc]  }
0x170: {  	[tilespmem:s28], [sflag:$0x1] =	stream.indirect.gather [hbm4b:s3+s5], $0x10, s19, s5, $0xb8;
	[tilespmem:$0xFE60] =	vst v63  }
0x171: {  	s20 =	rddreg [dreg:$0xd]  }
0x172: {  	[tilespmem:s1], [sflag:$0x1] =	stream.indirect.gather [hbm4b:s2+s5], $0x20, s20, s5, $0xb8;
	[tilespmem:$0xFE60] =	vst v63  }
0x173: {  	s0 =	simm.s32 $0xBFE0;
	s23 =	rddreg [dreg:$0xe]  }
0x174: {  	[tilespmem:s0], [sflag:$0x1] =	stream.indirect.gather [hbm4b:s3+s5], $0x10, s23, s5, $0xb8;
	[tilespmem:$0xFE60] =	vst v63  }
0x175: {  	s24 =	rddreg [dreg:$0xf];
	s23 =	simm.s32 $0x42E0  }
0x176: {  	[tilespmem:s23], [sflag:$0x1] =	stream.indirect.gather [hbm4b:s2+s5], $0x20, s24, s5, $0xb8;
	[tilespmem:$0xFE60] =	vst v63  }
0x177: {  	s9 =	rddreg [dreg:$0x10];
	s24 =	simm.s32 $0xC7B0  }
0x178: {  	[tilespmem:s24], [sflag:$0x1] =	stream.indirect.gather [hbm4b:s3+s5], $0x10, s9, s5, $0xb8;
	[tilespmem:$0xFE60] =	vst v63  }
0x179: {  	s17 =	rddreg [dreg:$0x11];
	s20 =	simm.s32 $0x5280  }
0x17a: {  	[tilespmem:s20], [sflag:$0x1] =	stream.indirect.gather [hbm4b:s2+s5], $0x20, s17, s5, $0xb8;
	[tilespmem:$0xFE60] =	vst v63  }
0x17b: {  	s18 =	rddreg [dreg:$0x12];
	s17 =	simm.s32 $0xCF80  }
0x17c: {  	[tilespmem:s17], [sflag:$0x1] =	stream.indirect.gather [hbm4b:s3+s5], $0x10, s18, s5, $0xb8;
	[tilespmem:$0xFE60] =	vst v63  }
0x17d: {  	_ =	swait.ge [sflag:s30], $0x4E20  }
0x17e: {  	[sflag:s30] =	ssyncset.done $0x0  }
0x17f: {  	[sflag:s30] =	ssyncadd.s32 $0xFFFFB1E0  }
0x180: {  	_ =	swait.ge [sflag:s30], $0x2710  }
0x181: {  	[sflag:s30] =	ssyncset.done $0x0  }
0x182: {  	s19 =	rddreg [dreg:$0x4];
	[sflag:s30] =	ssyncadd.s32 $0xFFFFD8F0  }
0x183: {  	[hbm4b:s19+s7] =	stream.strided.scatter [tilespmem:s6], [sflag:$0x3], $0x4E20, s4, s7, $0x38;
	[tilespmem:$0xFE60] =	vst v63  }
0x184: {  	s9 =	rddreg [dreg:$0x5]  }
0x185: {  	[hbm4b:s9+s8] =	stream.strided.scatter [tilespmem:s21], [sflag:$0x3], $0x2710, s4, s8, $0x38;
	[tilespmem:$0xFE60] =	vst v63  }
0x186: {  	s18 =	rddreg [dreg:$0x13]  }
0x187: {  	[tilespmem:s10], [sflag:$0x2] =	stream.indirect.gather [hbm4b:s2+s5], $0x20, s18, s5, $0xb8;
	[tilespmem:$0xFE60] =	vst v63  }
0x188: {  	s19 =	rddreg [dreg:$0x14]  }
0x189: {  	[tilespmem:s11], [sflag:$0x2] =	stream.indirect.gather [hbm4b:s3+s5], $0x10, s19, s5, $0xb8;
	[tilespmem:$0xFE60] =	vst v63  }
0x18a: {  	s21 =	rddreg [dreg:$0x15]  }
0x18b: {  	[tilespmem:s25], [sflag:$0x2] =	stream.indirect.gather [hbm4b:s2+s5], $0x20, s21, s5, $0xb8;
	[tilespmem:$0xFE60] =	vst v63  }
0x18c: {  	s8 =	rddreg [dreg:$0x16]  }
0x18d: {  	[tilespmem:s31], [sflag:$0x2] =	stream.indirect.gather [hbm4b:s3+s5], $0x10, s8, s5, $0xb8;
	[tilespmem:$0xFE60] =	vst v63  }
0x18e: {  	s9 =	rddreg [dreg:$0x17]  }
0x18f: {  	[tilespmem:s29], [sflag:$0x2] =	stream.indirect.gather [hbm4b:s2+s5], $0x20, s9, s5, $0xb8;
	[tilespmem:$0xFE60] =	vst v63  }
0x190: {  	s18 =	rddreg [dreg:$0x18]  }
0x191: {  	[tilespmem:s26], [sflag:$0x2] =	stream.indirect.gather [hbm4b:s3+s5], $0x10, s18, s5, $0xb8;
	[tilespmem:$0xFE60] =	vst v63  }
0x192: {  	s19 =	rddreg [dreg:$0x19];
	s21 =	simm.s32 $0x9100  }
0x193: {  	[tilespmem:s21], [sflag:$0x2] =	stream.indirect.gather [hbm4b:s2+s5], $0x20, s19, s5, $0xb8;
	[tilespmem:$0xFE60] =	vst v63  }
0x194: {  	s18 =	rddreg [dreg:$0x1a];
	s19 =	simm.s32 $0xEEC0  }
0x195: {  	[tilespmem:s19], [sflag:$0x2] =	stream.indirect.gather [hbm4b:s3+s5], $0x10, s18, s5, $0xb8;
	[tilespmem:$0xFE60] =	vst v63  }
0x196: {  	s12 =	rddreg [dreg:$0x1b];
	s18 =	simm.s32 $0xA0A0  }
0x197: {  	[tilespmem:s18], [sflag:$0x2] =	stream.indirect.gather [hbm4b:s2+s5], $0x20, s12, s5, $0xb8;
	[tilespmem:$0xFE60] =	vst v63  }
0x198: {  	s16 =	rddreg [dreg:$0x1c];
	s18 =	simm.s32 $0xF690  }
0x199: {  	[tilespmem:s18], [sflag:$0x2] =	stream.indirect.gather [hbm4b:s3+s5], $0x10, s16, s5, $0xb8;
	[tilespmem:$0xFE60] =	vst v63  }
0x19a: {  	_ =	swait.ge [sflag:s15], $0x4E20  }
0x19b: {  	[sflag:s15] =	ssyncset.done $0x0  }
0x19c: {  	[sflag:s15] =	ssyncadd.s32 $0xFFFFB1E0  }
0x19d: {  	_ =	swait.ge [sflag:s15], $0x2710  }
0x19e: {  	[sflag:s15] =	ssyncset.done $0x0  }
0x19f: {  	s12 =	rddreg [dreg:$0x6];
	[sflag:s15] =	ssyncadd.s32 $0xFFFFD8F0  }
0x1a0: {  	[hbm4b:s12+s7] =	stream.strided.scatter [tilespmem:s10], [sflag:$0x4], $0x4E20, s4, s7, $0x38;
	[tilespmem:$0xFE60] =	vst v63  }
0x1a1: {  	s9 =	simm.s32 $0x10;
	s16 =	rddreg [dreg:$0x7]  }
0x1a2: {  	[hbm4b:s16+s9] =	stream.strided.scatter [tilespmem:s11], [sflag:$0x4], $0x2710, s4, s9, $0x38;
	[tilespmem:$0xFE60] =	vst v63  }
0x1a3: {  	_ =	swait.ge [sflag:s14], $0x4E20  }
0x1a4: {  	[sflag:s14] =	ssyncset.done $0x0  }
0x1a5: {  	[sflag:s14] =	ssyncadd.s32 $0xFFFFB1E0  }
0x1a6: {  	_ =	swait.ge [sflag:s14], $0x2710  }
0x1a7: {  	s12 =	rddreg [dreg:$0x1d];
	[sflag:s14] =	ssyncset.done $0x0  }
0x1a8: {  	s16 =	rddreg [dreg:$0x1e];
	[sflag:s14] =	ssyncadd.s32 $0xFFFFD8F0  }
0x1a9: {  	[tilespmem:s6], [sflag:$0x1] =	stream.indirect.gather [hbm4b:s2+s5], $0x20, s12, s5, $0xb8;
	[tilespmem:$0xFE60] =	vst v63  }
0x1aa: {  	s8 =	simm.s32 $0xB040;
	s12 =	rddreg [dreg:$0x1f]  }
0x1ab: {  	[tilespmem:s8], [sflag:$0x1] =	stream.indirect.gather [hbm4b:s3+s5], $0x10, s16, s5, $0xb8;
	[tilespmem:$0xFE60] =	vst v63  }
0x1ac: {  	s16 =	sld [smem:$0x7ED]  }
0x1ad: {  	[tilespmem:s22], [sflag:$0x1] =	stream.indirect.gather [hbm4b:s2+s5], $0x20, s12, s5, $0xb8;
	[tilespmem:$0xFE60] =	vst v63  }
0x1ae: {  	s22 =	sld [smem:$0x7EE]  }
0x1af: {  	[tilespmem:s28], [sflag:$0x1] =	stream.indirect.gather [hbm4b:s3+s5], $0x10, s16, s5, $0xb8;
	[tilespmem:$0xFE60] =	vst v63  }
0x1b0: {  	s28 =	sld [smem:$0x7EF]  }
0x1b1: {  	[tilespmem:s1], [sflag:$0x1] =	stream.indirect.gather [hbm4b:s2+s5], $0x20, s22, s5, $0xb8;
	[tilespmem:$0xFE60] =	vst v63  }
0x1b2: {  	s1 =	sld [smem:$0x7F0]  }
0x1b3: {  	[tilespmem:s0], [sflag:$0x1] =	stream.indirect.gather [hbm4b:s3+s5], $0x10, s28, s5, $0xb8;
	[tilespmem:$0xFE60] =	vst v63  }
0x1b4: {  	s22 =	sld [smem:$0x7F1]  }
0x1b5: {  	[tilespmem:s23], [sflag:$0x1] =	stream.indirect.gather [hbm4b:s2+s5], $0x20, s1, s5, $0xb8;
	[tilespmem:$0xFE60] =	vst v63  }
0x1b6: {  	s23 =	sld [smem:$0x7F2]  }
0x1b7: {  	[tilespmem:s24], [sflag:$0x1] =	stream.indirect.gather [hbm4b:s3+s5], $0x10, s22, s5, $0xb8;
	[tilespmem:$0xFE60] =	vst v63  }
0x1b8: {  	s24 =	sld [smem:$0x7F3]  }
0x1b9: {  	[tilespmem:s20], [sflag:$0x1] =	stream.indirect.gather [hbm4b:s2+s5], $0x20, s23, s5, $0xb8;
	[tilespmem:$0xFE60] =	vst v63  }
0x1ba: {  	_ = 	snop  }
0x1bb: {  	[tilespmem:s17], [sflag:$0x1] =	stream.indirect.gather [hbm4b:s3+s5], $0x10, s24, s5, $0xb8;
	[tilespmem:$0xFE60] =	vst v63  }
0x1bc: {  	_ =	swait.ge [sflag:s30], $0x4E20  }
0x1bd: {  	[sflag:s30] =	ssyncset.done $0x0  }
0x1be: {  	[sflag:s30] =	ssyncadd.s32 $0xFFFFB1E0  }
0x1bf: {  	_ =	swait.ge [sflag:s30], $0x2710  }
0x1c0: {  	[sflag:s30] =	ssyncset.done $0x0  }
0x1c1: {  	s28 =	rddreg [dreg:$0x8];
	[sflag:s30] =	ssyncadd.s32 $0xFFFFD8F0  }
0x1c2: {  	[hbm4b:s28+s7] =	stream.strided.scatter [tilespmem:s6], [sflag:$0x3], $0x4E20, s4, s7, $0x38;
	[tilespmem:$0xFE60] =	vst v63  }
0x1c3: {  	s30 =	rddreg [dreg:$0x9]  }
0x1c4: {  	[hbm4b:s30+s9] =	stream.strided.scatter [tilespmem:s8], [sflag:$0x3], $0x2710, s4, s9, $0x38;
	[tilespmem:$0xFE60] =	vst v63  }
0x1c5: {  	_ =	swait.ge [sflag:s13], $0x4E20  }
0x1c6: {  	[sflag:s13] =	ssyncset.done $0x0  }
0x1c7: {  	[sflag:s13] =	ssyncadd.s32 $0xFFFFB1E0  }
0x1c8: {  	_ =	swait.ge [sflag:s13], $0x2710  }
0x1c9: {  	s8 =	sld [smem:$0x7F4]  }
0x1ca: {  	[sflag:s13] =	ssyncset.done $0x0  }
0x1cb: {  	s12 =	sld [smem:$0x7F5];
	[sflag:s13] =	ssyncadd.s32 $0xFFFFD8F0  }
0x1cc: {  	[tilespmem:s10], [sflag:$0x2] =	stream.indirect.gather [hbm4b:s2+s5], $0x20, s8, s5, $0xb8;
	[tilespmem:$0xFE60] =	vst v63  }
0x1cd: {  	s16 =	sld [smem:$0x7F6]  }
0x1ce: {  	[tilespmem:s11], [sflag:$0x2] =	stream.indirect.gather [hbm4b:s3+s5], $0x10, s12, s5, $0xb8;
	[tilespmem:$0xFE60] =	vst v63  }
0x1cf: {  	s17 =	sld [smem:$0x7F7]  }
0x1d0: {  	[tilespmem:s25], [sflag:$0x2] =	stream.indirect.gather [hbm4b:s2+s5], $0x20, s16, s5, $0xb8;
	[tilespmem:$0xFE60] =	vst v63  }
0x1d1: {  	s20 =	sld [smem:$0x7F8]  }
0x1d2: {  	[tilespmem:s31], [sflag:$0x2] =	stream.indirect.gather [hbm4b:s3+s5], $0x10, s17, s5, $0xb8;
	[tilespmem:$0xFE60] =	vst v63  }
0x1d3: {  	s22 =	sld [smem:$0x7F9]  }
0x1d4: {  	[tilespmem:s29], [sflag:$0x2] =	stream.indirect.gather [hbm4b:s2+s5], $0x20, s20, s5, $0xb8;
	[tilespmem:$0xFE60] =	vst v63  }
0x1d5: {  	s23 =	sld [smem:$0x7FA]  }
0x1d6: {  	[tilespmem:s26], [sflag:$0x2] =	stream.indirect.gather [hbm4b:s3+s5], $0x10, s22, s5, $0xb8;
	[tilespmem:$0xFE60] =	vst v63  }
0x1d7: {  	s24 =	sld [smem:$0x7FB]  }
0x1d8: {  	[tilespmem:s21], [sflag:$0x2] =	stream.indirect.gather [hbm4b:s2+s5], $0x20, s23, s5, $0xb8;
	[tilespmem:$0xFE60] =	vst v63  }
0x1d9: {  	s25 =	sld [smem:$0x7FC]  }
0x1da: {  	[tilespmem:s19], [sflag:$0x2] =	stream.indirect.gather [hbm4b:s3+s5], $0x10, s24, s5, $0xb8;
	[tilespmem:$0xFE60] =	vst v63  }
0x1db: {  	s28 =	simm.s32 $0xA0A0;
	s26 =	sld [smem:$0x7FD]  }
0x1dc: {  	[tilespmem:s28], [sflag:$0x2] =	stream.indirect.gather [hbm4b:s2+s5], $0x20, s25, s5, $0xb8;
	[tilespmem:$0xFE60] =	vst v63  }
0x1dd: {  	_ = 	snop  }
0x1de: {  	[tilespmem:s18], [sflag:$0x2] =	stream.indirect.gather [hbm4b:s3+s5], $0x10, s26, s5, $0xb8;
	[tilespmem:$0xFE60] =	vst v63  }
0x1df: {  	_ =	swait.ge [sflag:s15], $0x4E20  }
0x1e0: {  	[sflag:s15] =	ssyncset.done $0x0  }
0x1e1: {  	[sflag:s15] =	ssyncadd.s32 $0xFFFFB1E0  }
0x1e2: {  	_ =	swait.ge [sflag:s15], $0x2710  }
0x1e3: {  	[sflag:s15] =	ssyncset.done $0x0  }
0x1e4: {  	s29 =	rddreg [dreg:$0xa];
	[sflag:s15] =	ssyncadd.s32 $0xFFFFD8F0  }
0x1e5: {  	[hbm4b:s29+s7] =	stream.strided.scatter [tilespmem:s10], [sflag:$0x4], $0x4E20, s4, s7, $0x38;
	[tilespmem:$0xFE60] =	vst v63  }
0x1e6: {  	s30 =	rddreg [dreg:$0xb]  }
0x1e7: {  	[hbm4b:s30+s9] =	stream.strided.scatter [tilespmem:s11], [sflag:$0x4], $0x2710, s4, s9, $0x38;
	[tilespmem:$0xFE60] =	vst v63  }
0x1e8: {  	_ =	swait.ge [sflag:s14], $0x4E20  }
0x1e9: {  	[sflag:s14] =	ssyncset.done $0x0  }
0x1ea: {  	[sflag:s14] =	ssyncadd.s32 $0xFFFFB1E0  }
0x1eb: {  	_ =	swait.ge [sflag:s14], $0x2710  }
0x1ec: {  	[sflag:s14] =	ssyncset.done $0x0  }
0x1ed: {  	[sflag:s14] =	ssyncadd.s32 $0xFFFFD8F0  }
0x1ee: {  	_ =	swait.ge [sflag:s13], $0x4E20  }
0x1ef: {  	[sflag:s13] =	ssyncset.done $0x0  }
0x1f0: {  	[sflag:s13] =	ssyncadd.s32 $0xFFFFB1E0  }
0x1f1: {  	_ =	swait.ge [sflag:s13], $0x2710  }
0x1f2: {  	[sflag:s13] =	ssyncset.done $0x0  }
0x1f3: {  	[sflag:s13] =	ssyncadd.s32 $0xFFFFD8F0  }
0x1f4: {  	_ =	sfence.sel $0x180000  }
0x1f5: {  	[bflag:$0x0] =	sbarrier.arrive $0xFFFF  }
0x1f6: {  	_ =	strace $0x9000004A  }
0x1f7: {  	s31 =	stileid.u32;
	[bflag:$0x2] =	sbarrier.arrive $0xFFFF  }
0x1f8: {  	p0 =	sne.s32 s31, $0x0;
	s0 =	rddreg [dreg:$0x1]  }
0x1f9: {  	s0 =	sadd.s32 @!p0 $0x100000, s0  }
0x1fa: {  	[sflag:s0] =	ssyncadd.tile.s32 @!p0 $0x1;
	_ =	shalt  }
.LBB2_6:
.Ltmp3:
0x1fb: {  	(pc) =	sbr.rel .LBB2_5-.Ltmp3, $4  }
0x1fc: {  	s25 =	simm.s32 $0x71C0  }
0x1fd: {  	s26 =	simm.s32 $0xE6F0;
	s28 =	simm.s32 $0xB810;
	s29 =	simm.s32 $0x8160  }
0x1fe: {  	s1 =	simm.s32 $0x3340;
	s31 =	simm.s32 $0xDF20;
	s12 =	simm.s32 $0x0  }
0x1ff: {  	s6 =	simm.s32 $0x1400;
	s7 =	simm.s32 $0x20;
	s16 =	simm.s32 $0x5  }
.Lfunc_end2:
_tile_overlayer_lowered:
.L_overlay_start_2:
0x200: {  	(tag) =	ssettag $0x2  }
0x201: {  	s0 =	rddreg [dreg:$0x0];
	s2 =	stileid.u32  }
0x202: {  	s1 =	rddreg [dreg:$0x1];
	p0 =	sne.s32 s2, $0x0  }
0x203: {  	s3 =	rddreg [dreg:$0x2];
	[bflag:$0x3] =	sbarrier.arrive $0xFFFF;
	s2 =	simm.s32 @!p0 $0x1C05  }
0x204: {  	[timem:s3], [sflag:s2] =	dma.local @!p0 [hbm:s0], s1  }
0x205: {  	s0 =	simm.s32 @!p0 $0x5  }
0x206: {  	_ =	swait.ge @!p0 [sflag:s0], s1  }
0x207: {  	s1 =	ssub.s32 @!p0 $0x0, s1;
	[sflag:s0] =	ssyncset.done @!p0 $0x0  }
0x208: {  	[sflag:s0] =	ssyncadd.s32 @!p0 s1  }
0x209: {  	[bflag:$0x3] =	sbarrier.arrive $0xFFFF  }
0x20a: {  	_ =	shalt  }

// kernel: gather_half1.3.cloned.1.call-start
scs
__scs_entry_jumppad:
0x0: {  	(pc) =	sbr.rel $0x88, $3  }
0x1: {  	(tag) =	ssettag $0x0;
	lr =	simm.s32 $0x1  }
0x2: {  	[smem:$0x3F99] =	sst lr;
	_ =	strace $0xD0000000  }
0x3: {  	_ = 	snop  }
0x4: {  	_ = 	snop  }
0x5: {  	_ = 	snop  }
0x6: {  	_ = 	snop  }
0x7: {  	_ = 	snop  }
__scs_overlays_trampoline_lowered:
0x8: {  	[smem:$0x3FA8] =	sst s0  }
0x9: {  	[smem:$0x3FA9] =	sst s1  }
0xa: {  	[smem:$0x3FAA] =	sst s2  }
0xb: {  	[smem:$0x3FAB] =	sst s3  }
0xc: {  	[smem:$0x3FAC] =	sst s4  }
0xd: {  	[smem:$0x3FAD] =	sst s5  }
0xe: {  	[smem:$0x3FAE] =	sst s6  }
0xf: {  	[smem:$0x3FAF] =	sst s7  }
0x10: {  	[smem:$0x3FB0] =	sst s8  }
0x11: {  	[smem:$0x3FB1] =	sst s9;
	s0 =	simm.s32 @!p0 $0x0  }
0x12: {  	s1 =	sld [smem:$0x3F97];
	s0 =	simm.s32 @p0 $0x1  }
0x13: {  	[smem:$0x3FB2] =	sst s0;
	s0 =	simm.s32 @!p1 $0x0  }
0x14: {  	s2 =	sld [smem:$0x3F96];
	s0 =	simm.s32 @p1 $0x1  }
0x15: {  	[smem:$0x3FB3] =	sst s0;
	s0 =	simm.s32 @!p2 $0x0  }
0x16: {  	s3 =	sld [smem:$0x3FDB];
	s0 =	simm.s32 @p2 $0x1  }
0x17: {  	s4 =	simm.s32 $0x1BF5;
	[smem:$0x3FB5] =	sst s0  }
0x18: {  	s0 =	sld [smem:$0x3F98];
	_ =	swait.ge [sflag:s4], $0x0  }
0x19: {  	s7 =	sld [smem:$0x3F99]  }
0x1a: {  	s8 =	sadd.s32 $0xFFFFE003, lr  }
0x1b: {  	s9 =	sadd.s32 $0xFFFFFEF7, lr;
	s5 =	simm.s32 $0xFFFFFFFF;
	p2 =	slt.u32 s8, $0xFFFFF086  }
0x1c: {  	p1 =	slt.u32 s9, $0xF7A;
	s5 =	simm.s32 @!p2 $0x0  }
0x1d: {  	s5 =	simm.s32 @p1 $0x1;
	p0 =	seq.s32 s7, s2  }
0x1e: {  	s7 =	smul.u32 @!p0 $0xF7A, s2;
	p2 =	seq.s32 @!p0 s5, $0x0  }
0x1f: {  	s9 =	smul.u32 $0xF7A, s1;
	s8 =	simm.s32 @!p0 $0x1BF5;
	p2 =	por !p2, p0  }
0x20: {  	[sflag:s8] =	ssyncset.s32 @!p0 $0xFFFFF086;
	s6 =	sadd.s32 @!p0 s3, s7;
	s7 =	simm.s32 @!p0 $0x108  }
0x21: {  	s3 =	sadd.s32 s3, s9;
	s6 =	sadd.s32 @!p0 $0x88, s6;
	s7 =	simm.s32 @p2 $0x1082  }
0x22: {  	[simem:s7], [sflag:s8] =	dma.local @!p0 [hbm:s6], $0xF7A  }
0x23: {  	s9 =	sor.u32 $0xD0000000, s2;
	s6 =	simm.s32 $0x108;
	_ =	swait.ge @!p0 [sflag:s8], $0x0  }
0x24: {  	s3 =	sadd.s32 $0x88, s3;
	s6 =	simm.s32 @!p1 $0x1082;
	[sflag:s4] =	ssyncset.s32 $0xFFFFF086  }
0x25: {  	[simem:s6], [sflag:s4] =	dma.local [hbm:s3], $0xF7A  }
0x26: {  	[smem:$0x3F99] =	sst s1;
	(tag) =	ssettag s2;
	_ =	strace s9  }
0x27: {  	s1 =	sld [smem:$0x3FA9]  }
0x28: {  	s2 =	sld [smem:$0x3FAA]  }
0x29: {  	s4 =	sld [smem:$0x3FAC]  }
0x2a: {  	p0 =	seq.s32 s5, $0x0;
	s5 =	sld [smem:$0x3FAD]  }
0x2b: {  	s6 =	sld [smem:$0x3FAE]  }
0x2c: {  	s7 =	sld [smem:$0x3FAF]  }
0x2d: {  	s3 =	simm.s32 $0x108;
	s8 =	sld [smem:$0x3FB0]  }
0x2e: {  	s3 =	simm.s32 @!p0 $0x1082;
	s9 =	sld [smem:$0x3FB1]  }
0x2f: {  	lr =	sadd.s32 s0, s3;
	s0 =	sld [smem:$0x3FA8]  }
0x30: {  	s3 =	sld [smem:$0x3FAB]  }
0x31: {  	[smem:$0x3FB4] =	sst s10  }
0x32: {  	s10 =	sld [smem:$0x3FB2];
	_ =	sdelay $0x3  }
0x33: {  	p0 =	seq.s32 s10, $0x1;
	s10 =	sld [smem:$0x3FB4];
	_ =	sdelay $0x3  }
0x34: {  	[smem:$0x3FB4] =	sst s10  }
0x35: {  	s10 =	sld [smem:$0x3FB3];
	_ =	sdelay $0x3  }
0x36: {  	p1 =	seq.s32 s10, $0x1;
	s10 =	sld [smem:$0x3FB4];
	_ =	sdelay $0x3  }
0x37: {  	[smem:$0x3FB4] =	sst s10  }
0x38: {  	s10 =	sld [smem:$0x3FB5]  }
0x39: {  	_ = 	snop;
	(pc) =	sbr.ind lr, $3  }
0x3a: {  	_ = 	snop  }
0x3b: {  	_ = 	snop  }
0x3c: {  	p2 =	seq.s32 s10, $0x1;
	s10 =	sld [smem:$0x3FB4]  }
0x3d: {  	_ =	shalt  }
0x3e: {  	_ =	shalt  }
0x3f: {  	_ =	shalt  }
0x40: {  	_ =	shalt  }
0x41: {  	_ =	shalt  }
0x42: {  	_ =	shalt  }
0x43: {  	_ =	shalt  }
0x44: {  	_ =	shalt  }
0x45: {  	_ =	shalt  }
0x46: {  	_ =	shalt  }
0x47: {  	_ =	shalt  }
0x48: {  	_ =	shalt  }
0x49: {  	_ =	shalt  }
0x4a: {  	_ =	shalt  }
0x4b: {  	_ =	shalt  }
0x4c: {  	_ =	shalt  }
0x4d: {  	_ =	shalt  }
0x4e: {  	_ =	shalt  }
0x4f: {  	_ =	shalt  }
0x50: {  	_ =	shalt  }
0x51: {  	_ =	shalt  }
0x52: {  	_ =	shalt  }
0x53: {  	_ =	shalt  }
0x54: {  	_ =	shalt  }
0x55: {  	_ =	shalt  }
0x56: {  	_ =	shalt  }
0x57: {  	_ =	shalt  }
0x58: {  	_ =	shalt  }
0x59: {  	_ =	shalt  }
0x5a: {  	_ =	shalt  }
0x5b: {  	_ =	shalt  }
0x5c: {  	_ =	shalt  }
0x5d: {  	_ =	shalt  }
0x5e: {  	_ =	shalt  }
0x5f: {  	_ =	shalt  }
0x60: {  	_ =	shalt  }
0x61: {  	_ =	shalt  }
0x62: {  	_ =	shalt  }
0x63: {  	_ =	shalt  }
0x64: {  	_ =	shalt  }
0x65: {  	_ =	shalt  }
0x66: {  	_ =	shalt  }
0x67: {  	_ =	shalt  }
0x68: {  	_ =	shalt  }
0x69: {  	_ =	shalt  }
0x6a: {  	_ =	shalt  }
0x6b: {  	_ =	shalt  }
0x6c: {  	_ =	shalt  }
0x6d: {  	_ =	shalt  }
0x6e: {  	_ =	shalt  }
0x6f: {  	_ =	shalt  }
0x70: {  	_ =	shalt  }
0x71: {  	_ =	shalt  }
0x72: {  	_ =	shalt  }
0x73: {  	_ =	shalt  }
0x74: {  	_ =	shalt  }
0x75: {  	_ =	shalt  }
0x76: {  	_ =	shalt  }
0x77: {  	_ =	shalt  }
0x78: {  	_ =	shalt  }
0x79: {  	_ =	shalt  }
0x7a: {  	_ =	shalt  }
0x7b: {  	_ =	shalt  }
0x7c: {  	_ =	shalt  }
0x7d: {  	_ =	shalt  }
0x7e: {  	_ =	shalt  }
0x7f: {  	_ =	shalt  }
0x80: {  	_ =	shalt  }
0x81: {  	_ =	shalt  }
0x82: {  	_ =	shalt  }
0x83: {  	_ =	shalt  }
0x84: {  	_ =	shalt  }
0x85: {  	_ =	shalt  }
0x86: {  	_ =	shalt  }
0x87: {  	_ =	shalt  }
.Lfunc_end0:
.L_simem_size_0:
called_computation.1_lowered:
.L_overlay_start_0:
0x88: {  	s2 =	sld [smem:$0x3FD9]  }
0x89: {  	s3 =	sld [smem:$0x3FFE];
	_ =	sdelay $0x1  }
0x8a: {  	s1 =	srdreg.scid  }
0x8b: {  	s0 =	sand.u32 $0x1, s1  }
0x8c: {  	s16 =	sshll.u32 s0, $0xA;
	s2 =	sadd.s32 s3, s2  }
0x8d: {  	s2 =	sadd.s32 s2, s16  }
0x8e: {  	[smem:$0x3FC0] =	sst s2  }
0x8f: {  	_ = 	snop  }
0x90: {  	(tm) =	ssettm $0x1  }
0x91: {  	s17 =	sld [smem:$0x3FFB];
	_ =	sdelay $0x3  }
0x92: {  	_ =	strace s17  }
0x93: {  	s2 =	sld [smem:$0x3FFC];
	_ =	sdelay $0x3  }
0x94: {  	_ =	strace s2  }
0x95: {  	s2 =	sld [smem:$0x3FFD];
	_ =	sdelay $0x3  }
0x96: {  	_ =	strace s2  }
0x97: {  	_ =	strace $0x8FFFFFFF  }
0x98: {  	s18 =	sld [smem:$0x3FDB];
	_ =	sdelay $0x1  }
0x99: {  	s19 =	simm.s32 $_scs_section_size  }
0x9a: {  	s4 =	simm.s32 $_size__tile_overlayer_lowered;
	s5 =	simm.s32 $_tile_overlayer_lowered  }
0x9b: {  	s22 =	simm.s32 $0x1BFF;
	s21 =	sshll.u32 s5, $0x1;
	s2 =	sadd.s32 s19, s18  }
0x9c: {  	s6 =	simm.s32 $0x0;
	s20 =	sshll.u32 s4, $0x1;
	s4 =	sadd.s32 s21, s2  }
0x9d: {  	[timem:s6], [sflag:s22] =	dma.local [hbm:s4], s20  }
0x9e: {  	_ =	swait.ge [sflag:s22], s20  }
0x9f: {  	s3 =	ssub.s32 $0x0, s20;
	[sflag:s22] =	ssyncset.done $0x0  }
0xa0: {  	[sflag:s22] =	ssyncadd.s32 s3;
	_ =	sdelay $0x1  }
0xa1: {  	s23 =	simm.s32 $0x1B8B  }
0xa2: {  	_ =	swait.ge [sflag:s23], $0x1  }
0xa3: {  	[sflag:s23] =	ssyncset.done $0x0  }
0xa4: {  	s25 =	simm.s32 $0x1B8E;
	s24 =	sld [smem:$0x3FFE];
	[sflag:s23] =	ssyncadd.s32 $0xFFFFFFFF  }
0xa5: {  	s26 =	simm.s32 $execute0_lowered;
	[smem:$0x3FD2] =	sst s25  }
0xa6: {  	s4 =	sshll.u32 s26, $0x1;
	_ =	strace $0x80000046;
	[dreg:$0x1] =	wrdreg $0xFFFFFFFF  }
0xa7: {  	s28 =	simm.s32 $_size_execute0_lowered;
	s2 =	sadd.s32 s2, s4;
	[dreg:$0x0] =	wrdreg $0x0  }
0xa8: {  	s4 =	sshll.u32 s28, $0x1;
	[dreg:$0x2] =	wrdreg s2  }
0xa9: {  	[dreg:$0x3] =	wrdreg s4  }
0xaa: {  	[dreg:$0x4] =	wrdreg $0xC0  }
0xab: {  	_ =	task [dreg:s6], $0x5FFFF  }
0xac: {  	[dreg:$0x1] =	wrdreg $0xFFFFFFFF  }
0xad: {  	[dreg:$0x0] =	wrdreg $0x60  }
0xae: {  	[dreg:$0x2] =	wrdreg s24  }
0xaf: {  	[dreg:$0x3] =	wrdreg $0xA  }
0xb0: {  	_ =	task.clear_ibuf [dreg:s6], $0x4FFFF;
	_ =	strace $0x90000046  }
0xb1: {  	s29 =	simm.s32 $0xA;
	_ =	strace $0x80000048  }
0xb2: {  	_ =	swait.ge [sflag:s29], $0x1  }
0xb3: {  	[sflag:s29] =	ssyncadd.s32 $0xFFFFFFFF  }
0xb4: {  	_ =	strace $0x90000048  }
0xb5: {  	_ =	sfence  }
0xb6: {  	s30 =	sld [smem:$0x0];
	_ =	sdelay $0x2  }
0xb7: {  	s31 =	sshll.u32 s1, $0xD;
	s1 =	sshrl.u32 s1, $0x2  }
0xb8: {  	s3 =	sand.u32 $0x4000, s31;
	s1 =	sadd.s32 s1, s30  }
0xb9: {  	s0 =	sor.u32 s3, s0;
	s1 =	sshll.u32 s1, $0x11  }
0xba: {  	s0 =	sor.u32 s1, s0  }
0xbb: {  	s0 =	sadd.s32 $0x8F2B, s0  }
0xbc: {  	[sflag:s0] =	ssyncadd.remote.s32 $0x1  }
0xbd: {  	_ =	sfence.sel $0xFFFF  }
0xbe: {  	[dreg:$0x0] =	wrdreg $0xFFFFFFFF;
	(pc) =	sbr.abs _section_cstart, $3  }
0xbf: {  	[dreg:$0x1] =	wrdreg $0xFFFFFFFF  }
0xc0: {  	_ =	task.clear_ibuf [dreg:s6], $0x2FFFF;
	_ =	strace $0x9FFFFFFF  }
0xc1: {  	(tm) =	ssettm $0x7FFFFFFF  }
tec
execute0_lowered:
.L_overlay_start_1:
0x0: {  	(tag) =	ssettag $0x1  }
0x1: {  	s0 =	srdreg.scid;
	s1 =	stileid.u32;
	s10 =	simm.s32 $0x0  }
0x2: {  	s0 =	sand.u32 $0x1, s0;
	s1 =	sshll.u32 s1, $0x1;
	[smem:$0x7FF] =	sst s10  }
0x3: {  	s8 =	simm.s32 $0xA80;
	s2 =	sor.u32 s0, s1;
	s1 =	rddreg [dreg:$0x0]  }
0x4: {  	s9 =	simm.s32 $0x100;
	_ =	strace $0x80000047;
	[dreg:$0xc] =	wrdreg s8  }
0x5: {  	s11 =	simm.s32 $0xB00;
	[dreg:$0xd] =	wrdreg s9  }
0x6: {  	s12 =	simm.s32 $0x180;
	[dreg:$0xe] =	wrdreg s11  }
0x7: {  	s13 =	simm.s32 $0xB80;
	[dreg:$0xf] =	wrdreg s12  }
0x8: {  	s14 =	simm.s32 $0x200;
	[dreg:$0x10] =	wrdreg s13  }
0x9: {  	s15 =	simm.s32 $0xC00;
	[dreg:$0x11] =	wrdreg s14  }
0xa: {  	s16 =	simm.s32 $0x280;
	[dreg:$0x12] =	wrdreg s15  }
0xb: {  	s17 =	simm.s32 $0xC80;
	[dreg:$0x13] =	wrdreg s16  }
0xc: {  	s18 =	simm.s32 $0x300;
	[dreg:$0x14] =	wrdreg s17  }
0xd: {  	s19 =	simm.s32 $0xD00;
	[dreg:$0x15] =	wrdreg s18  }
0xe: {  	s28 =	simm.s32 $0xB810;
	[dreg:$0x16] =	wrdreg s19;
	s8 =	simm.s32 $0xF80  }
0xf: {  	s30 =	simm.s32 $0x1;
	s9 =	simm.s32 $0x600;
	[smem:$0x7ED] =	sst s8  }
0x10: {  	p0 =	por $0x0, $0x0;
	s11 =	simm.s32 $0x1000;
	[smem:$0x7EE] =	sst s9  }
0x11: {  	s31 =	simm.s32 $0xDF20;
	s12 =	simm.s32 $0x680;
	[smem:$0x7EF] =	sst s11  }
0x12: {  	s29 =	simm.s32 $0x8160;
	s14 =	simm.s32 $0x1080;
	[smem:$0x7F0] =	sst s12  }
0x13: {  	s0 =	ssub.s32 $0x2, s0;
	s15 =	simm.s32 $0x700;
	[smem:$0x7F1] =	sst s14  }
0x14: {  	s16 =	simm.s32 $0x5;
	s17 =	simm.s32 $0x1100;
	[smem:$0x7F2] =	sst s15  }
0x15: {  	s18 =	simm.s32 $0x23A0;
	s19 =	simm.s32 $0x780;
	[smem:$0x7F3] =	sst s17  }
0x16: {  	s3 =	smul.u32 $0xA00, s2;
	[smem:$0x7F4] =	sst s19;
	s9 =	simm.s32 $0x1300  }
0x17: {  	s2 =	smul.u32 $0x9C40, s2;
	s11 =	simm.s32 $0x980;
	[smem:$0x7FB] =	sst s9  }
0x18: {  	s5 =	sadd.s32 $0x1B400, s1;
	s14 =	simm.s32 $0x1380;
	[smem:$0x7FC] =	sst s11  }
0x19: {  	s20 =	sadd.s32 $0x1B404, s1;
	[smem:$0x7FD] =	sst s14;
	s21 =	sadd.s32 s5, s2  }
0x1a: {  	s22 =	sadd.s32 s2, s20;
	s6 =	sadd.s32 $0x2710, s2;
	[dreg:$0x4] =	wrdreg s21  }
0x1b: {  	s8 =	simm.s32 $0x10;
	[dreg:$0x5] =	wrdreg s22;
	s23 =	sadd.s32 s5, s6  }
0x1c: {  	s25 =	sadd.s32 $0x4E20, s2;
	s24 =	sadd.s32 s6, s20;
	[dreg:$0x6] =	wrdreg s23  }
0x1d: {  	s12 =	simm.s32 $0xD750;
	s26 =	sadd.s32 s5, s25;
	[dreg:$0x7] =	wrdreg s24  }
0x1e: {  	s2 =	sadd.s32 $0x7530, s2;
	s6 =	sadd.s32 s25, s20;
	[dreg:$0x8] =	wrdreg s26  }
0x1f: {  	s15 =	simm.s32 $0x2;
	s7 =	sadd.s32 s5, s2;
	[dreg:$0x9] =	wrdreg s6  }
0x20: {  	s11 =	simm.s32 $0x6220;
	s2 =	sadd.s32 s2, s20;
	[dreg:$0xa] =	wrdreg s7  }
0x21: {  	s14 =	simm.s32 $0x3;
	s20 =	simm.s32 $0x380;
	[dreg:$0xb] =	wrdreg s2  }
0x22: {  	s3 =	sshrl.u32 s3, $0x3;
	s21 =	simm.s32 $0xD80;
	[dreg:$0x17] =	wrdreg s20  }
0x23: {  	s3 =	sadd.s32 s1, s3;
	s22 =	simm.s32 $0x400;
	[dreg:$0x18] =	wrdreg s21  }
0x24: {  	s25 =	simm.s32 $0xE80;
	s5 =	simm.s32 $0x500;
	[dreg:$0x19] =	wrdreg s22  }
0x25: {  	s4 =	sadd.s32 $0x9E00, s3;
	s3 =	sadd.s32 $0x4E00, s3;
	[dreg:$0x1c] =	wrdreg s25  }
0x26: {  	s2 =	sadd.s32 $0x11600, s1;
	s23 =	simm.s32 $0xE00;
	[dreg:$0x1d] =	wrdreg s5  }
0x27: {  	s24 =	simm.s32 $0x480;
	s26 =	sshrl.u32 s0, $0x1;
	[dreg:$0x2] =	wrdreg s4  }
0x28: {  	s6 =	simm.s32 $0xF00;
	s7 =	simm.s32 $0x580;
	[dreg:$0x3] =	wrdreg s3  }
0x29: {  	s20 =	simm.s32 $0xA00;
	s5 =	simm.s32 $0x7D;
	[dreg:$0x1a] =	wrdreg s23  }
0x2a: {  	s21 =	simm.s32 $0xB040;
	s22 =	simm.s32 $0x1180;
	[dreg:$0x1b] =	wrdreg s24  }
0x2b: {  	s25 =	simm.s32 $0x880;
	s3 =	sadd.s32 $0xC600, s1;
	[dreg:$0x1e] =	wrdreg s6  }
0x2c: {  	s0 =	ssub.s32 s0, s26;
	[dreg:$0x1f] =	wrdreg s7;
	s6 =	simm.s32 $0x1400  }
0x2d: {  	s4 =	simm.s32 $0x80;
	[smem:$0x7F5] =	sst s22;
	s13 =	smax.u32 s0, $0x1  }
0x2e: {  	s23 =	simm.s32 $0x800;
	[smem:$0x7F8] =	sst s25;
	p1 =	sne.s32 s13, $0x1  }
.Ltmp0:
0x2f: {  	s24 =	simm.s32 $0x1200;
	[smem:$0x7F6] =	sst s23;
	(pc) =	sbr.rel @!p1 .LBB2_5-.Ltmp0, $4  }
0x30: {  	s1 =	simm.s32 $0x3340;
	s7 =	simm.s32 $0x1280;
	[smem:$0x7F7] =	sst s24  }
0x31: {  	s26 =	simm.s32 $0x900;
	s25 =	simm.s32 $0x71C0;
	[smem:$0x7F9] =	sst s7  }
0x32: {  	[smem:$0x7FA] =	sst s26;
	s7 =	simm.s32 $0x20;
	s26 =	simm.s32 $0xE6F0  }
0x33: {  	s19 =	rddreg [dreg:$0x2];
	s0 =	sadd.s32 $0xFFFFFFFF, s13;
	s13 =	simm.s32 $0x4  }
0x34: {  	[tilespmem:s10], [sflag:$0x5] =	stream.linear.gather [hbm4b:s19+s10], $0xA00, $0x38;
	[tilespmem:$0xFE60] =	vst v63  }
0x35: {  	_ =	swait.ge [sflag:s16], $0xA00  }
0x36: {  	[sflag:s16] =	ssyncset.done $0x0  }
0x37: {  	s22 =	rddreg [dreg:$0x3];
	[sflag:s16] =	ssyncadd.s32 $0xFFFFF600  }
0x38: {  	[tilespmem:s20], [sflag:$0x5] =	stream.linear.gather [hbm4b:s22+s10], $0xA00, $0x38;
	[tilespmem:$0xFE60] =	vst v63  }
0x39: {  	_ =	swait.ge [sflag:s16], $0xA00  }
0x3a: {  	[sflag:s16] =	ssyncset.done $0x0  }
0x3b: {  	[sflag:s16] =	ssyncadd.s32 $0xFFFFF600  }
0x3c: {  	[tilespmem:s6], [sflag:$0x1] =	stream.indirect.gather [hbm4b:s2+s5], $0x20, s10, s5, $0xb8;
	[tilespmem:$0xFE60] =	vst v63  }
0x3d: {  	_ = 	snop  }
0x3e: {  	[tilespmem:s21], [sflag:$0x1] =	stream.indirect.gather [hbm4b:s3+s5], $0x10, s20, s5, $0xb8;
	[tilespmem:$0xFE60] =	vst v63  }
0x3f: {  	_ = 	snop  }
0x40: {  	[tilespmem:s18], [sflag:$0x1] =	stream.indirect.gather [hbm4b:s2+s5], $0x20, s4, s5, $0xb8;
	[tilespmem:$0xFE60] =	vst v63  }
0x41: {  	s23 =	rddreg [dreg:$0xc];
	s6 =	simm.s32 $0xB810  }
0x42: {  	[tilespmem:s6], [sflag:$0x1] =	stream.indirect.gather [hbm4b:s3+s5], $0x10, s23, s5, $0xb8;
	[tilespmem:$0xFE60] =	vst v63  }
0x43: {  	s31 =	simm.s32 $0x3340;
	s24 =	rddreg [dreg:$0xd]  }
0x44: {  	[tilespmem:s31], [sflag:$0x1] =	stream.indirect.gather [hbm4b:s2+s5], $0x20, s24, s5, $0xb8;
	[tilespmem:$0xFE60] =	vst v63  }
0x45: {  	s28 =	rddreg [dreg:$0xe];
	s21 =	simm.s32 $0xBFE0  }
0x46: {  	[tilespmem:s21], [sflag:$0x1] =	stream.indirect.gather [hbm4b:s3+s5], $0x10, s28, s5, $0xb8;
	[tilespmem:$0xFE60] =	vst v63  }
0x47: {  	s29 =	rddreg [dreg:$0xf];
	s23 =	simm.s32 $0x42E0  }
0x48: {  	[tilespmem:s23], [sflag:$0x1] =	stream.indirect.gather [hbm4b:s2+s5], $0x20, s29, s5, $0xb8;
	[tilespmem:$0xFE60] =	vst v63  }
0x49: {  	s22 =	rddreg [dreg:$0x10];
	s24 =	simm.s32 $0xC7B0  }
0x4a: {  	[tilespmem:s24], [sflag:$0x1] =	stream.indirect.gather [hbm4b:s3+s5], $0x10, s22, s5, $0xb8;
	[tilespmem:$0xFE60] =	vst v63  }
0x4b: {  	s28 =	rddreg [dreg:$0x11];
	s22 =	simm.s32 $0x5280  }
0x4c: {  	[tilespmem:s22], [sflag:$0x1] =	stream.indirect.gather [hbm4b:s2+s5], $0x20, s28, s5, $0xb8;
	[tilespmem:$0xFE60] =	vst v63  }
0x4d: {  	s8 =	simm.s32 $0xCF80;
	s29 =	rddreg [dreg:$0x12]  }
0x4e: {  	[tilespmem:s8], [sflag:$0x1] =	stream.indirect.gather [hbm4b:s3+s5], $0x10, s29, s5, $0xb8;
	[tilespmem:$0xFE60] =	vst v63  }
0x4f: {  	_ =	swait.ge [sflag:s30], $0x4E20  }
0x50: {  	[sflag:s30] =	ssyncset.done $0x0  }
0x51: {  	[sflag:s30] =	ssyncadd.s32 $0xFFFFB1E0  }
0x52: {  	_ =	swait.ge [sflag:s30], $0x2710  }
0x53: {  	s7 =	simm.s32 $0x20;
	[sflag:s30] =	ssyncset.done $0x0  }
0x54: {  	s16 =	simm.s32 $0x1400;
	s28 =	rddreg [dreg:$0x4];
	[sflag:s30] =	ssyncadd.s32 $0xFFFFD8F0  }
0x55: {  	[hbm4b:s28+s7] =	stream.strided.scatter [tilespmem:s16], [sflag:$0x3], $0x4E20, s4, s7, $0x38;
	[tilespmem:$0xFE60] =	vst v63  }
0x56: {  	s11 =	simm.s32 $0x10;
	s9 =	simm.s32 $0xB040;
	s29 =	rddreg [dreg:$0x5]  }
0x57: {  	[hbm4b:s29+s11] =	stream.strided.scatter [tilespmem:s9], [sflag:$0x3], $0x2710, s4, s11, $0x38;
	[tilespmem:$0xFE60] =	vst v63  }
0x58: {  	s1 =	smov.u32 s0;
	s0 =	simm.s32 $0x6220;
	s28 =	rddreg [dreg:$0x13]  }
0x59: {  	[tilespmem:s0], [sflag:$0x2] =	stream.indirect.gather [hbm4b:s2+s5], $0x20, s28, s5, $0xb8;
	[tilespmem:$0xFE60] =	vst v63  }
0x5a: {  	s29 =	rddreg [dreg:$0x14]  }
0x5b: {  	[tilespmem:s12], [sflag:$0x2] =	stream.indirect.gather [hbm4b:s3+s5], $0x10, s29, s5, $0xb8;
	[tilespmem:$0xFE60] =	vst v63  }
0x5c: {  	s10 =	simm.s32 $0x71C0;
	s28 =	rddreg [dreg:$0x15]  }
0x5d: {  	[tilespmem:s10], [sflag:$0x2] =	stream.indirect.gather [hbm4b:s2+s5], $0x20, s28, s5, $0xb8;
	[tilespmem:$0xFE60] =	vst v63  }
0x5e: {  	s17 =	simm.s32 $0xDF20;
	s29 =	rddreg [dreg:$0x16]  }
0x5f: {  	[tilespmem:s17], [sflag:$0x2] =	stream.indirect.gather [hbm4b:s3+s5], $0x10, s29, s5, $0xb8;
	[tilespmem:$0xFE60] =	vst v63  }
0x60: {  	s25 =	simm.s32 $0x8160;
	s28 =	rddreg [dreg:$0x17]  }
0x61: {  	[tilespmem:s25], [sflag:$0x2] =	stream.indirect.gather [hbm4b:s2+s5], $0x20, s28, s5, $0xb8;
	[tilespmem:$0xFE60] =	vst v63  }
0x62: {  	s26 =	simm.s32 $0xE6F0;
	s29 =	rddreg [dreg:$0x18]  }
0x63: {  	[tilespmem:s26], [sflag:$0x2] =	stream.indirect.gather [hbm4b:s3+s5], $0x10, s29, s5, $0xb8;
	[tilespmem:$0xFE60] =	vst v63  }
0x64: {  	s28 =	rddreg [dreg:$0x19];
	s26 =	simm.s32 $0x9100  }
0x65: {  	[tilespmem:s26], [sflag:$0x2] =	stream.indirect.gather [hbm4b:s2+s5], $0x20, s28, s5, $0xb8;
	[tilespmem:$0xFE60] =	vst v63  }
0x66: {  	s25 =	simm.s32 $0xEEC0;
	s29 =	rddreg [dreg:$0x1a]  }
0x67: {  	[tilespmem:s25], [sflag:$0x2] =	stream.indirect.gather [hbm4b:s3+s5], $0x10, s29, s5, $0xb8;
	[tilespmem:$0xFE60] =	vst v63  }
0x68: {  	s28 =	rddreg [dreg:$0x1b];
	s29 =	simm.s32 $0xA0A0  }
0x69: {  	[tilespmem:s29], [sflag:$0x2] =	stream.indirect.gather [hbm4b:s2+s5], $0x20, s28, s5, $0xb8;
	[tilespmem:$0xFE60] =	vst v63  }
0x6a: {  	s19 =	rddreg [dreg:$0x1c];
	s28 =	simm.s32 $0xF690  }
0x6b: {  	[tilespmem:s28], [sflag:$0x2] =	stream.indirect.gather [hbm4b:s3+s5], $0x10, s19, s5, $0xb8;
	[tilespmem:$0xFE60] =	vst v63  }
0x6c: {  	_ =	swait.ge [sflag:s15], $0x4E20  }
0x6d: {  	[sflag:s15] =	ssyncset.done $0x0  }
0x6e: {  	[sflag:s15] =	ssyncadd.s32 $0xFFFFB1E0  }
0x6f: {  	_ =	swait.ge [sflag:s15], $0x2710  }
0x70: {  	[sflag:s15] =	ssyncset.done $0x0  }
0x71: {  	s18 =	rddreg [dreg:$0x6];
	[sflag:s15] =	ssyncadd.s32 $0xFFFFD8F0  }
0x72: {  	[hbm4b:s18+s7] =	stream.strided.scatter [tilespmem:s0], [sflag:$0x4], $0x4E20, s4, s7, $0x38;
	[tilespmem:$0xFE60] =	vst v63  }
0x73: {  	s19 =	rddreg [dreg:$0x7]  }
0x74: {  	[hbm4b:s19+s11] =	stream.strided.scatter [tilespmem:s12], [sflag:$0x4], $0x2710, s4, s11, $0x38;
	[tilespmem:$0xFE60] =	vst v63  }
0x75: {  	_ =	swait.ge [sflag:s14], $0x4E20  }
0x76: {  	[sflag:s14] =	ssyncset.done $0x0  }
0x77: {  	[sflag:s14] =	ssyncadd.s32 $0xFFFFB1E0  }
0x78: {  	_ =	swait.ge [sflag:s14], $0x2710  }
0x79: {  	s0 =	rddreg [dreg:$0x1d];
	[sflag:s14] =	ssyncset.done $0x0  }
0x7a: {  	s19 =	rddreg [dreg:$0x1e];
	[sflag:s14] =	ssyncadd.s32 $0xFFFFD8F0  }
0x7b: {  	[tilespmem:s16], [sflag:$0x1] =	stream.indirect.gather [hbm4b:s2+s5], $0x20, s0, s5, $0xb8;
	[tilespmem:$0xFE60] =	vst v63  }
0x7c: {  	s0 =	rddreg [dreg:$0x1f]  }
0x7d: {  	[tilespmem:s9], [sflag:$0x1] =	stream.indirect.gather [hbm4b:s3+s5], $0x10, s19, s5, $0xb8;
	[tilespmem:$0xFE60] =	vst v63  }
0x7e: {  	s19 =	sld [smem:$0x7ED];
	s9 =	simm.s32 $0x23A0  }
0x7f: {  	[tilespmem:s9], [sflag:$0x1] =	stream.indirect.gather [hbm4b:s2+s5], $0x20, s0, s5, $0xb8;
	[tilespmem:$0xFE60] =	vst v63  }
0x80: {  	s0 =	sld [smem:$0x7EE]  }
0x81: {  	[tilespmem:s6], [sflag:$0x1] =	stream.indirect.gather [hbm4b:s3+s5], $0x10, s19, s5, $0xb8;
	[tilespmem:$0xFE60] =	vst v63  }
0x82: {  	s9 =	sld [smem:$0x7EF]  }
0x83: {  	[tilespmem:s31], [sflag:$0x1] =	stream.indirect.gather [hbm4b:s2+s5], $0x20, s0, s5, $0xb8;
	[tilespmem:$0xFE60] =	vst v63  }
0x84: {  	s31 =	sld [smem:$0x7F0]  }
0x85: {  	[tilespmem:s21], [sflag:$0x1] =	stream.indirect.gather [hbm4b:s3+s5], $0x10, s9, s5, $0xb8;
	[tilespmem:$0xFE60] =	vst v63  }
0x86: {  	s0 =	sld [smem:$0x7F1]  }
0x87: {  	[tilespmem:s23], [sflag:$0x1] =	stream.indirect.gather [hbm4b:s2+s5], $0x20, s31, s5, $0xb8;
	[tilespmem:$0xFE60] =	vst v63  }
0x88: {  	s6 =	sld [smem:$0x7F2]  }
0x89: {  	[tilespmem:s24], [sflag:$0x1] =	stream.indirect.gather [hbm4b:s3+s5], $0x10, s0, s5, $0xb8;
	[tilespmem:$0xFE60] =	vst v63  }
0x8a: {  	s9 =	sld [smem:$0x7F3]  }
0x8b: {  	[tilespmem:s22], [sflag:$0x1] =	stream.indirect.gather [hbm4b:s2+s5], $0x20, s6, s5, $0xb8;
	[tilespmem:$0xFE60] =	vst v63  }
0x8c: {  	_ = 	snop  }
0x8d: {  	[tilespmem:s8], [sflag:$0x1] =	stream.indirect.gather [hbm4b:s3+s5], $0x10, s9, s5, $0xb8;
	[tilespmem:$0xFE60] =	vst v63  }
0x8e: {  	_ =	swait.ge [sflag:s30], $0x4E20  }
0x8f: {  	[sflag:s30] =	ssyncset.done $0x0  }
0x90: {  	[sflag:s30] =	ssyncadd.s32 $0xFFFFB1E0  }
0x91: {  	_ =	swait.ge [sflag:s30], $0x2710  }
0x92: {  	[sflag:s30] =	ssyncset.done $0x0  }
0x93: {  	s23 =	rddreg [dreg:$0x8];
	[sflag:s30] =	ssyncadd.s32 $0xFFFFD8F0  }
0x94: {  	[hbm4b:s23+s7] =	stream.strided.scatter [tilespmem:s16], [sflag:$0x3], $0x4E20, s4, s7, $0x38;
	[tilespmem:$0xFE60] =	vst v63  }
0x95: {  	s21 =	simm.s32 $0xB040;
	s24 =	rddreg [dreg:$0x9]  }
0x96: {  	[hbm4b:s24+s11] =	stream.strided.scatter [tilespmem:s21], [sflag:$0x3], $0x2710, s4, s11, $0x38;
	[tilespmem:$0xFE60] =	vst v63  }
0x97: {  	_ =	swait.ge [sflag:s13], $0x4E20  }
0x98: {  	[sflag:s13] =	ssyncset.done $0x0  }
0x99: {  	[sflag:s13] =	ssyncadd.s32 $0xFFFFB1E0  }
0x9a: {  	_ =	swait.ge [sflag:s13], $0x2710  }
0x9b: {  	s31 =	sld [smem:$0x7F4]  }
0x9c: {  	[sflag:s13] =	ssyncset.done $0x0  }
0x9d: {  	s11 =	simm.s32 $0x6220;
	s0 =	sld [smem:$0x7F5];
	[sflag:s13] =	ssyncadd.s32 $0xFFFFD8F0  }
0x9e: {  	[tilespmem:s11], [sflag:$0x2] =	stream.indirect.gather [hbm4b:s2+s5], $0x20, s31, s5, $0xb8;
	[tilespmem:$0xFE60] =	vst v63  }
0x9f: {  	s6 =	sld [smem:$0x7F6]  }
0xa0: {  	[tilespmem:s12], [sflag:$0x2] =	stream.indirect.gather [hbm4b:s3+s5], $0x10, s0, s5, $0xb8;
	[tilespmem:$0xFE60] =	vst v63  }
0xa1: {  	s8 =	sld [smem:$0x7F7]  }
0xa2: {  	[tilespmem:s10], [sflag:$0x2] =	stream.indirect.gather [hbm4b:s2+s5], $0x20, s6, s5, $0xb8;
	[tilespmem:$0xFE60] =	vst v63  }
0xa3: {  	s9 =	sld [smem:$0x7F8]  }
0xa4: {  	[tilespmem:s17], [sflag:$0x2] =	stream.indirect.gather [hbm4b:s3+s5], $0x10, s8, s5, $0xb8;
	[tilespmem:$0xFE60] =	vst v63  }
0xa5: {  	s16 =	simm.s32 $0x8160;
	s10 =	sld [smem:$0x7F9]  }
0xa6: {  	[tilespmem:s16], [sflag:$0x2] =	stream.indirect.gather [hbm4b:s2+s5], $0x20, s9, s5, $0xb8;
	[tilespmem:$0xFE60] =	vst v63  }
0xa7: {  	s22 =	simm.s32 $0xE6F0;
	s17 =	sld [smem:$0x7FA]  }
0xa8: {  	[tilespmem:s22], [sflag:$0x2] =	stream.indirect.gather [hbm4b:s3+s5], $0x10, s10, s5, $0xb8;
	[tilespmem:$0xFE60] =	vst v63  }
0xa9: {  	s23 =	sld [smem:$0x7FB]  }
0xaa: {  	[tilespmem:s26], [sflag:$0x2] =	stream.indirect.gather [hbm4b:s2+s5], $0x20, s17, s5, $0xb8;
	[tilespmem:$0xFE60] =	vst v63  }
0xab: {  	s24 =	sld [smem:$0x7FC]  }
0xac: {  	[tilespmem:s25], [sflag:$0x2] =	stream.indirect.gather [hbm4b:s3+s5], $0x10, s23, s5, $0xb8;
	[tilespmem:$0xFE60] =	vst v63  }
0xad: {  	s26 =	sld [smem:$0x7FD]  }
0xae: {  	[tilespmem:s29], [sflag:$0x2] =	stream.indirect.gather [hbm4b:s2+s5], $0x20, s24, s5, $0xb8;
	[tilespmem:$0xFE60] =	vst v63  }
0xaf: {  	_ = 	snop  }
0xb0: {  	[tilespmem:s28], [sflag:$0x2] =	stream.indirect.gather [hbm4b:s3+s5], $0x10, s26, s5, $0xb8;
	[tilespmem:$0xFE60] =	vst v63  }
0xb1: {  	_ =	swait.ge [sflag:s15], $0x4E20  }
0xb2: {  	[sflag:s15] =	ssyncset.done $0x0  }
0xb3: {  	[sflag:s15] =	ssyncadd.s32 $0xFFFFB1E0  }
0xb4: {  	_ =	swait.ge [sflag:s15], $0x2710  }
0xb5: {  	[sflag:s15] =	ssyncset.done $0x0  }
0xb6: {  	s29 =	rddreg [dreg:$0xa];
	[sflag:s15] =	ssyncadd.s32 $0xFFFFD8F0  }
0xb7: {  	[hbm4b:s29+s7] =	stream.strided.scatter [tilespmem:s11], [sflag:$0x4], $0x4E20, s4, s7, $0x38;
	[tilespmem:$0xFE60] =	vst v63  }
0xb8: {  	s8 =	simm.s32 $0x10;
	s31 =	rddreg [dreg:$0xb]  }
0xb9: {  	[hbm4b:s31+s8] =	stream.strided.scatter [tilespmem:s12], [sflag:$0x4], $0x2710, s4, s8, $0x38;
	[tilespmem:$0xFE60] =	vst v63  }
0xba: {  	_ =	swait.ge [sflag:s14], $0x4E20  }
0xbb: {  	[sflag:s14] =	ssyncset.done $0x0  }
0xbc: {  	[sflag:s14] =	ssyncadd.s32 $0xFFFFB1E0  }
0xbd: {  	_ =	swait.ge [sflag:s14], $0x2710  }
0xbe: {  	[sflag:s14] =	ssyncset.done $0x0  }
0xbf: {  	p1 =	sne.s32 s1, $0x1;
	[sflag:s14] =	ssyncadd.s32 $0xFFFFD8F0  }
.Ltmp1:
0xc0: {  	_ =	swait.ge [sflag:s13], $0x4E20;
	(pc) =	sbr.rel @!p1 .LBB2_6-.Ltmp1, $4  }
0xc1: {  	[sflag:s13] =	ssyncset.done $0x0  }
0xc2: {  	[sflag:s13] =	ssyncadd.s32 $0xFFFFB1E0  }
0xc3: {  	p0 =	por $0x1, $0x1;
	_ =	swait.ge [sflag:s13], $0x2710  }
0xc4: {  	s18 =	sadd.s32 $0xFFFFFFFF, s1;
	s19 =	rddreg [dreg:$0x2];
	[sflag:s13] =	ssyncset.done $0x0  }
0xc5: {  	s16 =	simm.s32 $0x1400;
	s17 =	simm.s32 $0x23A0  }
0xc6: {  	s31 =	simm.s32 $0x3340;
	s9 =	simm.s32 $0xB040;
	s23 =	simm.s32 $0x42E0  }
0xc7: {  	s24 =	simm.s32 $0xC7B0;
	s22 =	simm.s32 $0x5280;
	s7 =	simm.s32 $0x20  }
0xc8: {  	s6 =	simm.s32 $0x71C0;
	s10 =	simm.s32 $0xDF20;
	s26 =	simm.s32 $0x9100  }
0xc9: {  	s25 =	simm.s32 $0xEEC0;
	s29 =	simm.s32 $0xA0A0;
	s28 =	simm.s32 $0xF690  }
.LBB2_3:
0xca: {  	[sflag:s13] =	ssyncadd.s32 $0xFFFFD8F0;
	s0 =	simm.s32 $0x0;
	s1 =	simm.s32 $0x5  }
0xcb: {  	[tilespmem:s0], [sflag:$0x5] =	stream.linear.gather [hbm4b:s19+s0], $0xA00, $0x38;
	[tilespmem:$0xFE60] =	vst v63  }
0xcc: {  	_ =	swait.ge [sflag:s1], $0xA00  }
0xcd: {  	[sflag:s1] =	ssyncset.done $0x0  }
0xce: {  	s19 =	rddreg [dreg:$0x3];
	[sflag:s1] =	ssyncadd.s32 $0xFFFFF600  }
0xcf: {  	[tilespmem:s20], [sflag:$0x5] =	stream.linear.gather [hbm4b:s19+s0], $0xA00, $0x38;
	[tilespmem:$0xFE60] =	vst v63  }
0xd0: {  	_ =	swait.ge [sflag:s1], $0xA00  }
0xd1: {  	[sflag:s1] =	ssyncset.done $0x0  }
0xd2: {  	[sflag:s1] =	ssyncadd.s32 $0xFFFFF600  }
0xd3: {  	[tilespmem:s16], [sflag:$0x1] =	stream.indirect.gather [hbm4b:s2+s5], $0x20, s0, s5, $0xb8;
	[tilespmem:$0xFE60] =	vst v63  }
0xd4: {  	_ = 	snop  }
0xd5: {  	[tilespmem:s21], [sflag:$0x1] =	stream.indirect.gather [hbm4b:s3+s5], $0x10, s20, s5, $0xb8;
	[tilespmem:$0xFE60] =	vst v63  }
0xd6: {  	_ = 	snop  }
0xd7: {  	[tilespmem:s17], [sflag:$0x1] =	stream.indirect.gather [hbm4b:s2+s5], $0x20, s4, s5, $0xb8;
	[tilespmem:$0xFE60] =	vst v63  }
0xd8: {  	s1 =	simm.s32 $0xB810;
	s20 =	rddreg [dreg:$0xc]  }
0xd9: {  	[tilespmem:s1], [sflag:$0x1] =	stream.indirect.gather [hbm4b:s3+s5], $0x10, s20, s5, $0xb8;
	[tilespmem:$0xFE60] =	vst v63  }
0xda: {  	s21 =	rddreg [dreg:$0xd]  }
0xdb: {  	[tilespmem:s31], [sflag:$0x1] =	stream.indirect.gather [hbm4b:s2+s5], $0x20, s21, s5, $0xb8;
	[tilespmem:$0xFE60] =	vst v63  }
0xdc: {  	s0 =	rddreg [dreg:$0xe];
	s21 =	simm.s32 $0xBFE0  }
0xdd: {  	[tilespmem:s21], [sflag:$0x1] =	stream.indirect.gather [hbm4b:s3+s5], $0x10, s0, s5, $0xb8;
	[tilespmem:$0xFE60] =	vst v63  }
0xde: {  	s4 =	rddreg [dreg:$0xf]  }
0xdf: {  	[tilespmem:s23], [sflag:$0x1] =	stream.indirect.gather [hbm4b:s2+s5], $0x20, s4, s5, $0xb8;
	[tilespmem:$0xFE60] =	vst v63  }
0xe0: {  	s0 =	rddreg [dreg:$0x10]  }
0xe1: {  	[tilespmem:s24], [sflag:$0x1] =	stream.indirect.gather [hbm4b:s3+s5], $0x10, s0, s5, $0xb8;
	[tilespmem:$0xFE60] =	vst v63  }
0xe2: {  	s4 =	rddreg [dreg:$0x11]  }
0xe3: {  	[tilespmem:s22], [sflag:$0x1] =	stream.indirect.gather [hbm4b:s2+s5], $0x20, s4, s5, $0xb8;
	[tilespmem:$0xFE60] =	vst v63  }
0xe4: {  	s19 =	rddreg [dreg:$0x12];
	s4 =	simm.s32 $0xCF80  }
0xe5: {  	[tilespmem:s4], [sflag:$0x1] =	stream.indirect.gather [hbm4b:s3+s5], $0x10, s19, s5, $0xb8;
	[tilespmem:$0xFE60] =	vst v63  }
0xe6: {  	_ =	swait.ge [sflag:s30], $0x4E20  }
0xe7: {  	[sflag:s30] =	ssyncset.done $0x0  }
0xe8: {  	[sflag:s30] =	ssyncadd.s32 $0xFFFFB1E0  }
0xe9: {  	_ =	swait.ge [sflag:s30], $0x2710  }
0xea: {  	[sflag:s30] =	ssyncset.done $0x0  }
0xeb: {  	s0 =	simm.s32 $0x80;
	s19 =	rddreg [dreg:$0x4];
	[sflag:s30] =	ssyncadd.s32 $0xFFFFD8F0  }
0xec: {  	[hbm4b:s19+s7] =	stream.strided.scatter [tilespmem:s16], [sflag:$0x3], $0x4E20, s0, s7, $0x38;
	[tilespmem:$0xFE60] =	vst v63  }
0xed: {  	s20 =	rddreg [dreg:$0x5]  }
0xee: {  	[hbm4b:s20+s8] =	stream.strided.scatter [tilespmem:s9], [sflag:$0x3], $0x2710, s0, s8, $0x38;
	[tilespmem:$0xFE60] =	vst v63  }
0xef: {  	s19 =	rddreg [dreg:$0x13]  }
0xf0: {  	[tilespmem:s11], [sflag:$0x2] =	stream.indirect.gather [hbm4b:s2+s5], $0x20, s19, s5, $0xb8;
	[tilespmem:$0xFE60] =	vst v63  }
0xf1: {  	s8 =	rddreg [dreg:$0x14]  }
0xf2: {  	[tilespmem:s12], [sflag:$0x2] =	stream.indirect.gather [hbm4b:s3+s5], $0x10, s8, s5, $0xb8;
	[tilespmem:$0xFE60] =	vst v63  }
0xf3: {  	s11 =	rddreg [dreg:$0x15]  }
0xf4: {  	[tilespmem:s6], [sflag:$0x2] =	stream.indirect.gather [hbm4b:s2+s5], $0x20, s11, s5, $0xb8;
	[tilespmem:$0xFE60] =	vst v63  }
0xf5: {  	s8 =	rddreg [dreg:$0x16]  }
0xf6: {  	[tilespmem:s10], [sflag:$0x2] =	stream.indirect.gather [hbm4b:s3+s5], $0x10, s8, s5, $0xb8;
	[tilespmem:$0xFE60] =	vst v63  }
0xf7: {  	s12 =	simm.s32 $0x8160;
	s11 =	rddreg [dreg:$0x17]  }
0xf8: {  	[tilespmem:s12], [sflag:$0x2] =	stream.indirect.gather [hbm4b:s2+s5], $0x20, s11, s5, $0xb8;
	[tilespmem:$0xFE60] =	vst v63  }
0xf9: {  	s20 =	rddreg [dreg:$0x18];
	s8 =	simm.s32 $0xE6F0  }
0xfa: {  	[tilespmem:s8], [sflag:$0x2] =	stream.indirect.gather [hbm4b:s3+s5], $0x10, s20, s5, $0xb8;
	[tilespmem:$0xFE60] =	vst v63  }
0xfb: {  	s19 =	rddreg [dreg:$0x19]  }
0xfc: {  	[tilespmem:s26], [sflag:$0x2] =	stream.indirect.gather [hbm4b:s2+s5], $0x20, s19, s5, $0xb8;
	[tilespmem:$0xFE60] =	vst v63  }
0xfd: {  	s20 =	rddreg [dreg:$0x1a]  }
0xfe: {  	[tilespmem:s25], [sflag:$0x2] =	stream.indirect.gather [hbm4b:s3+s5], $0x10, s20, s5, $0xb8;
	[tilespmem:$0xFE60] =	vst v63  }
0xff: {  	s19 =	rddreg [dreg:$0x1b]  }
0x100: {  	[tilespmem:s29], [sflag:$0x2] =	stream.indirect.gather [hbm4b:s2+s5], $0x20, s19, s5, $0xb8;
	[tilespmem:$0xFE60] =	vst v63  }
0x101: {  	s20 =	rddreg [dreg:$0x1c]  }
0x102: {  	[tilespmem:s28], [sflag:$0x2] =	stream.indirect.gather [hbm4b:s3+s5], $0x10, s20, s5, $0xb8;
	[tilespmem:$0xFE60] =	vst v63  }
0x103: {  	_ =	swait.ge [sflag:s15], $0x4E20  }
0x104: {  	[sflag:s15] =	ssyncset.done $0x0  }
0x105: {  	[sflag:s15] =	ssyncadd.s32 $0xFFFFB1E0  }
0x106: {  	_ =	swait.ge [sflag:s15], $0x2710  }
0x107: {  	[sflag:s15] =	ssyncset.done $0x0  }
0x108: {  	s12 =	simm.s32 $0x6220;
	s19 =	rddreg [dreg:$0x6];
	[sflag:s15] =	ssyncadd.s32 $0xFFFFD8F0  }
0x109: {  	[hbm4b:s19+s7] =	stream.strided.scatter [tilespmem:s12], [sflag:$0x4], $0x4E20, s0, s7, $0x38;
	[tilespmem:$0xFE60] =	vst v63  }
0x10a: {  	s11 =	simm.s32 $0x10;
	s20 =	rddreg [dreg:$0x7];
	s12 =	simm.s32 $0xD750  }
0x10b: {  	[hbm4b:s20+s11] =	stream.strided.scatter [tilespmem:s12], [sflag:$0x4], $0x2710, s0, s11, $0x38;
	[tilespmem:$0xFE60] =	vst v63  }
0x10c: {  	_ =	swait.ge [sflag:s14], $0x4E20  }
0x10d: {  	[sflag:s14] =	ssyncset.done $0x0  }
0x10e: {  	[sflag:s14] =	ssyncadd.s32 $0xFFFFB1E0  }
0x10f: {  	_ =	swait.ge [sflag:s14], $0x2710  }
0x110: {  	s0 =	rddreg [dreg:$0x1d];
	[sflag:s14] =	ssyncset.done $0x0  }
0x111: {  	s20 =	rddreg [dreg:$0x1e];
	[sflag:s14] =	ssyncadd.s32 $0xFFFFD8F0  }
0x112: {  	[tilespmem:s16], [sflag:$0x1] =	stream.indirect.gather [hbm4b:s2+s5], $0x20, s0, s5, $0xb8;
	[tilespmem:$0xFE60] =	vst v63  }
0x113: {  	s0 =	rddreg [dreg:$0x1f]  }
0x114: {  	[tilespmem:s9], [sflag:$0x1] =	stream.indirect.gather [hbm4b:s3+s5], $0x10, s20, s5, $0xb8;
	[tilespmem:$0xFE60] =	vst v63  }
0x115: {  	s20 =	sld [smem:$0x7ED]  }
0x116: {  	[tilespmem:s17], [sflag:$0x1] =	stream.indirect.gather [hbm4b:s2+s5], $0x20, s0, s5, $0xb8;
	[tilespmem:$0xFE60] =	vst v63  }
0x117: {  	s0 =	sld [smem:$0x7EE]  }
0x118: {  	[tilespmem:s1], [sflag:$0x1] =	stream.indirect.gather [hbm4b:s3+s5], $0x10, s20, s5, $0xb8;
	[tilespmem:$0xFE60] =	vst v63  }
0x119: {  	s1 =	sld [smem:$0x7EF]  }
0x11a: {  	[tilespmem:s31], [sflag:$0x1] =	stream.indirect.gather [hbm4b:s2+s5], $0x20, s0, s5, $0xb8;
	[tilespmem:$0xFE60] =	vst v63  }
0x11b: {  	s0 =	sld [smem:$0x7F0]  }
0x11c: {  	[tilespmem:s21], [sflag:$0x1] =	stream.indirect.gather [hbm4b:s3+s5], $0x10, s1, s5, $0xb8;
	[tilespmem:$0xFE60] =	vst v63  }
0x11d: {  	s1 =	sld [smem:$0x7F1]  }
0x11e: {  	[tilespmem:s23], [sflag:$0x1] =	stream.indirect.gather [hbm4b:s2+s5], $0x20, s0, s5, $0xb8;
	[tilespmem:$0xFE60] =	vst v63  }
0x11f: {  	s0 =	sld [smem:$0x7F2]  }
0x120: {  	[tilespmem:s24], [sflag:$0x1] =	stream.indirect.gather [hbm4b:s3+s5], $0x10, s1, s5, $0xb8;
	[tilespmem:$0xFE60] =	vst v63  }
0x121: {  	s1 =	sld [smem:$0x7F3]  }
0x122: {  	[tilespmem:s22], [sflag:$0x1] =	stream.indirect.gather [hbm4b:s2+s5], $0x20, s0, s5, $0xb8;
	[tilespmem:$0xFE60] =	vst v63  }
0x123: {  	_ = 	snop  }
0x124: {  	[tilespmem:s4], [sflag:$0x1] =	stream.indirect.gather [hbm4b:s3+s5], $0x10, s1, s5, $0xb8;
	[tilespmem:$0xFE60] =	vst v63  }
0x125: {  	_ =	swait.ge [sflag:s30], $0x4E20  }
0x126: {  	[sflag:s30] =	ssyncset.done $0x0  }
0x127: {  	[sflag:s30] =	ssyncadd.s32 $0xFFFFB1E0  }
0x128: {  	_ =	swait.ge [sflag:s30], $0x2710  }
0x129: {  	[sflag:s30] =	ssyncset.done $0x0  }
0x12a: {  	s4 =	simm.s32 $0x80;
	s0 =	rddreg [dreg:$0x8];
	[sflag:s30] =	ssyncadd.s32 $0xFFFFD8F0  }
0x12b: {  	[hbm4b:s0+s7] =	stream.strided.scatter [tilespmem:s16], [sflag:$0x3], $0x4E20, s4, s7, $0x38;
	[tilespmem:$0xFE60] =	vst v63  }
0x12c: {  	s21 =	simm.s32 $0xB040;
	s1 =	rddreg [dreg:$0x9]  }
0x12d: {  	[hbm4b:s1+s11] =	stream.strided.scatter [tilespmem:s21], [sflag:$0x3], $0x2710, s4, s11, $0x38;
	[tilespmem:$0xFE60] =	vst v63  }
0x12e: {  	_ =	swait.ge [sflag:s13], $0x4E20  }
0x12f: {  	[sflag:s13] =	ssyncset.done $0x0  }
0x130: {  	[sflag:s13] =	ssyncadd.s32 $0xFFFFB1E0  }
0x131: {  	_ =	swait.ge [sflag:s13], $0x2710  }
0x132: {  	s0 =	sld [smem:$0x7F4]  }
0x133: {  	[sflag:s13] =	ssyncset.done $0x0  }
0x134: {  	s11 =	simm.s32 $0x6220;
	s1 =	sld [smem:$0x7F5];
	[sflag:s13] =	ssyncadd.s32 $0xFFFFD8F0  }
0x135: {  	[tilespmem:s11], [sflag:$0x2] =	stream.indirect.gather [hbm4b:s2+s5], $0x20, s0, s5, $0xb8;
	[tilespmem:$0xFE60] =	vst v63  }
0x136: {  	s0 =	sld [smem:$0x7F6]  }
0x137: {  	[tilespmem:s12], [sflag:$0x2] =	stream.indirect.gather [hbm4b:s3+s5], $0x10, s1, s5, $0xb8;
	[tilespmem:$0xFE60] =	vst v63  }
0x138: {  	s1 =	sld [smem:$0x7F7]  }
0x139: {  	[tilespmem:s6], [sflag:$0x2] =	stream.indirect.gather [hbm4b:s2+s5], $0x20, s0, s5, $0xb8;
	[tilespmem:$0xFE60] =	vst v63  }
0x13a: {  	s0 =	sld [smem:$0x7F8]  }
0x13b: {  	[tilespmem:s10], [sflag:$0x2] =	stream.indirect.gather [hbm4b:s3+s5], $0x10, s1, s5, $0xb8;
	[tilespmem:$0xFE60] =	vst v63  }
0x13c: {  	s20 =	sld [smem:$0x7F9];
	s1 =	simm.s32 $0x8160  }
0x13d: {  	[tilespmem:s1], [sflag:$0x2] =	stream.indirect.gather [hbm4b:s2+s5], $0x20, s0, s5, $0xb8;
	[tilespmem:$0xFE60] =	vst v63  }
0x13e: {  	s0 =	sld [smem:$0x7FA]  }
0x13f: {  	[tilespmem:s8], [sflag:$0x2] =	stream.indirect.gather [hbm4b:s3+s5], $0x10, s20, s5, $0xb8;
	[tilespmem:$0xFE60] =	vst v63  }
0x140: {  	s1 =	sld [smem:$0x7FB]  }
0x141: {  	[tilespmem:s26], [sflag:$0x2] =	stream.indirect.gather [hbm4b:s2+s5], $0x20, s0, s5, $0xb8;
	[tilespmem:$0xFE60] =	vst v63  }
0x142: {  	s0 =	sld [smem:$0x7FC]  }
0x143: {  	[tilespmem:s25], [sflag:$0x2] =	stream.indirect.gather [hbm4b:s3+s5], $0x10, s1, s5, $0xb8;
	[tilespmem:$0xFE60] =	vst v63  }
0x144: {  	s1 =	sld [smem:$0x7FD]  }
0x145: {  	[tilespmem:s29], [sflag:$0x2] =	stream.indirect.gather [hbm4b:s2+s5], $0x20, s0, s5, $0xb8;
	[tilespmem:$0xFE60] =	vst v63  }
0x146: {  	_ = 	snop  }
0x147: {  	[tilespmem:s28], [sflag:$0x2] =	stream.indirect.gather [hbm4b:s3+s5], $0x10, s1, s5, $0xb8;
	[tilespmem:$0xFE60] =	vst v63  }
0x148: {  	_ =	swait.ge [sflag:s15], $0x4E20  }
0x149: {  	[sflag:s15] =	ssyncset.done $0x0  }
0x14a: {  	[sflag:s15] =	ssyncadd.s32 $0xFFFFB1E0  }
0x14b: {  	_ =	swait.ge [sflag:s15], $0x2710  }
0x14c: {  	[sflag:s15] =	ssyncset.done $0x0  }
0x14d: {  	s0 =	rddreg [dreg:$0xa];
	[sflag:s15] =	ssyncadd.s32 $0xFFFFD8F0  }
0x14e: {  	[hbm4b:s0+s7] =	stream.strided.scatter [tilespmem:s11], [sflag:$0x4], $0x4E20, s4, s7, $0x38;
	[tilespmem:$0xFE60] =	vst v63  }
0x14f: {  	s8 =	simm.s32 $0x10;
	s1 =	rddreg [dreg:$0xb]  }
0x150: {  	[hbm4b:s1+s8] =	stream.strided.scatter [tilespmem:s12], [sflag:$0x4], $0x2710, s4, s8, $0x38;
	[tilespmem:$0xFE60] =	vst v63  }
0x151: {  	_ =	swait.ge [sflag:s14], $0x4E20  }
0x152: {  	[sflag:s14] =	ssyncset.done $0x0  }
0x153: {  	[sflag:s14] =	ssyncadd.s32 $0xFFFFB1E0  }
0x154: {  	_ =	swait.ge [sflag:s14], $0x2710  }
0x155: {  	[sflag:s14] =	ssyncset.done $0x0  }
0x156: {  	p1 =	sne.s32 s18, $0x1;
	[sflag:s14] =	ssyncadd.s32 $0xFFFFD8F0  }
.Ltmp2:
0x157: {  	_ =	swait.ge [sflag:s13], $0x4E20;
	(pc) =	sbr.rel @p1 .LBB2_3-.Ltmp2, $4  }
0x158: {  	[sflag:s13] =	ssyncset.done $0x0  }
0x159: {  	[sflag:s13] =	ssyncadd.s32 $0xFFFFB1E0  }
0x15a: {  	s18 =	sadd.s32 $0xFFFFFFFF, s18;
	_ =	swait.ge [sflag:s13], $0x2710  }
0x15b: {  	s20 =	simm.s32 $0xA00;
	s19 =	rddreg [dreg:$0x2];
	[sflag:s13] =	ssyncset.done $0x0  }
0x15c: {  	s25 =	simm.s32 $0x71C0  }
0x15d: {  	s26 =	simm.s32 $0xE6F0;
	s28 =	simm.s32 $0xB810;
	s29 =	simm.s32 $0x8160  }
0x15e: {  	s1 =	simm.s32 $0x3340;
	s31 =	simm.s32 $0xDF20;
	s10 =	simm.s32 $0x0  }
0x15f: {  	s6 =	simm.s32 $0x1400;
	s7 =	simm.s32 $0x20;
	s16 =	simm.s32 $0x5  }
.LBB2_5:
0x160: {  	[sflag:s13] =	ssyncadd.s32 @p0 $0xFFFFD8F0  }
0x161: {  	[tilespmem:s10], [sflag:$0x5] =	stream.linear.gather [hbm4b:s19+s10], $0xA00, $0x38;
	[tilespmem:$0xFE60] =	vst v63  }
0x162: {  	_ =	swait.ge [sflag:s16], $0xA00  }
0x163: {  	[sflag:s16] =	ssyncset.done $0x0  }
0x164: {  	s18 =	rddreg [dreg:$0x3];
	[sflag:s16] =	ssyncadd.s32 $0xFFFFF600  }
0x165: {  	[tilespmem:s20], [sflag:$0x5] =	stream.linear.gather [hbm4b:s18+s10], $0xA00, $0x38;
	[tilespmem:$0xFE60] =	vst v63  }
0x166: {  	_ =	swait.ge [sflag:s16], $0xA00  }
0x167: {  	[sflag:s16] =	ssyncset.done $0x0  }
0x168: {  	[sflag:s16] =	ssyncadd.s32 $0xFFFFF600  }
0x169: {  	[tilespmem:s6], [sflag:$0x1] =	stream.indirect.gather [hbm4b:s2+s5], $0x20, s10, s5, $0xb8;
	[tilespmem:$0xFE60] =	vst v63  }
0x16a: {  	_ = 	snop  }
0x16b: {  	[tilespmem:s21], [sflag:$0x1] =	stream.indirect.gather [hbm4b:s3+s5], $0x10, s20, s5, $0xb8;
	[tilespmem:$0xFE60] =	vst v63  }
0x16c: {  	s22 =	simm.s32 $0x23A0  }
0x16d: {  	[tilespmem:s22], [sflag:$0x1] =	stream.indirect.gather [hbm4b:s2+s5], $0x20, s4, s5, $0xb8;
	[tilespmem:$0xFE60] =	vst v63  }
0x16e: {  	s19 =	rddreg [dreg:$0xc]  }
0x16f: {  	[tilespmem:s28], [sflag:$0x1] =	stream.indirect.gather [hbm4b:s3+s5], $0x10, s19, s5, $0xb8;
	[tilespmem:$0xFE60] =	vst v63  }
0x170: {  	s20 =	rddreg [dreg:$0xd]  }
0x171: {  	[tilespmem:s1], [sflag:$0x1] =	stream.indirect.gather [hbm4b:s2+s5], $0x20, s20, s5, $0xb8;
	[tilespmem:$0xFE60] =	vst v63  }
0x172: {  	s0 =	simm.s32 $0xBFE0;
	s23 =	rddreg [dreg:$0xe]  }
0x173: {  	[tilespmem:s0], [sflag:$0x1] =	stream.indirect.gather [hbm4b:s3+s5], $0x10, s23, s5, $0xb8;
	[tilespmem:$0xFE60] =	vst v63  }
0x174: {  	s24 =	rddreg [dreg:$0xf];
	s23 =	simm.s32 $0x42E0  }
0x175: {  	[tilespmem:s23], [sflag:$0x1] =	stream.indirect.gather [hbm4b:s2+s5], $0x20, s24, s5, $0xb8;
	[tilespmem:$0xFE60] =	vst v63  }
0x176: {  	s9 =	rddreg [dreg:$0x10];
	s24 =	simm.s32 $0xC7B0  }
0x177: {  	[tilespmem:s24], [sflag:$0x1] =	stream.indirect.gather [hbm4b:s3+s5], $0x10, s9, s5, $0xb8;
	[tilespmem:$0xFE60] =	vst v63  }
0x178: {  	s17 =	rddreg [dreg:$0x11];
	s20 =	simm.s32 $0x5280  }
0x179: {  	[tilespmem:s20], [sflag:$0x1] =	stream.indirect.gather [hbm4b:s2+s5], $0x20, s17, s5, $0xb8;
	[tilespmem:$0xFE60] =	vst v63  }
0x17a: {  	s18 =	rddreg [dreg:$0x12];
	s17 =	simm.s32 $0xCF80  }
0x17b: {  	[tilespmem:s17], [sflag:$0x1] =	stream.indirect.gather [hbm4b:s3+s5], $0x10, s18, s5, $0xb8;
	[tilespmem:$0xFE60] =	vst v63  }
0x17c: {  	_ =	swait.ge [sflag:s30], $0x4E20  }
0x17d: {  	[sflag:s30] =	ssyncset.done $0x0  }
0x17e: {  	[sflag:s30] =	ssyncadd.s32 $0xFFFFB1E0  }
0x17f: {  	_ =	swait.ge [sflag:s30], $0x2710  }
0x180: {  	[sflag:s30] =	ssyncset.done $0x0  }
0x181: {  	s19 =	rddreg [dreg:$0x4];
	[sflag:s30] =	ssyncadd.s32 $0xFFFFD8F0  }
0x182: {  	[hbm4b:s19+s7] =	stream.strided.scatter [tilespmem:s6], [sflag:$0x3], $0x4E20, s4, s7, $0x38;
	[tilespmem:$0xFE60] =	vst v63  }
0x183: {  	s9 =	rddreg [dreg:$0x5]  }
0x184: {  	[hbm4b:s9+s8] =	stream.strided.scatter [tilespmem:s21], [sflag:$0x3], $0x2710, s4, s8, $0x38;
	[tilespmem:$0xFE60] =	vst v63  }
0x185: {  	s18 =	rddreg [dreg:$0x13]  }
0x186: {  	[tilespmem:s11], [sflag:$0x2] =	stream.indirect.gather [hbm4b:s2+s5], $0x20, s18, s5, $0xb8;
	[tilespmem:$0xFE60] =	vst v63  }
0x187: {  	s19 =	rddreg [dreg:$0x14]  }
0x188: {  	[tilespmem:s12], [sflag:$0x2] =	stream.indirect.gather [hbm4b:s3+s5], $0x10, s19, s5, $0xb8;
	[tilespmem:$0xFE60] =	vst v63  }
0x189: {  	s21 =	rddreg [dreg:$0x15]  }
0x18a: {  	[tilespmem:s25], [sflag:$0x2] =	stream.indirect.gather [hbm4b:s2+s5], $0x20, s21, s5, $0xb8;
	[tilespmem:$0xFE60] =	vst v63  }
0x18b: {  	s8 =	rddreg [dreg:$0x16]  }
0x18c: {  	[tilespmem:s31], [sflag:$0x2] =	stream.indirect.gather [hbm4b:s3+s5], $0x10, s8, s5, $0xb8;
	[tilespmem:$0xFE60] =	vst v63  }
0x18d: {  	s9 =	rddreg [dreg:$0x17]  }
0x18e: {  	[tilespmem:s29], [sflag:$0x2] =	stream.indirect.gather [hbm4b:s2+s5], $0x20, s9, s5, $0xb8;
	[tilespmem:$0xFE60] =	vst v63  }
0x18f: {  	s18 =	rddreg [dreg:$0x18]  }
0x190: {  	[tilespmem:s26], [sflag:$0x2] =	stream.indirect.gather [hbm4b:s3+s5], $0x10, s18, s5, $0xb8;
	[tilespmem:$0xFE60] =	vst v63  }
0x191: {  	s19 =	rddreg [dreg:$0x19];
	s21 =	simm.s32 $0x9100  }
0x192: {  	[tilespmem:s21], [sflag:$0x2] =	stream.indirect.gather [hbm4b:s2+s5], $0x20, s19, s5, $0xb8;
	[tilespmem:$0xFE60] =	vst v63  }
0x193: {  	s18 =	rddreg [dreg:$0x1a];
	s19 =	simm.s32 $0xEEC0  }
0x194: {  	[tilespmem:s19], [sflag:$0x2] =	stream.indirect.gather [hbm4b:s3+s5], $0x10, s18, s5, $0xb8;
	[tilespmem:$0xFE60] =	vst v63  }
0x195: {  	s10 =	rddreg [dreg:$0x1b];
	s18 =	simm.s32 $0xA0A0  }
0x196: {  	[tilespmem:s18], [sflag:$0x2] =	stream.indirect.gather [hbm4b:s2+s5], $0x20, s10, s5, $0xb8;
	[tilespmem:$0xFE60] =	vst v63  }
0x197: {  	s16 =	rddreg [dreg:$0x1c];
	s18 =	simm.s32 $0xF690  }
0x198: {  	[tilespmem:s18], [sflag:$0x2] =	stream.indirect.gather [hbm4b:s3+s5], $0x10, s16, s5, $0xb8;
	[tilespmem:$0xFE60] =	vst v63  }
0x199: {  	_ =	swait.ge [sflag:s15], $0x4E20  }
0x19a: {  	[sflag:s15] =	ssyncset.done $0x0  }
0x19b: {  	[sflag:s15] =	ssyncadd.s32 $0xFFFFB1E0  }
0x19c: {  	_ =	swait.ge [sflag:s15], $0x2710  }
0x19d: {  	[sflag:s15] =	ssyncset.done $0x0  }
0x19e: {  	s10 =	rddreg [dreg:$0x6];
	[sflag:s15] =	ssyncadd.s32 $0xFFFFD8F0  }
0x19f: {  	[hbm4b:s10+s7] =	stream.strided.scatter [tilespmem:s11], [sflag:$0x4], $0x4E20, s4, s7, $0x38;
	[tilespmem:$0xFE60] =	vst v63  }
0x1a0: {  	s9 =	simm.s32 $0x10;
	s16 =	rddreg [dreg:$0x7]  }
0x1a1: {  	[hbm4b:s16+s9] =	stream.strided.scatter [tilespmem:s12], [sflag:$0x4], $0x2710, s4, s9, $0x38;
	[tilespmem:$0xFE60] =	vst v63  }
0x1a2: {  	_ =	swait.ge [sflag:s14], $0x4E20  }
0x1a3: {  	[sflag:s14] =	ssyncset.done $0x0  }
0x1a4: {  	[sflag:s14] =	ssyncadd.s32 $0xFFFFB1E0  }
0x1a5: {  	_ =	swait.ge [sflag:s14], $0x2710  }
0x1a6: {  	s10 =	rddreg [dreg:$0x1d];
	[sflag:s14] =	ssyncset.done $0x0  }
0x1a7: {  	s16 =	rddreg [dreg:$0x1e];
	[sflag:s14] =	ssyncadd.s32 $0xFFFFD8F0  }
0x1a8: {  	[tilespmem:s6], [sflag:$0x1] =	stream.indirect.gather [hbm4b:s2+s5], $0x20, s10, s5, $0xb8;
	[tilespmem:$0xFE60] =	vst v63  }
0x1a9: {  	s8 =	simm.s32 $0xB040;
	s10 =	rddreg [dreg:$0x1f]  }
0x1aa: {  	[tilespmem:s8], [sflag:$0x1] =	stream.indirect.gather [hbm4b:s3+s5], $0x10, s16, s5, $0xb8;
	[tilespmem:$0xFE60] =	vst v63  }
0x1ab: {  	s16 =	sld [smem:$0x7ED]  }
0x1ac: {  	[tilespmem:s22], [sflag:$0x1] =	stream.indirect.gather [hbm4b:s2+s5], $0x20, s10, s5, $0xb8;
	[tilespmem:$0xFE60] =	vst v63  }
0x1ad: {  	s22 =	sld [smem:$0x7EE]  }
0x1ae: {  	[tilespmem:s28], [sflag:$0x1] =	stream.indirect.gather [hbm4b:s3+s5], $0x10, s16, s5, $0xb8;
	[tilespmem:$0xFE60] =	vst v63  }
0x1af: {  	s28 =	sld [smem:$0x7EF]  }
0x1b0: {  	[tilespmem:s1], [sflag:$0x1] =	stream.indirect.gather [hbm4b:s2+s5], $0x20, s22, s5, $0xb8;
	[tilespmem:$0xFE60] =	vst v63  }
0x1b1: {  	s1 =	sld [smem:$0x7F0]  }
0x1b2: {  	[tilespmem:s0], [sflag:$0x1] =	stream.indirect.gather [hbm4b:s3+s5], $0x10, s28, s5, $0xb8;
	[tilespmem:$0xFE60] =	vst v63  }
0x1b3: {  	s22 =	sld [smem:$0x7F1]  }
0x1b4: {  	[tilespmem:s23], [sflag:$0x1] =	stream.indirect.gather [hbm4b:s2+s5], $0x20, s1, s5, $0xb8;
	[tilespmem:$0xFE60] =	vst v63  }
0x1b5: {  	s23 =	sld [smem:$0x7F2]  }
0x1b6: {  	[tilespmem:s24], [sflag:$0x1] =	stream.indirect.gather [hbm4b:s3+s5], $0x10, s22, s5, $0xb8;
	[tilespmem:$0xFE60] =	vst v63  }
0x1b7: {  	s24 =	sld [smem:$0x7F3]  }
0x1b8: {  	[tilespmem:s20], [sflag:$0x1] =	stream.indirect.gather [hbm4b:s2+s5], $0x20, s23, s5, $0xb8;
	[tilespmem:$0xFE60] =	vst v63  }
0x1b9: {  	_ = 	snop  }
0x1ba: {  	[tilespmem:s17], [sflag:$0x1] =	stream.indirect.gather [hbm4b:s3+s5], $0x10, s24, s5, $0xb8;
	[tilespmem:$0xFE60] =	vst v63  }
0x1bb: {  	_ =	swait.ge [sflag:s30], $0x4E20  }
0x1bc: {  	[sflag:s30] =	ssyncset.done $0x0  }
0x1bd: {  	[sflag:s30] =	ssyncadd.s32 $0xFFFFB1E0  }
0x1be: {  	_ =	swait.ge [sflag:s30], $0x2710  }
0x1bf: {  	[sflag:s30] =	ssyncset.done $0x0  }
0x1c0: {  	s28 =	rddreg [dreg:$0x8];
	[sflag:s30] =	ssyncadd.s32 $0xFFFFD8F0  }
0x1c1: {  	[hbm4b:s28+s7] =	stream.strided.scatter [tilespmem:s6], [sflag:$0x3], $0x4E20, s4, s7, $0x38;
	[tilespmem:$0xFE60] =	vst v63  }
0x1c2: {  	s30 =	rddreg [dreg:$0x9]  }
0x1c3: {  	[hbm4b:s30+s9] =	stream.strided.scatter [tilespmem:s8], [sflag:$0x3], $0x2710, s4, s9, $0x38;
	[tilespmem:$0xFE60] =	vst v63  }
0x1c4: {  	_ =	swait.ge [sflag:s13], $0x4E20  }
0x1c5: {  	[sflag:s13] =	ssyncset.done $0x0  }
0x1c6: {  	[sflag:s13] =	ssyncadd.s32 $0xFFFFB1E0  }
0x1c7: {  	_ =	swait.ge [sflag:s13], $0x2710  }
0x1c8: {  	s8 =	sld [smem:$0x7F4]  }
0x1c9: {  	[sflag:s13] =	ssyncset.done $0x0  }
0x1ca: {  	s10 =	sld [smem:$0x7F5];
	[sflag:s13] =	ssyncadd.s32 $0xFFFFD8F0  }
0x1cb: {  	[tilespmem:s11], [sflag:$0x2] =	stream.indirect.gather [hbm4b:s2+s5], $0x20, s8, s5, $0xb8;
	[tilespmem:$0xFE60] =	vst v63  }
0x1cc: {  	s16 =	sld [smem:$0x7F6]  }
0x1cd: {  	[tilespmem:s12], [sflag:$0x2] =	stream.indirect.gather [hbm4b:s3+s5], $0x10, s10, s5, $0xb8;
	[tilespmem:$0xFE60] =	vst v63  }
0x1ce: {  	s17 =	sld [smem:$0x7F7]  }
0x1cf: {  	[tilespmem:s25], [sflag:$0x2] =	stream.indirect.gather [hbm4b:s2+s5], $0x20, s16, s5, $0xb8;
	[tilespmem:$0xFE60] =	vst v63  }
0x1d0: {  	s20 =	sld [smem:$0x7F8]  }
0x1d1: {  	[tilespmem:s31], [sflag:$0x2] =	stream.indirect.gather [hbm4b:s3+s5], $0x10, s17, s5, $0xb8;
	[tilespmem:$0xFE60] =	vst v63  }
0x1d2: {  	s22 =	sld [smem:$0x7F9]  }
0x1d3: {  	[tilespmem:s29], [sflag:$0x2] =	stream.indirect.gather [hbm4b:s2+s5], $0x20, s20, s5, $0xb8;
	[tilespmem:$0xFE60] =	vst v63  }
0x1d4: {  	s23 =	sld [smem:$0x7FA]  }
0x1d5: {  	[tilespmem:s26], [sflag:$0x2] =	stream.indirect.gather [hbm4b:s3+s5], $0x10, s22, s5, $0xb8;
	[tilespmem:$0xFE60] =	vst v63  }
0x1d6: {  	s24 =	sld [smem:$0x7FB]  }
0x1d7: {  	[tilespmem:s21], [sflag:$0x2] =	stream.indirect.gather [hbm4b:s2+s5], $0x20, s23, s5, $0xb8;
	[tilespmem:$0xFE60] =	vst v63  }
0x1d8: {  	s25 =	sld [smem:$0x7FC]  }
0x1d9: {  	[tilespmem:s19], [sflag:$0x2] =	stream.indirect.gather [hbm4b:s3+s5], $0x10, s24, s5, $0xb8;
	[tilespmem:$0xFE60] =	vst v63  }
0x1da: {  	s28 =	simm.s32 $0xA0A0;
	s26 =	sld [smem:$0x7FD]  }
0x1db: {  	[tilespmem:s28], [sflag:$0x2] =	stream.indirect.gather [hbm4b:s2+s5], $0x20, s25, s5, $0xb8;
	[tilespmem:$0xFE60] =	vst v63  }
0x1dc: {  	_ = 	snop  }
0x1dd: {  	[tilespmem:s18], [sflag:$0x2] =	stream.indirect.gather [hbm4b:s3+s5], $0x10, s26, s5, $0xb8;
	[tilespmem:$0xFE60] =	vst v63  }
0x1de: {  	_ =	swait.ge [sflag:s15], $0x4E20  }
0x1df: {  	[sflag:s15] =	ssyncset.done $0x0  }
0x1e0: {  	[sflag:s15] =	ssyncadd.s32 $0xFFFFB1E0  }
0x1e1: {  	_ =	swait.ge [sflag:s15], $0x2710  }
0x1e2: {  	[sflag:s15] =	ssyncset.done $0x0  }
0x1e3: {  	s29 =	rddreg [dreg:$0xa];
	[sflag:s15] =	ssyncadd.s32 $0xFFFFD8F0  }
0x1e4: {  	[hbm4b:s29+s7] =	stream.strided.scatter [tilespmem:s11], [sflag:$0x4], $0x4E20, s4, s7, $0x38;
	[tilespmem:$0xFE60] =	vst v63  }
0x1e5: {  	s30 =	rddreg [dreg:$0xb]  }
0x1e6: {  	[hbm4b:s30+s9] =	stream.strided.scatter [tilespmem:s12], [sflag:$0x4], $0x2710, s4, s9, $0x38;
	[tilespmem:$0xFE60] =	vst v63  }
0x1e7: {  	_ =	swait.ge [sflag:s14], $0x4E20  }
0x1e8: {  	[sflag:s14] =	ssyncset.done $0x0  }
0x1e9: {  	[sflag:s14] =	ssyncadd.s32 $0xFFFFB1E0  }
0x1ea: {  	_ =	swait.ge [sflag:s14], $0x2710  }
0x1eb: {  	[sflag:s14] =	ssyncset.done $0x0  }
0x1ec: {  	[sflag:s14] =	ssyncadd.s32 $0xFFFFD8F0  }
0x1ed: {  	_ =	swait.ge [sflag:s13], $0x4E20  }
0x1ee: {  	[sflag:s13] =	ssyncset.done $0x0  }
0x1ef: {  	[sflag:s13] =	ssyncadd.s32 $0xFFFFB1E0  }
0x1f0: {  	_ =	swait.ge [sflag:s13], $0x2710  }
0x1f1: {  	[sflag:s13] =	ssyncset.done $0x0  }
0x1f2: {  	[sflag:s13] =	ssyncadd.s32 $0xFFFFD8F0  }
0x1f3: {  	_ =	sfence.sel $0x180000  }
0x1f4: {  	[bflag:$0x0] =	sbarrier.arrive $0xFFFF  }
0x1f5: {  	_ =	strace $0x90000047  }
0x1f6: {  	s31 =	stileid.u32;
	[bflag:$0x2] =	sbarrier.arrive $0xFFFF  }
0x1f7: {  	p0 =	sne.s32 s31, $0x0;
	s0 =	rddreg [dreg:$0x1]  }
0x1f8: {  	s0 =	sadd.s32 @!p0 $0x100000, s0  }
0x1f9: {  	[sflag:s0] =	ssyncadd.tile.s32 @!p0 $0x1;
	_ =	shalt  }
.LBB2_6:
.Ltmp3:
0x1fa: {  	(pc) =	sbr.rel .LBB2_5-.Ltmp3, $4  }
0x1fb: {  	s25 =	simm.s32 $0x71C0  }
0x1fc: {  	s26 =	simm.s32 $0xE6F0;
	s28 =	simm.s32 $0xB810;
	s29 =	simm.s32 $0x8160  }
0x1fd: {  	s1 =	simm.s32 $0x3340;
	s31 =	simm.s32 $0xDF20;
	s10 =	simm.s32 $0x0  }
0x1fe: {  	s6 =	simm.s32 $0x1400;
	s7 =	simm.s32 $0x20;
	s16 =	simm.s32 $0x5  }
.Lfunc_end2:
_tile_overlayer_lowered:
.L_overlay_start_2:
0x1ff: {  	(tag) =	ssettag $0x2  }
0x200: {  	s0 =	rddreg [dreg:$0x0];
	s2 =	stileid.u32  }
0x201: {  	s1 =	rddreg [dreg:$0x1];
	p0 =	sne.s32 s2, $0x0  }
0x202: {  	s3 =	rddreg [dreg:$0x2];
	[bflag:$0x3] =	sbarrier.arrive $0xFFFF;
	s2 =	simm.s32 @!p0 $0x1C05  }
0x203: {  	[timem:s3], [sflag:s2] =	dma.local @!p0 [hbm:s0], s1  }
0x204: {  	s0 =	simm.s32 @!p0 $0x5  }
0x205: {  	_ =	swait.ge @!p0 [sflag:s0], s1  }
0x206: {  	s1 =	ssub.s32 @!p0 $0x0, s1;
	[sflag:s0] =	ssyncset.done @!p0 $0x0  }
0x207: {  	[sflag:s0] =	ssyncadd.s32 @!p0 s1  }
0x208: {  	[bflag:$0x3] =	sbarrier.arrive $0xFFFF  }
0x209: {  	_ =	shalt  }

// kernel: kernel.4.cloned.1.call-start
scs
__scs_entry_jumppad:
0x0: {  	(pc) =	sbr.rel $0x88, $3  }
0x1: {  	(tag) =	ssettag $0x0;
	lr =	simm.s32 $0x1  }
0x2: {  	[smem:$0x3F99] =	sst lr;
	_ =	strace $0xD0000000  }
0x3: {  	_ = 	snop  }
0x4: {  	_ = 	snop  }
0x5: {  	_ = 	snop  }
0x6: {  	_ = 	snop  }
0x7: {  	_ = 	snop  }
__scs_overlays_trampoline_lowered:
0x8: {  	[smem:$0x3FA8] =	sst s0  }
0x9: {  	[smem:$0x3FA9] =	sst s1  }
0xa: {  	[smem:$0x3FAA] =	sst s2  }
0xb: {  	[smem:$0x3FAB] =	sst s3  }
0xc: {  	[smem:$0x3FAC] =	sst s4  }
0xd: {  	[smem:$0x3FAD] =	sst s5  }
0xe: {  	[smem:$0x3FAE] =	sst s6  }
0xf: {  	[smem:$0x3FAF] =	sst s7  }
0x10: {  	[smem:$0x3FB0] =	sst s8  }
0x11: {  	[smem:$0x3FB1] =	sst s9;
	s0 =	simm.s32 @!p0 $0x0  }
0x12: {  	s1 =	sld [smem:$0x3F97];
	s0 =	simm.s32 @p0 $0x1  }
0x13: {  	[smem:$0x3FB2] =	sst s0;
	s0 =	simm.s32 @!p1 $0x0  }
0x14: {  	s2 =	sld [smem:$0x3F96];
	s0 =	simm.s32 @p1 $0x1  }
0x15: {  	[smem:$0x3FB3] =	sst s0;
	s0 =	simm.s32 @!p2 $0x0  }
0x16: {  	s3 =	sld [smem:$0x3FDB];
	s0 =	simm.s32 @p2 $0x1  }
0x17: {  	s4 =	simm.s32 $0x1BF5;
	[smem:$0x3FB5] =	sst s0  }
0x18: {  	s0 =	sld [smem:$0x3F98];
	_ =	swait.ge [sflag:s4], $0x0  }
0x19: {  	s7 =	sld [smem:$0x3F99]  }
0x1a: {  	s8 =	sadd.s32 $0xFFFFE003, lr  }
0x1b: {  	s9 =	sadd.s32 $0xFFFFFEF7, lr;
	s5 =	simm.s32 $0xFFFFFFFF;
	p2 =	slt.u32 s8, $0xFFFFF086  }
0x1c: {  	p1 =	slt.u32 s9, $0xF7A;
	s5 =	simm.s32 @!p2 $0x0  }
0x1d: {  	s5 =	simm.s32 @p1 $0x1;
	p0 =	seq.s32 s7, s2  }
0x1e: {  	s7 =	smul.u32 @!p0 $0xF7A, s2;
	p2 =	seq.s32 @!p0 s5, $0x0  }
0x1f: {  	s9 =	smul.u32 $0xF7A, s1;
	s8 =	simm.s32 @!p0 $0x1BF5;
	p2 =	por !p2, p0  }
0x20: {  	[sflag:s8] =	ssyncset.s32 @!p0 $0xFFFFF086;
	s6 =	sadd.s32 @!p0 s3, s7;
	s7 =	simm.s32 @!p0 $0x108  }
0x21: {  	s3 =	sadd.s32 s3, s9;
	s6 =	sadd.s32 @!p0 $0x88, s6;
	s7 =	simm.s32 @p2 $0x1082  }
0x22: {  	[simem:s7], [sflag:s8] =	dma.local @!p0 [hbm:s6], $0xF7A  }
0x23: {  	s9 =	sor.u32 $0xD0000000, s2;
	s6 =	simm.s32 $0x108;
	_ =	swait.ge @!p0 [sflag:s8], $0x0  }
0x24: {  	s3 =	sadd.s32 $0x88, s3;
	s6 =	simm.s32 @!p1 $0x1082;
	[sflag:s4] =	ssyncset.s32 $0xFFFFF086  }
0x25: {  	[simem:s6], [sflag:s4] =	dma.local [hbm:s3], $0xF7A  }
0x26: {  	[smem:$0x3F99] =	sst s1;
	(tag) =	ssettag s2;
	_ =	strace s9  }
0x27: {  	s1 =	sld [smem:$0x3FA9]  }
0x28: {  	s2 =	sld [smem:$0x3FAA]  }
0x29: {  	s4 =	sld [smem:$0x3FAC]  }
0x2a: {  	p0 =	seq.s32 s5, $0x0;
	s5 =	sld [smem:$0x3FAD]  }
0x2b: {  	s6 =	sld [smem:$0x3FAE]  }
0x2c: {  	s7 =	sld [smem:$0x3FAF]  }
0x2d: {  	s3 =	simm.s32 $0x108;
	s8 =	sld [smem:$0x3FB0]  }
0x2e: {  	s3 =	simm.s32 @!p0 $0x1082;
	s9 =	sld [smem:$0x3FB1]  }
0x2f: {  	lr =	sadd.s32 s0, s3;
	s0 =	sld [smem:$0x3FA8]  }
0x30: {  	s3 =	sld [smem:$0x3FAB]  }
0x31: {  	[smem:$0x3FB4] =	sst s10  }
0x32: {  	s10 =	sld [smem:$0x3FB2];
	_ =	sdelay $0x3  }
0x33: {  	p0 =	seq.s32 s10, $0x1;
	s10 =	sld [smem:$0x3FB4];
	_ =	sdelay $0x3  }
0x34: {  	[smem:$0x3FB4] =	sst s10  }
0x35: {  	s10 =	sld [smem:$0x3FB3];
	_ =	sdelay $0x3  }
0x36: {  	p1 =	seq.s32 s10, $0x1;
	s10 =	sld [smem:$0x3FB4];
	_ =	sdelay $0x3  }
0x37: {  	[smem:$0x3FB4] =	sst s10  }
0x38: {  	s10 =	sld [smem:$0x3FB5]  }
0x39: {  	_ = 	snop;
	(pc) =	sbr.ind lr, $3  }
0x3a: {  	_ = 	snop  }
0x3b: {  	_ = 	snop  }
0x3c: {  	p2 =	seq.s32 s10, $0x1;
	s10 =	sld [smem:$0x3FB4]  }
0x3d: {  	_ =	shalt  }
0x3e: {  	_ =	shalt  }
0x3f: {  	_ =	shalt  }
0x40: {  	_ =	shalt  }
0x41: {  	_ =	shalt  }
0x42: {  	_ =	shalt  }
0x43: {  	_ =	shalt  }
0x44: {  	_ =	shalt  }
0x45: {  	_ =	shalt  }
0x46: {  	_ =	shalt  }
0x47: {  	_ =	shalt  }
0x48: {  	_ =	shalt  }
0x49: {  	_ =	shalt  }
0x4a: {  	_ =	shalt  }
0x4b: {  	_ =	shalt  }
0x4c: {  	_ =	shalt  }
0x4d: {  	_ =	shalt  }
0x4e: {  	_ =	shalt  }
0x4f: {  	_ =	shalt  }
0x50: {  	_ =	shalt  }
0x51: {  	_ =	shalt  }
0x52: {  	_ =	shalt  }
0x53: {  	_ =	shalt  }
0x54: {  	_ =	shalt  }
0x55: {  	_ =	shalt  }
0x56: {  	_ =	shalt  }
0x57: {  	_ =	shalt  }
0x58: {  	_ =	shalt  }
0x59: {  	_ =	shalt  }
0x5a: {  	_ =	shalt  }
0x5b: {  	_ =	shalt  }
0x5c: {  	_ =	shalt  }
0x5d: {  	_ =	shalt  }
0x5e: {  	_ =	shalt  }
0x5f: {  	_ =	shalt  }
0x60: {  	_ =	shalt  }
0x61: {  	_ =	shalt  }
0x62: {  	_ =	shalt  }
0x63: {  	_ =	shalt  }
0x64: {  	_ =	shalt  }
0x65: {  	_ =	shalt  }
0x66: {  	_ =	shalt  }
0x67: {  	_ =	shalt  }
0x68: {  	_ =	shalt  }
0x69: {  	_ =	shalt  }
0x6a: {  	_ =	shalt  }
0x6b: {  	_ =	shalt  }
0x6c: {  	_ =	shalt  }
0x6d: {  	_ =	shalt  }
0x6e: {  	_ =	shalt  }
0x6f: {  	_ =	shalt  }
0x70: {  	_ =	shalt  }
0x71: {  	_ =	shalt  }
0x72: {  	_ =	shalt  }
0x73: {  	_ =	shalt  }
0x74: {  	_ =	shalt  }
0x75: {  	_ =	shalt  }
0x76: {  	_ =	shalt  }
0x77: {  	_ =	shalt  }
0x78: {  	_ =	shalt  }
0x79: {  	_ =	shalt  }
0x7a: {  	_ =	shalt  }
0x7b: {  	_ =	shalt  }
0x7c: {  	_ =	shalt  }
0x7d: {  	_ =	shalt  }
0x7e: {  	_ =	shalt  }
0x7f: {  	_ =	shalt  }
0x80: {  	_ =	shalt  }
0x81: {  	_ =	shalt  }
0x82: {  	_ =	shalt  }
0x83: {  	_ =	shalt  }
0x84: {  	_ =	shalt  }
0x85: {  	_ =	shalt  }
0x86: {  	_ =	shalt  }
0x87: {  	_ =	shalt  }
.Lfunc_end0:
.L_simem_size_0:
called_computation.2_lowered:
.L_overlay_start_0:
0x88: {  	s2 =	sld [smem:$0x3FD9]  }
0x89: {  	s3 =	sld [smem:$0x3FFE];
	_ =	sdelay $0x1  }
0x8a: {  	s1 =	srdreg.scid  }
0x8b: {  	s0 =	sand.u32 $0x1, s1  }
0x8c: {  	s17 =	sshll.u32 s0, $0xA;
	s2 =	sadd.s32 s3, s2  }
0x8d: {  	s2 =	sadd.s32 s2, s17  }
0x8e: {  	[smem:$0x3FC0] =	sst s2  }
0x8f: {  	_ = 	snop  }
0x90: {  	s2 =	sld [smem:$0x3FD0];
	(tm) =	ssettm $0x1  }
0x91: {  	s18 =	sld [smem:$0x3FFB];
	_ =	sdelay $0x3  }
0x92: {  	_ =	strace s18  }
0x93: {  	s3 =	sld [smem:$0x3FFC];
	_ =	sdelay $0x3  }
0x94: {  	_ =	strace s3  }
0x95: {  	s3 =	sld [smem:$0x3FFD];
	_ =	sdelay $0x3  }
0x96: {  	_ =	strace s3  }
0x97: {  	_ =	strace $0x8FFFFFFF  }
0x98: {  	s19 =	sld [smem:$0x3FDB];
	_ =	sdelay $0x1  }
0x99: {  	s4 =	simm.s32 $_scs_section_size  }
0x9a: {  	s5 =	simm.s32 $_size__tile_overlayer_lowered;
	s6 =	simm.s32 $_tile_overlayer_lowered  }
0x9b: {  	s22 =	simm.s32 $0x1BFF;
	s21 =	sshll.u32 s6, $0x1;
	s3 =	sadd.s32 s4, s19  }
0x9c: {  	s7 =	simm.s32 $0x0;
	s20 =	sshll.u32 s5, $0x1;
	s5 =	sadd.s32 s21, s3  }
0x9d: {  	[timem:s7], [sflag:s22] =	dma.local [hbm:s5], s20  }
0x9e: {  	_ =	swait.ge [sflag:s22], s20  }
0x9f: {  	s4 =	ssub.s32 $0x0, s20;
	[sflag:s22] =	ssyncset.done $0x0  }
0xa0: {  	[sflag:s22] =	ssyncadd.s32 s4;
	_ =	sdelay $0x1  }
0xa1: {  	s23 =	simm.s32 $0x1B8B  }
0xa2: {  	_ =	swait.ge [sflag:s23], $0x1  }
0xa3: {  	[sflag:s23] =	ssyncset.done $0x0  }
0xa4: {  	s25 =	simm.s32 $0x1B8E;
	s24 =	sld [smem:$0x3FFE];
	[sflag:s23] =	ssyncadd.s32 $0xFFFFFFFF  }
0xa5: {  	s26 =	simm.s32 $execute0_lowered;
	[smem:$0x3FD2] =	sst s25  }
0xa6: {  	s5 =	sshll.u32 s26, $0x1;
	_ =	strace $0x8000004C;
	[dreg:$0x1] =	wrdreg $0xFFFFFFFF  }
0xa7: {  	s28 =	simm.s32 $_size_execute0_lowered;
	s3 =	sadd.s32 s3, s5;
	[dreg:$0x0] =	wrdreg $0x0  }
0xa8: {  	s5 =	sshll.u32 s28, $0x1;
	[dreg:$0x2] =	wrdreg s3  }
0xa9: {  	[dreg:$0x3] =	wrdreg s5  }
0xaa: {  	[dreg:$0x4] =	wrdreg $0xC0  }
0xab: {  	_ =	task [dreg:s7], $0x5FFFF  }
0xac: {  	[dreg:$0x1] =	wrdreg $0xFFFFFFFF  }
0xad: {  	[dreg:$0x0] =	wrdreg $0x60  }
0xae: {  	[dreg:$0x2] =	wrdreg s24  }
0xaf: {  	[dreg:$0x3] =	wrdreg s2  }
0xb0: {  	[dreg:$0x4] =	wrdreg $0x3B100  }
0xb1: {  	[dreg:$0x5] =	wrdreg $0x9  }
0xb2: {  	_ =	task.clear_ibuf [dreg:s7], $0x6FFFF;
	_ =	strace $0x9000004C  }
0xb3: {  	s29 =	simm.s32 $0x9;
	_ =	strace $0x8000004E  }
0xb4: {  	_ =	swait.ge [sflag:s29], $0x1  }
0xb5: {  	[sflag:s29] =	ssyncadd.s32 $0xFFFFFFFF  }
0xb6: {  	_ =	strace $0x9000004E  }
0xb7: {  	_ =	sfence  }
0xb8: {  	s30 =	sld [smem:$0x0];
	_ =	sdelay $0x2  }
0xb9: {  	s31 =	sshll.u32 s1, $0xD;
	s1 =	sshrl.u32 s1, $0x2  }
0xba: {  	s3 =	sand.u32 $0x4000, s31;
	s1 =	sadd.s32 s1, s30  }
0xbb: {  	s0 =	sor.u32 s3, s0;
	s1 =	sshll.u32 s1, $0x11  }
0xbc: {  	s0 =	sor.u32 s1, s0  }
0xbd: {  	s0 =	sadd.s32 $0x8F2B, s0  }
0xbe: {  	[sflag:s0] =	ssyncadd.remote.s32 $0x1  }
0xbf: {  	_ =	sfence.sel $0xFFFF  }
0xc0: {  	[dreg:$0x0] =	wrdreg $0xFFFFFFFF;
	(pc) =	sbr.abs _section_cstart, $3  }
0xc1: {  	[dreg:$0x1] =	wrdreg $0xFFFFFFFF  }
0xc2: {  	_ =	task.clear_ibuf [dreg:s7], $0x2FFFF;
	_ =	strace $0x9FFFFFFF  }
0xc3: {  	(tm) =	ssettm $0x7FFFFFFF  }
tec
execute0_lowered:
.L_overlay_start_1:
0x0: {  	(tag) =	ssettag $0x1  }
0x1: {  	s0 =	rddreg [dreg:$0x0]  }
0x2: {  	s1 =	rddreg [dreg:$0x1]  }
0x3: {  	[dreg:$0x4] =	wrdreg s1  }
0x4: {  	s26 =	simm.s32 $0x0;
	s1 =	rddreg [dreg:$0x2]  }
0x5: {  	s12 =	simm.s32 $0x180;
	[smem:$0x7FF] =	sst s26  }
0x6: {  	s13 =	simm.s32 $0x200;
	_ =	strace $0x8000004D;
	[dreg:$0xf] =	wrdreg s12  }
0x7: {  	s14 =	simm.s32 $0x280;
	[dreg:$0x10] =	wrdreg s13  }
0x8: {  	s2 =	srdreg.scid;
	s15 =	simm.s32 $0x300;
	[dreg:$0x11] =	wrdreg s14  }
0x9: {  	s16 =	simm.s32 $0x380;
	s17 =	simm.s32 $0x400;
	[dreg:$0x12] =	wrdreg s15  }
0xa: {  	s18 =	simm.s32 $0x480;
	s19 =	simm.s32 $0x500;
	[dreg:$0x13] =	wrdreg s16  }
0xb: {  	s20 =	simm.s32 $0x580;
	s21 =	simm.s32 $0x600;
	[dreg:$0x14] =	wrdreg s17  }
0xc: {  	s22 =	simm.s32 $0x680;
	p1 =	por $0x0, $0x0;
	[dreg:$0x15] =	wrdreg s18  }
0xd: {  	s3 =	sand.u32 $0x1, s2;
	s2 =	stileid.u32;
	[dreg:$0x16] =	wrdreg s19  }
0xe: {  	s6 =	sadd.s32 $0x7600, s0;
	s7 =	sadd.s32 $0x28C400, s0;
	[dreg:$0x17] =	wrdreg s20  }
0xf: {  	s9 =	sadd.s32 $0x2600, s0;
	s4 =	sshll.u32 s3, $0x4;
	[dreg:$0x18] =	wrdreg s21  }
0x10: {  	s11 =	smul.u32 $0x2710, s3;
	s3 =	ssub.s32 $0x2, s3;
	[dreg:$0x19] =	wrdreg s22  }
0x11: {  	p0 =	sne.s32 s2, $0x0;
	s12 =	simm.s32 $0x8;
	s16 =	simm.s32 $0x80  }
0x12: {  	s13 =	simm.s32 $0x1400;
	s22 =	simm.s32 $0x1;
	s15 =	simm.s32 $0xD80  }
0x13: {  	s17 =	simm.s32 $0xE00;
	s19 =	simm.s32 $0x1BD0;
	[smem:$0x7F6] =	sst s15  }
0x14: {  	s18 =	simm.s32 $0xE80;
	s20 =	simm.s32 $0xF00;
	[smem:$0x7F7] =	sst s17  }
0x15: {  	s21 =	simm.s32 $0xF80;
	s4 =	sor.u32 s2, s4;
	[smem:$0x7F8] =	sst s18  }
0x16: {  	s23 =	sshrl.u32 s3, $0x1;
	[smem:$0x7F9] =	sst s20;
	s5 =	smul.u32 $0xA00, s4  }
0x17: {  	s2 =	simm.s32 $0x3;
	[smem:$0x7FA] =	sst s21;
	s8 =	smul.u32 $0x140, s4  }
0x18: {  	s4 =	smul.u32 $0x9C40, s4;
	s0 =	sadd.s32 s11, s0;
	s11 =	simm.s32 $0x100  }
0x19: {  	s3 =	ssub.s32 s3, s23;
	s0 =	sadd.s32 $0x13FE00, s0;
	[dreg:$0xe] =	wrdreg s11  }
0x1a: {  	s14 =	smax.u32 s3, $0x1;
	s3 =	simm.s32 $0x900;
	[dreg:$0x9] =	wrdreg s0  }
0x1b: {  	s17 =	simm.s32 $0x1FB8;
	s11 =	simm.s32 $0xD00;
	[dreg:$0x1e] =	wrdreg s3  }
0x1c: {  	s8 =	sadd.s32 s9, s8;
	s28 =	sadd.s32 s6, s4;
	[smem:$0x7F5] =	sst s11  }
0x1d: {  	s10 =	sadd.s32 s7, s4;
	[dreg:$0x5] =	wrdreg s8;
	s24 =	sadd.s32 $0x4E20, s28  }
0x1e: {  	s29 =	sadd.s32 $0x2710, s4;
	s25 =	sadd.s32 $0x4E20, s10;
	[dreg:$0x7] =	wrdreg s24  }
0x1f: {  	s4 =	sadd.s32 $0x7530, s4;
	s30 =	sadd.s32 s6, s29;
	[dreg:$0x8] =	wrdreg s25  }
0x20: {  	s15 =	simm.s32 $0x23A0;
	s6 =	sadd.s32 s6, s4;
	[dreg:$0xa] =	wrdreg s30  }
0x21: {  	s5 =	sshrl.u32 s5, $0x3;
	s8 =	sadd.s32 s7, s29;
	[dreg:$0xb] =	wrdreg s6  }
0x22: {  	s5 =	sadd.s32 s9, s5;
	s9 =	sadd.s32 s7, s4;
	[dreg:$0xc] =	wrdreg s8  }
0x23: {  	s20 =	simm.s32 $0x1200;
	s29 =	simm.s32 $0x800;
	[dreg:$0xd] =	wrdreg s9  }
0x24: {  	s21 =	simm.s32 $0x1280;
	s4 =	simm.s32 $0x980;
	[dreg:$0x1c] =	wrdreg s29  }
0x25: {  	s18 =	simm.s32 $0x1300;
	s7 =	simm.s32 $0xB80;
	[dreg:$0x1f] =	wrdreg s4  }
0x26: {  	s23 =	simm.s32 $0x17E8;
	s3 =	sshrl.u32 @!p0 s1, $0x3;
	[smem:$0x7F2] =	sst s7  }
0x27: {  	s11 =	simm.s32 $0x2;
	s5 =	sadd.s32 $0x2800, s5;
	s0 =	rddreg [dreg:$0x5]  }
0x28: {  	s31 =	sadd.s32 $0xFFFFFFFF, s14;
	s24 =	simm.s32 $0x700;
	[dreg:$0x6] =	wrdreg s5  }
0x29: {  	s14 =	simm.s32 $0x1380;
	s25 =	simm.s32 $0x780;
	[dreg:$0x1a] =	wrdreg s24  }
0x2a: {  	p2 =	sne.s32 s31, $0x0;
	s30 =	simm.s32 $0x880;
	[dreg:$0x1b] =	wrdreg s25  }
0x2b: {  	s6 =	simm.s32 $0xB00;
	s8 =	simm.s32 $0xC00;
	[dreg:$0x1d] =	wrdreg s30  }
0x2c: {  	s9 =	simm.s32 $0xC80;
	s4 =	simm.s32 $0x7D;
	[smem:$0x7F1] =	sst s6  }
0x2d: {  	s29 =	simm.s32 $0x1080;
	s7 =	simm.s32 $0x3340;
	[smem:$0x7F3] =	sst s8  }
.Ltmp0:
0x2e: {  	s25 =	simm.s32 $0xA00;
	[smem:$0x7F4] =	sst s9;
	(pc) =	sbr.rel @!p2 .LBB2_1-.Ltmp0, $4  }
0x2f: {  	s5 =	simm.s32 $0xA80;
	s24 =	simm.s32 $0x1000;
	[smem:$0x7FC] =	sst s29  }
0x30: {  	s9 =	simm.s32 $0x2B70;
	s8 =	simm.s32 $0x2F58;
	[smem:$0x7F0] =	sst s5  }
0x31: {  	s30 =	simm.s32 $0x1100;
	s6 =	simm.s32 $0x3728;
	[smem:$0x7FB] =	sst s24  }
0x32: {  	s5 =	simm.s32 $0x2788;
	[smem:$0x7FD] =	sst s30;
	s24 =	simm.s32 $0x1180  }
0x33: {  	[tilespmem:s26], [sflag:$0x3] =	stream.linear.gather [hbm4b:s0+s26], $0xA00, $0x38;
	[tilespmem:$0x4E98] =	vst v63  }
0x34: {  	_ =	swait.ge [sflag:s2], $0xA00  }
0x35: {  	[sflag:s2] =	ssyncset.done $0x0  }
0x36: {  	s0 =	rddreg [dreg:$0x6];
	[sflag:s2] =	ssyncadd.s32 $0xFFFFF600  }
0x37: {  	[tilespmem:s25], [sflag:$0x3] =	stream.linear.gather [hbm4b:s0+s26], $0xA00, $0x38;
	[tilespmem:$0x4E98] =	vst v63  }
0x38: {  	_ =	swait.ge [sflag:s2], $0xA00  }
0x39: {  	s30 =	simm.s32 @!p0 $0x1C03;
	[sflag:s2] =	ssyncset.done $0x0  }
0x3a: {  	s29 =	simm.s32 @!p0 $0x3;
	s0 =	rddreg [dreg:$0x4];
	[sflag:s2] =	ssyncadd.s32 $0xFFFFF600  }
0x3b: {  	[spmem:s3], [sflag:s30] =	dma.local @!p0 [hbm:s0], $0x2710  }
0x3c: {  	_ =	swait.ge @!p0 [sflag:s29], $0x2710  }
0x3d: {  	[sflag:s29] =	ssyncset.done @!p0 $0x0  }
0x3e: {  	[sflag:s29] =	ssyncadd.s32 @!p0 $0xFFFFD8F0  }
0x3f: {  	[bflag:$0x0] =	sbarrier.arrive $0xFFFF  }
0x40: {  	[tilespmem:s13], [sflag:$0x1] =	stream.strided.gather [hbm4b:s28+s12], $0x1388, s16, s12, $0x38;
	[tilespmem:$0x4E98] =	vst v63  }
0x41: {  	s0 =	rddreg [dreg:$0xa]  }
0x42: {  	[tilespmem:s5], [sflag:$0x2] =	stream.strided.gather [hbm4b:s0+s12], $0x1388, s16, s12, $0x38;
	[tilespmem:$0x4E98] =	vst v63  }
0x43: {  	_ =	swait.ge [sflag:s22], $0x1388  }
0x44: {  	[sflag:s22] =	ssyncset.done $0x0  }
0x45: {  	[sflag:s22] =	ssyncadd.s32 $0xFFFFEC78  }
0x46: {  	[spmem:s1] =	stream.indirect.scatter.add.f32 [tilespmem:s13], [sflag:$0x3], $0x8, s26, s4, $0xb8;
	[tilespmem:$0x4E98] =	vst v63  }
0x47: {  	_ =	swait.ge [sflag:s2], $0x3E8  }
0x48: {  	[sflag:s2] =	ssyncset.done $0x0  }
0x49: {  	[sflag:s2] =	ssyncadd.s32 $0xFFFFFC18  }
0x4a: {  	[spmem:s1] =	stream.indirect.scatter.add.f32 [tilespmem:s23], [sflag:$0x3], $0x8, s16, s4, $0xb8;
	[tilespmem:$0x4E98] =	vst v63  }
0x4b: {  	_ =	swait.ge [sflag:s2], $0x3E8  }
0x4c: {  	[sflag:s2] =	ssyncset.done $0x0  }
0x4d: {  	s0 =	rddreg [dreg:$0xe];
	[sflag:s2] =	ssyncadd.s32 $0xFFFFFC18  }
0x4e: {  	[spmem:s1] =	stream.indirect.scatter.add.f32 [tilespmem:s19], [sflag:$0x3], $0x8, s0, s4, $0xb8;
	[tilespmem:$0x4E98] =	vst v63  }
0x4f: {  	_ =	swait.ge [sflag:s2], $0x3E8  }
0x50: {  	[sflag:s2] =	ssyncset.done $0x0  }
0x51: {  	s0 =	rddreg [dreg:$0xf];
	[sflag:s2] =	ssyncadd.s32 $0xFFFFFC18  }
0x52: {  	[spmem:s1] =	stream.indirect.scatter.add.f32 [tilespmem:s17], [sflag:$0x3], $0x8, s0, s4, $0xb8;
	[tilespmem:$0x4E98] =	vst v63  }
0x53: {  	_ =	swait.ge [sflag:s2], $0x3E8  }
0x54: {  	[sflag:s2] =	ssyncset.done $0x0  }
0x55: {  	s0 =	rddreg [dreg:$0x10];
	[sflag:s2] =	ssyncadd.s32 $0xFFFFFC18  }
0x56: {  	[spmem:s1] =	stream.indirect.scatter.add.f32 [tilespmem:s15], [sflag:$0x3], $0x8, s0, s4, $0xb8;
	[tilespmem:$0x4E98] =	vst v63  }
0x57: {  	_ =	swait.ge [sflag:s2], $0x3E8  }
0x58: {  	[sflag:s2] =	ssyncset.done $0x0  }
0x59: {  	s0 =	rddreg [dreg:$0x7];
	[sflag:s2] =	ssyncadd.s32 $0xFFFFFC18  }
0x5a: {  	[tilespmem:s13], [sflag:$0x1] =	stream.strided.gather [hbm4b:s0+s12], $0x1388, s16, s12, $0x38;
	[tilespmem:$0x4E98] =	vst v63  }
0x5b: {  	_ =	swait.ge [sflag:s11], $0x1388  }
0x5c: {  	[sflag:s11] =	ssyncset.done $0x0  }
0x5d: {  	s0 =	rddreg [dreg:$0x11];
	[sflag:s11] =	ssyncadd.s32 $0xFFFFEC78  }
0x5e: {  	[spmem:s1] =	stream.indirect.scatter.add.f32 [tilespmem:s5], [sflag:$0x3], $0x8, s0, s4, $0xb8;
	[tilespmem:$0x4E98] =	vst v63  }
0x5f: {  	_ =	swait.ge [sflag:s2], $0x3E8  }
0x60: {  	[sflag:s2] =	ssyncset.done $0x0  }
0x61: {  	s0 =	rddreg [dreg:$0x12];
	[sflag:s2] =	ssyncadd.s32 $0xFFFFFC18  }
0x62: {  	[spmem:s1] =	stream.indirect.scatter.add.f32 [tilespmem:s9], [sflag:$0x3], $0x8, s0, s4, $0xb8;
	[tilespmem:$0x4E98] =	vst v63  }
0x63: {  	_ =	swait.ge [sflag:s2], $0x3E8  }
0x64: {  	[sflag:s2] =	ssyncset.done $0x0  }
0x65: {  	s0 =	rddreg [dreg:$0x13];
	[sflag:s2] =	ssyncadd.s32 $0xFFFFFC18  }
0x66: {  	[spmem:s1] =	stream.indirect.scatter.add.f32 [tilespmem:s8], [sflag:$0x3], $0x8, s0, s4, $0xb8;
	[tilespmem:$0x4E98] =	vst v63  }
0x67: {  	_ =	swait.ge [sflag:s2], $0x3E8  }
0x68: {  	[sflag:s2] =	ssyncset.done $0x0  }
0x69: {  	s0 =	rddreg [dreg:$0x14];
	[sflag:s2] =	ssyncadd.s32 $0xFFFFFC18  }
0x6a: {  	[spmem:s1] =	stream.indirect.scatter.add.f32 [tilespmem:s7], [sflag:$0x3], $0x8, s0, s4, $0xb8;
	[tilespmem:$0x4E98] =	vst v63  }
0x6b: {  	_ =	swait.ge [sflag:s2], $0x3E8  }
0x6c: {  	[sflag:s2] =	ssyncset.done $0x0  }
0x6d: {  	s0 =	rddreg [dreg:$0x15];
	[sflag:s2] =	ssyncadd.s32 $0xFFFFFC18  }
0x6e: {  	[spmem:s1] =	stream.indirect.scatter.add.f32 [tilespmem:s6], [sflag:$0x3], $0x8, s0, s4, $0xb8;
	[tilespmem:$0x4E98] =	vst v63  }
0x6f: {  	_ =	swait.ge [sflag:s2], $0x3E8  }
0x70: {  	[sflag:s2] =	ssyncset.done $0x0  }
0x71: {  	s0 =	rddreg [dreg:$0xb];
	[sflag:s2] =	ssyncadd.s32 $0xFFFFFC18  }
0x72: {  	[tilespmem:s5], [sflag:$0x2] =	stream.strided.gather [hbm4b:s0+s12], $0x1388, s16, s12, $0x38;
	[tilespmem:$0x4E98] =	vst v63  }
0x73: {  	_ =	swait.ge [sflag:s22], $0x1388  }
0x74: {  	[sflag:s22] =	ssyncset.done $0x0  }
0x75: {  	s0 =	rddreg [dreg:$0x16];
	[sflag:s22] =	ssyncadd.s32 $0xFFFFEC78  }
0x76: {  	[spmem:s1] =	stream.indirect.scatter.add.f32 [tilespmem:s13], [sflag:$0x3], $0x8, s0, s4, $0xb8;
	[tilespmem:$0x4E98] =	vst v63  }
0x77: {  	_ =	swait.ge [sflag:s2], $0x3E8  }
0x78: {  	[sflag:s2] =	ssyncset.done $0x0  }
0x79: {  	s0 =	rddreg [dreg:$0x17];
	[sflag:s2] =	ssyncadd.s32 $0xFFFFFC18  }
0x7a: {  	[spmem:s1] =	stream.indirect.scatter.add.f32 [tilespmem:s23], [sflag:$0x3], $0x8, s0, s4, $0xb8;
	[tilespmem:$0x4E98] =	vst v63  }
0x7b: {  	_ =	swait.ge [sflag:s2], $0x3E8  }
0x7c: {  	[sflag:s2] =	ssyncset.done $0x0  }
0x7d: {  	s0 =	rddreg [dreg:$0x18];
	[sflag:s2] =	ssyncadd.s32 $0xFFFFFC18  }
0x7e: {  	[spmem:s1] =	stream.indirect.scatter.add.f32 [tilespmem:s19], [sflag:$0x3], $0x8, s0, s4, $0xb8;
	[tilespmem:$0x4E98] =	vst v63  }
0x7f: {  	_ =	swait.ge [sflag:s2], $0x3E8  }
0x80: {  	[sflag:s2] =	ssyncset.done $0x0  }
0x81: {  	s0 =	rddreg [dreg:$0x19];
	[sflag:s2] =	ssyncadd.s32 $0xFFFFFC18  }
0x82: {  	[spmem:s1] =	stream.indirect.scatter.add.f32 [tilespmem:s17], [sflag:$0x3], $0x8, s0, s4, $0xb8;
	[tilespmem:$0x4E98] =	vst v63  }
0x83: {  	_ =	swait.ge [sflag:s2], $0x3E8  }
0x84: {  	[sflag:s2] =	ssyncset.done $0x0  }
0x85: {  	s0 =	rddreg [dreg:$0x1a];
	[sflag:s2] =	ssyncadd.s32 $0xFFFFFC18  }
0x86: {  	[spmem:s1] =	stream.indirect.scatter.add.f32 [tilespmem:s15], [sflag:$0x3], $0x8, s0, s4, $0xb8;
	[tilespmem:$0x4E98] =	vst v63  }
0x87: {  	_ =	swait.ge [sflag:s2], $0x3E8  }
0x88: {  	[sflag:s2] =	ssyncset.done $0x0  }
0x89: {  	[sflag:s2] =	ssyncadd.s32 $0xFFFFFC18  }
0x8a: {  	_ =	swait.ge [sflag:s11], $0x1388  }
0x8b: {  	[sflag:s11] =	ssyncset.done $0x0  }
0x8c: {  	s0 =	rddreg [dreg:$0x1b];
	[sflag:s11] =	ssyncadd.s32 $0xFFFFEC78  }
0x8d: {  	[spmem:s1] =	stream.indirect.scatter.add.f32 [tilespmem:s5], [sflag:$0x3], $0x8, s0, s4, $0xb8;
	[tilespmem:$0x4E98] =	vst v63  }
0x8e: {  	_ =	swait.ge [sflag:s2], $0x3E8  }
0x8f: {  	[sflag:s2] =	ssyncset.done $0x0  }
0x90: {  	s0 =	rddreg [dreg:$0x1c];
	[sflag:s2] =	ssyncadd.s32 $0xFFFFFC18  }
0x91: {  	[spmem:s1] =	stream.indirect.scatter.add.f32 [tilespmem:s9], [sflag:$0x3], $0x8, s0, s4, $0xb8;
	[tilespmem:$0x4E98] =	vst v63  }
0x92: {  	_ =	swait.ge [sflag:s2], $0x3E8  }
0x93: {  	[sflag:s2] =	ssyncset.done $0x0  }
0x94: {  	s0 =	rddreg [dreg:$0x1d];
	[sflag:s2] =	ssyncadd.s32 $0xFFFFFC18  }
0x95: {  	[spmem:s1] =	stream.indirect.scatter.add.f32 [tilespmem:s8], [sflag:$0x3], $0x8, s0, s4, $0xb8;
	[tilespmem:$0x4E98] =	vst v63  }
0x96: {  	_ =	swait.ge [sflag:s2], $0x3E8  }
0x97: {  	[sflag:s2] =	ssyncset.done $0x0  }
0x98: {  	s0 =	rddreg [dreg:$0x1e];
	[sflag:s2] =	ssyncadd.s32 $0xFFFFFC18  }
0x99: {  	[spmem:s1] =	stream.indirect.scatter.add.f32 [tilespmem:s7], [sflag:$0x3], $0x8, s0, s4, $0xb8;
	[tilespmem:$0x4E98] =	vst v63  }
0x9a: {  	_ =	swait.ge [sflag:s2], $0x3E8  }
0x9b: {  	[sflag:s2] =	ssyncset.done $0x0  }
0x9c: {  	s0 =	rddreg [dreg:$0x1f];
	[sflag:s2] =	ssyncadd.s32 $0xFFFFFC18  }
0x9d: {  	[spmem:s1] =	stream.indirect.scatter.add.f32 [tilespmem:s6], [sflag:$0x3], $0x8, s0, s4, $0xb8;
	[tilespmem:$0x4E98] =	vst v63  }
0x9e: {  	_ =	swait.ge [sflag:s2], $0x3E8  }
0x9f: {  	[sflag:s2] =	ssyncset.done $0x0  }
0xa0: {  	[sflag:s2] =	ssyncadd.s32 $0xFFFFFC18  }
0xa1: {  	[tilespmem:s13], [sflag:$0x1] =	stream.strided.gather [hbm4b:s10+s12], $0x1388, s16, s12, $0x38;
	[tilespmem:$0x4E98] =	vst v63  }
0xa2: {  	s0 =	rddreg [dreg:$0xc]  }
0xa3: {  	[tilespmem:s5], [sflag:$0x2] =	stream.strided.gather [hbm4b:s0+s12], $0x1388, s16, s12, $0x38;
	[tilespmem:$0x4E98] =	vst v63  }
0xa4: {  	_ =	swait.ge [sflag:s22], $0x1388  }
0xa5: {  	[sflag:s22] =	ssyncset.done $0x0  }
0xa6: {  	[sflag:s22] =	ssyncadd.s32 $0xFFFFEC78  }
0xa7: {  	[spmem:s1] =	stream.indirect.scatter.add.f32 [tilespmem:s13], [sflag:$0x3], $0x8, s25, s4, $0xb8;
	[tilespmem:$0x4E98] =	vst v63  }
0xa8: {  	_ =	swait.ge [sflag:s2], $0x3E8  }
0xa9: {  	s0 =	sld [smem:$0x7F0]  }
0xaa: {  	[sflag:s2] =	ssyncset.done $0x0  }
0xab: {  	[sflag:s2] =	ssyncadd.s32 $0xFFFFFC18  }
0xac: {  	[spmem:s1] =	stream.indirect.scatter.add.f32 [tilespmem:s23], [sflag:$0x3], $0x8, s0, s4, $0xb8;
	[tilespmem:$0x4E98] =	vst v63  }
0xad: {  	_ =	swait.ge [sflag:s2], $0x3E8  }
0xae: {  	s0 =	sld [smem:$0x7F1]  }
0xaf: {  	[sflag:s2] =	ssyncset.done $0x0  }
0xb0: {  	[sflag:s2] =	ssyncadd.s32 $0xFFFFFC18  }
0xb1: {  	[spmem:s1] =	stream.indirect.scatter.add.f32 [tilespmem:s19], [sflag:$0x3], $0x8, s0, s4, $0xb8;
	[tilespmem:$0x4E98] =	vst v63  }
0xb2: {  	_ =	swait.ge [sflag:s2], $0x3E8  }
0xb3: {  	s0 =	sld [smem:$0x7F2]  }
0xb4: {  	[sflag:s2] =	ssyncset.done $0x0  }
0xb5: {  	[sflag:s2] =	ssyncadd.s32 $0xFFFFFC18  }
0xb6: {  	[spmem:s1] =	stream.indirect.scatter.add.f32 [tilespmem:s17], [sflag:$0x3], $0x8, s0, s4, $0xb8;
	[tilespmem:$0x4E98] =	vst v63  }
0xb7: {  	_ =	swait.ge [sflag:s2], $0x3E8  }
0xb8: {  	s0 =	sld [smem:$0x7F3]  }
0xb9: {  	[sflag:s2] =	ssyncset.done $0x0  }
0xba: {  	[sflag:s2] =	ssyncadd.s32 $0xFFFFFC18  }
0xbb: {  	[spmem:s1] =	stream.indirect.scatter.add.f32 [tilespmem:s15], [sflag:$0x3], $0x8, s0, s4, $0xb8;
	[tilespmem:$0x4E98] =	vst v63  }
0xbc: {  	_ =	swait.ge [sflag:s2], $0x3E8  }
0xbd: {  	[sflag:s2] =	ssyncset.done $0x0  }
0xbe: {  	s0 =	rddreg [dreg:$0x8];
	[sflag:s2] =	ssyncadd.s32 $0xFFFFFC18  }
0xbf: {  	[tilespmem:s13], [sflag:$0x1] =	stream.strided.gather [hbm4b:s0+s12], $0x1388, s16, s12, $0x38;
	[tilespmem:$0x4E98] =	vst v63  }
0xc0: {  	_ =	swait.ge [sflag:s11], $0x1388  }
0xc1: {  	s0 =	sld [smem:$0x7F4]  }
0xc2: {  	[sflag:s11] =	ssyncset.done $0x0  }
0xc3: {  	[sflag:s11] =	ssyncadd.s32 $0xFFFFEC78  }
0xc4: {  	[spmem:s1] =	stream.indirect.scatter.add.f32 [tilespmem:s5], [sflag:$0x3], $0x8, s0, s4, $0xb8;
	[tilespmem:$0x4E98] =	vst v63  }
0xc5: {  	_ =	swait.ge [sflag:s2], $0x3E8  }
0xc6: {  	s0 =	sld [smem:$0x7F5]  }
0xc7: {  	[sflag:s2] =	ssyncset.done $0x0  }
0xc8: {  	[sflag:s2] =	ssyncadd.s32 $0xFFFFFC18  }
0xc9: {  	[spmem:s1] =	stream.indirect.scatter.add.f32 [tilespmem:s9], [sflag:$0x3], $0x8, s0, s4, $0xb8;
	[tilespmem:$0x4E98] =	vst v63  }
0xca: {  	_ =	swait.ge [sflag:s2], $0x3E8  }
0xcb: {  	s0 =	sld [smem:$0x7F6]  }
0xcc: {  	[sflag:s2] =	ssyncset.done $0x0  }
0xcd: {  	[sflag:s2] =	ssyncadd.s32 $0xFFFFFC18  }
0xce: {  	[spmem:s1] =	stream.indirect.scatter.add.f32 [tilespmem:s8], [sflag:$0x3], $0x8, s0, s4, $0xb8;
	[tilespmem:$0x4E98] =	vst v63  }
0xcf: {  	_ =	swait.ge [sflag:s2], $0x3E8  }
0xd0: {  	s0 =	sld [smem:$0x7F7]  }
0xd1: {  	[sflag:s2] =	ssyncset.done $0x0  }
0xd2: {  	[sflag:s2] =	ssyncadd.s32 $0xFFFFFC18  }
0xd3: {  	[spmem:s1] =	stream.indirect.scatter.add.f32 [tilespmem:s7], [sflag:$0x3], $0x8, s0, s4, $0xb8;
	[tilespmem:$0x4E98] =	vst v63  }
0xd4: {  	_ =	swait.ge [sflag:s2], $0x3E8  }
0xd5: {  	s0 =	sld [smem:$0x7F8]  }
0xd6: {  	[sflag:s2] =	ssyncset.done $0x0  }
0xd7: {  	[sflag:s2] =	ssyncadd.s32 $0xFFFFFC18  }
0xd8: {  	[spmem:s1] =	stream.indirect.scatter.add.f32 [tilespmem:s6], [sflag:$0x3], $0x8, s0, s4, $0xb8;
	[tilespmem:$0x4E98] =	vst v63  }
0xd9: {  	_ =	swait.ge [sflag:s2], $0x3E8  }
0xda: {  	[sflag:s2] =	ssyncset.done $0x0  }
0xdb: {  	s0 =	rddreg [dreg:$0xd];
	[sflag:s2] =	ssyncadd.s32 $0xFFFFFC18  }
0xdc: {  	[tilespmem:s5], [sflag:$0x2] =	stream.strided.gather [hbm4b:s0+s12], $0x1388, s16, s12, $0x38;
	[tilespmem:$0x4E98] =	vst v63  }
0xdd: {  	_ =	swait.ge [sflag:s22], $0x1388  }
0xde: {  	s0 =	sld [smem:$0x7F9]  }
0xdf: {  	[sflag:s22] =	ssyncset.done $0x0  }
0xe0: {  	[sflag:s22] =	ssyncadd.s32 $0xFFFFEC78  }
0xe1: {  	[spmem:s1] =	stream.indirect.scatter.add.f32 [tilespmem:s13], [sflag:$0x3], $0x8, s0, s4, $0xb8;
	[tilespmem:$0x4E98] =	vst v63  }
0xe2: {  	_ =	swait.ge [sflag:s2], $0x3E8  }
0xe3: {  	s0 =	sld [smem:$0x7FA]  }
0xe4: {  	[sflag:s2] =	ssyncset.done $0x0  }
0xe5: {  	[sflag:s2] =	ssyncadd.s32 $0xFFFFFC18  }
0xe6: {  	[spmem:s1] =	stream.indirect.scatter.add.f32 [tilespmem:s23], [sflag:$0x3], $0x8, s0, s4, $0xb8;
	[tilespmem:$0x4E98] =	vst v63  }
0xe7: {  	_ =	swait.ge [sflag:s2], $0x3E8  }
0xe8: {  	s0 =	sld [smem:$0x7FB]  }
0xe9: {  	[sflag:s2] =	ssyncset.done $0x0  }
0xea: {  	[sflag:s2] =	ssyncadd.s32 $0xFFFFFC18  }
0xeb: {  	[spmem:s1] =	stream.indirect.scatter.add.f32 [tilespmem:s19], [sflag:$0x3], $0x8, s0, s4, $0xb8;
	[tilespmem:$0x4E98] =	vst v63  }
0xec: {  	_ =	swait.ge [sflag:s2], $0x3E8  }
0xed: {  	s0 =	sld [smem:$0x7FC]  }
0xee: {  	[sflag:s2] =	ssyncset.done $0x0  }
0xef: {  	[sflag:s2] =	ssyncadd.s32 $0xFFFFFC18  }
0xf0: {  	[spmem:s1] =	stream.indirect.scatter.add.f32 [tilespmem:s17], [sflag:$0x3], $0x8, s0, s4, $0xb8;
	[tilespmem:$0x4E98] =	vst v63  }
0xf1: {  	_ =	swait.ge [sflag:s2], $0x3E8  }
0xf2: {  	s0 =	sld [smem:$0x7FD]  }
0xf3: {  	[sflag:s2] =	ssyncset.done $0x0  }
0xf4: {  	[sflag:s2] =	ssyncadd.s32 $0xFFFFFC18  }
0xf5: {  	[spmem:s1] =	stream.indirect.scatter.add.f32 [tilespmem:s15], [sflag:$0x3], $0x8, s0, s4, $0xb8;
	[tilespmem:$0x4E98] =	vst v63  }
0xf6: {  	_ =	swait.ge [sflag:s2], $0x3E8  }
0xf7: {  	[sflag:s2] =	ssyncset.done $0x0  }
0xf8: {  	[sflag:s2] =	ssyncadd.s32 $0xFFFFFC18  }
0xf9: {  	_ =	swait.ge [sflag:s11], $0x1388  }
0xfa: {  	[sflag:s11] =	ssyncset.done $0x0  }
0xfb: {  	[sflag:s11] =	ssyncadd.s32 $0xFFFFEC78  }
0xfc: {  	[spmem:s1] =	stream.indirect.scatter.add.f32 [tilespmem:s5], [sflag:$0x3], $0x8, s24, s4, $0xb8;
	[tilespmem:$0x4E98] =	vst v63  }
0xfd: {  	_ =	swait.ge [sflag:s2], $0x3E8  }
0xfe: {  	[sflag:s2] =	ssyncset.done $0x0  }
0xff: {  	[sflag:s2] =	ssyncadd.s32 $0xFFFFFC18  }
0x100: {  	[spmem:s1] =	stream.indirect.scatter.add.f32 [tilespmem:s9], [sflag:$0x3], $0x8, s20, s4, $0xb8;
	[tilespmem:$0x4E98] =	vst v63  }
0x101: {  	_ =	swait.ge [sflag:s2], $0x3E8  }
0x102: {  	[sflag:s2] =	ssyncset.done $0x0  }
0x103: {  	[sflag:s2] =	ssyncadd.s32 $0xFFFFFC18  }
0x104: {  	[spmem:s1] =	stream.indirect.scatter.add.f32 [tilespmem:s8], [sflag:$0x3], $0x8, s21, s4, $0xb8;
	[tilespmem:$0x4E98] =	vst v63  }
0x105: {  	_ =	swait.ge [sflag:s2], $0x3E8  }
0x106: {  	[sflag:s2] =	ssyncset.done $0x0  }
0x107: {  	[sflag:s2] =	ssyncadd.s32 $0xFFFFFC18  }
0x108: {  	[spmem:s1] =	stream.indirect.scatter.add.f32 [tilespmem:s7], [sflag:$0x3], $0x8, s18, s4, $0xb8;
	[tilespmem:$0x4E98] =	vst v63  }
0x109: {  	_ =	swait.ge [sflag:s2], $0x3E8  }
0x10a: {  	[sflag:s2] =	ssyncset.done $0x0  }
0x10b: {  	[sflag:s2] =	ssyncadd.s32 $0xFFFFFC18  }
0x10c: {  	[spmem:s1] =	stream.indirect.scatter.add.f32 [tilespmem:s6], [sflag:$0x3], $0x8, s14, s4, $0xb8;
	[tilespmem:$0x4E98] =	vst v63  }
0x10d: {  	_ =	swait.ge [sflag:s2], $0x3E8  }
0x10e: {  	s31 =	sadd.s32 $0xFFFFFFFF, s31;
	[sflag:s2] =	ssyncset.done $0x0  }
0x10f: {  	p2 =	sne.s32 s31, $0x0;
	[sflag:s2] =	ssyncadd.s32 $0xFFFFFC18  }
.Ltmp1:
0x110: {  	[bflag:$0x0] =	sbarrier.arrive $0xFFFF;
	(pc) =	sbr.rel @!p2 .LBB2_4-.Ltmp1, $4  }
0x111: {  	s0 =	rddreg [dreg:$0x9]  }
0x112: {  	[hbm:s0], [sflag:s30] =	dma.local @!p0 [spmem:s3], $0x2710  }
0x113: {  	_ =	swait.ge @!p0 [sflag:s29], $0x2710  }
0x114: {  	p1 =	por $0x1, $0x1;
	s0 =	rddreg [dreg:$0x5];
	[sflag:s29] =	ssyncset.done @!p0 $0x0  }
.LBB2_3:
0x115: {  	[sflag:s29] =	ssyncadd.s32 @!p0 $0xFFFFD8F0  }
0x116: {  	[tilespmem:s26], [sflag:$0x3] =	stream.linear.gather [hbm4b:s0+s26], $0xA00, $0x38;
	[tilespmem:$0x4E98] =	vst v63  }
0x117: {  	_ =	swait.ge [sflag:s2], $0xA00  }
0x118: {  	[sflag:s2] =	ssyncset.done $0x0  }
0x119: {  	s0 =	rddreg [dreg:$0x6];
	[sflag:s2] =	ssyncadd.s32 $0xFFFFF600  }
0x11a: {  	[tilespmem:s25], [sflag:$0x3] =	stream.linear.gather [hbm4b:s0+s26], $0xA00, $0x38;
	[tilespmem:$0x4E98] =	vst v63  }
0x11b: {  	_ =	swait.ge [sflag:s2], $0xA00  }
0x11c: {  	[sflag:s2] =	ssyncset.done $0x0  }
0x11d: {  	s0 =	rddreg [dreg:$0x4];
	[sflag:s2] =	ssyncadd.s32 $0xFFFFF600  }
0x11e: {  	[spmem:s3], [sflag:s30] =	dma.local @!p0 [hbm:s0], $0x2710  }
0x11f: {  	_ =	swait.ge @!p0 [sflag:s29], $0x2710  }
0x120: {  	[sflag:s29] =	ssyncset.done @!p0 $0x0  }
0x121: {  	[sflag:s29] =	ssyncadd.s32 @!p0 $0xFFFFD8F0  }
0x122: {  	[bflag:$0x0] =	sbarrier.arrive $0xFFFF  }
0x123: {  	[tilespmem:s13], [sflag:$0x1] =	stream.strided.gather [hbm4b:s28+s12], $0x1388, s16, s12, $0x38;
	[tilespmem:$0x4E98] =	vst v63  }
0x124: {  	s0 =	rddreg [dreg:$0xa]  }
0x125: {  	[tilespmem:s5], [sflag:$0x2] =	stream.strided.gather [hbm4b:s0+s12], $0x1388, s16, s12, $0x38;
	[tilespmem:$0x4E98] =	vst v63  }
0x126: {  	_ =	swait.ge [sflag:s22], $0x1388  }
0x127: {  	[sflag:s22] =	ssyncset.done $0x0  }
0x128: {  	[sflag:s22] =	ssyncadd.s32 $0xFFFFEC78  }
0x129: {  	[spmem:s1] =	stream.indirect.scatter.add.f32 [tilespmem:s13], [sflag:$0x3], $0x8, s26, s4, $0xb8;
	[tilespmem:$0x4E98] =	vst v63  }
0x12a: {  	_ =	swait.ge [sflag:s2], $0x3E8  }
0x12b: {  	[sflag:s2] =	ssyncset.done $0x0  }
0x12c: {  	[sflag:s2] =	ssyncadd.s32 $0xFFFFFC18  }
0x12d: {  	[spmem:s1] =	stream.indirect.scatter.add.f32 [tilespmem:s23], [sflag:$0x3], $0x8, s16, s4, $0xb8;
	[tilespmem:$0x4E98] =	vst v63  }
0x12e: {  	_ =	swait.ge [sflag:s2], $0x3E8  }
0x12f: {  	[sflag:s2] =	ssyncset.done $0x0  }
0x130: {  	s0 =	rddreg [dreg:$0xe];
	[sflag:s2] =	ssyncadd.s32 $0xFFFFFC18  }
0x131: {  	[spmem:s1] =	stream.indirect.scatter.add.f32 [tilespmem:s19], [sflag:$0x3], $0x8, s0, s4, $0xb8;
	[tilespmem:$0x4E98] =	vst v63  }
0x132: {  	_ =	swait.ge [sflag:s2], $0x3E8  }
0x133: {  	[sflag:s2] =	ssyncset.done $0x0  }
0x134: {  	s0 =	rddreg [dreg:$0xf];
	[sflag:s2] =	ssyncadd.s32 $0xFFFFFC18  }
0x135: {  	[spmem:s1] =	stream.indirect.scatter.add.f32 [tilespmem:s17], [sflag:$0x3], $0x8, s0, s4, $0xb8;
	[tilespmem:$0x4E98] =	vst v63  }
0x136: {  	_ =	swait.ge [sflag:s2], $0x3E8  }
0x137: {  	[sflag:s2] =	ssyncset.done $0x0  }
0x138: {  	s0 =	rddreg [dreg:$0x10];
	[sflag:s2] =	ssyncadd.s32 $0xFFFFFC18  }
0x139: {  	[spmem:s1] =	stream.indirect.scatter.add.f32 [tilespmem:s15], [sflag:$0x3], $0x8, s0, s4, $0xb8;
	[tilespmem:$0x4E98] =	vst v63  }
0x13a: {  	_ =	swait.ge [sflag:s2], $0x3E8  }
0x13b: {  	[sflag:s2] =	ssyncset.done $0x0  }
0x13c: {  	s0 =	rddreg [dreg:$0x7];
	[sflag:s2] =	ssyncadd.s32 $0xFFFFFC18  }
0x13d: {  	[tilespmem:s13], [sflag:$0x1] =	stream.strided.gather [hbm4b:s0+s12], $0x1388, s16, s12, $0x38;
	[tilespmem:$0x4E98] =	vst v63  }
0x13e: {  	_ =	swait.ge [sflag:s11], $0x1388  }
0x13f: {  	[sflag:s11] =	ssyncset.done $0x0  }
0x140: {  	s0 =	rddreg [dreg:$0x11];
	[sflag:s11] =	ssyncadd.s32 $0xFFFFEC78  }
0x141: {  	[spmem:s1] =	stream.indirect.scatter.add.f32 [tilespmem:s5], [sflag:$0x3], $0x8, s0, s4, $0xb8;
	[tilespmem:$0x4E98] =	vst v63  }
0x142: {  	_ =	swait.ge [sflag:s2], $0x3E8  }
0x143: {  	[sflag:s2] =	ssyncset.done $0x0  }
0x144: {  	s0 =	rddreg [dreg:$0x12];
	[sflag:s2] =	ssyncadd.s32 $0xFFFFFC18  }
0x145: {  	[spmem:s1] =	stream.indirect.scatter.add.f32 [tilespmem:s9], [sflag:$0x3], $0x8, s0, s4, $0xb8;
	[tilespmem:$0x4E98] =	vst v63  }
0x146: {  	_ =	swait.ge [sflag:s2], $0x3E8  }
0x147: {  	[sflag:s2] =	ssyncset.done $0x0  }
0x148: {  	s0 =	rddreg [dreg:$0x13];
	[sflag:s2] =	ssyncadd.s32 $0xFFFFFC18  }
0x149: {  	[spmem:s1] =	stream.indirect.scatter.add.f32 [tilespmem:s8], [sflag:$0x3], $0x8, s0, s4, $0xb8;
	[tilespmem:$0x4E98] =	vst v63  }
0x14a: {  	_ =	swait.ge [sflag:s2], $0x3E8  }
0x14b: {  	[sflag:s2] =	ssyncset.done $0x0  }
0x14c: {  	s0 =	rddreg [dreg:$0x14];
	[sflag:s2] =	ssyncadd.s32 $0xFFFFFC18  }
0x14d: {  	[spmem:s1] =	stream.indirect.scatter.add.f32 [tilespmem:s7], [sflag:$0x3], $0x8, s0, s4, $0xb8;
	[tilespmem:$0x4E98] =	vst v63  }
0x14e: {  	_ =	swait.ge [sflag:s2], $0x3E8  }
0x14f: {  	[sflag:s2] =	ssyncset.done $0x0  }
0x150: {  	s0 =	rddreg [dreg:$0x15];
	[sflag:s2] =	ssyncadd.s32 $0xFFFFFC18  }
0x151: {  	[spmem:s1] =	stream.indirect.scatter.add.f32 [tilespmem:s6], [sflag:$0x3], $0x8, s0, s4, $0xb8;
	[tilespmem:$0x4E98] =	vst v63  }
0x152: {  	_ =	swait.ge [sflag:s2], $0x3E8  }
0x153: {  	[sflag:s2] =	ssyncset.done $0x0  }
0x154: {  	s0 =	rddreg [dreg:$0xb];
	[sflag:s2] =	ssyncadd.s32 $0xFFFFFC18  }
0x155: {  	[tilespmem:s5], [sflag:$0x2] =	stream.strided.gather [hbm4b:s0+s12], $0x1388, s16, s12, $0x38;
	[tilespmem:$0x4E98] =	vst v63  }
0x156: {  	_ =	swait.ge [sflag:s22], $0x1388  }
0x157: {  	[sflag:s22] =	ssyncset.done $0x0  }
0x158: {  	s0 =	rddreg [dreg:$0x16];
	[sflag:s22] =	ssyncadd.s32 $0xFFFFEC78  }
0x159: {  	[spmem:s1] =	stream.indirect.scatter.add.f32 [tilespmem:s13], [sflag:$0x3], $0x8, s0, s4, $0xb8;
	[tilespmem:$0x4E98] =	vst v63  }
0x15a: {  	_ =	swait.ge [sflag:s2], $0x3E8  }
0x15b: {  	[sflag:s2] =	ssyncset.done $0x0  }
0x15c: {  	s0 =	rddreg [dreg:$0x17];
	[sflag:s2] =	ssyncadd.s32 $0xFFFFFC18  }
0x15d: {  	[spmem:s1] =	stream.indirect.scatter.add.f32 [tilespmem:s23], [sflag:$0x3], $0x8, s0, s4, $0xb8;
	[tilespmem:$0x4E98] =	vst v63  }
0x15e: {  	_ =	swait.ge [sflag:s2], $0x3E8  }
0x15f: {  	[sflag:s2] =	ssyncset.done $0x0  }
0x160: {  	s0 =	rddreg [dreg:$0x18];
	[sflag:s2] =	ssyncadd.s32 $0xFFFFFC18  }
0x161: {  	[spmem:s1] =	stream.indirect.scatter.add.f32 [tilespmem:s19], [sflag:$0x3], $0x8, s0, s4, $0xb8;
	[tilespmem:$0x4E98] =	vst v63  }
0x162: {  	_ =	swait.ge [sflag:s2], $0x3E8  }
0x163: {  	[sflag:s2] =	ssyncset.done $0x0  }
0x164: {  	s0 =	rddreg [dreg:$0x19];
	[sflag:s2] =	ssyncadd.s32 $0xFFFFFC18  }
0x165: {  	[spmem:s1] =	stream.indirect.scatter.add.f32 [tilespmem:s17], [sflag:$0x3], $0x8, s0, s4, $0xb8;
	[tilespmem:$0x4E98] =	vst v63  }
0x166: {  	_ =	swait.ge [sflag:s2], $0x3E8  }
0x167: {  	[sflag:s2] =	ssyncset.done $0x0  }
0x168: {  	s0 =	rddreg [dreg:$0x1a];
	[sflag:s2] =	ssyncadd.s32 $0xFFFFFC18  }
0x169: {  	[spmem:s1] =	stream.indirect.scatter.add.f32 [tilespmem:s15], [sflag:$0x3], $0x8, s0, s4, $0xb8;
	[tilespmem:$0x4E98] =	vst v63  }
0x16a: {  	_ =	swait.ge [sflag:s2], $0x3E8  }
0x16b: {  	[sflag:s2] =	ssyncset.done $0x0  }
0x16c: {  	[sflag:s2] =	ssyncadd.s32 $0xFFFFFC18  }
0x16d: {  	_ =	swait.ge [sflag:s11], $0x1388  }
0x16e: {  	[sflag:s11] =	ssyncset.done $0x0  }
0x16f: {  	s0 =	rddreg [dreg:$0x1b];
	[sflag:s11] =	ssyncadd.s32 $0xFFFFEC78  }
0x170: {  	[spmem:s1] =	stream.indirect.scatter.add.f32 [tilespmem:s5], [sflag:$0x3], $0x8, s0, s4, $0xb8;
	[tilespmem:$0x4E98] =	vst v63  }
0x171: {  	_ =	swait.ge [sflag:s2], $0x3E8  }
0x172: {  	[sflag:s2] =	ssyncset.done $0x0  }
0x173: {  	s0 =	rddreg [dreg:$0x1c];
	[sflag:s2] =	ssyncadd.s32 $0xFFFFFC18  }
0x174: {  	[spmem:s1] =	stream.indirect.scatter.add.f32 [tilespmem:s9], [sflag:$0x3], $0x8, s0, s4, $0xb8;
	[tilespmem:$0x4E98] =	vst v63  }
0x175: {  	_ =	swait.ge [sflag:s2], $0x3E8  }
0x176: {  	[sflag:s2] =	ssyncset.done $0x0  }
0x177: {  	s0 =	rddreg [dreg:$0x1d];
	[sflag:s2] =	ssyncadd.s32 $0xFFFFFC18  }
0x178: {  	[spmem:s1] =	stream.indirect.scatter.add.f32 [tilespmem:s8], [sflag:$0x3], $0x8, s0, s4, $0xb8;
	[tilespmem:$0x4E98] =	vst v63  }
0x179: {  	_ =	swait.ge [sflag:s2], $0x3E8  }
0x17a: {  	[sflag:s2] =	ssyncset.done $0x0  }
0x17b: {  	s0 =	rddreg [dreg:$0x1e];
	[sflag:s2] =	ssyncadd.s32 $0xFFFFFC18  }
0x17c: {  	[spmem:s1] =	stream.indirect.scatter.add.f32 [tilespmem:s7], [sflag:$0x3], $0x8, s0, s4, $0xb8;
	[tilespmem:$0x4E98] =	vst v63  }
0x17d: {  	_ =	swait.ge [sflag:s2], $0x3E8  }
0x17e: {  	[sflag:s2] =	ssyncset.done $0x0  }
0x17f: {  	s0 =	rddreg [dreg:$0x1f];
	[sflag:s2] =	ssyncadd.s32 $0xFFFFFC18  }
0x180: {  	[spmem:s1] =	stream.indirect.scatter.add.f32 [tilespmem:s6], [sflag:$0x3], $0x8, s0, s4, $0xb8;
	[tilespmem:$0x4E98] =	vst v63  }
0x181: {  	_ =	swait.ge [sflag:s2], $0x3E8  }
0x182: {  	[sflag:s2] =	ssyncset.done $0x0  }
0x183: {  	[sflag:s2] =	ssyncadd.s32 $0xFFFFFC18  }
0x184: {  	[tilespmem:s13], [sflag:$0x1] =	stream.strided.gather [hbm4b:s10+s12], $0x1388, s16, s12, $0x38;
	[tilespmem:$0x4E98] =	vst v63  }
0x185: {  	s0 =	rddreg [dreg:$0xc]  }
0x186: {  	[tilespmem:s5], [sflag:$0x2] =	stream.strided.gather [hbm4b:s0+s12], $0x1388, s16, s12, $0x38;
	[tilespmem:$0x4E98] =	vst v63  }
0x187: {  	_ =	swait.ge [sflag:s22], $0x1388  }
0x188: {  	[sflag:s22] =	ssyncset.done $0x0  }
0x189: {  	[sflag:s22] =	ssyncadd.s32 $0xFFFFEC78  }
0x18a: {  	[spmem:s1] =	stream.indirect.scatter.add.f32 [tilespmem:s13], [sflag:$0x3], $0x8, s25, s4, $0xb8;
	[tilespmem:$0x4E98] =	vst v63  }
0x18b: {  	_ =	swait.ge [sflag:s2], $0x3E8  }
0x18c: {  	s0 =	sld [smem:$0x7F0]  }
0x18d: {  	[sflag:s2] =	ssyncset.done $0x0  }
0x18e: {  	[sflag:s2] =	ssyncadd.s32 $0xFFFFFC18  }
0x18f: {  	[spmem:s1] =	stream.indirect.scatter.add.f32 [tilespmem:s23], [sflag:$0x3], $0x8, s0, s4, $0xb8;
	[tilespmem:$0x4E98] =	vst v63  }
0x190: {  	_ =	swait.ge [sflag:s2], $0x3E8  }
0x191: {  	s0 =	sld [smem:$0x7F1]  }
0x192: {  	[sflag:s2] =	ssyncset.done $0x0  }
0x193: {  	[sflag:s2] =	ssyncadd.s32 $0xFFFFFC18  }
0x194: {  	[spmem:s1] =	stream.indirect.scatter.add.f32 [tilespmem:s19], [sflag:$0x3], $0x8, s0, s4, $0xb8;
	[tilespmem:$0x4E98] =	vst v63  }
0x195: {  	_ =	swait.ge [sflag:s2], $0x3E8  }
0x196: {  	s0 =	sld [smem:$0x7F2]  }
0x197: {  	[sflag:s2] =	ssyncset.done $0x0  }
0x198: {  	[sflag:s2] =	ssyncadd.s32 $0xFFFFFC18  }
0x199: {  	[spmem:s1] =	stream.indirect.scatter.add.f32 [tilespmem:s17], [sflag:$0x3], $0x8, s0, s4, $0xb8;
	[tilespmem:$0x4E98] =	vst v63  }
0x19a: {  	_ =	swait.ge [sflag:s2], $0x3E8  }
0x19b: {  	s0 =	sld [smem:$0x7F3]  }
0x19c: {  	[sflag:s2] =	ssyncset.done $0x0  }
0x19d: {  	[sflag:s2] =	ssyncadd.s32 $0xFFFFFC18  }
0x19e: {  	[spmem:s1] =	stream.indirect.scatter.add.f32 [tilespmem:s15], [sflag:$0x3], $0x8, s0, s4, $0xb8;
	[tilespmem:$0x4E98] =	vst v63  }
0x19f: {  	_ =	swait.ge [sflag:s2], $0x3E8  }
0x1a0: {  	[sflag:s2] =	ssyncset.done $0x0  }
0x1a1: {  	s0 =	rddreg [dreg:$0x8];
	[sflag:s2] =	ssyncadd.s32 $0xFFFFFC18  }
0x1a2: {  	[tilespmem:s13], [sflag:$0x1] =	stream.strided.gather [hbm4b:s0+s12], $0x1388, s16, s12, $0x38;
	[tilespmem:$0x4E98] =	vst v63  }
0x1a3: {  	_ =	swait.ge [sflag:s11], $0x1388  }
0x1a4: {  	s0 =	sld [smem:$0x7F4]  }
0x1a5: {  	[sflag:s11] =	ssyncset.done $0x0  }
0x1a6: {  	[sflag:s11] =	ssyncadd.s32 $0xFFFFEC78  }
0x1a7: {  	[spmem:s1] =	stream.indirect.scatter.add.f32 [tilespmem:s5], [sflag:$0x3], $0x8, s0, s4, $0xb8;
	[tilespmem:$0x4E98] =	vst v63  }
0x1a8: {  	_ =	swait.ge [sflag:s2], $0x3E8  }
0x1a9: {  	s0 =	sld [smem:$0x7F5]  }
0x1aa: {  	[sflag:s2] =	ssyncset.done $0x0  }
0x1ab: {  	[sflag:s2] =	ssyncadd.s32 $0xFFFFFC18  }
0x1ac: {  	[spmem:s1] =	stream.indirect.scatter.add.f32 [tilespmem:s9], [sflag:$0x3], $0x8, s0, s4, $0xb8;
	[tilespmem:$0x4E98] =	vst v63  }
0x1ad: {  	_ =	swait.ge [sflag:s2], $0x3E8  }
0x1ae: {  	s0 =	sld [smem:$0x7F6]  }
0x1af: {  	[sflag:s2] =	ssyncset.done $0x0  }
0x1b0: {  	[sflag:s2] =	ssyncadd.s32 $0xFFFFFC18  }
0x1b1: {  	[spmem:s1] =	stream.indirect.scatter.add.f32 [tilespmem:s8], [sflag:$0x3], $0x8, s0, s4, $0xb8;
	[tilespmem:$0x4E98] =	vst v63  }
0x1b2: {  	_ =	swait.ge [sflag:s2], $0x3E8  }
0x1b3: {  	s0 =	sld [smem:$0x7F7]  }
0x1b4: {  	[sflag:s2] =	ssyncset.done $0x0  }
0x1b5: {  	[sflag:s2] =	ssyncadd.s32 $0xFFFFFC18  }
0x1b6: {  	[spmem:s1] =	stream.indirect.scatter.add.f32 [tilespmem:s7], [sflag:$0x3], $0x8, s0, s4, $0xb8;
	[tilespmem:$0x4E98] =	vst v63  }
0x1b7: {  	_ =	swait.ge [sflag:s2], $0x3E8  }
0x1b8: {  	s0 =	sld [smem:$0x7F8]  }
0x1b9: {  	[sflag:s2] =	ssyncset.done $0x0  }
0x1ba: {  	[sflag:s2] =	ssyncadd.s32 $0xFFFFFC18  }
0x1bb: {  	[spmem:s1] =	stream.indirect.scatter.add.f32 [tilespmem:s6], [sflag:$0x3], $0x8, s0, s4, $0xb8;
	[tilespmem:$0x4E98] =	vst v63  }
0x1bc: {  	_ =	swait.ge [sflag:s2], $0x3E8  }
0x1bd: {  	[sflag:s2] =	ssyncset.done $0x0  }
0x1be: {  	s0 =	rddreg [dreg:$0xd];
	[sflag:s2] =	ssyncadd.s32 $0xFFFFFC18  }
0x1bf: {  	[tilespmem:s5], [sflag:$0x2] =	stream.strided.gather [hbm4b:s0+s12], $0x1388, s16, s12, $0x38;
	[tilespmem:$0x4E98] =	vst v63  }
0x1c0: {  	_ =	swait.ge [sflag:s22], $0x1388  }
0x1c1: {  	s0 =	sld [smem:$0x7F9]  }
0x1c2: {  	[sflag:s22] =	ssyncset.done $0x0  }
0x1c3: {  	[sflag:s22] =	ssyncadd.s32 $0xFFFFEC78  }
0x1c4: {  	[spmem:s1] =	stream.indirect.scatter.add.f32 [tilespmem:s13], [sflag:$0x3], $0x8, s0, s4, $0xb8;
	[tilespmem:$0x4E98] =	vst v63  }
0x1c5: {  	_ =	swait.ge [sflag:s2], $0x3E8  }
0x1c6: {  	s0 =	sld [smem:$0x7FA]  }
0x1c7: {  	[sflag:s2] =	ssyncset.done $0x0  }
0x1c8: {  	[sflag:s2] =	ssyncadd.s32 $0xFFFFFC18  }
0x1c9: {  	[spmem:s1] =	stream.indirect.scatter.add.f32 [tilespmem:s23], [sflag:$0x3], $0x8, s0, s4, $0xb8;
	[tilespmem:$0x4E98] =	vst v63  }
0x1ca: {  	_ =	swait.ge [sflag:s2], $0x3E8  }
0x1cb: {  	s0 =	sld [smem:$0x7FB]  }
0x1cc: {  	[sflag:s2] =	ssyncset.done $0x0  }
0x1cd: {  	[sflag:s2] =	ssyncadd.s32 $0xFFFFFC18  }
0x1ce: {  	[spmem:s1] =	stream.indirect.scatter.add.f32 [tilespmem:s19], [sflag:$0x3], $0x8, s0, s4, $0xb8;
	[tilespmem:$0x4E98] =	vst v63  }
0x1cf: {  	_ =	swait.ge [sflag:s2], $0x3E8  }
0x1d0: {  	s0 =	sld [smem:$0x7FC]  }
0x1d1: {  	[sflag:s2] =	ssyncset.done $0x0  }
0x1d2: {  	[sflag:s2] =	ssyncadd.s32 $0xFFFFFC18  }
0x1d3: {  	[spmem:s1] =	stream.indirect.scatter.add.f32 [tilespmem:s17], [sflag:$0x3], $0x8, s0, s4, $0xb8;
	[tilespmem:$0x4E98] =	vst v63  }
0x1d4: {  	_ =	swait.ge [sflag:s2], $0x3E8  }
0x1d5: {  	s0 =	sld [smem:$0x7FD]  }
0x1d6: {  	[sflag:s2] =	ssyncset.done $0x0  }
0x1d7: {  	[sflag:s2] =	ssyncadd.s32 $0xFFFFFC18  }
0x1d8: {  	[spmem:s1] =	stream.indirect.scatter.add.f32 [tilespmem:s15], [sflag:$0x3], $0x8, s0, s4, $0xb8;
	[tilespmem:$0x4E98] =	vst v63  }
0x1d9: {  	_ =	swait.ge [sflag:s2], $0x3E8  }
0x1da: {  	[sflag:s2] =	ssyncset.done $0x0  }
0x1db: {  	[sflag:s2] =	ssyncadd.s32 $0xFFFFFC18  }
0x1dc: {  	_ =	swait.ge [sflag:s11], $0x1388  }
0x1dd: {  	[sflag:s11] =	ssyncset.done $0x0  }
0x1de: {  	[sflag:s11] =	ssyncadd.s32 $0xFFFFEC78  }
0x1df: {  	[spmem:s1] =	stream.indirect.scatter.add.f32 [tilespmem:s5], [sflag:$0x3], $0x8, s24, s4, $0xb8;
	[tilespmem:$0x4E98] =	vst v63  }
0x1e0: {  	_ =	swait.ge [sflag:s2], $0x3E8  }
0x1e1: {  	[sflag:s2] =	ssyncset.done $0x0  }
0x1e2: {  	[sflag:s2] =	ssyncadd.s32 $0xFFFFFC18  }
0x1e3: {  	[spmem:s1] =	stream.indirect.scatter.add.f32 [tilespmem:s9], [sflag:$0x3], $0x8, s20, s4, $0xb8;
	[tilespmem:$0x4E98] =	vst v63  }
0x1e4: {  	_ =	swait.ge [sflag:s2], $0x3E8  }
0x1e5: {  	[sflag:s2] =	ssyncset.done $0x0  }
0x1e6: {  	[sflag:s2] =	ssyncadd.s32 $0xFFFFFC18  }
0x1e7: {  	[spmem:s1] =	stream.indirect.scatter.add.f32 [tilespmem:s8], [sflag:$0x3], $0x8, s21, s4, $0xb8;
	[tilespmem:$0x4E98] =	vst v63  }
0x1e8: {  	_ =	swait.ge [sflag:s2], $0x3E8  }
0x1e9: {  	[sflag:s2] =	ssyncset.done $0x0  }
0x1ea: {  	[sflag:s2] =	ssyncadd.s32 $0xFFFFFC18  }
0x1eb: {  	[spmem:s1] =	stream.indirect.scatter.add.f32 [tilespmem:s7], [sflag:$0x3], $0x8, s18, s4, $0xb8;
	[tilespmem:$0x4E98] =	vst v63  }
0x1ec: {  	_ =	swait.ge [sflag:s2], $0x3E8  }
0x1ed: {  	[sflag:s2] =	ssyncset.done $0x0  }
0x1ee: {  	[sflag:s2] =	ssyncadd.s32 $0xFFFFFC18  }
0x1ef: {  	[spmem:s1] =	stream.indirect.scatter.add.f32 [tilespmem:s6], [sflag:$0x3], $0x8, s14, s4, $0xb8;
	[tilespmem:$0x4E98] =	vst v63  }
0x1f0: {  	_ =	swait.ge [sflag:s2], $0x3E8  }
0x1f1: {  	s31 =	sadd.s32 $0xFFFFFFFF, s31;
	[sflag:s2] =	ssyncset.done $0x0  }
0x1f2: {  	p2 =	sne.s32 s31, $0x0;
	[sflag:s2] =	ssyncadd.s32 $0xFFFFFC18  }
.Ltmp2:
0x1f3: {  	[bflag:$0x0] =	sbarrier.arrive $0xFFFF;
	(pc) =	sbr.rel @p2 .LBB2_3-.Ltmp2, $4  }
0x1f4: {  	s0 =	rddreg [dreg:$0x9]  }
0x1f5: {  	[hbm:s0], [sflag:s30] =	dma.local @!p0 [spmem:s3], $0x2710  }
0x1f6: {  	_ =	swait.ge @!p0 [sflag:s29], $0x2710  }
0x1f7: {  	s0 =	rddreg [dreg:$0x5];
	[sflag:s29] =	ssyncset.done @!p0 $0x0  }
.LBB2_4:
0x1f8: {  	p1 =	por p0, !p1  }
0x1f9: {  	[sflag:s29] =	ssyncadd.s32 @!p1 $0xFFFFD8F0  }
0x1fa: {  	[tilespmem:s26], [sflag:$0x3] =	stream.linear.gather [hbm4b:s0+s26], $0xA00, $0x38;
	[tilespmem:$0x4E98] =	vst v63  }
0x1fb: {  	_ =	swait.ge [sflag:s2], $0xA00  }
0x1fc: {  	[sflag:s2] =	ssyncset.done $0x0  }
0x1fd: {  	s30 =	rddreg [dreg:$0x6];
	[sflag:s2] =	ssyncadd.s32 $0xFFFFF600  }
0x1fe: {  	[tilespmem:s25], [sflag:$0x3] =	stream.linear.gather [hbm4b:s30+s26], $0xA00, $0x38;
	[tilespmem:$0x4E98] =	vst v63  }
0x1ff: {  	_ =	swait.ge [sflag:s2], $0xA00  }
0x200: {  	s29 =	simm.s32 @!p0 $0x3;
	[sflag:s2] =	ssyncset.done $0x0  }
0x201: {  	s30 =	simm.s32 @!p0 $0x1C03;
	s0 =	rddreg [dreg:$0x4];
	[sflag:s2] =	ssyncadd.s32 $0xFFFFF600  }
0x202: {  	[spmem:s3], [sflag:s30] =	dma.local @!p0 [hbm:s0], $0x2710  }
0x203: {  	_ =	swait.ge @!p0 [sflag:s29], $0x2710  }
0x204: {  	[sflag:s29] =	ssyncset.done @!p0 $0x0  }
0x205: {  	[sflag:s29] =	ssyncadd.s32 @!p0 $0xFFFFD8F0  }
0x206: {  	[bflag:$0x0] =	sbarrier.arrive $0xFFFF  }
0x207: {  	[tilespmem:s13], [sflag:$0x1] =	stream.strided.gather [hbm4b:s28+s12], $0x1388, s16, s12, $0x38;
	[tilespmem:$0x4E98] =	vst v63  }
0x208: {  	s31 =	rddreg [dreg:$0xa]  }
0x209: {  	[tilespmem:s5], [sflag:$0x2] =	stream.strided.gather [hbm4b:s31+s12], $0x1388, s16, s12, $0x38;
	[tilespmem:$0x4E98] =	vst v63  }
0x20a: {  	_ =	swait.ge [sflag:s22], $0x1388  }
0x20b: {  	[sflag:s22] =	ssyncset.done $0x0  }
0x20c: {  	[sflag:s22] =	ssyncadd.s32 $0xFFFFEC78  }
0x20d: {  	[spmem:s1] =	stream.indirect.scatter.add.f32 [tilespmem:s13], [sflag:$0x3], $0x8, s26, s4, $0xb8;
	[tilespmem:$0x4E98] =	vst v63  }
0x20e: {  	_ =	swait.ge [sflag:s2], $0x3E8  }
0x20f: {  	[sflag:s2] =	ssyncset.done $0x0  }
0x210: {  	[sflag:s2] =	ssyncadd.s32 $0xFFFFFC18  }
0x211: {  	[spmem:s1] =	stream.indirect.scatter.add.f32 [tilespmem:s23], [sflag:$0x3], $0x8, s16, s4, $0xb8;
	[tilespmem:$0x4E98] =	vst v63  }
0x212: {  	_ =	swait.ge [sflag:s2], $0x3E8  }
0x213: {  	[sflag:s2] =	ssyncset.done $0x0  }
0x214: {  	s26 =	rddreg [dreg:$0xe];
	[sflag:s2] =	ssyncadd.s32 $0xFFFFFC18  }
0x215: {  	[spmem:s1] =	stream.indirect.scatter.add.f32 [tilespmem:s19], [sflag:$0x3], $0x8, s26, s4, $0xb8;
	[tilespmem:$0x4E98] =	vst v63  }
0x216: {  	_ =	swait.ge [sflag:s2], $0x3E8  }
0x217: {  	[sflag:s2] =	ssyncset.done $0x0  }
0x218: {  	s28 =	rddreg [dreg:$0xf];
	[sflag:s2] =	ssyncadd.s32 $0xFFFFFC18  }
0x219: {  	[spmem:s1] =	stream.indirect.scatter.add.f32 [tilespmem:s17], [sflag:$0x3], $0x8, s28, s4, $0xb8;
	[tilespmem:$0x4E98] =	vst v63  }
0x21a: {  	_ =	swait.ge [sflag:s2], $0x3E8  }
0x21b: {  	[sflag:s2] =	ssyncset.done $0x0  }
0x21c: {  	s31 =	rddreg [dreg:$0x10];
	[sflag:s2] =	ssyncadd.s32 $0xFFFFFC18  }
0x21d: {  	[spmem:s1] =	stream.indirect.scatter.add.f32 [tilespmem:s15], [sflag:$0x3], $0x8, s31, s4, $0xb8;
	[tilespmem:$0x4E98] =	vst v63  }
0x21e: {  	_ =	swait.ge [sflag:s2], $0x3E8  }
0x21f: {  	[sflag:s2] =	ssyncset.done $0x0  }
0x220: {  	s26 =	rddreg [dreg:$0x7];
	[sflag:s2] =	ssyncadd.s32 $0xFFFFFC18  }
0x221: {  	[tilespmem:s13], [sflag:$0x1] =	stream.strided.gather [hbm4b:s26+s12], $0x1388, s16, s12, $0x38;
	[tilespmem:$0x4E98] =	vst v63  }
0x222: {  	_ =	swait.ge [sflag:s11], $0x1388  }
0x223: {  	[sflag:s11] =	ssyncset.done $0x0  }
0x224: {  	s28 =	rddreg [dreg:$0x11];
	[sflag:s11] =	ssyncadd.s32 $0xFFFFEC78  }
0x225: {  	[spmem:s1] =	stream.indirect.scatter.add.f32 [tilespmem:s5], [sflag:$0x3], $0x8, s28, s4, $0xb8;
	[tilespmem:$0x4E98] =	vst v63  }
0x226: {  	_ =	swait.ge [sflag:s2], $0x3E8  }
0x227: {  	[sflag:s2] =	ssyncset.done $0x0  }
0x228: {  	s31 =	rddreg [dreg:$0x12];
	[sflag:s2] =	ssyncadd.s32 $0xFFFFFC18  }
0x229: {  	[spmem:s1] =	stream.indirect.scatter.add.f32 [tilespmem:s9], [sflag:$0x3], $0x8, s31, s4, $0xb8;
	[tilespmem:$0x4E98] =	vst v63  }
0x22a: {  	_ =	swait.ge [sflag:s2], $0x3E8  }
0x22b: {  	[sflag:s2] =	ssyncset.done $0x0  }
0x22c: {  	s26 =	rddreg [dreg:$0x13];
	[sflag:s2] =	ssyncadd.s32 $0xFFFFFC18  }
0x22d: {  	[spmem:s1] =	stream.indirect.scatter.add.f32 [tilespmem:s8], [sflag:$0x3], $0x8, s26, s4, $0xb8;
	[tilespmem:$0x4E98] =	vst v63  }
0x22e: {  	_ =	swait.ge [sflag:s2], $0x3E8  }
0x22f: {  	[sflag:s2] =	ssyncset.done $0x0  }
0x230: {  	s28 =	rddreg [dreg:$0x14];
	[sflag:s2] =	ssyncadd.s32 $0xFFFFFC18  }
0x231: {  	[spmem:s1] =	stream.indirect.scatter.add.f32 [tilespmem:s7], [sflag:$0x3], $0x8, s28, s4, $0xb8;
	[tilespmem:$0x4E98] =	vst v63  }
0x232: {  	_ =	swait.ge [sflag:s2], $0x3E8  }
0x233: {  	[sflag:s2] =	ssyncset.done $0x0  }
0x234: {  	s31 =	rddreg [dreg:$0x15];
	[sflag:s2] =	ssyncadd.s32 $0xFFFFFC18  }
0x235: {  	[spmem:s1] =	stream.indirect.scatter.add.f32 [tilespmem:s6], [sflag:$0x3], $0x8, s31, s4, $0xb8;
	[tilespmem:$0x4E98] =	vst v63  }
0x236: {  	_ =	swait.ge [sflag:s2], $0x3E8  }
0x237: {  	[sflag:s2] =	ssyncset.done $0x0  }
0x238: {  	s26 =	rddreg [dreg:$0xb];
	[sflag:s2] =	ssyncadd.s32 $0xFFFFFC18  }
0x239: {  	[tilespmem:s5], [sflag:$0x2] =	stream.strided.gather [hbm4b:s26+s12], $0x1388, s16, s12, $0x38;
	[tilespmem:$0x4E98] =	vst v63  }
0x23a: {  	_ =	swait.ge [sflag:s22], $0x1388  }
0x23b: {  	[sflag:s22] =	ssyncset.done $0x0  }
0x23c: {  	s28 =	rddreg [dreg:$0x16];
	[sflag:s22] =	ssyncadd.s32 $0xFFFFEC78  }
0x23d: {  	[spmem:s1] =	stream.indirect.scatter.add.f32 [tilespmem:s13], [sflag:$0x3], $0x8, s28, s4, $0xb8;
	[tilespmem:$0x4E98] =	vst v63  }
0x23e: {  	_ =	swait.ge [sflag:s2], $0x3E8  }
0x23f: {  	[sflag:s2] =	ssyncset.done $0x0  }
0x240: {  	s31 =	rddreg [dreg:$0x17];
	[sflag:s2] =	ssyncadd.s32 $0xFFFFFC18  }
0x241: {  	[spmem:s1] =	stream.indirect.scatter.add.f32 [tilespmem:s23], [sflag:$0x3], $0x8, s31, s4, $0xb8;
	[tilespmem:$0x4E98] =	vst v63  }
0x242: {  	_ =	swait.ge [sflag:s2], $0x3E8  }
0x243: {  	[sflag:s2] =	ssyncset.done $0x0  }
0x244: {  	s26 =	rddreg [dreg:$0x18];
	[sflag:s2] =	ssyncadd.s32 $0xFFFFFC18  }
0x245: {  	[spmem:s1] =	stream.indirect.scatter.add.f32 [tilespmem:s19], [sflag:$0x3], $0x8, s26, s4, $0xb8;
	[tilespmem:$0x4E98] =	vst v63  }
0x246: {  	_ =	swait.ge [sflag:s2], $0x3E8  }
0x247: {  	[sflag:s2] =	ssyncset.done $0x0  }
0x248: {  	s28 =	rddreg [dreg:$0x19];
	[sflag:s2] =	ssyncadd.s32 $0xFFFFFC18  }
0x249: {  	[spmem:s1] =	stream.indirect.scatter.add.f32 [tilespmem:s17], [sflag:$0x3], $0x8, s28, s4, $0xb8;
	[tilespmem:$0x4E98] =	vst v63  }
0x24a: {  	_ =	swait.ge [sflag:s2], $0x3E8  }
0x24b: {  	[sflag:s2] =	ssyncset.done $0x0  }
0x24c: {  	s31 =	rddreg [dreg:$0x1a];
	[sflag:s2] =	ssyncadd.s32 $0xFFFFFC18  }
0x24d: {  	[spmem:s1] =	stream.indirect.scatter.add.f32 [tilespmem:s15], [sflag:$0x3], $0x8, s31, s4, $0xb8;
	[tilespmem:$0x4E98] =	vst v63  }
0x24e: {  	_ =	swait.ge [sflag:s2], $0x3E8  }
0x24f: {  	[sflag:s2] =	ssyncset.done $0x0  }
0x250: {  	[sflag:s2] =	ssyncadd.s32 $0xFFFFFC18  }
0x251: {  	_ =	swait.ge [sflag:s11], $0x1388  }
0x252: {  	[sflag:s11] =	ssyncset.done $0x0  }
0x253: {  	s26 =	rddreg [dreg:$0x1b];
	[sflag:s11] =	ssyncadd.s32 $0xFFFFEC78  }
0x254: {  	[spmem:s1] =	stream.indirect.scatter.add.f32 [tilespmem:s5], [sflag:$0x3], $0x8, s26, s4, $0xb8;
	[tilespmem:$0x4E98] =	vst v63  }
0x255: {  	_ =	swait.ge [sflag:s2], $0x3E8  }
0x256: {  	[sflag:s2] =	ssyncset.done $0x0  }
0x257: {  	s28 =	rddreg [dreg:$0x1c];
	[sflag:s2] =	ssyncadd.s32 $0xFFFFFC18  }
0x258: {  	[spmem:s1] =	stream.indirect.scatter.add.f32 [tilespmem:s9], [sflag:$0x3], $0x8, s28, s4, $0xb8;
	[tilespmem:$0x4E98] =	vst v63  }
0x259: {  	_ =	swait.ge [sflag:s2], $0x3E8  }
0x25a: {  	[sflag:s2] =	ssyncset.done $0x0  }
0x25b: {  	s31 =	rddreg [dreg:$0x1d];
	[sflag:s2] =	ssyncadd.s32 $0xFFFFFC18  }
0x25c: {  	[spmem:s1] =	stream.indirect.scatter.add.f32 [tilespmem:s8], [sflag:$0x3], $0x8, s31, s4, $0xb8;
	[tilespmem:$0x4E98] =	vst v63  }
0x25d: {  	_ =	swait.ge [sflag:s2], $0x3E8  }
0x25e: {  	[sflag:s2] =	ssyncset.done $0x0  }
0x25f: {  	s26 =	rddreg [dreg:$0x1e];
	[sflag:s2] =	ssyncadd.s32 $0xFFFFFC18  }
0x260: {  	[spmem:s1] =	stream.indirect.scatter.add.f32 [tilespmem:s7], [sflag:$0x3], $0x8, s26, s4, $0xb8;
	[tilespmem:$0x4E98] =	vst v63  }
0x261: {  	_ =	swait.ge [sflag:s2], $0x3E8  }
0x262: {  	[sflag:s2] =	ssyncset.done $0x0  }
0x263: {  	s28 =	rddreg [dreg:$0x1f];
	[sflag:s2] =	ssyncadd.s32 $0xFFFFFC18  }
0x264: {  	[spmem:s1] =	stream.indirect.scatter.add.f32 [tilespmem:s6], [sflag:$0x3], $0x8, s28, s4, $0xb8;
	[tilespmem:$0x4E98] =	vst v63  }
0x265: {  	_ =	swait.ge [sflag:s2], $0x3E8  }
0x266: {  	[sflag:s2] =	ssyncset.done $0x0  }
0x267: {  	[sflag:s2] =	ssyncadd.s32 $0xFFFFFC18  }
0x268: {  	[tilespmem:s13], [sflag:$0x1] =	stream.strided.gather [hbm4b:s10+s12], $0x1388, s16, s12, $0x38;
	[tilespmem:$0x4E98] =	vst v63  }
0x269: {  	s31 =	rddreg [dreg:$0xc]  }
0x26a: {  	[tilespmem:s5], [sflag:$0x2] =	stream.strided.gather [hbm4b:s31+s12], $0x1388, s16, s12, $0x38;
	[tilespmem:$0x4E98] =	vst v63  }
0x26b: {  	_ =	swait.ge [sflag:s22], $0x1388  }
0x26c: {  	[sflag:s22] =	ssyncset.done $0x0  }
0x26d: {  	[sflag:s22] =	ssyncadd.s32 $0xFFFFEC78  }
0x26e: {  	[spmem:s1] =	stream.indirect.scatter.add.f32 [tilespmem:s13], [sflag:$0x3], $0x8, s25, s4, $0xb8;
	[tilespmem:$0x4E98] =	vst v63  }
0x26f: {  	_ =	swait.ge [sflag:s2], $0x3E8  }
0x270: {  	s10 =	sld [smem:$0x7F0]  }
0x271: {  	[sflag:s2] =	ssyncset.done $0x0  }
0x272: {  	[sflag:s2] =	ssyncadd.s32 $0xFFFFFC18  }
0x273: {  	[spmem:s1] =	stream.indirect.scatter.add.f32 [tilespmem:s23], [sflag:$0x3], $0x8, s10, s4, $0xb8;
	[tilespmem:$0x4E98] =	vst v63  }
0x274: {  	_ =	swait.ge [sflag:s2], $0x3E8  }
0x275: {  	s25 =	sld [smem:$0x7F1]  }
0x276: {  	[sflag:s2] =	ssyncset.done $0x0  }
0x277: {  	[sflag:s2] =	ssyncadd.s32 $0xFFFFFC18  }
0x278: {  	[spmem:s1] =	stream.indirect.scatter.add.f32 [tilespmem:s19], [sflag:$0x3], $0x8, s25, s4, $0xb8;
	[tilespmem:$0x4E98] =	vst v63  }
0x279: {  	_ =	swait.ge [sflag:s2], $0x3E8  }
0x27a: {  	s26 =	sld [smem:$0x7F2]  }
0x27b: {  	[sflag:s2] =	ssyncset.done $0x0  }
0x27c: {  	[sflag:s2] =	ssyncadd.s32 $0xFFFFFC18  }
0x27d: {  	[spmem:s1] =	stream.indirect.scatter.add.f32 [tilespmem:s17], [sflag:$0x3], $0x8, s26, s4, $0xb8;
	[tilespmem:$0x4E98] =	vst v63  }
0x27e: {  	_ =	swait.ge [sflag:s2], $0x3E8  }
0x27f: {  	s28 =	sld [smem:$0x7F3]  }
0x280: {  	[sflag:s2] =	ssyncset.done $0x0  }
0x281: {  	[sflag:s2] =	ssyncadd.s32 $0xFFFFFC18  }
0x282: {  	[spmem:s1] =	stream.indirect.scatter.add.f32 [tilespmem:s15], [sflag:$0x3], $0x8, s28, s4, $0xb8;
	[tilespmem:$0x4E98] =	vst v63  }
0x283: {  	_ =	swait.ge [sflag:s2], $0x3E8  }
0x284: {  	[sflag:s2] =	ssyncset.done $0x0  }
0x285: {  	s31 =	rddreg [dreg:$0x8];
	[sflag:s2] =	ssyncadd.s32 $0xFFFFFC18  }
0x286: {  	[tilespmem:s13], [sflag:$0x1] =	stream.strided.gather [hbm4b:s31+s12], $0x1388, s16, s12, $0x38;
	[tilespmem:$0x4E98] =	vst v63  }
0x287: {  	_ =	swait.ge [sflag:s11], $0x1388  }
0x288: {  	s10 =	sld [smem:$0x7F4]  }
0x289: {  	[sflag:s11] =	ssyncset.done $0x0  }
0x28a: {  	[sflag:s11] =	ssyncadd.s32 $0xFFFFEC78  }
0x28b: {  	[spmem:s1] =	stream.indirect.scatter.add.f32 [tilespmem:s5], [sflag:$0x3], $0x8, s10, s4, $0xb8;
	[tilespmem:$0x4E98] =	vst v63  }
0x28c: {  	_ =	swait.ge [sflag:s2], $0x3E8  }
0x28d: {  	s25 =	sld [smem:$0x7F5]  }
0x28e: {  	[sflag:s2] =	ssyncset.done $0x0  }
0x28f: {  	[sflag:s2] =	ssyncadd.s32 $0xFFFFFC18  }
0x290: {  	[spmem:s1] =	stream.indirect.scatter.add.f32 [tilespmem:s9], [sflag:$0x3], $0x8, s25, s4, $0xb8;
	[tilespmem:$0x4E98] =	vst v63  }
0x291: {  	_ =	swait.ge [sflag:s2], $0x3E8  }
0x292: {  	s26 =	sld [smem:$0x7F6]  }
0x293: {  	[sflag:s2] =	ssyncset.done $0x0  }
0x294: {  	[sflag:s2] =	ssyncadd.s32 $0xFFFFFC18  }
0x295: {  	[spmem:s1] =	stream.indirect.scatter.add.f32 [tilespmem:s8], [sflag:$0x3], $0x8, s26, s4, $0xb8;
	[tilespmem:$0x4E98] =	vst v63  }
0x296: {  	_ =	swait.ge [sflag:s2], $0x3E8  }
0x297: {  	s28 =	sld [smem:$0x7F7]  }
0x298: {  	[sflag:s2] =	ssyncset.done $0x0  }
0x299: {  	[sflag:s2] =	ssyncadd.s32 $0xFFFFFC18  }
0x29a: {  	[spmem:s1] =	stream.indirect.scatter.add.f32 [tilespmem:s7], [sflag:$0x3], $0x8, s28, s4, $0xb8;
	[tilespmem:$0x4E98] =	vst v63  }
0x29b: {  	_ =	swait.ge [sflag:s2], $0x3E8  }
0x29c: {  	s31 =	sld [smem:$0x7F8]  }
0x29d: {  	[sflag:s2] =	ssyncset.done $0x0  }
0x29e: {  	[sflag:s2] =	ssyncadd.s32 $0xFFFFFC18  }
0x29f: {  	[spmem:s1] =	stream.indirect.scatter.add.f32 [tilespmem:s6], [sflag:$0x3], $0x8, s31, s4, $0xb8;
	[tilespmem:$0x4E98] =	vst v63  }
0x2a0: {  	_ =	swait.ge [sflag:s2], $0x3E8  }
0x2a1: {  	[sflag:s2] =	ssyncset.done $0x0  }
0x2a2: {  	s10 =	rddreg [dreg:$0xd];
	[sflag:s2] =	ssyncadd.s32 $0xFFFFFC18  }
0x2a3: {  	[tilespmem:s5], [sflag:$0x2] =	stream.strided.gather [hbm4b:s10+s12], $0x1388, s16, s12, $0x38;
	[tilespmem:$0x4E98] =	vst v63  }
0x2a4: {  	_ =	swait.ge [sflag:s22], $0x1388  }
0x2a5: {  	s16 =	sld [smem:$0x7F9]  }
0x2a6: {  	[sflag:s22] =	ssyncset.done $0x0  }
0x2a7: {  	[sflag:s22] =	ssyncadd.s32 $0xFFFFEC78  }
0x2a8: {  	[spmem:s1] =	stream.indirect.scatter.add.f32 [tilespmem:s13], [sflag:$0x3], $0x8, s16, s4, $0xb8;
	[tilespmem:$0x4E98] =	vst v63  }
0x2a9: {  	_ =	swait.ge [sflag:s2], $0x3E8  }
0x2aa: {  	s25 =	sld [smem:$0x7FA]  }
0x2ab: {  	[sflag:s2] =	ssyncset.done $0x0  }
0x2ac: {  	[sflag:s2] =	ssyncadd.s32 $0xFFFFFC18  }
0x2ad: {  	[spmem:s1] =	stream.indirect.scatter.add.f32 [tilespmem:s23], [sflag:$0x3], $0x8, s25, s4, $0xb8;
	[tilespmem:$0x4E98] =	vst v63  }
0x2ae: {  	_ =	swait.ge [sflag:s2], $0x3E8  }
0x2af: {  	s26 =	sld [smem:$0x7FB]  }
0x2b0: {  	[sflag:s2] =	ssyncset.done $0x0  }
0x2b1: {  	[sflag:s2] =	ssyncadd.s32 $0xFFFFFC18  }
0x2b2: {  	[spmem:s1] =	stream.indirect.scatter.add.f32 [tilespmem:s19], [sflag:$0x3], $0x8, s26, s4, $0xb8;
	[tilespmem:$0x4E98] =	vst v63  }
0x2b3: {  	_ =	swait.ge [sflag:s2], $0x3E8  }
0x2b4: {  	s28 =	sld [smem:$0x7FC]  }
0x2b5: {  	[sflag:s2] =	ssyncset.done $0x0  }
0x2b6: {  	[sflag:s2] =	ssyncadd.s32 $0xFFFFFC18  }
0x2b7: {  	[spmem:s1] =	stream.indirect.scatter.add.f32 [tilespmem:s17], [sflag:$0x3], $0x8, s28, s4, $0xb8;
	[tilespmem:$0x4E98] =	vst v63  }
0x2b8: {  	_ =	swait.ge [sflag:s2], $0x3E8  }
0x2b9: {  	s31 =	sld [smem:$0x7FD]  }
0x2ba: {  	[sflag:s2] =	ssyncset.done $0x0  }
0x2bb: {  	[sflag:s2] =	ssyncadd.s32 $0xFFFFFC18  }
0x2bc: {  	[spmem:s1] =	stream.indirect.scatter.add.f32 [tilespmem:s15], [sflag:$0x3], $0x8, s31, s4, $0xb8;
	[tilespmem:$0x4E98] =	vst v63  }
0x2bd: {  	_ =	swait.ge [sflag:s2], $0x3E8  }
0x2be: {  	[sflag:s2] =	ssyncset.done $0x0  }
0x2bf: {  	[sflag:s2] =	ssyncadd.s32 $0xFFFFFC18  }
0x2c0: {  	_ =	swait.ge [sflag:s11], $0x1388  }
0x2c1: {  	[sflag:s11] =	ssyncset.done $0x0  }
0x2c2: {  	[sflag:s11] =	ssyncadd.s32 $0xFFFFEC78  }
0x2c3: {  	[spmem:s1] =	stream.indirect.scatter.add.f32 [tilespmem:s5], [sflag:$0x3], $0x8, s24, s4, $0xb8;
	[tilespmem:$0x4E98] =	vst v63  }
0x2c4: {  	_ =	swait.ge [sflag:s2], $0x3E8  }
0x2c5: {  	[sflag:s2] =	ssyncset.done $0x0  }
0x2c6: {  	[sflag:s2] =	ssyncadd.s32 $0xFFFFFC18  }
0x2c7: {  	[spmem:s1] =	stream.indirect.scatter.add.f32 [tilespmem:s9], [sflag:$0x3], $0x8, s20, s4, $0xb8;
	[tilespmem:$0x4E98] =	vst v63  }
0x2c8: {  	_ =	swait.ge [sflag:s2], $0x3E8  }
0x2c9: {  	[sflag:s2] =	ssyncset.done $0x0  }
0x2ca: {  	[sflag:s2] =	ssyncadd.s32 $0xFFFFFC18  }
0x2cb: {  	[spmem:s1] =	stream.indirect.scatter.add.f32 [tilespmem:s8], [sflag:$0x3], $0x8, s21, s4, $0xb8;
	[tilespmem:$0x4E98] =	vst v63  }
0x2cc: {  	_ =	swait.ge [sflag:s2], $0x3E8  }
0x2cd: {  	[sflag:s2] =	ssyncset.done $0x0  }
0x2ce: {  	[sflag:s2] =	ssyncadd.s32 $0xFFFFFC18  }
0x2cf: {  	[spmem:s1] =	stream.indirect.scatter.add.f32 [tilespmem:s7], [sflag:$0x3], $0x8, s18, s4, $0xb8;
	[tilespmem:$0x4E98] =	vst v63  }
0x2d0: {  	_ =	swait.ge [sflag:s2], $0x3E8  }
0x2d1: {  	[sflag:s2] =	ssyncset.done $0x0  }
0x2d2: {  	[sflag:s2] =	ssyncadd.s32 $0xFFFFFC18  }
0x2d3: {  	[spmem:s1] =	stream.indirect.scatter.add.f32 [tilespmem:s6], [sflag:$0x3], $0x8, s14, s4, $0xb8;
	[tilespmem:$0x4E98] =	vst v63  }
0x2d4: {  	_ =	swait.ge [sflag:s2], $0x3E8  }
0x2d5: {  	[sflag:s2] =	ssyncset.done $0x0  }
0x2d6: {  	[sflag:s2] =	ssyncadd.s32 $0xFFFFFC18  }
0x2d7: {  	[bflag:$0x0] =	sbarrier.arrive $0xFFFF  }
0x2d8: {  	s0 =	rddreg [dreg:$0x9]  }
0x2d9: {  	[hbm:s0], [sflag:s30] =	dma.local @!p0 [spmem:s3], $0x2710  }
0x2da: {  	_ =	swait.ge @!p0 [sflag:s29], $0x2710  }
0x2db: {  	[sflag:s29] =	ssyncset.done @!p0 $0x0  }
0x2dc: {  	[sflag:s29] =	ssyncadd.s32 @!p0 $0xFFFFD8F0  }
0x2dd: {  	_ =	sfence.sel $0x180000  }
0x2de: {  	[bflag:$0x0] =	sbarrier.arrive $0xFFFF  }
0x2df: {  	_ =	strace $0x9000004D  }
0x2e0: {  	[bflag:$0x2] =	sbarrier.arrive $0xFFFF  }
0x2e1: {  	s0 =	rddreg [dreg:$0x3]  }
0x2e2: {  	s0 =	sadd.s32 @!p0 $0x100000, s0  }
0x2e3: {  	[sflag:s0] =	ssyncadd.tile.s32 @!p0 $0x1;
	_ =	shalt  }
.LBB2_1:
.Ltmp3:
0x2e4: {  	(pc) =	sbr.rel .LBB2_4-.Ltmp3, $2  }
0x2e5: {  	_ =	sdelay $0x2  }
0x2e6: {  	_ = 	snop  }
.Lfunc_end2:
_tile_overlayer_lowered:
.L_overlay_start_2:
0x2e7: {  	(tag) =	ssettag $0x2  }
0x2e8: {  	s0 =	rddreg [dreg:$0x0];
	s2 =	stileid.u32  }
0x2e9: {  	s1 =	rddreg [dreg:$0x1];
	p0 =	sne.s32 s2, $0x0  }
0x2ea: {  	s3 =	rddreg [dreg:$0x2];
	[bflag:$0x3] =	sbarrier.arrive $0xFFFF;
	s2 =	simm.s32 @!p0 $0x1C03  }
0x2eb: {  	[timem:s3], [sflag:s2] =	dma.local @!p0 [hbm:s0], s1  }
0x2ec: {  	s0 =	simm.s32 @!p0 $0x3  }
0x2ed: {  	_ =	swait.ge @!p0 [sflag:s0], s1  }
0x2ee: {  	s1 =	ssub.s32 @!p0 $0x0, s1;
	[sflag:s0] =	ssyncset.done @!p0 $0x0  }
0x2ef: {  	[sflag:s0] =	ssyncadd.s32 @!p0 s1  }
0x2f0: {  	[bflag:$0x3] =	sbarrier.arrive $0xFFFF  }
0x2f1: {  	_ =	shalt  }

</sc_bundles>
